<compile_context>
chip_gen: v7x
topology: tpu7x:2x2x1
jax: 0.10.2.dev20260603
libtpu: 0.0.44.dev20260713+nightly
codegen_flags: <defaults>
</compile_context>

<pallas_src>
import functools

import jax
import jax.numpy as jnp
from jax import lax
from jax.experimental import pallas as pl
from jax.experimental.pallas import tpu as pltpu
from jax.experimental.pallas import tpu_sc as plsc

H = 128
NB = 8
E = 160000
T = 320000

NC = 2
NSUB = 16
NW = NC * NSUB
L = 16

BE = 3200


def _edge_pre_body(x_ref, rbft_ref, wrbf_ref, wkj_ref, bkj_ref, wji_ref,
                   bji_ref, xji_ref, xkj_ref):
    xb = x_ref[...]
    ji = jnp.dot(xb, wji_ref[...], preferred_element_type=jnp.float32) + bji_ref[...]
    xji_ref[...] = ji * jax.nn.sigmoid(ji)
    kj = jnp.dot(xb, wkj_ref[...], preferred_element_type=jnp.float32) + bkj_ref[...]
    rt = jax.lax.dot_general(rbft_ref[...], wrbf_ref[...],
                             (((0,), (0,)), ((), ())),
                             preferred_element_type=jnp.float32)
    xkj_ref[...] = kj * jax.nn.sigmoid(kj) * rt


def _edge_pre(x, rbf, W_rbf, W_kj, b_kj, W_ji, b_ji):
    nb = E // BE
    return pl.pallas_call(
        _edge_pre_body,
        grid=(nb,),
        in_specs=[
            pl.BlockSpec((BE, H), lambda i: (i, 0)),
            pl.BlockSpec((6, BE), lambda i: (0, i)),
            pl.BlockSpec((6, H), lambda i: (0, 0)),
            pl.BlockSpec((H, H), lambda i: (0, 0)),
            pl.BlockSpec((1, H), lambda i: (0, 0)),
            pl.BlockSpec((H, H), lambda i: (0, 0)),
            pl.BlockSpec((1, H), lambda i: (0, 0)),
        ],
        out_specs=[
            pl.BlockSpec((BE, H), lambda i: (i, 0)),
            pl.BlockSpec((BE, H), lambda i: (i, 0)),
        ],
        out_shape=[
            jax.ShapeDtypeStruct((E, H), jnp.float32),
            jax.ShapeDtypeStruct((E, H), jnp.float32),
        ],
    )(x, rbf.T, W_rbf, W_kj, b_kj.reshape(1, H), W_ji, b_ji.reshape(1, H))


BT = 3200


def _triplet_body(g_ref, sbft_ref, wsbf_ref, wbil_ref, out_ref):
    st = jax.lax.dot_general(sbft_ref[...], wsbf_ref[...],
                             (((0,), (0,)), ((), ())),
                             preferred_element_type=jnp.float32)
    g = g_ref[...]
    acc = jnp.zeros((BT, H), jnp.float32)
    for j in range(NB):
        acc = acc + jnp.dot(g * st[:, j:j + 1], wbil_ref[j],
                            preferred_element_type=jnp.float32)
    out_ref[...] = acc


NCH = 2
TC_ = T // NCH


def _triplet_chunk(gathered_c, sbf_t, W_sbf, Wbil_t, chunk, prev):
    nb = TC_ // BT
    base = chunk * nb
    specs = [
        pl.BlockSpec((BT, H), lambda i: (i, 0)),
        pl.BlockSpec((42, BT), lambda i: (0, base + i)),
        pl.BlockSpec((42, NB), lambda i: (0, 0)),
        pl.BlockSpec((NB, H, H), lambda i: (0, 0, 0)),
    ]
    args = [gathered_c, sbf_t, W_sbf, Wbil_t]
    aliases = {}
    if prev is not None:
        specs.append(pl.BlockSpec(memory_space=pl.ANY))
        args.append(prev)
        aliases = {4: 0}

    def body(*refs):
        _triplet_body(refs[0], refs[1], refs[2], refs[3], refs[-1])

    return pl.pallas_call(
        body,
        grid=(nb,),
        in_specs=specs,
        out_specs=pl.BlockSpec((BT, H), lambda i: (base + i, 0)),
        out_shape=jax.ShapeDtypeStruct((T, H), jnp.float32),
        input_output_aliases=aliases,
    )(*args)


def _post_body(x_ref, xji_ref, seg_ref,
               w1_ref, b1_ref, w2_ref, b2_ref,
               wl_ref, bl_ref,
               w3_ref, b3_ref, w4_ref, b4_ref,
               w5_ref, b5_ref, w6_ref, b6_ref,
               out_ref):
    def mm(a, w_ref, b_ref):
        r = jnp.dot(a, w_ref[...], preferred_element_type=jnp.float32) + b_ref[...]
        return r * jax.nn.sigmoid(r)

    h = xji_ref[...] + seg_ref[...]
    h = h + mm(mm(h, w1_ref, b1_ref), w2_ref, b2_ref)
    h = mm(h, wl_ref, bl_ref) + x_ref[...]
    h = h + mm(mm(h, w3_ref, b3_ref), w4_ref, b4_ref)
    h = h + mm(mm(h, w5_ref, b5_ref), w6_ref, b6_ref)
    out_ref[...] = h


def _post(x, x_ji, seg, rb0_w1, rb0_b1, rb0_w2, rb0_b2, W_lin, b_lin,
          ra0_w1, ra0_b1, ra0_w2, ra0_b2, ra1_w1, ra1_b1, ra1_w2, ra1_b2):
    nb = E // BE
    wspec = pl.BlockSpec((H, H), lambda i: (0, 0))
    bspec = pl.BlockSpec((1, H), lambda i: (0, 0))
    return pl.pallas_call(
        _post_body,
        grid=(nb,),
        in_specs=[pl.BlockSpec((BE, H), lambda i: (i, 0))] * 3 +
                 [wspec, bspec] * 7,
        out_specs=pl.BlockSpec((BE, H), lambda i: (i, 0)),
        out_shape=jax.ShapeDtypeStruct((E, H), jnp.float32),
    )(x, x_ji, seg,
      rb0_w1, rb0_b1.reshape(1, H), rb0_w2, rb0_b2.reshape(1, H),
      W_lin, b_lin.reshape(1, H),
      ra0_w1, ra0_b1.reshape(1, H), ra0_w2, ra0_b2.reshape(1, H),
      ra1_w1, ra1_b1.reshape(1, H), ra1_w2, ra1_b2.reshape(1, H))


TPW = 5000
GB = 40
NGB = TPW // GB


def _make_sc_gather_body(c0):
    def _sc_gather_body(table_hbm, idx_hbm, out_hbm, idx_v, rows_v, gsem, osem):
        c = lax.axis_index("c")
        s = lax.axis_index("s")
        wid = s * NC + c
        base = wid * TPW
        pltpu.sync_copy(idx_hbm.at[pl.ds(c0 + base, TPW)], idx_v)

        def g_desc(b, slot):
            return pltpu.make_async_copy(
                table_hbm.at[idx_v.at[pl.ds(b * GB, GB)]],
                rows_v.at[slot], gsem.at[slot])

        def o_desc(b, slot):
            return pltpu.make_async_copy(
                rows_v.at[slot], out_hbm.at[pl.ds(base + b * GB, GB)],
                osem.at[slot])

        for r in range(3):
            g_desc(r, r).start()

        def body(b, _):
            slot = lax.rem(b, 4)
            g_desc(b, slot).wait()
            o_desc(b, slot).start()

            @pl.when(b >= 1)
            def _():
                o_desc(b - 1, lax.rem(b - 1, 4)).wait()

            @pl.when(b + 3 < NGB)
            def _():
                g_desc(b + 3, lax.rem(b + 3, 4)).start()

            return 0

        lax.fori_loop(0, NGB, body, 0)
        o_desc(NGB - 1, (NGB - 1) % 4).wait()

    return _sc_gather_body


def _sc_gather(table, idx, c0):
    mesh = plsc.VectorSubcoreMesh(core_axis_name="c", subcore_axis_name="s")
    f = pl.kernel(
        _make_sc_gather_body(c0),
        out_type=jax.ShapeDtypeStruct((TC_, H), jnp.float32),
        mesh=mesh,
        scratch_types=[
            pltpu.VMEM((TPW,), jnp.int32),
            pltpu.VMEM((4, GB, H), jnp.float32),
            pltpu.SemaphoreType.DMA((4,)),
            pltpu.SemaphoreType.DMA((4,)),
        ],
    )
    return f(table, idx)


EPC = E // NC
ACC = EPC + NSUB
TPS = T // NSUB
SB = 80
RB = 800
NRB = TPS // RB
SPB = RB // SB
NH = H // L
ZR = ACC // NSUB
ZC = 125
WR = EPC // NSUB
IC = 2000
NIC = TPS // IC


def _sc_scatter_body(outt_hbm, idx_hbm, seg_hbm, idxc, rel2d, rows_v, zbuf,
                     acc, rsem, ssem, zsem):
    c = lax.axis_index("c")
    s = lax.axis_index("s")
    t0 = s * TPS
    lo = c * EPC
    trash = EPC + s

    def zb(i, _):
        zbuf[i, :] = jnp.zeros((L,), jnp.float32)
        return 0
    lax.fori_loop(0, ZC, zb, 0)

    def relchunk(ci, _):
        pltpu.sync_copy(idx_hbm.at[pl.ds(t0 + ci * IC, IC)], idxc)

        def relbody(i, _):
            v = idxc[pl.ds(i * L, L)]
            rel = v - lo
            inb = (rel >= 0) & (rel < EPC)
            relv = jnp.where(inb, rel, trash)
            rel2d[ci * (IC // SB) + lax.div(i, 5),
                  pl.ds(lax.rem(i, 5) * L, L)] = relv
            return 0
        lax.fori_loop(0, IC // L, relbody, 0)
        return 0
    lax.fori_loop(0, NIC, relchunk, 0)

    def r_desc(rb, slot, h):
        return pltpu.make_async_copy(
            outt_hbm.at[pl.ds(t0 + rb * RB, RB), pl.ds(h * L, L)],
            rows_v.at[slot], rsem.at[slot])

    def s_desc(rb, k, slot):
        return pltpu.make_async_copy(
            rows_v.at[slot, pl.ds(k * SB, SB)],
            acc.at[rel2d.at[rb * SPB + k]], ssem.at[slot])

    def z_desc(z):
        return pltpu.make_async_copy(
            zbuf, acc.at[pl.ds(s * ZR + z * ZC, ZC)], zsem)

    def z1_desc():
        return pltpu.make_async_copy(
            zbuf.at[pl.ds(0, 1)], acc.at[pl.ds(s * ZR + 40 * ZC, 1)], zsem)

    def one_pass(h, _):
        r_desc(0, 0, h).start()
        for z in range(40):
            z_desc(z).start()
        z1_desc().start()
        for z in range(40):
            z_desc(z).wait()
        z1_desc().wait()
        plsc.subcore_barrier()

        def body(rb, _):
            slot = lax.rem(rb, 2)
            nslot = 1 - slot
            r_desc(rb, slot, h).wait()

            @pl.when(rb < NRB - 1)
            def _():
                r_desc(rb + 1, nslot, h).start()

            for k in range(SPB):
                pltpu.async_copy(rows_v.at[slot, pl.ds(k * SB, SB)],
                                 acc.at[rel2d.at[rb * SPB + k]],
                                 ssem.at[slot], add=True)
            for k in range(SPB):
                s_desc(rb, k, slot).wait()
            return 0

        lax.fori_loop(0, NRB, body, 0)
        plsc.subcore_barrier()

        pltpu.sync_copy(
            acc.at[pl.ds(s * WR, WR)],
            seg_hbm.at[pl.ds(lo + s * WR, WR), pl.ds(h * L, L)])
        plsc.subcore_barrier()
        return 0

    lax.fori_loop(0, NH, one_pass, 0)


def _sc_scatter(out_t, idx):
    mesh = plsc.VectorSubcoreMesh(core_axis_name="c", subcore_axis_name="s")
    f = pl.kernel(
        _sc_scatter_body,
        out_type=jax.ShapeDtypeStruct((E, H), jnp.float32),
        mesh=mesh,
        compiler_params=pltpu.CompilerParams(use_tc_tiling_on_sc=False),
        scratch_types=[
            pltpu.VMEM((IC,), jnp.int32),
            pltpu.VMEM((TPS // SB, SB), jnp.int32),
            pltpu.VMEM((2, RB, L), jnp.float32),
            pltpu.VMEM((ZC, L), jnp.float32),
            pltpu.MemorySpace.VMEM_SHARED((ACC, L), jnp.float32),
            pltpu.SemaphoreType.DMA((2,)),
            pltpu.SemaphoreType.DMA((2,)),
            pltpu.SemaphoreType.DMA,
        ],
    )
    return f(out_t, idx)


def kernel(x, rbf, sbf, idx_kj, idx_ji, W_rbf, W_sbf, W_kj, b_kj, W_ji, b_ji,
           Wbil, rb0_w1, rb0_b1, rb0_w2, rb0_b2, W_lin, b_lin,
           ra0_w1, ra0_b1, ra0_w2, ra0_b2, ra1_w1, ra1_b1, ra1_w2, ra1_b2):
    x_ji, x_kj2 = _edge_pre(x, rbf, W_rbf, W_kj, b_kj, W_ji, b_ji)
    Wbil_t = jnp.transpose(Wbil, (1, 2, 0))
    sbf_t = sbf.T
    out_t = None
    gathered = [_sc_gather(x_kj2, idx_kj, ch * TC_) for ch in range(NCH)]
    for ch in range(NCH):
        out_t = _triplet_chunk(gathered[ch], sbf_t, W_sbf, Wbil_t, ch, out_t)
    seg = _sc_scatter(out_t, idx_ji)
    return _post(x, x_ji, seg, rb0_w1, rb0_b1, rb0_w2, rb0_b2, W_lin, b_lin,
                 ra0_w1, ra0_b1, ra0_w2, ra0_b2, ra1_w1, ra1_b1, ra1_w2, ra1_b2)

# --- scband reference (transcript-rebuilt; emitter-appended) ---
"""Pipeline reference for scband-interaction-block-5557687681721 (READ-ONLY COPY).

The authoritative reference and input builder live on the scoring server;
editing this copy changes nothing except your own understanding.
"""

import jax, jax.numpy as jnp
import numpy as np

H = 128   # hidden_channels
NB = 8    # num_bilinear
NS = 7    # num_spherical
NR = 6    # num_radial
E = 160000  # number of edges (rows of x)
T = 320000  # number of triplets


def _glorot(key, shape):
    fan_in = shape[0]
    fan_out = shape[-1]
    s = jnp.sqrt(2.0 / (fan_in + fan_out))
    return jax.random.normal(key, shape, dtype=jnp.float32) * s


def setup_inputs(seed: int = 0) -> dict:
    key = jax.random.key(seed)
    ks = jax.random.split(key, 32)
    inp = {}
    inp["x"] = jax.random.normal(ks[0], (E, H), dtype=jnp.float32)
    inp["rbf"] = jax.random.uniform(ks[1], (E, NR), dtype=jnp.float32)
    inp["sbf"] = jax.random.uniform(ks[2], (T, NS * NR), dtype=jnp.float32)
    inp["idx_kj"] = jax.random.randint(ks[3], (T,), 0, E, dtype=jnp.int32)
    inp["idx_ji"] = jax.random.randint(ks[4], (T,), 0, E, dtype=jnp.int32)
    # parameters (stored in input @ weight orientation: [in, out])
    inp["W_rbf"] = _glorot(ks[5], (NR, H))
    inp["W_sbf"] = _glorot(ks[6], (NS * NR, NB))
    inp["W_kj"] = _glorot(ks[7], (H, H))
    inp["b_kj"] = jnp.zeros((H,), dtype=jnp.float32)
    inp["W_ji"] = _glorot(ks[8], (H, H))
    inp["b_ji"] = jnp.zeros((H,), dtype=jnp.float32)
    inp["Wbil"] = jax.random.normal(ks[9], (H, NB, H), dtype=jnp.float32) * (2.0 / H)
    inp["rb0_w1"] = _glorot(ks[10], (H, H)); inp["rb0_b1"] = jnp.zeros((H,), jnp.float32)
    inp["rb0_w2"] = _glorot(ks[11], (H, H)); inp["rb0_b2"] = jnp.zeros((H,), jnp.float32)
    inp["W_lin"] = _glorot(ks[12], (H, H)); inp["b_lin"] = jnp.zeros((H,), jnp.float32)
    inp["ra0_w1"] = _glorot(ks[13], (H, H)); inp["ra0_b1"] = jnp.zeros((H,), jnp.float32)
    inp["ra0_w2"] = _glorot(ks[14], (H, H)); inp["ra0_b2"] = jnp.zeros((H,), jnp.float32)
    inp["ra1_w1"] = _glorot(ks[15], (H, H)); inp["ra1_b1"] = jnp.zeros((H,), jnp.float32)
    inp["ra1_w2"] = _glorot(ks[16], (H, H)); inp["ra1_b2"] = jnp.zeros((H,), jnp.float32)
    return inp


def reference(x, rbf, sbf, idx_kj, idx_ji,
              W_rbf, W_sbf, W_kj, b_kj, W_ji, b_ji, Wbil,
              rb0_w1, rb0_b1, rb0_w2, rb0_b2,
              W_lin, b_lin,
              ra0_w1, ra0_b1, ra0_w2, ra0_b2,
              ra1_w1, ra1_b1, ra1_w2, ra1_b2):
    act = jax.nn.silu
    rbf_t = rbf @ W_rbf                      # [E, H]
    sbf_t = sbf @ W_sbf                      # [T, NB]
    x_ji = act(x @ W_ji + b_ji)              # [E, H]
    x_kj = act(x @ W_kj + b_kj)              # [E, H]
    x_kj = x_kj * rbf_t                      # [E, H]
    gathered = jnp.take(x_kj, idx_kj, axis=0)  # [T, H]
    # einsum('wj,wl,ijl->wi', sbf_t, gathered, Wbil)
    x_kj = jnp.einsum('wj,wl,ijl->wi', sbf_t, gathered, Wbil)  # [T, H]
    x_kj = jax.ops.segment_sum(x_kj, idx_ji, num_segments=x.shape[0])  # [E, H]
    h = x_ji + x_kj
    # layers_before_skip (1 residual layer)
    h = h + act(act(h @ rb0_w1 + rb0_b1) @ rb0_w2 + rb0_b2)
    # skip connection
    h = act(h @ W_lin + b_lin) + x
    # layers_after_skip (2 residual layers)
    h = h + act(act(h @ ra0_w1 + ra0_b1) @ ra0_w2 + ra0_b2)
    h = h + act(act(h @ ra1_w1 + ra1_b1) @ ra1_w2 + ra1_b2)
    return h

if __name__ == "__main__":
    import jax
    _d = setup_inputs()
    print(jax.jit(kernel)(*tuple(_d.values())))

</pallas_src>

<mosaic_0001>
#map = affine_map<(d0, d1) -> (0, 0)>
#map1 = affine_map<(d0, d1) -> (0)>
module attributes {stable_mosaic.version = 14 : i64} {
  func.func @_sc_scatter_body(%arg0: i32, %arg1: i32, %arg2: memref<320000x128xf32, #tpu.memory_space<hbm>>, %arg3: memref<320000xi32, #tpu.memory_space<hbm>>, %arg4: memref<160000x128xf32, #tpu.memory_space<hbm>>, %arg5: memref<2000xi32, #tpu.memory_space<vmem>>, %arg6: memref<250x80xi32, #tpu.memory_space<vmem>>, %arg7: memref<2x800x16xf32, #tpu.memory_space<vmem>>, %arg8: memref<125x16xf32, #tpu.memory_space<vmem>>, %arg9: memref<80016x16xf32, #tpu.memory_space<vmem_shared>>, %arg10: memref<2x!tpu.dma_semaphore, #tpu.memory_space<semaphore_mem>>, %arg11: memref<2x!tpu.dma_semaphore, #tpu.memory_space<semaphore_mem>>, %arg12: memref<!tpu.dma_semaphore, #tpu.memory_space<semaphore_mem>>) attributes {dimension_semantics = [#tpu.dimension_semantics<core_parallel>, #tpu.dimension_semantics<subcore_parallel>], iteration_bounds = array<i64: 2, 16>, scalar_prefetch = 0 : i64, scratch_operands = 8 : i64, tpu.core_type = #tpu.core_type<sc_vector_subcore>, window_params = [{transform_indices = #map}, {transform_indices = #map1}, {transform_indices = #map}]} {
    %mul3A = arith.constant 20000 : i32
    %mul3A_0 = arith.muli %arg1, %mul3A : i32
    %mul3A_1 = arith.constant 80000 : i32
    %mul3A_2 = arith.muli %arg0, %mul3A_1 : i32
    %add3A = arith.constant 80000 : i32
    %add3A_3 = arith.addi %add3A, %arg1 : i32
    %scan3A = arith.constant 0 : i32
    %scan3A_4 = arith.constant 0 : i32
    %scan3A_5 = arith.constant 125 : i32
    %scan3A_6 = arith.addi %scan3A_4, %scan3A_5 : i32
    %scan3A_7 = arith.constant 1 : i32
    %scan3A_8 = scf.for %scan3A_24 = %scan3A_4 to %scan3A_6 step %scan3A_7 iter_args(%scan3A_25 = %scan3A) -> (i32)  : i32 {
      %broadcast_in_dim3A = arith.constant 0.000000e+00 : f32
      %broadcast_in_dim3A_26 = vector.broadcast %broadcast_in_dim3A : f32 to vector<16xf32>
      %swap3A = arith.index_cast %scan3A_24 : i32 to index
      %swap3A_27 = arith.constant 0 : index
      %swap3A_28 = tpu.vector_load %arg8[%swap3A, %swap3A_27] {strides = array<i32>} : memref<125x16xf32, #tpu.memory_space<vmem>>, vector<1x16xf32>,
      %swap3A_29 = vector.shape_cast %swap3A_28 : vector<1x16xf32> to vector<16xf32>
      %swap3A_30 = vector.shape_cast %broadcast_in_dim3A_26 : vector<16xf32> to vector<1x16xf32>
      tpu.vector_store %arg8[%swap3A, %swap3A_27], %swap3A_30 {strides = array<i32>} : memref<125x16xf32, #tpu.memory_space<vmem>>, vector<1x16xf32>,
      %scan3A_31 = arith.constant 0 : i32
      scf.yield %scan3A_31 : i32
    }
    %scan3A_9 = arith.constant 125 : i32
    %scan3A_10 = arith.constant 0 : i32
    %scan3A_11 = arith.constant 0 : i32
    %scan3A_12 = arith.constant 10 : i32
    %scan3A_13 = arith.addi %scan3A_11, %scan3A_12 : i32
    %scan3A_14 = arith.constant 1 : i32
    %scan3A_15 = scf.for %scan3A_24 = %scan3A_11 to %scan3A_13 step %scan3A_14 iter_args(%scan3A_25 = %scan3A_10) -> (i32)  : i32 {
      %mul3A_26 = arith.constant 2000 : i32
      %mul3A_27 = arith.muli %scan3A_24, %mul3A_26 : i32
      %add3A_28 = arith.addi %mul3A_0, %mul3A_27 : i32
      "tpu.region"() ({
        %run_scoped3A = tpu.sem_alloc : memref<!tpu.dma_semaphore, #tpu.memory_space<semaphore_mem>>
        %dma_start3A = tpu.memref_slice %arg3[%add3A_28] : memref<320000xi32, #tpu.memory_space<hbm>> -> memref<2000xi32, #tpu.memory_space<hbm>>
        %dma_start3A_37 = tpu.memref_slice %arg3[%add3A_28] : memref<320000xi32, #tpu.memory_space<hbm>> -> memref<2000xi32, #tpu.memory_space<hbm>>
        tpu.enqueue_dma source(%dma_start3A_37 : memref<2000xi32, #tpu.memory_space<hbm>>) target(%arg5 : memref<2000xi32, #tpu.memory_space<vmem>>) target_semaphore(%run_scoped3A : memref<!tpu.dma_semaphore, #tpu.memory_space<semaphore_mem>>)
        %dma_wait3A = tpu.memref_slice %arg3[%add3A_28] : memref<320000xi32, #tpu.memory_space<hbm>> -> memref<2000xi32, #tpu.memory_space<hbm>>
        %dma_wait3A_38 = tpu.memref_slice %arg3[%add3A_28] : memref<320000xi32, #tpu.memory_space<hbm>> -> memref<2000xi32, #tpu.memory_space<hbm>>
        tpu.wait_dma2 semaphore(%run_scoped3A : memref<!tpu.dma_semaphore, #tpu.memory_space<semaphore_mem>>) src(%dma_wait3A_38 : memref<2000xi32, #tpu.memory_space<hbm>>) dst(%arg5 : memref<2000xi32, #tpu.memory_space<vmem>>)
        tpu.yield
      }) : () -> ()
      %scan3A_29 = arith.constant 0 : i32
      %scan3A_30 = arith.constant 0 : i32
      %scan3A_31 = arith.constant 125 : i32
      %scan3A_32 = arith.addi %scan3A_30, %scan3A_31 : i32
      %scan3A_33 = arith.constant 1 : i32
      %scan3A_34 = scf.for %scan3A_37 = %scan3A_30 to %scan3A_32 step %scan3A_33 iter_args(%scan3A_38 = %scan3A_29) -> (i32)  : i32 {
        %mul3A_39 = arith.constant 16 : i32
        %mul3A_40 = arith.muli %scan3A_37, %mul3A_39 : i32
        %get3A = arith.index_cast %mul3A_40 : i32 to index
        %get3A_41 = tpu.vector_load %arg5[%get3A] {strides = array<i32>} : memref<2000xi32, #tpu.memory_space<vmem>>, vector<16xi32>,
        %get3A_42 = vector.shape_cast %get3A_41 : vector<16xi32> to vector<16xi32>
        %sub3A = vector.broadcast %mul3A_2 : i32 to vector<16xi32>
        %sub3A_43 = arith.subi %get3A_42, %sub3A : vector<16xi32>
        %ge3A = arith.constant 0 : i32
        %ge3A_44 = vector.broadcast %ge3A : i32 to vector<16xi32>
        %ge3A_45 = arith.cmpi sge, %sub3A_43, %ge3A_44 : vector<16xi32>
        %lt3A = arith.constant 80000 : i32
        %lt3A_46 = vector.broadcast %lt3A : i32 to vector<16xi32>
        %lt3A_47 = arith.cmpi slt, %sub3A_43, %lt3A_46 : vector<16xi32>
        %and3A = arith.andi %ge3A_45, %lt3A_47 : vector<16xi1>
        %broadcast_in_dim3A = vector.broadcast %add3A_3 : i32 to vector<16xi32>
        %select_n3A = arith.select %and3A, %sub3A_43, %broadcast_in_dim3A : vector<16xi1>, vector<16xi32>
        %mul3A_48 = arith.constant 25 : i32
        %mul3A_49 = arith.muli %scan3A_24, %mul3A_48 : i32
        %div3A = arith.constant 5 : i32
        %div3A_50 = arith.divsi %scan3A_37, %div3A : i32
        %add3A_51 = arith.addi %mul3A_49, %div3A_50 : i32
        %rem3A = arith.constant 5 : i32
        %rem3A_52 = arith.remsi %scan3A_37, %rem3A : i32
        %mul3A_53 = arith.constant 16 : i32
        %mul3A_54 = arith.muli %rem3A_52, %mul3A_53 : i32
        %swap3A = arith.index_cast %add3A_51 : i32 to index
        %swap3A_55 = arith.index_cast %mul3A_54 : i32 to index
        %swap3A_56 = tpu.vector_load %arg6[%swap3A, %swap3A_55] {strides = array<i32>} : memref<250x80xi32, #tpu.memory_space<vmem>>, vector<1x16xi32>,
        %swap3A_57 = vector.shape_cast %swap3A_56 : vector<1x16xi32> to vector<16xi32>
        %swap3A_58 = vector.shape_cast %select_n3A : vector<16xi32> to vector<1x16xi32>
        tpu.vector_store %arg6[%swap3A, %swap3A_55], %swap3A_58 {strides = array<i32>} : memref<250x80xi32, #tpu.memory_space<vmem>>, vector<1x16xi32>,
        %scan3A_59 = arith.constant 0 : i32
        scf.yield %scan3A_59 : i32
      }
      %scan3A_35 = arith.constant 125 : i32
      %scan3A_36 = arith.constant 0 : i32
      scf.yield %scan3A_36 : i32
    }
    %scan3A_16 = arith.constant 10 : i32
    %scan3A_17 = arith.constant 0 : i32
    %scan3A_18 = arith.constant 0 : i32
    %scan3A_19 = arith.constant 8 : i32
    %scan3A_20 = arith.addi %scan3A_18, %scan3A_19 : i32
    %scan3A_21 = arith.constant 1 : i32
    %scan3A_22 = scf.for %scan3A_24 = %scan3A_18 to %scan3A_20 step %scan3A_21 iter_args(%scan3A_25 = %scan3A_17) -> (i32)  : i32 {
      %add3A_26 = arith.constant 0 : i32
      %add3A_27 = arith.addi %mul3A_0, %add3A_26 : i32
      %mul3A_28 = arith.constant 16 : i32
      %mul3A_29 = arith.muli %scan3A_24, %mul3A_28 : i32
      %dma_start3A = arith.constant 0 : i32
      %dma_start3A_30 = arith.constant 0 : i32
      %dma_start3A_31 = arith.constant 0 : i32
      %dma_start3A_32 = arith.constant 0 : i32
      %dma_start3A_33 = tpu.memref_slice %arg7[%dma_start3A, %dma_start3A_31, %dma_start3A_32] : memref<2x800x16xf32, #tpu.memory_space<vmem>> -> memref<1x800x16xf32, #tpu.memory_space<vmem>>
      %dma_start3A_34 = tpu.memref_squeeze %dma_start3A_33 : memref<1x800x16xf32, #tpu.memory_space<vmem>> -> memref<800x16xf32, #tpu.memory_space<vmem>>
      %dma_start3A_35 = tpu.memref_slice %arg2[%add3A_27, %mul3A_29] : memref<320000x128xf32, #tpu.memory_space<hbm>> -> memref<800x16xf32, #tpu.memory_space<hbm>>
      %dma_start3A_36 = tpu.memref_slice %arg10[%dma_start3A_30] : memref<2x!tpu.dma_semaphore, #tpu.memory_space<semaphore_mem>> -> memref<1x!tpu.dma_semaphore, #tpu.memory_space<semaphore_mem>>
      %dma_start3A_37 = tpu.memref_squeeze %dma_start3A_36 : memref<1x!tpu.dma_semaphore, #tpu.memory_space<semaphore_mem>> -> memref<!tpu.dma_semaphore, #tpu.memory_space<semaphore_mem>>
      %dma_start3A_38 = arith.constant 0 : i32
      %dma_start3A_39 = arith.constant 0 : i32
      %dma_start3A_40 = tpu.memref_slice %arg7[%dma_start3A, %dma_start3A_38, %dma_start3A_39] : memref<2x800x16xf32, #tpu.memory_space<vmem>> -> memref<1x800x16xf32, #tpu.memory_space<vmem>>
      %dma_start3A_41 = tpu.memref_squeeze %dma_start3A_40 : memref<1x800x16xf32, #tpu.memory_space<vmem>> -> memref<800x16xf32, #tpu.memory_space<vmem>>
      %dma_start3A_42 = tpu.memref_slice %arg2[%add3A_27, %mul3A_29] : memref<320000x128xf32, #tpu.memory_space<hbm>> -> memref<800x16xf32, #tpu.memory_space<hbm>>
      tpu.enqueue_dma source(%dma_start3A_42 : memref<800x16xf32, #tpu.memory_space<hbm>>) target(%dma_start3A_41 : memref<800x16xf32, #tpu.memory_space<vmem>>) target_semaphore(%dma_start3A_37 : memref<!tpu.dma_semaphore, #tpu.memory_space<semaphore_mem>>)
      %mul3A_43 = arith.constant 5001 : i32
      %mul3A_44 = arith.muli %arg1, %mul3A_43 : i32
      %add3A_45 = arith.constant 0 : i32
      %add3A_46 = arith.addi %mul3A_44, %add3A_45 : i32
      %dma_start3A_47 = arith.constant 0 : i32
      %dma_start3A_48 = tpu.memref_slice %arg9[%add3A_46, %dma_start3A_47] : memref<80016x16xf32, #tpu.memory_space<vmem_shared>> -> memref<125x16xf32, #tpu.memory_space<vmem_shared>>
      %dma_start3A_49 = arith.constant 0 : i32
      %dma_start3A_50 = tpu.memref_slice %arg9[%add3A_46, %dma_start3A_49] : memref<80016x16xf32, #tpu.memory_space<vmem_shared>> -> memref<125x16xf32, #tpu.memory_space<vmem_shared>>
      tpu.enqueue_dma source(%arg8 : memref<125x16xf32, #tpu.memory_space<vmem>>) target(%dma_start3A_50 : memref<125x16xf32, #tpu.memory_space<vmem_shared>>) target_semaphore(%arg12 : memref<!tpu.dma_semaphore, #tpu.memory_space<semaphore_mem>>)
      %mul3A_51 = arith.constant 5001 : i32
      %mul3A_52 = arith.muli %arg1, %mul3A_51 : i32
      %add3A_53 = arith.constant 125 : i32
      %add3A_54 = arith.addi %mul3A_52, %add3A_53 : i32
      %dma_start3A_55 = arith.constant 0 : i32
      %dma_start3A_56 = tpu.memref_slice %arg9[%add3A_54, %dma_start3A_55] : memref<80016x16xf32, #tpu.memory_space<vmem_shared>> -> memref<125x16xf32, #tpu.memory_space<vmem_shared>>
      %dma_start3A_57 = arith.constant 0 : i32
      %dma_start3A_58 = tpu.memref_slice %arg9[%add3A_54, %dma_start3A_57] : memref<80016x16xf32, #tpu.memory_space<vmem_shared>> -> memref<125x16xf32, #tpu.memory_space<vmem_shared>>
      tpu.enqueue_dma source(%arg8 : memref<125x16xf32, #tpu.memory_space<vmem>>) target(%dma_start3A_58 : memref<125x16xf32, #tpu.memory_space<vmem_shared>>) target_semaphore(%arg12 : memref<!tpu.dma_semaphore, #tpu.memory_space<semaphore_mem>>)
      %mul3A_59 = arith.constant 5001 : i32
      %mul3A_60 = arith.muli %arg1, %mul3A_59 : i32
      %add3A_61 = arith.constant 250 : i32
      %add3A_62 = arith.addi %mul3A_60, %add3A_61 : i32
      %dma_start3A_63 = arith.constant 0 : i32
      %dma_start3A_64 = tpu.memref_slice %arg9[%add3A_62, %dma_start3A_63] : memref<80016x16xf32, #tpu.memory_space<vmem_shared>> -> memref<125x16xf32, #tpu.memory_space<vmem_shared>>
      %dma_start3A_65 = arith.constant 0 : i32
      %dma_start3A_66 = tpu.memref_slice %arg9[%add3A_62, %dma_start3A_65] : memref<80016x16xf32, #tpu.memory_space<vmem_shared>> -> memref<125x16xf32, #tpu.memory_space<vmem_shared>>
      tpu.enqueue_dma source(%arg8 : memref<125x16xf32, #tpu.memory_space<vmem>>) target(%dma_start3A_66 : memref<125x16xf32, #tpu.memory_space<vmem_shared>>) target_semaphore(%arg12 : memref<!tpu.dma_semaphore, #tpu.memory_space<semaphore_mem>>)
      %mul3A_67 = arith.constant 5001 : i32
      %mul3A_68 = arith.muli %arg1, %mul3A_67 : i32
      %add3A_69 = arith.constant 375 : i32
      %add3A_70 = arith.addi %mul3A_68, %add3A_69 : i32
      %dma_start3A_71 = arith.constant 0 : i32
      %dma_start3A_72 = tpu.memref_slice %arg9[%add3A_70, %dma_start3A_71] : memref<80016x16xf32, #tpu.memory_space<vmem_shared>> -> memref<125x16xf32, #tpu.memory_space<vmem_shared>>
      %dma_start3A_73 = arith.constant 0 : i32
      %dma_start3A_74 = tpu.memref_slice %arg9[%add3A_70, %dma_start3A_73] : memref<80016x16xf32, #tpu.memory_space<vmem_shared>> -> memref<125x16xf32, #tpu.memory_space<vmem_shared>>
      tpu.enqueue_dma source(%arg8 : memref<125x16xf32, #tpu.memory_space<vmem>>) target(%dma_start3A_74 : memref<125x16xf32, #tpu.memory_space<vmem_shared>>) target_semaphore(%arg12 : memref<!tpu.dma_semaphore, #tpu.memory_space<semaphore_mem>>)
      %mul3A_75 = arith.constant 5001 : i32
      %mul3A_76 = arith.muli %arg1, %mul3A_75 : i32
      %add3A_77 = arith.constant 500 : i32
      %add3A_78 = arith.addi %mul3A_76, %add3A_77 : i32
      %dma_start3A_79 = arith.constant 0 : i32
      %dma_start3A_80 = tpu.memref_slice %arg9[%add3A_78, %dma_start3A_79] : memref<80016x16xf32, #tpu.memory_space<vmem_shared>> -> memref<125x16xf32, #tpu.memory_space<vmem_shared>>
      %dma_start3A_81 = arith.constant 0 : i32
      %dma_start3A_82 = tpu.memref_slice %arg9[%add3A_78, %dma_start3A_81] : memref<80016x16xf32, #tpu.memory_space<vmem_shared>> -> memref<125x16xf32, #tpu.memory_space<vmem_shared>>
      tpu.enqueue_dma source(%arg8 : memref<125x16xf32, #tpu.memory_space<vmem>>) target(%dma_start3A_82 : memref<125x16xf32, #tpu.memory_space<vmem_shared>>) target_semaphore(%arg12 : memref<!tpu.dma_semaphore, #tpu.memory_space<semaphore_mem>>)
      %mul3A_83 = arith.constant 5001 : i32
      %mul3A_84 = arith.muli %arg1, %mul3A_83 : i32
      %add3A_85 = arith.constant 625 : i32
      %add3A_86 = arith.addi %mul3A_84, %add3A_85 : i32
      %dma_start3A_87 = arith.constant 0 : i32
      %dma_start3A_88 = tpu.memref_slice %arg9[%add3A_86, %dma_start3A_87] : memref<80016x16xf32, #tpu.memory_space<vmem_shared>> -> memref<125x16xf32, #tpu.memory_space<vmem_shared>>
      %dma_start3A_89 = arith.constant 0 : i32
      %dma_start3A_90 = tpu.memref_slice %arg9[%add3A_86, %dma_start3A_89] : memref<80016x16xf32, #tpu.memory_space<vmem_shared>> -> memref<125x16xf32, #tpu.memory_space<vmem_shared>>
      tpu.enqueue_dma source(%arg8 : memref<125x16xf32, #tpu.memory_space<vmem>>) target(%dma_start3A_90 : memref<125x16xf32, #tpu.memory_space<vmem_shared>>) target_semaphore(%arg12 : memref<!tpu.dma_semaphore, #tpu.memory_space<semaphore_mem>>)
      %mul3A_91 = arith.constant 5001 : i32
      %mul3A_92 = arith.muli %arg1, %mul3A_91 : i32
      %add3A_93 = arith.constant 750 : i32
      %add3A_94 = arith.addi %mul3A_92, %add3A_93 : i32
      %dma_start3A_95 = arith.constant 0 : i32
      %dma_start3A_96 = tpu.memref_slice %arg9[%add3A_94, %dma_start3A_95] : memref<80016x16xf32, #tpu.memory_space<vmem_shared>> -> memref<125x16xf32, #tpu.memory_space<vmem_shared>>
      %dma_start3A_97 = arith.constant 0 : i32
      %dma_start3A_98 = tpu.memref_slice %arg9[%add3A_94, %dma_start3A_97] : memref<80016x16xf32, #tpu.memory_space<vmem_shared>> -> memref<125x16xf32, #tpu.memory_space<vmem_shared>>
      tpu.enqueue_dma source(%arg8 : memref<125x16xf32, #tpu.memory_space<vmem>>) target(%dma_start3A_98 : memref<125x16xf32, #tpu.memory_space<vmem_shared>>) target_semaphore(%arg12 : memref<!tpu.dma_semaphore, #tpu.memory_space<semaphore_mem>>)
      %mul3A_99 = arith.constant 5001 : i32
      %mul3A_100 = arith.muli %arg1, %mul3A_99 : i32
      %add3A_101 = arith.constant 875 : i32
      %add3A_102 = arith.addi %mul3A_100, %add3A_101 : i32
      %dma_start3A_103 = arith.constant 0 : i32
      %dma_start3A_104 = tpu.memref_slice %arg9[%add3A_102, %dma_start3A_103] : memref<80016x16xf32, #tpu.memory_space<vmem_shared>> -> memref<125x16xf32, #tpu.memory_space<vmem_shared>>
      %dma_start3A_105 = arith.constant 0 : i32
      %dma_start3A_106 = tpu.memref_slice %arg9[%add3A_102, %dma_start3A_105] : memref<80016x16xf32, #tpu.memory_space<vmem_shared>> -> memref<125x16xf32, #tpu.memory_space<vmem_shared>>
      tpu.enqueue_dma source(%arg8 : memref<125x16xf32, #tpu.memory_space<vmem>>) target(%dma_start3A_106 : memref<125x16xf32, #tpu.memory_space<vmem_shared>>) target_semaphore(%arg12 : memref<!tpu.dma_semaphore, #tpu.memory_space<semaphore_mem>>)
      %mul3A_107 = arith.constant 5001 : i32
      %mul3A_108 = arith.muli %arg1, %mul3A_107 : i32
      %add3A_109 = arith.constant 1000 : i32
      %add3A_110 = arith.addi %mul3A_108, %add3A_109 : i32
      %dma_start3A_111 = arith.constant 0 : i32
      %dma_start3A_112 = tpu.memref_slice %arg9[%add3A_110, %dma_start3A_111] : memref<80016x16xf32, #tpu.memory_space<vmem_shared>> -> memref<125x16xf32, #tpu.memory_space<vmem_shared>>
      %dma_start3A_113 = arith.constant 0 : i32
      %dma_start3A_114 = tpu.memref_slice %arg9[%add3A_110, %dma_start3A_113] : memref<80016x16xf32, #tpu.memory_space<vmem_shared>> -> memref<125x16xf32, #tpu.memory_space<vmem_shared>>
      tpu.enqueue_dma source(%arg8 : memref<125x16xf32, #tpu.memory_space<vmem>>) target(%dma_start3A_114 : memref<125x16xf32, #tpu.memory_space<vmem_shared>>) target_semaphore(%arg12 : memref<!tpu.dma_semaphore, #tpu.memory_space<semaphore_mem>>)
      %mul3A_115 = arith.constant 5001 : i32
      %mul3A_116 = arith.muli %arg1, %mul3A_115 : i32
      %add3A_117 = arith.constant 1125 : i32
      %add3A_118 = arith.addi %mul3A_116, %add3A_117 : i32
      %dma_start3A_119 = arith.constant 0 : i32
      %dma_start3A_120 = tpu.memref_slice %arg9[%add3A_118, %dma_start3A_119] : memref<80016x16xf32, #tpu.memory_space<vmem_shared>> -> memref<125x16xf32, #tpu.memory_space<vmem_shared>>
      %dma_start3A_121 = arith.constant 0 : i32
      %dma_start3A_122 = tpu.memref_slice %arg9[%add3A_118, %dma_start3A_121] : memref<80016x16xf32, #tpu.memory_space<vmem_shared>> -> memref<125x16xf32, #tpu.memory_space<vmem_shared>>
      tpu.enqueue_dma source(%arg8 : memref<125x16xf32, #tpu.memory_space<vmem>>) target(%dma_start3A_122 : memref<125x16xf32, #tpu.memory_space<vmem_shared>>) target_semaphore(%arg12 : memref<!tpu.dma_semaphore, #tpu.memory_space<semaphore_mem>>)
      %mul3A_123 = arith.constant 5001 : i32
      %mul3A_124 = arith.muli %arg1, %mul3A_123 : i32
      %add3A_125 = arith.constant 1250 : i32
      %add3A_126 = arith.addi %mul3A_124, %add3A_125 : i32
      %dma_start3A_127 = arith.constant 0 : i32
      %dma_start3A_128 = tpu.memref_slice %arg9[%add3A_126, %dma_start3A_127] : memref<80016x16xf32, #tpu.memory_space<vmem_shared>> -> memref<125x16xf32, #tpu.memory_space<vmem_shared>>
      %dma_start3A_129 = arith.constant 0 : i32
      %dma_start3A_130 = tpu.memref_slice %arg9[%add3A_126, %dma_start3A_129] : memref<80016x16xf32, #tpu.memory_space<vmem_shared>> -> memref<125x16xf32, #tpu.memory_space<vmem_shared>>
      tpu.enqueue_dma source(%arg8 : memref<125x16xf32, #tpu.memory_space<vmem>>) target(%dma_start3A_130 : memref<125x16xf32, #tpu.memory_space<vmem_shared>>) target_semaphore(%arg12 : memref<!tpu.dma_semaphore, #tpu.memory_space<semaphore_mem>>)
      %mul3A_131 = arith.constant 5001 : i32
      %mul3A_132 = arith.muli %arg1, %mul3A_131 : i32
      %add3A_133 = arith.constant 1375 : i32
      %add3A_134 = arith.addi %mul3A_132, %add3A_133 : i32
      %dma_start3A_135 = arith.constant 0 : i32
      %dma_start3A_136 = tpu.memref_slice %arg9[%add3A_134, %dma_start3A_135] : memref<80016x16xf32, #tpu.memory_space<vmem_shared>> -> memref<125x16xf32, #tpu.memory_space<vmem_shared>>
      %dma_start3A_137 = arith.constant 0 : i32
      %dma_start3A_138 = tpu.memref_slice %arg9[%add3A_134, %dma_start3A_137] : memref<80016x16xf32, #tpu.memory_space<vmem_shared>> -> memref<125x16xf32, #tpu.memory_space<vmem_shared>>
      tpu.enqueue_dma source(%arg8 : memref<125x16xf32, #tpu.memory_space<vmem>>) target(%dma_start3A_138 : memref<125x16xf32, #tpu.memory_space<vmem_shared>>) target_semaphore(%arg12 : memref<!tpu.dma_semaphore, #tpu.memory_space<semaphore_mem>>)
      %mul3A_139 = arith.constant 5001 : i32
      %mul3A_140 = arith.muli %arg1, %mul3A_139 : i32
      %add3A_141 = arith.constant 1500 : i32
      %add3A_142 = arith.addi %mul3A_140, %add3A_141 : i32
      %dma_start3A_143 = arith.constant 0 : i32
      %dma_start3A_144 = tpu.memref_slice %arg9[%add3A_142, %dma_start3A_143] : memref<80016x16xf32, #tpu.memory_space<vmem_shared>> -> memref<125x16xf32, #tpu.memory_space<vmem_shared>>
      %dma_start3A_145 = arith.constant 0 : i32
      %dma_start3A_146 = tpu.memref_slice %arg9[%add3A_142, %dma_start3A_145] : memref<80016x16xf32, #tpu.memory_space<vmem_shared>> -> memref<125x16xf32, #tpu.memory_space<vmem_shared>>
      tpu.enqueue_dma source(%arg8 : memref<125x16xf32, #tpu.memory_space<vmem>>) target(%dma_start3A_146 : memref<125x16xf32, #tpu.memory_space<vmem_shared>>) target_semaphore(%arg12 : memref<!tpu.dma_semaphore, #tpu.memory_space<semaphore_mem>>)
      %mul3A_147 = arith.constant 5001 : i32
      %mul3A_148 = arith.muli %arg1, %mul3A_147 : i32
      %add3A_149 = arith.constant 1625 : i32
      %add3A_150 = arith.addi %mul3A_148, %add3A_149 : i32
      %dma_start3A_151 = arith.constant 0 : i32
      %dma_start3A_152 = tpu.memref_slice %arg9[%add3A_150, %dma_start3A_151] : memref<80016x16xf32, #tpu.memory_space<vmem_shared>> -> memref<125x16xf32, #tpu.memory_space<vmem_shared>>
      %dma_start3A_153 = arith.constant 0 : i32
      %dma_start3A_154 = tpu.memref_slice %arg9[%add3A_150, %dma_start3A_153] : memref<80016x16xf32, #tpu.memory_space<vmem_shared>> -> memref<125x16xf32, #tpu.memory_space<vmem_shared>>
      tpu.enqueue_dma source(%arg8 : memref<125x16xf32, #tpu.memory_space<vmem>>) target(%dma_start3A_154 : memref<125x16xf32, #tpu.memory_space<vmem_shared>>) target_semaphore(%arg12 : memref<!tpu.dma_semaphore, #tpu.memory_space<semaphore_mem>>)
      %mul3A_155 = arith.constant 5001 : i32
      %mul3A_156 = arith.muli %arg1, %mul3A_155 : i32
      %add3A_157 = arith.constant 1750 : i32
      %add3A_158 = arith.addi %mul3A_156, %add3A_157 : i32
      %dma_start3A_159 = arith.constant 0 : i32
      %dma_start3A_160 = tpu.memref_slice %arg9[%add3A_158, %dma_start3A_159] : memref<80016x16xf32, #tpu.memory_space<vmem_shared>> -> memref<125x16xf32, #tpu.memory_space<vmem_shared>>
      %dma_start3A_161 = arith.constant 0 : i32
      %dma_start3A_162 = tpu.memref_slice %arg9[%add3A_158, %dma_start3A_161] : memref<80016x16xf32, #tpu.memory_space<vmem_shared>> -> memref<125x16xf32, #tpu.memory_space<vmem_shared>>
      tpu.enqueue_dma source(%arg8 : memref<125x16xf32, #tpu.memory_space<vmem>>) target(%dma_start3A_162 : memref<125x16xf32, #tpu.memory_space<vmem_shared>>) target_semaphore(%arg12 : memref<!tpu.dma_semaphore, #tpu.memory_space<semaphore_mem>>)
      %mul3A_163 = arith.constant 5001 : i32
      %mul3A_164 = arith.muli %arg1, %mul3A_163 : i32
      %add3A_165 = arith.constant 1875 : i32
      %add3A_166 = arith.addi %mul3A_164, %add3A_165 : i32
      %dma_start3A_167 = arith.constant 0 : i32
      %dma_start3A_168 = tpu.memref_slice %arg9[%add3A_166, %dma_start3A_167] : memref<80016x16xf32, #tpu.memory_space<vmem_shared>> -> memref<125x16xf32, #tpu.memory_space<vmem_shared>>
      %dma_start3A_169 = arith.constant 0 : i32
      %dma_start3A_170 = tpu.memref_slice %arg9[%add3A_166, %dma_start3A_169] : memref<80016x16xf32, #tpu.memory_space<vmem_shared>> -> memref<125x16xf32, #tpu.memory_space<vmem_shared>>
      tpu.enqueue_dma source(%arg8 : memref<125x16xf32, #tpu.memory_space<vmem>>) target(%dma_start3A_170 : memref<125x16xf32, #tpu.memory_space<vmem_shared>>) target_semaphore(%arg12 : memref<!tpu.dma_semaphore, #tpu.memory_space<semaphore_mem>>)
      %mul3A_171 = arith.constant 5001 : i32
      %mul3A_172 = arith.muli %arg1, %mul3A_171 : i32
      %add3A_173 = arith.constant 2000 : i32
      %add3A_174 = arith.addi %mul3A_172, %add3A_173 : i32
      %dma_start3A_175 = arith.constant 0 : i32
      %dma_start3A_176 = tpu.memref_slice %arg9[%add3A_174, %dma_start3A_175] : memref<80016x16xf32, #tpu.memory_space<vmem_shared>> -> memref<125x16xf32, #tpu.memory_space<vmem_shared>>
      %dma_start3A_177 = arith.constant 0 : i32
      %dma_start3A_178 = tpu.memref_slice %arg9[%add3A_174, %dma_start3A_177] : memref<80016x16xf32, #tpu.memory_space<vmem_shared>> -> memref<125x16xf32, #tpu.memory_space<vmem_shared>>
      tpu.enqueue_dma source(%arg8 : memref<125x16xf32, #tpu.memory_space<vmem>>) target(%dma_start3A_178 : memref<125x16xf32, #tpu.memory_space<vmem_shared>>) target_semaphore(%arg12 : memref<!tpu.dma_semaphore, #tpu.memory_space<semaphore_mem>>)
      %mul3A_179 = arith.constant 5001 : i32
      %mul3A_180 = arith.muli %arg1, %mul3A_179 : i32
      %add3A_181 = arith.constant 2125 : i32
      %add3A_182 = arith.addi %mul3A_180, %add3A_181 : i32
      %dma_start3A_183 = arith.constant 0 : i32
      %dma_start3A_184 = tpu.memref_slice %arg9[%add3A_182, %dma_start3A_183] : memref<80016x16xf32, #tpu.memory_space<vmem_shared>> -> memref<125x16xf32, #tpu.memory_space<vmem_shared>>
      %dma_start3A_185 = arith.constant 0 : i32
      %dma_start3A_186 = tpu.memref_slice %arg9[%add3A_182, %dma_start3A_185] : memref<80016x16xf32, #tpu.memory_space<vmem_shared>> -> memref<125x16xf32, #tpu.memory_space<vmem_shared>>
      tpu.enqueue_dma source(%arg8 : memref<125x16xf32, #tpu.memory_space<vmem>>) target(%dma_start3A_186 : memref<125x16xf32, #tpu.memory_space<vmem_shared>>) target_semaphore(%arg12 : memref<!tpu.dma_semaphore, #tpu.memory_space<semaphore_mem>>)
      %mul3A_187 = arith.constant 5001 : i32
      %mul3A_188 = arith.muli %arg1, %mul3A_187 : i32
      %add3A_189 = arith.constant 2250 : i32
      %add3A_190 = arith.addi %mul3A_188, %add3A_189 : i32
      %dma_start3A_191 = arith.constant 0 : i32
      %dma_start3A_192 = tpu.memref_slice %arg9[%add3A_190, %dma_start3A_191] : memref<80016x16xf32, #tpu.memory_space<vmem_shared>> -> memref<125x16xf32, #tpu.memory_space<vmem_shared>>
      %dma_start3A_193 = arith.constant 0 : i32
      %dma_start3A_194 = tpu.memref_slice %arg9[%add3A_190, %dma_start3A_193] : memref<80016x16xf32, #tpu.memory_space<vmem_shared>> -> memref<125x16xf32, #tpu.memory_space<vmem_shared>>
      tpu.enqueue_dma source(%arg8 : memref<125x16xf32, #tpu.memory_space<vmem>>) target(%dma_start3A_194 : memref<125x16xf32, #tpu.memory_space<vmem_shared>>) target_semaphore(%arg12 : memref<!tpu.dma_semaphore, #tpu.memory_space<semaphore_mem>>)
      %mul3A_195 = arith.constant 5001 : i32
      %mul3A_196 = arith.muli %arg1, %mul3A_195 : i32
      %add3A_197 = arith.constant 2375 : i32
      %add3A_198 = arith.addi %mul3A_196, %add3A_197 : i32
      %dma_start3A_199 = arith.constant 0 : i32
      %dma_start3A_200 = tpu.memref_slice %arg9[%add3A_198, %dma_start3A_199] : memref<80016x16xf32, #tpu.memory_space<vmem_shared>> -> memref<125x16xf32, #tpu.memory_space<vmem_shared>>
      %dma_start3A_201 = arith.constant 0 : i32
      %dma_start3A_202 = tpu.memref_slice %arg9[%add3A_198, %dma_start3A_201] : memref<80016x16xf32, #tpu.memory_space<vmem_shared>> -> memref<125x16xf32, #tpu.memory_space<vmem_shared>>
      tpu.enqueue_dma source(%arg8 : memref<125x16xf32, #tpu.memory_space<vmem>>) target(%dma_start3A_202 : memref<125x16xf32, #tpu.memory_space<vmem_shared>>) target_semaphore(%arg12 : memref<!tpu.dma_semaphore, #tpu.memory_space<semaphore_mem>>)
      %mul3A_203 = arith.constant 5001 : i32
      %mul3A_204 = arith.muli %arg1, %mul3A_203 : i32
      %add3A_205 = arith.constant 2500 : i32
      %add3A_206 = arith.addi %mul3A_204, %add3A_205 : i32
      %dma_start3A_207 = arith.constant 0 : i32
      %dma_start3A_208 = tpu.memref_slice %arg9[%add3A_206, %dma_start3A_207] : memref<80016x16xf32, #tpu.memory_space<vmem_shared>> -> memref<125x16xf32, #tpu.memory_space<vmem_shared>>
      %dma_start3A_209 = arith.constant 0 : i32
      %dma_start3A_210 = tpu.memref_slice %arg9[%add3A_206, %dma_start3A_209] : memref<80016x16xf32, #tpu.memory_space<vmem_shared>> -> memref<125x16xf32, #tpu.memory_space<vmem_shared>>
      tpu.enqueue_dma source(%arg8 : memref<125x16xf32, #tpu.memory_space<vmem>>) target(%dma_start3A_210 : memref<125x16xf32, #tpu.memory_space<vmem_shared>>) target_semaphore(%arg12 : memref<!tpu.dma_semaphore, #tpu.memory_space<semaphore_mem>>)
      %mul3A_211 = arith.constant 5001 : i32
      %mul3A_212 = arith.muli %arg1, %mul3A_211 : i32
      %add3A_213 = arith.constant 2625 : i32
      %add3A_214 = arith.addi %mul3A_212, %add3A_213 : i32
      %dma_start3A_215 = arith.constant 0 : i32
      %dma_start3A_216 = tpu.memref_slice %arg9[%add3A_214, %dma_start3A_215] : memref<80016x16xf32, #tpu.memory_space<vmem_shared>> -> memref<125x16xf32, #tpu.memory_space<vmem_shared>>
      %dma_start3A_217 = arith.constant 0 : i32
      %dma_start3A_218 = tpu.memref_slice %arg9[%add3A_214, %dma_start3A_217] : memref<80016x16xf32, #tpu.memory_space<vmem_shared>> -> memref<125x16xf32, #tpu.memory_space<vmem_shared>>
      tpu.enqueue_dma source(%arg8 : memref<125x16xf32, #tpu.memory_space<vmem>>) target(%dma_start3A_218 : memref<125x16xf32, #tpu.memory_space<vmem_shared>>) target_semaphore(%arg12 : memref<!tpu.dma_semaphore, #tpu.memory_space<semaphore_mem>>)
      %mul3A_219 = arith.constant 5001 : i32
      %mul3A_220 = arith.muli %arg1, %mul3A_219 : i32
      %add3A_221 = arith.constant 2750 : i32
      %add3A_222 = arith.addi %mul3A_220, %add3A_221 : i32
      %dma_start3A_223 = arith.constant 0 : i32
      %dma_start3A_224 = tpu.memref_slice %arg9[%add3A_222, %dma_start3A_223] : memref<80016x16xf32, #tpu.memory_space<vmem_shared>> -> memref<125x16xf32, #tpu.memory_space<vmem_shared>>
      %dma_start3A_225 = arith.constant 0 : i32
      %dma_start3A_226 = tpu.memref_slice %arg9[%add3A_222, %dma_start3A_225] : memref<80016x16xf32, #tpu.memory_space<vmem_shared>> -> memref<125x16xf32, #tpu.memory_space<vmem_shared>>
      tpu.enqueue_dma source(%arg8 : memref<125x16xf32, #tpu.memory_space<vmem>>) target(%dma_start3A_226 : memref<125x16xf32, #tpu.memory_space<vmem_shared>>) target_semaphore(%arg12 : memref<!tpu.dma_semaphore, #tpu.memory_space<semaphore_mem>>)
      %mul3A_227 = arith.constant 5001 : i32
      %mul3A_228 = arith.muli %arg1, %mul3A_227 : i32
      %add3A_229 = arith.constant 2875 : i32
      %add3A_230 = arith.addi %mul3A_228, %add3A_229 : i32
      %dma_start3A_231 = arith.constant 0 : i32
      %dma_start3A_232 = tpu.memref_slice %arg9[%add3A_230, %dma_start3A_231] : memref<80016x16xf32, #tpu.memory_space<vmem_shared>> -> memref<125x16xf32, #tpu.memory_space<vmem_shared>>
      %dma_start3A_233 = arith.constant 0 : i32
      %dma_start3A_234 = tpu.memref_slice %arg9[%add3A_230, %dma_start3A_233] : memref<80016x16xf32, #tpu.memory_space<vmem_shared>> -> memref<125x16xf32, #tpu.memory_space<vmem_shared>>
      tpu.enqueue_dma source(%arg8 : memref<125x16xf32, #tpu.memory_space<vmem>>) target(%dma_start3A_234 : memref<125x16xf32, #tpu.memory_space<vmem_shared>>) target_semaphore(%arg12 : memref<!tpu.dma_semaphore, #tpu.memory_space<semaphore_mem>>)
      %mul3A_235 = arith.constant 5001 : i32
      %mul3A_236 = arith.muli %arg1, %mul3A_235 : i32
      %add3A_237 = arith.constant 3000 : i32
      %add3A_238 = arith.addi %mul3A_236, %add3A_237 : i32
      %dma_start3A_239 = arith.constant 0 : i32
      %dma_start3A_240 = tpu.memref_slice %arg9[%add3A_238, %dma_start3A_239] : memref<80016x16xf32, #tpu.memory_space<vmem_shared>> -> memref<125x16xf32, #tpu.memory_space<vmem_shared>>
      %dma_start3A_241 = arith.constant 0 : i32
      %dma_start3A_242 = tpu.memref_slice %arg9[%add3A_238, %dma_start3A_241] : memref<80016x16xf32, #tpu.memory_space<vmem_shared>> -> memref<125x16xf32, #tpu.memory_space<vmem_shared>>
      tpu.enqueue_dma source(%arg8 : memref<125x16xf32, #tpu.memory_space<vmem>>) target(%dma_start3A_242 : memref<125x16xf32, #tpu.memory_space<vmem_shared>>) target_semaphore(%arg12 : memref<!tpu.dma_semaphore, #tpu.memory_space<semaphore_mem>>)
      %mul3A_243 = arith.constant 5001 : i32
      %mul3A_244 = arith.muli %arg1, %mul3A_243 : i32
      %add3A_245 = arith.constant 3125 : i32
      %add3A_246 = arith.addi %mul3A_244, %add3A_245 : i32
      %dma_start3A_247 = arith.constant 0 : i32
      %dma_start3A_248 = tpu.memref_slice %arg9[%add3A_246, %dma_start3A_247] : memref<80016x16xf32, #tpu.memory_space<vmem_shared>> -> memref<125x16xf32, #tpu.memory_space<vmem_shared>>
      %dma_start3A_249 = arith.constant 0 : i32
      %dma_start3A_250 = tpu.memref_slice %arg9[%add3A_246, %dma_start3A_249] : memref<80016x16xf32, #tpu.memory_space<vmem_shared>> -> memref<125x16xf32, #tpu.memory_space<vmem_shared>>
      tpu.enqueue_dma source(%arg8 : memref<125x16xf32, #tpu.memory_space<vmem>>) target(%dma_start3A_250 : memref<125x16xf32, #tpu.memory_space<vmem_shared>>) target_semaphore(%arg12 : memref<!tpu.dma_semaphore, #tpu.memory_space<semaphore_mem>>)
      %mul3A_251 = arith.constant 5001 : i32
      %mul3A_252 = arith.muli %arg1, %mul3A_251 : i32
      %add3A_253 = arith.constant 3250 : i32
      %add3A_254 = arith.addi %mul3A_252, %add3A_253 : i32
      %dma_start3A_255 = arith.constant 0 : i32
      %dma_start3A_256 = tpu.memref_slice %arg9[%add3A_254, %dma_start3A_255] : memref<80016x16xf32, #tpu.memory_space<vmem_shared>> -> memref<125x16xf32, #tpu.memory_space<vmem_shared>>
      %dma_start3A_257 = arith.constant 0 : i32
      %dma_start3A_258 = tpu.memref_slice %arg9[%add3A_254, %dma_start3A_257] : memref<80016x16xf32, #tpu.memory_space<vmem_shared>> -> memref<125x16xf32, #tpu.memory_space<vmem_shared>>
      tpu.enqueue_dma source(%arg8 : memref<125x16xf32, #tpu.memory_space<vmem>>) target(%dma_start3A_258 : memref<125x16xf32, #tpu.memory_space<vmem_shared>>) target_semaphore(%arg12 : memref<!tpu.dma_semaphore, #tpu.memory_space<semaphore_mem>>)
      %mul3A_259 = arith.constant 5001 : i32
      %mul3A_260 = arith.muli %arg1, %mul3A_259 : i32
      %add3A_261 = arith.constant 3375 : i32
      %add3A_262 = arith.addi %mul3A_260, %add3A_261 : i32
      %dma_start3A_263 = arith.constant 0 : i32
      %dma_start3A_264 = tpu.memref_slice %arg9[%add3A_262, %dma_start3A_263] : memref<80016x16xf32, #tpu.memory_space<vmem_shared>> -> memref<125x16xf32, #tpu.memory_space<vmem_shared>>
      %dma_start3A_265 = arith.constant 0 : i32
      %dma_start3A_266 = tpu.memref_slice %arg9[%add3A_262, %dma_start3A_265] : memref<80016x16xf32, #tpu.memory_space<vmem_shared>> -> memref<125x16xf32, #tpu.memory_space<vmem_shared>>
      tpu.enqueue_dma source(%arg8 : memref<125x16xf32, #tpu.memory_space<vmem>>) target(%dma_start3A_266 : memref<125x16xf32, #tpu.memory_space<vmem_shared>>) target_semaphore(%arg12 : memref<!tpu.dma_semaphore, #tpu.memory_space<semaphore_mem>>)
      %mul3A_267 = arith.constant 5001 : i32
      %mul3A_268 = arith.muli %arg1, %mul3A_267 : i32
      %add3A_269 = arith.constant 3500 : i32
      %add3A_270 = arith.addi %mul3A_268, %add3A_269 : i32
      %dma_start3A_271 = arith.constant 0 : i32
      %dma_start3A_272 = tpu.memref_slice %arg9[%add3A_270, %dma_start3A_271] : memref<80016x16xf32, #tpu.memory_space<vmem_shared>> -> memref<125x16xf32, #tpu.memory_space<vmem_shared>>
      %dma_start3A_273 = arith.constant 0 : i32
      %dma_start3A_274 = tpu.memref_slice %arg9[%add3A_270, %dma_start3A_273] : memref<80016x16xf32, #tpu.memory_space<vmem_shared>> -> memref<125x16xf32, #tpu.memory_space<vmem_shared>>
      tpu.enqueue_dma source(%arg8 : memref<125x16xf32, #tpu.memory_space<vmem>>) target(%dma_start3A_274 : memref<125x16xf32, #tpu.memory_space<vmem_shared>>) target_semaphore(%arg12 : memref<!tpu.dma_semaphore, #tpu.memory_space<semaphore_mem>>)
      %mul3A_275 = arith.constant 5001 : i32
      %mul3A_276 = arith.muli %arg1, %mul3A_275 : i32
      %add3A_277 = arith.constant 3625 : i32
      %add3A_278 = arith.addi %mul3A_276, %add3A_277 : i32
      %dma_start3A_279 = arith.constant 0 : i32
      %dma_start3A_280 = tpu.memref_slice %arg9[%add3A_278, %dma_start3A_279] : memref<80016x16xf32, #tpu.memory_space<vmem_shared>> -> memref<125x16xf32, #tpu.memory_space<vmem_shared>>
      %dma_start3A_281 = arith.constant 0 : i32
      %dma_start3A_282 = tpu.memref_slice %arg9[%add3A_278, %dma_start3A_281] : memref<80016x16xf32, #tpu.memory_space<vmem_shared>> -> memref<125x16xf32, #tpu.memory_space<vmem_shared>>
      tpu.enqueue_dma source(%arg8 : memref<125x16xf32, #tpu.memory_space<vmem>>) target(%dma_start3A_282 : memref<125x16xf32, #tpu.memory_space<vmem_shared>>) target_semaphore(%arg12 : memref<!tpu.dma_semaphore, #tpu.memory_space<semaphore_mem>>)
      %mul3A_283 = arith.constant 5001 : i32
      %mul3A_284 = arith.muli %arg1, %mul3A_283 : i32
      %add3A_285 = arith.constant 3750 : i32
      %add3A_286 = arith.addi %mul3A_284, %add3A_285 : i32
      %dma_start3A_287 = arith.constant 0 : i32
      %dma_start3A_288 = tpu.memref_slice %arg9[%add3A_286, %dma_start3A_287] : memref<80016x16xf32, #tpu.memory_space<vmem_shared>> -> memref<125x16xf32, #tpu.memory_space<vmem_shared>>
      %dma_start3A_289 = arith.constant 0 : i32
      %dma_start3A_290 = tpu.memref_slice %arg9[%add3A_286, %dma_start3A_289] : memref<80016x16xf32, #tpu.memory_space<vmem_shared>> -> memref<125x16xf32, #tpu.memory_space<vmem_shared>>
      tpu.enqueue_dma source(%arg8 : memref<125x16xf32, #tpu.memory_space<vmem>>) target(%dma_start3A_290 : memref<125x16xf32, #tpu.memory_space<vmem_shared>>) target_semaphore(%arg12 : memref<!tpu.dma_semaphore, #tpu.memory_space<semaphore_mem>>)
      %mul3A_291 = arith.constant 5001 : i32
      %mul3A_292 = arith.muli %arg1, %mul3A_291 : i32
      %add3A_293 = arith.constant 3875 : i32
      %add3A_294 = arith.addi %mul3A_292, %add3A_293 : i32
      %dma_start3A_295 = arith.constant 0 : i32
      %dma_start3A_296 = tpu.memref_slice %arg9[%add3A_294, %dma_start3A_295] : memref<80016x16xf32, #tpu.memory_space<vmem_shared>> -> memref<125x16xf32, #tpu.memory_space<vmem_shared>>
      %dma_start3A_297 = arith.constant 0 : i32
      %dma_start3A_298 = tpu.memref_slice %arg9[%add3A_294, %dma_start3A_297] : memref<80016x16xf32, #tpu.memory_space<vmem_shared>> -> memref<125x16xf32, #tpu.memory_space<vmem_shared>>
      tpu.enqueue_dma source(%arg8 : memref<125x16xf32, #tpu.memory_space<vmem>>) target(%dma_start3A_298 : memref<125x16xf32, #tpu.memory_space<vmem_shared>>) target_semaphore(%arg12 : memref<!tpu.dma_semaphore, #tpu.memory_space<semaphore_mem>>)
      %mul3A_299 = arith.constant 5001 : i32
      %mul3A_300 = arith.muli %arg1, %mul3A_299 : i32
      %add3A_301 = arith.constant 4000 : i32
      %add3A_302 = arith.addi %mul3A_300, %add3A_301 : i32
      %dma_start3A_303 = arith.constant 0 : i32
      %dma_start3A_304 = tpu.memref_slice %arg9[%add3A_302, %dma_start3A_303] : memref<80016x16xf32, #tpu.memory_space<vmem_shared>> -> memref<125x16xf32, #tpu.memory_space<vmem_shared>>
      %dma_start3A_305 = arith.constant 0 : i32
      %dma_start3A_306 = tpu.memref_slice %arg9[%add3A_302, %dma_start3A_305] : memref<80016x16xf32, #tpu.memory_space<vmem_shared>> -> memref<125x16xf32, #tpu.memory_space<vmem_shared>>
      tpu.enqueue_dma source(%arg8 : memref<125x16xf32, #tpu.memory_space<vmem>>) target(%dma_start3A_306 : memref<125x16xf32, #tpu.memory_space<vmem_shared>>) target_semaphore(%arg12 : memref<!tpu.dma_semaphore, #tpu.memory_space<semaphore_mem>>)
      %mul3A_307 = arith.constant 5001 : i32
      %mul3A_308 = arith.muli %arg1, %mul3A_307 : i32
      %add3A_309 = arith.constant 4125 : i32
      %add3A_310 = arith.addi %mul3A_308, %add3A_309 : i32
      %dma_start3A_311 = arith.constant 0 : i32
      %dma_start3A_312 = tpu.memref_slice %arg9[%add3A_310, %dma_start3A_311] : memref<80016x16xf32, #tpu.memory_space<vmem_shared>> -> memref<125x16xf32, #tpu.memory_space<vmem_shared>>
      %dma_start3A_313 = arith.constant 0 : i32
      %dma_start3A_314 = tpu.memref_slice %arg9[%add3A_310, %dma_start3A_313] : memref<80016x16xf32, #tpu.memory_space<vmem_shared>> -> memref<125x16xf32, #tpu.memory_space<vmem_shared>>
      tpu.enqueue_dma source(%arg8 : memref<125x16xf32, #tpu.memory_space<vmem>>) target(%dma_start3A_314 : memref<125x16xf32, #tpu.memory_space<vmem_shared>>) target_semaphore(%arg12 : memref<!tpu.dma_semaphore, #tpu.memory_space<semaphore_mem>>)
      %mul3A_315 = arith.constant 5001 : i32
      %mul3A_316 = arith.muli %arg1, %mul3A_315 : i32
      %add3A_317 = arith.constant 4250 : i32
      %add3A_318 = arith.addi %mul3A_316, %add3A_317 : i32
      %dma_start3A_319 = arith.constant 0 : i32
      %dma_start3A_320 = tpu.memref_slice %arg9[%add3A_318, %dma_start3A_319] : memref<80016x16xf32, #tpu.memory_space<vmem_shared>> -> memref<125x16xf32, #tpu.memory_space<vmem_shared>>
      %dma_start3A_321 = arith.constant 0 : i32
      %dma_start3A_322 = tpu.memref_slice %arg9[%add3A_318, %dma_start3A_321] : memref<80016x16xf32, #tpu.memory_space<vmem_shared>> -> memref<125x16xf32, #tpu.memory_space<vmem_shared>>
      tpu.enqueue_dma source(%arg8 : memref<125x16xf32, #tpu.memory_space<vmem>>) target(%dma_start3A_322 : memref<125x16xf32, #tpu.memory_space<vmem_shared>>) target_semaphore(%arg12 : memref<!tpu.dma_semaphore, #tpu.memory_space<semaphore_mem>>)
      %mul3A_323 = arith.constant 5001 : i32
      %mul3A_324 = arith.muli %arg1, %mul3A_323 : i32
      %add3A_325 = arith.constant 4375 : i32
      %add3A_326 = arith.addi %mul3A_324, %add3A_325 : i32
      %dma_start3A_327 = arith.constant 0 : i32
      %dma_start3A_328 = tpu.memref_slice %arg9[%add3A_326, %dma_start3A_327] : memref<80016x16xf32, #tpu.memory_space<vmem_shared>> -> memref<125x16xf32, #tpu.memory_space<vmem_shared>>
      %dma_start3A_329 = arith.constant 0 : i32
      %dma_start3A_330 = tpu.memref_slice %arg9[%add3A_326, %dma_start3A_329] : memref<80016x16xf32, #tpu.memory_space<vmem_shared>> -> memref<125x16xf32, #tpu.memory_space<vmem_shared>>
      tpu.enqueue_dma source(%arg8 : memref<125x16xf32, #tpu.memory_space<vmem>>) target(%dma_start3A_330 : memref<125x16xf32, #tpu.memory_space<vmem_shared>>) target_semaphore(%arg12 : memref<!tpu.dma_semaphore, #tpu.memory_space<semaphore_mem>>)
      %mul3A_331 = arith.constant 5001 : i32
      %mul3A_332 = arith.muli %arg1, %mul3A_331 : i32
      %add3A_333 = arith.constant 4500 : i32
      %add3A_334 = arith.addi %mul3A_332, %add3A_333 : i32
      %dma_start3A_335 = arith.constant 0 : i32
      %dma_start3A_336 = tpu.memref_slice %arg9[%add3A_334, %dma_start3A_335] : memref<80016x16xf32, #tpu.memory_space<vmem_shared>> -> memref<125x16xf32, #tpu.memory_space<vmem_shared>>
      %dma_start3A_337 = arith.constant 0 : i32
      %dma_start3A_338 = tpu.memref_slice %arg9[%add3A_334, %dma_start3A_337] : memref<80016x16xf32, #tpu.memory_space<vmem_shared>> -> memref<125x16xf32, #tpu.memory_space<vmem_shared>>
      tpu.enqueue_dma source(%arg8 : memref<125x16xf32, #tpu.memory_space<vmem>>) target(%dma_start3A_338 : memref<125x16xf32, #tpu.memory_space<vmem_shared>>) target_semaphore(%arg12 : memref<!tpu.dma_semaphore, #tpu.memory_space<semaphore_mem>>)
      %mul3A_339 = arith.constant 5001 : i32
      %mul3A_340 = arith.muli %arg1, %mul3A_339 : i32
      %add3A_341 = arith.constant 4625 : i32
      %add3A_342 = arith.addi %mul3A_340, %add3A_341 : i32
      %dma_start3A_343 = arith.constant 0 : i32
      %dma_start3A_344 = tpu.memref_slice %arg9[%add3A_342, %dma_start3A_343] : memref<80016x16xf32, #tpu.memory_space<vmem_shared>> -> memref<125x16xf32, #tpu.memory_space<vmem_shared>>
      %dma_start3A_345 = arith.constant 0 : i32
      %dma_start3A_346 = tpu.memref_slice %arg9[%add3A_342, %dma_start3A_345] : memref<80016x16xf32, #tpu.memory_space<vmem_shared>> -> memref<125x16xf32, #tpu.memory_space<vmem_shared>>
      tpu.enqueue_dma source(%arg8 : memref<125x16xf32, #tpu.memory_space<vmem>>) target(%dma_start3A_346 : memref<125x16xf32, #tpu.memory_space<vmem_shared>>) target_semaphore(%arg12 : memref<!tpu.dma_semaphore, #tpu.memory_space<semaphore_mem>>)
      %mul3A_347 = arith.constant 5001 : i32
      %mul3A_348 = arith.muli %arg1, %mul3A_347 : i32
      %add3A_349 = arith.constant 4750 : i32
      %add3A_350 = arith.addi %mul3A_348, %add3A_349 : i32
      %dma_start3A_351 = arith.constant 0 : i32
      %dma_start3A_352 = tpu.memref_slice %arg9[%add3A_350, %dma_start3A_351] : memref<80016x16xf32, #tpu.memory_space<vmem_shared>> -> memref<125x16xf32, #tpu.memory_space<vmem_shared>>
      %dma_start3A_353 = arith.constant 0 : i32
      %dma_start3A_354 = tpu.memref_slice %arg9[%add3A_350, %dma_start3A_353] : memref<80016x16xf32, #tpu.memory_space<vmem_shared>> -> memref<125x16xf32, #tpu.memory_space<vmem_shared>>
      tpu.enqueue_dma source(%arg8 : memref<125x16xf32, #tpu.memory_space<vmem>>) target(%dma_start3A_354 : memref<125x16xf32, #tpu.memory_space<vmem_shared>>) target_semaphore(%arg12 : memref<!tpu.dma_semaphore, #tpu.memory_space<semaphore_mem>>)
      %mul3A_355 = arith.constant 5001 : i32
      %mul3A_356 = arith.muli %arg1, %mul3A_355 : i32
      %add3A_357 = arith.constant 4875 : i32
      %add3A_358 = arith.addi %mul3A_356, %add3A_357 : i32
      %dma_start3A_359 = arith.constant 0 : i32
      %dma_start3A_360 = tpu.memref_slice %arg9[%add3A_358, %dma_start3A_359] : memref<80016x16xf32, #tpu.memory_space<vmem_shared>> -> memref<125x16xf32, #tpu.memory_space<vmem_shared>>
      %dma_start3A_361 = arith.constant 0 : i32
      %dma_start3A_362 = tpu.memref_slice %arg9[%add3A_358, %dma_start3A_361] : memref<80016x16xf32, #tpu.memory_space<vmem_shared>> -> memref<125x16xf32, #tpu.memory_space<vmem_shared>>
      tpu.enqueue_dma source(%arg8 : memref<125x16xf32, #tpu.memory_space<vmem>>) target(%dma_start3A_362 : memref<125x16xf32, #tpu.memory_space<vmem_shared>>) target_semaphore(%arg12 : memref<!tpu.dma_semaphore, #tpu.memory_space<semaphore_mem>>)
      %mul3A_363 = arith.constant 5001 : i32
      %mul3A_364 = arith.muli %arg1, %mul3A_363 : i32
      %add3A_365 = arith.constant 5000 : i32
      %add3A_366 = arith.addi %mul3A_364, %add3A_365 : i32
      %dma_start3A_367 = arith.constant 0 : i32
      %dma_start3A_368 = arith.constant 0 : i32
      %dma_start3A_369 = tpu.memref_slice %arg8[%dma_start3A_367, %dma_start3A_368] : memref<125x16xf32, #tpu.memory_space<vmem>> -> memref<1x16xf32, #tpu.memory_space<vmem>>
      %dma_start3A_370 = arith.constant 0 : i32
      %dma_start3A_371 = tpu.memref_slice %arg9[%add3A_366, %dma_start3A_370] : memref<80016x16xf32, #tpu.memory_space<vmem_shared>> -> memref<1x16xf32, #tpu.memory_space<vmem_shared>>
      %dma_start3A_372 = arith.constant 0 : i32
      %dma_start3A_373 = tpu.memref_slice %arg9[%add3A_366, %dma_start3A_372] : memref<80016x16xf32, #tpu.memory_space<vmem_shared>> -> memref<1x16xf32, #tpu.memory_space<vmem_shared>>
      %dma_start3A_374 = arith.constant 0 : i32
      %dma_start3A_375 = arith.constant 0 : i32
      %dma_start3A_376 = tpu.memref_slice %arg8[%dma_start3A_374, %dma_start3A_375] : memref<125x16xf32, #tpu.memory_space<vmem>> -> memref<1x16xf32, #tpu.memory_space<vmem>>
      tpu.enqueue_dma source(%dma_start3A_376 : memref<1x16xf32, #tpu.memory_space<vmem>>) target(%dma_start3A_373 : memref<1x16xf32, #tpu.memory_space<vmem_shared>>) target_semaphore(%arg12 : memref<!tpu.dma_semaphore, #tpu.memory_space<semaphore_mem>>)
      %mul3A_377 = arith.constant 5001 : i32
      %mul3A_378 = arith.muli %arg1, %mul3A_377 : i32
      %add3A_379 = arith.constant 0 : i32
      %add3A_380 = arith.addi %mul3A_378, %add3A_379 : i32
      %dma_wait3A = arith.constant 0 : i32
      %dma_wait3A_381 = tpu.memref_slice %arg9[%add3A_380, %dma_wait3A] : memref<80016x16xf32, #tpu.memory_space<vmem_shared>> -> memref<125x16xf32, #tpu.memory_space<vmem_shared>>
      %dma_wait3A_382 = arith.constant 0 : i32
      %dma_wait3A_383 = tpu.memref_slice %arg9[%add3A_380, %dma_wait3A_382] : memref<80016x16xf32, #tpu.memory_space<vmem_shared>> -> memref<125x16xf32, #tpu.memory_space<vmem_shared>>
      tpu.wait_dma2 semaphore(%arg12 : memref<!tpu.dma_semaphore, #tpu.memory_space<semaphore_mem>>) src(%arg8 : memref<125x16xf32, #tpu.memory_space<vmem>>) dst(%dma_wait3A_383 : memref<125x16xf32, #tpu.memory_space<vmem_shared>>)
      %mul3A_384 = arith.constant 5001 : i32
      %mul3A_385 = arith.muli %arg1, %mul3A_384 : i32
      %add3A_386 = arith.constant 125 : i32
      %add3A_387 = arith.addi %mul3A_385, %add3A_386 : i32
      %dma_wait3A_388 = arith.constant 0 : i32
      %dma_wait3A_389 = tpu.memref_slice %arg9[%add3A_387, %dma_wait3A_388] : memref<80016x16xf32, #tpu.memory_space<vmem_shared>> -> memref<125x16xf32, #tpu.memory_space<vmem_shared>>
      %dma_wait3A_390 = arith.constant 0 : i32
      %dma_wait3A_391 = tpu.memref_slice %arg9[%add3A_387, %dma_wait3A_390] : memref<80016x16xf32, #tpu.memory_space<vmem_shared>> -> memref<125x16xf32, #tpu.memory_space<vmem_shared>>
      tpu.wait_dma2 semaphore(%arg12 : memref<!tpu.dma_semaphore, #tpu.memory_space<semaphore_mem>>) src(%arg8 : memref<125x16xf32, #tpu.memory_space<vmem>>) dst(%dma_wait3A_391 : memref<125x16xf32, #tpu.memory_space<vmem_shared>>)
      %mul3A_392 = arith.constant 5001 : i32
      %mul3A_393 = arith.muli %arg1, %mul3A_392 : i32
      %add3A_394 = arith.constant 250 : i32
      %add3A_395 = arith.addi %mul3A_393, %add3A_394 : i32
      %dma_wait3A_396 = arith.constant 0 : i32
      %dma_wait3A_397 = tpu.memref_slice %arg9[%add3A_395, %dma_wait3A_396] : memref<80016x16xf32, #tpu.memory_space<vmem_shared>> -> memref<125x16xf32, #tpu.memory_space<vmem_shared>>
      %dma_wait3A_398 = arith.constant 0 : i32
      %dma_wait3A_399 = tpu.memref_slice %arg9[%add3A_395, %dma_wait3A_398] : memref<80016x16xf32, #tpu.memory_space<vmem_shared>> -> memref<125x16xf32, #tpu.memory_space<vmem_shared>>
      tpu.wait_dma2 semaphore(%arg12 : memref<!tpu.dma_semaphore, #tpu.memory_space<semaphore_mem>>) src(%arg8 : memref<125x16xf32, #tpu.memory_space<vmem>>) dst(%dma_wait3A_399 : memref<125x16xf32, #tpu.memory_space<vmem_shared>>)
      %mul3A_400 = arith.constant 5001 : i32
      %mul3A_401 = arith.muli %arg1, %mul3A_400 : i32
      %add3A_402 = arith.constant 375 : i32
      %add3A_403 = arith.addi %mul3A_401, %add3A_402 : i32
      %dma_wait3A_404 = arith.constant 0 : i32
      %dma_wait3A_405 = tpu.memref_slice %arg9[%add3A_403, %dma_wait3A_404] : memref<80016x16xf32, #tpu.memory_space<vmem_shared>> -> memref<125x16xf32, #tpu.memory_space<vmem_shared>>
      %dma_wait3A_406 = arith.constant 0 : i32
      %dma_wait3A_407 = tpu.memref_slice %arg9[%add3A_403, %dma_wait3A_406] : memref<80016x16xf32, #tpu.memory_space<vmem_shared>> -> memref<125x16xf32, #tpu.memory_space<vmem_shared>>
      tpu.wait_dma2 semaphore(%arg12 : memref<!tpu.dma_semaphore, #tpu.memory_space<semaphore_mem>>) src(%arg8 : memref<125x16xf32, #tpu.memory_space<vmem>>) dst(%dma_wait3A_407 : memref<125x16xf32, #tpu.memory_space<vmem_shared>>)
      %mul3A_408 = arith.constant 5001 : i32
      %mul3A_409 = arith.muli %arg1, %mul3A_408 : i32
      %add3A_410 = arith.constant 500 : i32
      %add3A_411 = arith.addi %mul3A_409, %add3A_410 : i32
      %dma_wait3A_412 = arith.constant 0 : i32
      %dma_wait3A_413 = tpu.memref_slice %arg9[%add3A_411, %dma_wait3A_412] : memref<80016x16xf32, #tpu.memory_space<vmem_shared>> -> memref<125x16xf32, #tpu.memory_space<vmem_shared>>
      %dma_wait3A_414 = arith.constant 0 : i32
      %dma_wait3A_415 = tpu.memref_slice %arg9[%add3A_411, %dma_wait3A_414] : memref<80016x16xf32, #tpu.memory_space<vmem_shared>> -> memref<125x16xf32, #tpu.memory_space<vmem_shared>>
      tpu.wait_dma2 semaphore(%arg12 : memref<!tpu.dma_semaphore, #tpu.memory_space<semaphore_mem>>) src(%arg8 : memref<125x16xf32, #tpu.memory_space<vmem>>) dst(%dma_wait3A_415 : memref<125x16xf32, #tpu.memory_space<vmem_shared>>)
      %mul3A_416 = arith.constant 5001 : i32
      %mul3A_417 = arith.muli %arg1, %mul3A_416 : i32
      %add3A_418 = arith.constant 625 : i32
      %add3A_419 = arith.addi %mul3A_417, %add3A_418 : i32
      %dma_wait3A_420 = arith.constant 0 : i32
      %dma_wait3A_421 = tpu.memref_slice %arg9[%add3A_419, %dma_wait3A_420] : memref<80016x16xf32, #tpu.memory_space<vmem_shared>> -> memref<125x16xf32, #tpu.memory_space<vmem_shared>>
      %dma_wait3A_422 = arith.constant 0 : i32
      %dma_wait3A_423 = tpu.memref_slice %arg9[%add3A_419, %dma_wait3A_422] : memref<80016x16xf32, #tpu.memory_space<vmem_shared>> -> memref<125x16xf32, #tpu.memory_space<vmem_shared>>
      tpu.wait_dma2 semaphore(%arg12 : memref<!tpu.dma_semaphore, #tpu.memory_space<semaphore_mem>>) src(%arg8 : memref<125x16xf32, #tpu.memory_space<vmem>>) dst(%dma_wait3A_423 : memref<125x16xf32, #tpu.memory_space<vmem_shared>>)
      %mul3A_424 = arith.constant 5001 : i32
      %mul3A_425 = arith.muli %arg1, %mul3A_424 : i32
      %add3A_426 = arith.constant 750 : i32
      %add3A_427 = arith.addi %mul3A_425, %add3A_426 : i32
      %dma_wait3A_428 = arith.constant 0 : i32
      %dma_wait3A_429 = tpu.memref_slice %arg9[%add3A_427, %dma_wait3A_428] : memref<80016x16xf32, #tpu.memory_space<vmem_shared>> -> memref<125x16xf32, #tpu.memory_space<vmem_shared>>
      %dma_wait3A_430 = arith.constant 0 : i32
      %dma_wait3A_431 = tpu.memref_slice %arg9[%add3A_427, %dma_wait3A_430] : memref<80016x16xf32, #tpu.memory_space<vmem_shared>> -> memref<125x16xf32, #tpu.memory_space<vmem_shared>>
      tpu.wait_dma2 semaphore(%arg12 : memref<!tpu.dma_semaphore, #tpu.memory_space<semaphore_mem>>) src(%arg8 : memref<125x16xf32, #tpu.memory_space<vmem>>) dst(%dma_wait3A_431 : memref<125x16xf32, #tpu.memory_space<vmem_shared>>)
      %mul3A_432 = arith.constant 5001 : i32
      %mul3A_433 = arith.muli %arg1, %mul3A_432 : i32
      %add3A_434 = arith.constant 875 : i32
      %add3A_435 = arith.addi %mul3A_433, %add3A_434 : i32
      %dma_wait3A_436 = arith.constant 0 : i32
      %dma_wait3A_437 = tpu.memref_slice %arg9[%add3A_435, %dma_wait3A_436] : memref<80016x16xf32, #tpu.memory_space<vmem_shared>> -> memref<125x16xf32, #tpu.memory_space<vmem_shared>>
      %dma_wait3A_438 = arith.constant 0 : i32
      %dma_wait3A_439 = tpu.memref_slice %arg9[%add3A_435, %dma_wait3A_438] : memref<80016x16xf32, #tpu.memory_space<vmem_shared>> -> memref<125x16xf32, #tpu.memory_space<vmem_shared>>
      tpu.wait_dma2 semaphore(%arg12 : memref<!tpu.dma_semaphore, #tpu.memory_space<semaphore_mem>>) src(%arg8 : memref<125x16xf32, #tpu.memory_space<vmem>>) dst(%dma_wait3A_439 : memref<125x16xf32, #tpu.memory_space<vmem_shared>>)
      %mul3A_440 = arith.constant 5001 : i32
      %mul3A_441 = arith.muli %arg1, %mul3A_440 : i32
      %add3A_442 = arith.constant 1000 : i32
      %add3A_443 = arith.addi %mul3A_441, %add3A_442 : i32
      %dma_wait3A_444 = arith.constant 0 : i32
      %dma_wait3A_445 = tpu.memref_slice %arg9[%add3A_443, %dma_wait3A_444] : memref<80016x16xf32, #tpu.memory_space<vmem_shared>> -> memref<125x16xf32, #tpu.memory_space<vmem_shared>>
      %dma_wait3A_446 = arith.constant 0 : i32
      %dma_wait3A_447 = tpu.memref_slice %arg9[%add3A_443, %dma_wait3A_446] : memref<80016x16xf32, #tpu.memory_space<vmem_shared>> -> memref<125x16xf32, #tpu.memory_space<vmem_shared>>
      tpu.wait_dma2 semaphore(%arg12 : memref<!tpu.dma_semaphore, #tpu.memory_space<semaphore_mem>>) src(%arg8 : memref<125x16xf32, #tpu.memory_space<vmem>>) dst(%dma_wait3A_447 : memref<125x16xf32, #tpu.memory_space<vmem_shared>>)
      %mul3A_448 = arith.constant 5001 : i32
      %mul3A_449 = arith.muli %arg1, %mul3A_448 : i32
      %add3A_450 = arith.constant 1125 : i32
      %add3A_451 = arith.addi %mul3A_449, %add3A_450 : i32
      %dma_wait3A_452 = arith.constant 0 : i32
      %dma_wait3A_453 = tpu.memref_slice %arg9[%add3A_451, %dma_wait3A_452] : memref<80016x16xf32, #tpu.memory_space<vmem_shared>> -> memref<125x16xf32, #tpu.memory_space<vmem_shared>>
      %dma_wait3A_454 = arith.constant 0 : i32
      %dma_wait3A_455 = tpu.memref_slice %arg9[%add3A_451, %dma_wait3A_454] : memref<80016x16xf32, #tpu.memory_space<vmem_shared>> -> memref<125x16xf32, #tpu.memory_space<vmem_shared>>
      tpu.wait_dma2 semaphore(%arg12 : memref<!tpu.dma_semaphore, #tpu.memory_space<semaphore_mem>>) src(%arg8 : memref<125x16xf32, #tpu.memory_space<vmem>>) dst(%dma_wait3A_455 : memref<125x16xf32, #tpu.memory_space<vmem_shared>>)
      %mul3A_456 = arith.constant 5001 : i32
      %mul3A_457 = arith.muli %arg1, %mul3A_456 : i32
      %add3A_458 = arith.constant 1250 : i32
      %add3A_459 = arith.addi %mul3A_457, %add3A_458 : i32
      %dma_wait3A_460 = arith.constant 0 : i32
      %dma_wait3A_461 = tpu.memref_slice %arg9[%add3A_459, %dma_wait3A_460] : memref<80016x16xf32, #tpu.memory_space<vmem_shared>> -> memref<125x16xf32, #tpu.memory_space<vmem_shared>>
      %dma_wait3A_462 = arith.constant 0 : i32
      %dma_wait3A_463 = tpu.memref_slice %arg9[%add3A_459, %dma_wait3A_462] : memref<80016x16xf32, #tpu.memory_space<vmem_shared>> -> memref<125x16xf32, #tpu.memory_space<vmem_shared>>
      tpu.wait_dma2 semaphore(%arg12 : memref<!tpu.dma_semaphore, #tpu.memory_space<semaphore_mem>>) src(%arg8 : memref<125x16xf32, #tpu.memory_space<vmem>>) dst(%dma_wait3A_463 : memref<125x16xf32, #tpu.memory_space<vmem_shared>>)
      %mul3A_464 = arith.constant 5001 : i32
      %mul3A_465 = arith.muli %arg1, %mul3A_464 : i32
      %add3A_466 = arith.constant 1375 : i32
      %add3A_467 = arith.addi %mul3A_465, %add3A_466 : i32
      %dma_wait3A_468 = arith.constant 0 : i32
      %dma_wait3A_469 = tpu.memref_slice %arg9[%add3A_467, %dma_wait3A_468] : memref<80016x16xf32, #tpu.memory_space<vmem_shared>> -> memref<125x16xf32, #tpu.memory_space<vmem_shared>>
      %dma_wait3A_470 = arith.constant 0 : i32
      %dma_wait3A_471 = tpu.memref_slice %arg9[%add3A_467, %dma_wait3A_470] : memref<80016x16xf32, #tpu.memory_space<vmem_shared>> -> memref<125x16xf32, #tpu.memory_space<vmem_shared>>
      tpu.wait_dma2 semaphore(%arg12 : memref<!tpu.dma_semaphore, #tpu.memory_space<semaphore_mem>>) src(%arg8 : memref<125x16xf32, #tpu.memory_space<vmem>>) dst(%dma_wait3A_471 : memref<125x16xf32, #tpu.memory_space<vmem_shared>>)
      %mul3A_472 = arith.constant 5001 : i32
      %mul3A_473 = arith.muli %arg1, %mul3A_472 : i32
      %add3A_474 = arith.constant 1500 : i32
      %add3A_475 = arith.addi %mul3A_473, %add3A_474 : i32
      %dma_wait3A_476 = arith.constant 0 : i32
      %dma_wait3A_477 = tpu.memref_slice %arg9[%add3A_475, %dma_wait3A_476] : memref<80016x16xf32, #tpu.memory_space<vmem_shared>> -> memref<125x16xf32, #tpu.memory_space<vmem_shared>>
      %dma_wait3A_478 = arith.constant 0 : i32
      %dma_wait3A_479 = tpu.memref_slice %arg9[%add3A_475, %dma_wait3A_478] : memref<80016x16xf32, #tpu.memory_space<vmem_shared>> -> memref<125x16xf32, #tpu.memory_space<vmem_shared>>
      tpu.wait_dma2 semaphore(%arg12 : memref<!tpu.dma_semaphore, #tpu.memory_space<semaphore_mem>>) src(%arg8 : memref<125x16xf32, #tpu.memory_space<vmem>>) dst(%dma_wait3A_479 : memref<125x16xf32, #tpu.memory_space<vmem_shared>>)
      %mul3A_480 = arith.constant 5001 : i32
      %mul3A_481 = arith.muli %arg1, %mul3A_480 : i32
      %add3A_482 = arith.constant 1625 : i32
      %add3A_483 = arith.addi %mul3A_481, %add3A_482 : i32
      %dma_wait3A_484 = arith.constant 0 : i32
      %dma_wait3A_485 = tpu.memref_slice %arg9[%add3A_483, %dma_wait3A_484] : memref<80016x16xf32, #tpu.memory_space<vmem_shared>> -> memref<125x16xf32, #tpu.memory_space<vmem_shared>>
      %dma_wait3A_486 = arith.constant 0 : i32
      %dma_wait3A_487 = tpu.memref_slice %arg9[%add3A_483, %dma_wait3A_486] : memref<80016x16xf32, #tpu.memory_space<vmem_shared>> -> memref<125x16xf32, #tpu.memory_space<vmem_shared>>
      tpu.wait_dma2 semaphore(%arg12 : memref<!tpu.dma_semaphore, #tpu.memory_space<semaphore_mem>>) src(%arg8 : memref<125x16xf32, #tpu.memory_space<vmem>>) dst(%dma_wait3A_487 : memref<125x16xf32, #tpu.memory_space<vmem_shared>>)
      %mul3A_488 = arith.constant 5001 : i32
      %mul3A_489 = arith.muli %arg1, %mul3A_488 : i32
      %add3A_490 = arith.constant 1750 : i32
      %add3A_491 = arith.addi %mul3A_489, %add3A_490 : i32
      %dma_wait3A_492 = arith.constant 0 : i32
      %dma_wait3A_493 = tpu.memref_slice %arg9[%add3A_491, %dma_wait3A_492] : memref<80016x16xf32, #tpu.memory_space<vmem_shared>> -> memref<125x16xf32, #tpu.memory_space<vmem_shared>>
      %dma_wait3A_494 = arith.constant 0 : i32
      %dma_wait3A_495 = tpu.memref_slice %arg9[%add3A_491, %dma_wait3A_494] : memref<80016x16xf32, #tpu.memory_space<vmem_shared>> -> memref<125x16xf32, #tpu.memory_space<vmem_shared>>
      tpu.wait_dma2 semaphore(%arg12 : memref<!tpu.dma_semaphore, #tpu.memory_space<semaphore_mem>>) src(%arg8 : memref<125x16xf32, #tpu.memory_space<vmem>>) dst(%dma_wait3A_495 : memref<125x16xf32, #tpu.memory_space<vmem_shared>>)
      %mul3A_496 = arith.constant 5001 : i32
      %mul3A_497 = arith.muli %arg1, %mul3A_496 : i32
      %add3A_498 = arith.constant 1875 : i32
      %add3A_499 = arith.addi %mul3A_497, %add3A_498 : i32
      %dma_wait3A_500 = arith.constant 0 : i32
      %dma_wait3A_501 = tpu.memref_slice %arg9[%add3A_499, %dma_wait3A_500] : memref<80016x16xf32, #tpu.memory_space<vmem_shared>> -> memref<125x16xf32, #tpu.memory_space<vmem_shared>>
      %dma_wait3A_502 = arith.constant 0 : i32
      %dma_wait3A_503 = tpu.memref_slice %arg9[%add3A_499, %dma_wait3A_502] : memref<80016x16xf32, #tpu.memory_space<vmem_shared>> -> memref<125x16xf32, #tpu.memory_space<vmem_shared>>
      tpu.wait_dma2 semaphore(%arg12 : memref<!tpu.dma_semaphore, #tpu.memory_space<semaphore_mem>>) src(%arg8 : memref<125x16xf32, #tpu.memory_space<vmem>>) dst(%dma_wait3A_503 : memref<125x16xf32, #tpu.memory_space<vmem_shared>>)
      %mul3A_504 = arith.constant 5001 : i32
      %mul3A_505 = arith.muli %arg1, %mul3A_504 : i32
      %add3A_506 = arith.constant 2000 : i32
      %add3A_507 = arith.addi %mul3A_505, %add3A_506 : i32
      %dma_wait3A_508 = arith.constant 0 : i32
      %dma_wait3A_509 = tpu.memref_slice %arg9[%add3A_507, %dma_wait3A_508] : memref<80016x16xf32, #tpu.memory_space<vmem_shared>> -> memref<125x16xf32, #tpu.memory_space<vmem_shared>>
      %dma_wait3A_510 = arith.constant 0 : i32
      %dma_wait3A_511 = tpu.memref_slice %arg9[%add3A_507, %dma_wait3A_510] : memref<80016x16xf32, #tpu.memory_space<vmem_shared>> -> memref<125x16xf32, #tpu.memory_space<vmem_shared>>
      tpu.wait_dma2 semaphore(%arg12 : memref<!tpu.dma_semaphore, #tpu.memory_space<semaphore_mem>>) src(%arg8 : memref<125x16xf32, #tpu.memory_space<vmem>>) dst(%dma_wait3A_511 : memref<125x16xf32, #tpu.memory_space<vmem_shared>>)
      %mul3A_512 = arith.constant 5001 : i32
      %mul3A_513 = arith.muli %arg1, %mul3A_512 : i32
      %add3A_514 = arith.constant 2125 : i32
      %add3A_515 = arith.addi %mul3A_513, %add3A_514 : i32
      %dma_wait3A_516 = arith.constant 0 : i32
      %dma_wait3A_517 = tpu.memref_slice %arg9[%add3A_515, %dma_wait3A_516] : memref<80016x16xf32, #tpu.memory_space<vmem_shared>> -> memref<125x16xf32, #tpu.memory_space<vmem_shared>>
      %dma_wait3A_518 = arith.constant 0 : i32
      %dma_wait3A_519 = tpu.memref_slice %arg9[%add3A_515, %dma_wait3A_518] : memref<80016x16xf32, #tpu.memory_space<vmem_shared>> -> memref<125x16xf32, #tpu.memory_space<vmem_shared>>
      tpu.wait_dma2 semaphore(%arg12 : memref<!tpu.dma_semaphore, #tpu.memory_space<semaphore_mem>>) src(%arg8 : memref<125x16xf32, #tpu.memory_space<vmem>>) dst(%dma_wait3A_519 : memref<125x16xf32, #tpu.memory_space<vmem_shared>>)
      %mul3A_520 = arith.constant 5001 : i32
      %mul3A_521 = arith.muli %arg1, %mul3A_520 : i32
      %add3A_522 = arith.constant 2250 : i32
      %add3A_523 = arith.addi %mul3A_521, %add3A_522 : i32
      %dma_wait3A_524 = arith.constant 0 : i32
      %dma_wait3A_525 = tpu.memref_slice %arg9[%add3A_523, %dma_wait3A_524] : memref<80016x16xf32, #tpu.memory_space<vmem_shared>> -> memref<125x16xf32, #tpu.memory_space<vmem_shared>>
      %dma_wait3A_526 = arith.constant 0 : i32
      %dma_wait3A_527 = tpu.memref_slice %arg9[%add3A_523, %dma_wait3A_526] : memref<80016x16xf32, #tpu.memory_space<vmem_shared>> -> memref<125x16xf32, #tpu.memory_space<vmem_shared>>
      tpu.wait_dma2 semaphore(%arg12 : memref<!tpu.dma_semaphore, #tpu.memory_space<semaphore_mem>>) src(%arg8 : memref<125x16xf32, #tpu.memory_space<vmem>>) dst(%dma_wait3A_527 : memref<125x16xf32, #tpu.memory_space<vmem_shared>>)
      %mul3A_528 = arith.constant 5001 : i32
      %mul3A_529 = arith.muli %arg1, %mul3A_528 : i32
      %add3A_530 = arith.constant 2375 : i32
      %add3A_531 = arith.addi %mul3A_529, %add3A_530 : i32
      %dma_wait3A_532 = arith.constant 0 : i32
      %dma_wait3A_533 = tpu.memref_slice %arg9[%add3A_531, %dma_wait3A_532] : memref<80016x16xf32, #tpu.memory_space<vmem_shared>> -> memref<125x16xf32, #tpu.memory_space<vmem_shared>>
      %dma_wait3A_534 = arith.constant 0 : i32
      %dma_wait3A_535 = tpu.memref_slice %arg9[%add3A_531, %dma_wait3A_534] : memref<80016x16xf32, #tpu.memory_space<vmem_shared>> -> memref<125x16xf32, #tpu.memory_space<vmem_shared>>
      tpu.wait_dma2 semaphore(%arg12 : memref<!tpu.dma_semaphore, #tpu.memory_space<semaphore_mem>>) src(%arg8 : memref<125x16xf32, #tpu.memory_space<vmem>>) dst(%dma_wait3A_535 : memref<125x16xf32, #tpu.memory_space<vmem_shared>>)
      %mul3A_536 = arith.constant 5001 : i32
      %mul3A_537 = arith.muli %arg1, %mul3A_536 : i32
      %add3A_538 = arith.constant 2500 : i32
      %add3A_539 = arith.addi %mul3A_537, %add3A_538 : i32
      %dma_wait3A_540 = arith.constant 0 : i32
      %dma_wait3A_541 = tpu.memref_slice %arg9[%add3A_539, %dma_wait3A_540] : memref<80016x16xf32, #tpu.memory_space<vmem_shared>> -> memref<125x16xf32, #tpu.memory_space<vmem_shared>>
      %dma_wait3A_542 = arith.constant 0 : i32
      %dma_wait3A_543 = tpu.memref_slice %arg9[%add3A_539, %dma_wait3A_542] : memref<80016x16xf32, #tpu.memory_space<vmem_shared>> -> memref<125x16xf32, #tpu.memory_space<vmem_shared>>
      tpu.wait_dma2 semaphore(%arg12 : memref<!tpu.dma_semaphore, #tpu.memory_space<semaphore_mem>>) src(%arg8 : memref<125x16xf32, #tpu.memory_space<vmem>>) dst(%dma_wait3A_543 : memref<125x16xf32, #tpu.memory_space<vmem_shared>>)
      %mul3A_544 = arith.constant 5001 : i32
      %mul3A_545 = arith.muli %arg1, %mul3A_544 : i32
      %add3A_546 = arith.constant 2625 : i32
      %add3A_547 = arith.addi %mul3A_545, %add3A_546 : i32
      %dma_wait3A_548 = arith.constant 0 : i32
      %dma_wait3A_549 = tpu.memref_slice %arg9[%add3A_547, %dma_wait3A_548] : memref<80016x16xf32, #tpu.memory_space<vmem_shared>> -> memref<125x16xf32, #tpu.memory_space<vmem_shared>>
      %dma_wait3A_550 = arith.constant 0 : i32
      %dma_wait3A_551 = tpu.memref_slice %arg9[%add3A_547, %dma_wait3A_550] : memref<80016x16xf32, #tpu.memory_space<vmem_shared>> -> memref<125x16xf32, #tpu.memory_space<vmem_shared>>
      tpu.wait_dma2 semaphore(%arg12 : memref<!tpu.dma_semaphore, #tpu.memory_space<semaphore_mem>>) src(%arg8 : memref<125x16xf32, #tpu.memory_space<vmem>>) dst(%dma_wait3A_551 : memref<125x16xf32, #tpu.memory_space<vmem_shared>>)
      %mul3A_552 = arith.constant 5001 : i32
      %mul3A_553 = arith.muli %arg1, %mul3A_552 : i32
      %add3A_554 = arith.constant 2750 : i32
      %add3A_555 = arith.addi %mul3A_553, %add3A_554 : i32
      %dma_wait3A_556 = arith.constant 0 : i32
      %dma_wait3A_557 = tpu.memref_slice %arg9[%add3A_555, %dma_wait3A_556] : memref<80016x16xf32, #tpu.memory_space<vmem_shared>> -> memref<125x16xf32, #tpu.memory_space<vmem_shared>>
      %dma_wait3A_558 = arith.constant 0 : i32
      %dma_wait3A_559 = tpu.memref_slice %arg9[%add3A_555, %dma_wait3A_558] : memref<80016x16xf32, #tpu.memory_space<vmem_shared>> -> memref<125x16xf32, #tpu.memory_space<vmem_shared>>
      tpu.wait_dma2 semaphore(%arg12 : memref<!tpu.dma_semaphore, #tpu.memory_space<semaphore_mem>>) src(%arg8 : memref<125x16xf32, #tpu.memory_space<vmem>>) dst(%dma_wait3A_559 : memref<125x16xf32, #tpu.memory_space<vmem_shared>>)
      %mul3A_560 = arith.constant 5001 : i32
      %mul3A_561 = arith.muli %arg1, %mul3A_560 : i32
      %add3A_562 = arith.constant 2875 : i32
      %add3A_563 = arith.addi %mul3A_561, %add3A_562 : i32
      %dma_wait3A_564 = arith.constant 0 : i32
      %dma_wait3A_565 = tpu.memref_slice %arg9[%add3A_563, %dma_wait3A_564] : memref<80016x16xf32, #tpu.memory_space<vmem_shared>> -> memref<125x16xf32, #tpu.memory_space<vmem_shared>>
      %dma_wait3A_566 = arith.constant 0 : i32
      %dma_wait3A_567 = tpu.memref_slice %arg9[%add3A_563, %dma_wait3A_566] : memref<80016x16xf32, #tpu.memory_space<vmem_shared>> -> memref<125x16xf32, #tpu.memory_space<vmem_shared>>
      tpu.wait_dma2 semaphore(%arg12 : memref<!tpu.dma_semaphore, #tpu.memory_space<semaphore_mem>>) src(%arg8 : memref<125x16xf32, #tpu.memory_space<vmem>>) dst(%dma_wait3A_567 : memref<125x16xf32, #tpu.memory_space<vmem_shared>>)
      %mul3A_568 = arith.constant 5001 : i32
      %mul3A_569 = arith.muli %arg1, %mul3A_568 : i32
      %add3A_570 = arith.constant 3000 : i32
      %add3A_571 = arith.addi %mul3A_569, %add3A_570 : i32
      %dma_wait3A_572 = arith.constant 0 : i32
      %dma_wait3A_573 = tpu.memref_slice %arg9[%add3A_571, %dma_wait3A_572] : memref<80016x16xf32, #tpu.memory_space<vmem_shared>> -> memref<125x16xf32, #tpu.memory_space<vmem_shared>>
      %dma_wait3A_574 = arith.constant 0 : i32
      %dma_wait3A_575 = tpu.memref_slice %arg9[%add3A_571, %dma_wait3A_574] : memref<80016x16xf32, #tpu.memory_space<vmem_shared>> -> memref<125x16xf32, #tpu.memory_space<vmem_shared>>
      tpu.wait_dma2 semaphore(%arg12 : memref<!tpu.dma_semaphore, #tpu.memory_space<semaphore_mem>>) src(%arg8 : memref<125x16xf32, #tpu.memory_space<vmem>>) dst(%dma_wait3A_575 : memref<125x16xf32, #tpu.memory_space<vmem_shared>>)
      %mul3A_576 = arith.constant 5001 : i32
      %mul3A_577 = arith.muli %arg1, %mul3A_576 : i32
      %add3A_578 = arith.constant 3125 : i32
      %add3A_579 = arith.addi %mul3A_577, %add3A_578 : i32
      %dma_wait3A_580 = arith.constant 0 : i32
      %dma_wait3A_581 = tpu.memref_slice %arg9[%add3A_579, %dma_wait3A_580] : memref<80016x16xf32, #tpu.memory_space<vmem_shared>> -> memref<125x16xf32, #tpu.memory_space<vmem_shared>>
      %dma_wait3A_582 = arith.constant 0 : i32
      %dma_wait3A_583 = tpu.memref_slice %arg9[%add3A_579, %dma_wait3A_582] : memref<80016x16xf32, #tpu.memory_space<vmem_shared>> -> memref<125x16xf32, #tpu.memory_space<vmem_shared>>
      tpu.wait_dma2 semaphore(%arg12 : memref<!tpu.dma_semaphore, #tpu.memory_space<semaphore_mem>>) src(%arg8 : memref<125x16xf32, #tpu.memory_space<vmem>>) dst(%dma_wait3A_583 : memref<125x16xf32, #tpu.memory_space<vmem_shared>>)
      %mul3A_584 = arith.constant 5001 : i32
      %mul3A_585 = arith.muli %arg1, %mul3A_584 : i32
      %add3A_586 = arith.constant 3250 : i32
      %add3A_587 = arith.addi %mul3A_585, %add3A_586 : i32
      %dma_wait3A_588 = arith.constant 0 : i32
      %dma_wait3A_589 = tpu.memref_slice %arg9[%add3A_587, %dma_wait3A_588] : memref<80016x16xf32, #tpu.memory_space<vmem_shared>> -> memref<125x16xf32, #tpu.memory_space<vmem_shared>>
      %dma_wait3A_590 = arith.constant 0 : i32
      %dma_wait3A_591 = tpu.memref_slice %arg9[%add3A_587, %dma_wait3A_590] : memref<80016x16xf32, #tpu.memory_space<vmem_shared>> -> memref<125x16xf32, #tpu.memory_space<vmem_shared>>
      tpu.wait_dma2 semaphore(%arg12 : memref<!tpu.dma_semaphore, #tpu.memory_space<semaphore_mem>>) src(%arg8 : memref<125x16xf32, #tpu.memory_space<vmem>>) dst(%dma_wait3A_591 : memref<125x16xf32, #tpu.memory_space<vmem_shared>>)
      %mul3A_592 = arith.constant 5001 : i32
      %mul3A_593 = arith.muli %arg1, %mul3A_592 : i32
      %add3A_594 = arith.constant 3375 : i32
      %add3A_595 = arith.addi %mul3A_593, %add3A_594 : i32
      %dma_wait3A_596 = arith.constant 0 : i32
      %dma_wait3A_597 = tpu.memref_slice %arg9[%add3A_595, %dma_wait3A_596] : memref<80016x16xf32, #tpu.memory_space<vmem_shared>> -> memref<125x16xf32, #tpu.memory_space<vmem_shared>>
      %dma_wait3A_598 = arith.constant 0 : i32
      %dma_wait3A_599 = tpu.memref_slice %arg9[%add3A_595, %dma_wait3A_598] : memref<80016x16xf32, #tpu.memory_space<vmem_shared>> -> memref<125x16xf32, #tpu.memory_space<vmem_shared>>
      tpu.wait_dma2 semaphore(%arg12 : memref<!tpu.dma_semaphore, #tpu.memory_space<semaphore_mem>>) src(%arg8 : memref<125x16xf32, #tpu.memory_space<vmem>>) dst(%dma_wait3A_599 : memref<125x16xf32, #tpu.memory_space<vmem_shared>>)
      %mul3A_600 = arith.constant 5001 : i32
      %mul3A_601 = arith.muli %arg1, %mul3A_600 : i32
      %add3A_602 = arith.constant 3500 : i32
      %add3A_603 = arith.addi %mul3A_601, %add3A_602 : i32
      %dma_wait3A_604 = arith.constant 0 : i32
      %dma_wait3A_605 = tpu.memref_slice %arg9[%add3A_603, %dma_wait3A_604] : memref<80016x16xf32, #tpu.memory_space<vmem_shared>> -> memref<125x16xf32, #tpu.memory_space<vmem_shared>>
      %dma_wait3A_606 = arith.constant 0 : i32
      %dma_wait3A_607 = tpu.memref_slice %arg9[%add3A_603, %dma_wait3A_606] : memref<80016x16xf32, #tpu.memory_space<vmem_shared>> -> memref<125x16xf32, #tpu.memory_space<vmem_shared>>
      tpu.wait_dma2 semaphore(%arg12 : memref<!tpu.dma_semaphore, #tpu.memory_space<semaphore_mem>>) src(%arg8 : memref<125x16xf32, #tpu.memory_space<vmem>>) dst(%dma_wait3A_607 : memref<125x16xf32, #tpu.memory_space<vmem_shared>>)
      %mul3A_608 = arith.constant 5001 : i32
      %mul3A_609 = arith.muli %arg1, %mul3A_608 : i32
      %add3A_610 = arith.constant 3625 : i32
      %add3A_611 = arith.addi %mul3A_609, %add3A_610 : i32
      %dma_wait3A_612 = arith.constant 0 : i32
      %dma_wait3A_613 = tpu.memref_slice %arg9[%add3A_611, %dma_wait3A_612] : memref<80016x16xf32, #tpu.memory_space<vmem_shared>> -> memref<125x16xf32, #tpu.memory_space<vmem_shared>>
      %dma_wait3A_614 = arith.constant 0 : i32
      %dma_wait3A_615 = tpu.memref_slice %arg9[%add3A_611, %dma_wait3A_614] : memref<80016x16xf32, #tpu.memory_space<vmem_shared>> -> memref<125x16xf32, #tpu.memory_space<vmem_shared>>
      tpu.wait_dma2 semaphore(%arg12 : memref<!tpu.dma_semaphore, #tpu.memory_space<semaphore_mem>>) src(%arg8 : memref<125x16xf32, #tpu.memory_space<vmem>>) dst(%dma_wait3A_615 : memref<125x16xf32, #tpu.memory_space<vmem_shared>>)
      %mul3A_616 = arith.constant 5001 : i32
      %mul3A_617 = arith.muli %arg1, %mul3A_616 : i32
      %add3A_618 = arith.constant 3750 : i32
      %add3A_619 = arith.addi %mul3A_617, %add3A_618 : i32
      %dma_wait3A_620 = arith.constant 0 : i32
      %dma_wait3A_621 = tpu.memref_slice %arg9[%add3A_619, %dma_wait3A_620] : memref<80016x16xf32, #tpu.memory_space<vmem_shared>> -> memref<125x16xf32, #tpu.memory_space<vmem_shared>>
      %dma_wait3A_622 = arith.constant 0 : i32
      %dma_wait3A_623 = tpu.memref_slice %arg9[%add3A_619, %dma_wait3A_622] : memref<80016x16xf32, #tpu.memory_space<vmem_shared>> -> memref<125x16xf32, #tpu.memory_space<vmem_shared>>
      tpu.wait_dma2 semaphore(%arg12 : memref<!tpu.dma_semaphore, #tpu.memory_space<semaphore_mem>>) src(%arg8 : memref<125x16xf32, #tpu.memory_space<vmem>>) dst(%dma_wait3A_623 : memref<125x16xf32, #tpu.memory_space<vmem_shared>>)
      %mul3A_624 = arith.constant 5001 : i32
      %mul3A_625 = arith.muli %arg1, %mul3A_624 : i32
      %add3A_626 = arith.constant 3875 : i32
      %add3A_627 = arith.addi %mul3A_625, %add3A_626 : i32
      %dma_wait3A_628 = arith.constant 0 : i32
      %dma_wait3A_629 = tpu.memref_slice %arg9[%add3A_627, %dma_wait3A_628] : memref<80016x16xf32, #tpu.memory_space<vmem_shared>> -> memref<125x16xf32, #tpu.memory_space<vmem_shared>>
      %dma_wait3A_630 = arith.constant 0 : i32
      %dma_wait3A_631 = tpu.memref_slice %arg9[%add3A_627, %dma_wait3A_630] : memref<80016x16xf32, #tpu.memory_space<vmem_shared>> -> memref<125x16xf32, #tpu.memory_space<vmem_shared>>
      tpu.wait_dma2 semaphore(%arg12 : memref<!tpu.dma_semaphore, #tpu.memory_space<semaphore_mem>>) src(%arg8 : memref<125x16xf32, #tpu.memory_space<vmem>>) dst(%dma_wait3A_631 : memref<125x16xf32, #tpu.memory_space<vmem_shared>>)
      %mul3A_632 = arith.constant 5001 : i32
      %mul3A_633 = arith.muli %arg1, %mul3A_632 : i32
      %add3A_634 = arith.constant 4000 : i32
      %add3A_635 = arith.addi %mul3A_633, %add3A_634 : i32
      %dma_wait3A_636 = arith.constant 0 : i32
      %dma_wait3A_637 = tpu.memref_slice %arg9[%add3A_635, %dma_wait3A_636] : memref<80016x16xf32, #tpu.memory_space<vmem_shared>> -> memref<125x16xf32, #tpu.memory_space<vmem_shared>>
      %dma_wait3A_638 = arith.constant 0 : i32
      %dma_wait3A_639 = tpu.memref_slice %arg9[%add3A_635, %dma_wait3A_638] : memref<80016x16xf32, #tpu.memory_space<vmem_shared>> -> memref<125x16xf32, #tpu.memory_space<vmem_shared>>
      tpu.wait_dma2 semaphore(%arg12 : memref<!tpu.dma_semaphore, #tpu.memory_space<semaphore_mem>>) src(%arg8 : memref<125x16xf32, #tpu.memory_space<vmem>>) dst(%dma_wait3A_639 : memref<125x16xf32, #tpu.memory_space<vmem_shared>>)
      %mul3A_640 = arith.constant 5001 : i32
      %mul3A_641 = arith.muli %arg1, %mul3A_640 : i32
      %add3A_642 = arith.constant 4125 : i32
      %add3A_643 = arith.addi %mul3A_641, %add3A_642 : i32
      %dma_wait3A_644 = arith.constant 0 : i32
      %dma_wait3A_645 = tpu.memref_slice %arg9[%add3A_643, %dma_wait3A_644] : memref<80016x16xf32, #tpu.memory_space<vmem_shared>> -> memref<125x16xf32, #tpu.memory_space<vmem_shared>>
      %dma_wait3A_646 = arith.constant 0 : i32
      %dma_wait3A_647 = tpu.memref_slice %arg9[%add3A_643, %dma_wait3A_646] : memref<80016x16xf32, #tpu.memory_space<vmem_shared>> -> memref<125x16xf32, #tpu.memory_space<vmem_shared>>
      tpu.wait_dma2 semaphore(%arg12 : memref<!tpu.dma_semaphore, #tpu.memory_space<semaphore_mem>>) src(%arg8 : memref<125x16xf32, #tpu.memory_space<vmem>>) dst(%dma_wait3A_647 : memref<125x16xf32, #tpu.memory_space<vmem_shared>>)
      %mul3A_648 = arith.constant 5001 : i32
      %mul3A_649 = arith.muli %arg1, %mul3A_648 : i32
      %add3A_650 = arith.constant 4250 : i32
      %add3A_651 = arith.addi %mul3A_649, %add3A_650 : i32
      %dma_wait3A_652 = arith.constant 0 : i32
      %dma_wait3A_653 = tpu.memref_slice %arg9[%add3A_651, %dma_wait3A_652] : memref<80016x16xf32, #tpu.memory_space<vmem_shared>> -> memref<125x16xf32, #tpu.memory_space<vmem_shared>>
      %dma_wait3A_654 = arith.constant 0 : i32
      %dma_wait3A_655 = tpu.memref_slice %arg9[%add3A_651, %dma_wait3A_654] : memref<80016x16xf32, #tpu.memory_space<vmem_shared>> -> memref<125x16xf32, #tpu.memory_space<vmem_shared>>
      tpu.wait_dma2 semaphore(%arg12 : memref<!tpu.dma_semaphore, #tpu.memory_space<semaphore_mem>>) src(%arg8 : memref<125x16xf32, #tpu.memory_space<vmem>>) dst(%dma_wait3A_655 : memref<125x16xf32, #tpu.memory_space<vmem_shared>>)
      %mul3A_656 = arith.constant 5001 : i32
      %mul3A_657 = arith.muli %arg1, %mul3A_656 : i32
      %add3A_658 = arith.constant 4375 : i32
      %add3A_659 = arith.addi %mul3A_657, %add3A_658 : i32
      %dma_wait3A_660 = arith.constant 0 : i32
      %dma_wait3A_661 = tpu.memref_slice %arg9[%add3A_659, %dma_wait3A_660] : memref<80016x16xf32, #tpu.memory_space<vmem_shared>> -> memref<125x16xf32, #tpu.memory_space<vmem_shared>>
      %dma_wait3A_662 = arith.constant 0 : i32
      %dma_wait3A_663 = tpu.memref_slice %arg9[%add3A_659, %dma_wait3A_662] : memref<80016x16xf32, #tpu.memory_space<vmem_shared>> -> memref<125x16xf32, #tpu.memory_space<vmem_shared>>
      tpu.wait_dma2 semaphore(%arg12 : memref<!tpu.dma_semaphore, #tpu.memory_space<semaphore_mem>>) src(%arg8 : memref<125x16xf32, #tpu.memory_space<vmem>>) dst(%dma_wait3A_663 : memref<125x16xf32, #tpu.memory_space<vmem_shared>>)
      %mul3A_664 = arith.constant 5001 : i32
      %mul3A_665 = arith.muli %arg1, %mul3A_664 : i32
      %add3A_666 = arith.constant 4500 : i32
      %add3A_667 = arith.addi %mul3A_665, %add3A_666 : i32
      %dma_wait3A_668 = arith.constant 0 : i32
      %dma_wait3A_669 = tpu.memref_slice %arg9[%add3A_667, %dma_wait3A_668] : memref<80016x16xf32, #tpu.memory_space<vmem_shared>> -> memref<125x16xf32, #tpu.memory_space<vmem_shared>>
      %dma_wait3A_670 = arith.constant 0 : i32
      %dma_wait3A_671 = tpu.memref_slice %arg9[%add3A_667, %dma_wait3A_670] : memref<80016x16xf32, #tpu.memory_space<vmem_shared>> -> memref<125x16xf32, #tpu.memory_space<vmem_shared>>
      tpu.wait_dma2 semaphore(%arg12 : memref<!tpu.dma_semaphore, #tpu.memory_space<semaphore_mem>>) src(%arg8 : memref<125x16xf32, #tpu.memory_space<vmem>>) dst(%dma_wait3A_671 : memref<125x16xf32, #tpu.memory_space<vmem_shared>>)
      %mul3A_672 = arith.constant 5001 : i32
      %mul3A_673 = arith.muli %arg1, %mul3A_672 : i32
      %add3A_674 = arith.constant 4625 : i32
      %add3A_675 = arith.addi %mul3A_673, %add3A_674 : i32
      %dma_wait3A_676 = arith.constant 0 : i32
      %dma_wait3A_677 = tpu.memref_slice %arg9[%add3A_675, %dma_wait3A_676] : memref<80016x16xf32, #tpu.memory_space<vmem_shared>> -> memref<125x16xf32, #tpu.memory_space<vmem_shared>>
      %dma_wait3A_678 = arith.constant 0 : i32
      %dma_wait3A_679 = tpu.memref_slice %arg9[%add3A_675, %dma_wait3A_678] : memref<80016x16xf32, #tpu.memory_space<vmem_shared>> -> memref<125x16xf32, #tpu.memory_space<vmem_shared>>
      tpu.wait_dma2 semaphore(%arg12 : memref<!tpu.dma_semaphore, #tpu.memory_space<semaphore_mem>>) src(%arg8 : memref<125x16xf32, #tpu.memory_space<vmem>>) dst(%dma_wait3A_679 : memref<125x16xf32, #tpu.memory_space<vmem_shared>>)
      %mul3A_680 = arith.constant 5001 : i32
      %mul3A_681 = arith.muli %arg1, %mul3A_680 : i32
      %add3A_682 = arith.constant 4750 : i32
      %add3A_683 = arith.addi %mul3A_681, %add3A_682 : i32
      %dma_wait3A_684 = arith.constant 0 : i32
      %dma_wait3A_685 = tpu.memref_slice %arg9[%add3A_683, %dma_wait3A_684] : memref<80016x16xf32, #tpu.memory_space<vmem_shared>> -> memref<125x16xf32, #tpu.memory_space<vmem_shared>>
      %dma_wait3A_686 = arith.constant 0 : i32
      %dma_wait3A_687 = tpu.memref_slice %arg9[%add3A_683, %dma_wait3A_686] : memref<80016x16xf32, #tpu.memory_space<vmem_shared>> -> memref<125x16xf32, #tpu.memory_space<vmem_shared>>
      tpu.wait_dma2 semaphore(%arg12 : memref<!tpu.dma_semaphore, #tpu.memory_space<semaphore_mem>>) src(%arg8 : memref<125x16xf32, #tpu.memory_space<vmem>>) dst(%dma_wait3A_687 : memref<125x16xf32, #tpu.memory_space<vmem_shared>>)
      %mul3A_688 = arith.constant 5001 : i32
      %mul3A_689 = arith.muli %arg1, %mul3A_688 : i32
      %add3A_690 = arith.constant 4875 : i32
      %add3A_691 = arith.addi %mul3A_689, %add3A_690 : i32
      %dma_wait3A_692 = arith.constant 0 : i32
      %dma_wait3A_693 = tpu.memref_slice %arg9[%add3A_691, %dma_wait3A_692] : memref<80016x16xf32, #tpu.memory_space<vmem_shared>> -> memref<125x16xf32, #tpu.memory_space<vmem_shared>>
      %dma_wait3A_694 = arith.constant 0 : i32
      %dma_wait3A_695 = tpu.memref_slice %arg9[%add3A_691, %dma_wait3A_694] : memref<80016x16xf32, #tpu.memory_space<vmem_shared>> -> memref<125x16xf32, #tpu.memory_space<vmem_shared>>
      tpu.wait_dma2 semaphore(%arg12 : memref<!tpu.dma_semaphore, #tpu.memory_space<semaphore_mem>>) src(%arg8 : memref<125x16xf32, #tpu.memory_space<vmem>>) dst(%dma_wait3A_695 : memref<125x16xf32, #tpu.memory_space<vmem_shared>>)
      %mul3A_696 = arith.constant 5001 : i32
      %mul3A_697 = arith.muli %arg1, %mul3A_696 : i32
      %add3A_698 = arith.constant 5000 : i32
      %add3A_699 = arith.addi %mul3A_697, %add3A_698 : i32
      %dma_wait3A_700 = arith.constant 0 : i32
      %dma_wait3A_701 = arith.constant 0 : i32
      %dma_wait3A_702 = tpu.memref_slice %arg8[%dma_wait3A_700, %dma_wait3A_701] : memref<125x16xf32, #tpu.memory_space<vmem>> -> memref<1x16xf32, #tpu.memory_space<vmem>>
      %dma_wait3A_703 = arith.constant 0 : i32
      %dma_wait3A_704 = tpu.memref_slice %arg9[%add3A_699, %dma_wait3A_703] : memref<80016x16xf32, #tpu.memory_space<vmem_shared>> -> memref<1x16xf32, #tpu.memory_space<vmem_shared>>
      %dma_wait3A_705 = arith.constant 0 : i32
      %dma_wait3A_706 = tpu.memref_slice %arg9[%add3A_699, %dma_wait3A_705] : memref<80016x16xf32, #tpu.memory_space<vmem_shared>> -> memref<1x16xf32, #tpu.memory_space<vmem_shared>>
      %dma_wait3A_707 = arith.constant 0 : i32
      %dma_wait3A_708 = arith.constant 0 : i32
      %dma_wait3A_709 = tpu.memref_slice %arg8[%dma_wait3A_707, %dma_wait3A_708] : memref<125x16xf32, #tpu.memory_space<vmem>> -> memref<1x16xf32, #tpu.memory_space<vmem>>
      tpu.wait_dma2 semaphore(%arg12 : memref<!tpu.dma_semaphore, #tpu.memory_space<semaphore_mem>>) src(%dma_wait3A_709 : memref<1x16xf32, #tpu.memory_space<vmem>>) dst(%dma_wait3A_706 : memref<1x16xf32, #tpu.memory_space<vmem_shared>>)
      %barrier3A = arith.constant 0 : index
      tpu.barrier barrier_id(%barrier3A)
      %scan3A_710 = arith.constant 0 : i32
      %scan3A_711 = arith.constant 0 : i32
      %scan3A_712 = arith.constant 25 : i32
      %scan3A_713 = arith.addi %scan3A_711, %scan3A_712 : i32
      %scan3A_714 = arith.constant 1 : i32
      %scan3A_715 = scf.for %scan3A_727 = %scan3A_711 to %scan3A_713 step %scan3A_714 iter_args(%scan3A_728 = %scan3A_710) -> (i32)  : i32 {
        %rem3A = arith.constant 2 : i32
        %rem3A_729 = arith.remsi %scan3A_727, %rem3A : i32
        %sub3A = arith.constant 1 : i32
        %sub3A_730 = arith.subi %sub3A, %rem3A_729 : i32
        %mul3A_731 = arith.constant 800 : i32
        %mul3A_732 = arith.muli %scan3A_727, %mul3A_731 : i32
        %add3A_733 = arith.addi %mul3A_0, %mul3A_732 : i32
        %mul3A_734 = arith.constant 16 : i32
        %mul3A_735 = arith.muli %scan3A_24, %mul3A_734 : i32
        %dma_wait3A_736 = arith.constant 0 : i32
        %dma_wait3A_737 = arith.constant 0 : i32
        %dma_wait3A_738 = tpu.memref_slice %arg7[%rem3A_729, %dma_wait3A_736, %dma_wait3A_737] : memref<2x800x16xf32, #tpu.memory_space<vmem>> -> memref<1x800x16xf32, #tpu.memory_space<vmem>>
        %dma_wait3A_739 = tpu.memref_squeeze %dma_wait3A_738 : memref<1x800x16xf32, #tpu.memory_space<vmem>> -> memref<800x16xf32, #tpu.memory_space<vmem>>
        %dma_wait3A_740 = tpu.memref_slice %arg2[%add3A_733, %mul3A_735] : memref<320000x128xf32, #tpu.memory_space<hbm>> -> memref<800x16xf32, #tpu.memory_space<hbm>>
        %dma_wait3A_741 = tpu.memref_slice %arg10[%rem3A_729] : memref<2x!tpu.dma_semaphore, #tpu.memory_space<semaphore_mem>> -> memref<1x!tpu.dma_semaphore, #tpu.memory_space<semaphore_mem>>
        %dma_wait3A_742 = tpu.memref_squeeze %dma_wait3A_741 : memref<1x!tpu.dma_semaphore, #tpu.memory_space<semaphore_mem>> -> memref<!tpu.dma_semaphore, #tpu.memory_space<semaphore_mem>>
        %dma_wait3A_743 = arith.constant 0 : i32
        %dma_wait3A_744 = arith.constant 0 : i32
        %dma_wait3A_745 = tpu.memref_slice %arg7[%rem3A_729, %dma_wait3A_743, %dma_wait3A_744] : memref<2x800x16xf32, #tpu.memory_space<vmem>> -> memref<1x800x16xf32, #tpu.memory_space<vmem>>
        %dma_wait3A_746 = tpu.memref_squeeze %dma_wait3A_745 : memref<1x800x16xf32, #tpu.memory_space<vmem>> -> memref<800x16xf32, #tpu.memory_space<vmem>>
        %dma_wait3A_747 = tpu.memref_slice %arg2[%add3A_733, %mul3A_735] : memref<320000x128xf32, #tpu.memory_space<hbm>> -> memref<800x16xf32, #tpu.memory_space<hbm>>
        tpu.wait_dma2 semaphore(%dma_wait3A_742 : memref<!tpu.dma_semaphore, #tpu.memory_space<semaphore_mem>>) src(%dma_wait3A_747 : memref<800x16xf32, #tpu.memory_space<hbm>>) dst(%dma_wait3A_746 : memref<800x16xf32, #tpu.memory_space<vmem>>)
        %lt3A = arith.constant 24 : i32
        %lt3A_748 = arith.cmpi slt, %scan3A_727, %lt3A : i32
        %convert_element_type3A = arith.extui %lt3A_748 : i1 to i32
        %cond3A = arith.constant 0 : i32
        %cond3A_749 = arith.cmpi ne, %convert_element_type3A, %cond3A : i32
        scf.if %cond3A_749 {
          %add3A_1071 = arith.constant 1 : i32
          %add3A_1072 = arith.addi %scan3A_727, %add3A_1071 : i32
          %mul3A_1073 = arith.constant 800 : i32
          %mul3A_1074 = arith.muli %add3A_1072, %mul3A_1073 : i32
          %add3A_1075 = arith.addi %mul3A_0, %mul3A_1074 : i32
          %mul3A_1076 = arith.constant 16 : i32
          %mul3A_1077 = arith.muli %scan3A_24, %mul3A_1076 : i32
          %dma_start3A_1078 = arith.constant 0 : i32
          %dma_start3A_1079 = arith.constant 0 : i32
          %dma_start3A_1080 = tpu.memref_slice %arg7[%sub3A_730, %dma_start3A_1078, %dma_start3A_1079] : memref<2x800x16xf32, #tpu.memory_space<vmem>> -> memref<1x800x16xf32, #tpu.memory_space<vmem>>
          %dma_start3A_1081 = tpu.memref_squeeze %dma_start3A_1080 : memref<1x800x16xf32, #tpu.memory_space<vmem>> -> memref<800x16xf32, #tpu.memory_space<vmem>>
          %dma_start3A_1082 = tpu.memref_slice %arg2[%add3A_1075, %mul3A_1077] : memref<320000x128xf32, #tpu.memory_space<hbm>> -> memref<800x16xf32, #tpu.memory_space<hbm>>
          %dma_start3A_1083 = tpu.memref_slice %arg10[%sub3A_730] : memref<2x!tpu.dma_semaphore, #tpu.memory_space<semaphore_mem>> -> memref<1x!tpu.dma_semaphore, #tpu.memory_space<semaphore_mem>>
          %dma_start3A_1084 = tpu.memref_squeeze %dma_start3A_1083 : memref<1x!tpu.dma_semaphore, #tpu.memory_space<semaphore_mem>> -> memref<!tpu.dma_semaphore, #tpu.memory_space<semaphore_mem>>
          %dma_start3A_1085 = arith.constant 0 : i32
          %dma_start3A_1086 = arith.constant 0 : i32
          %dma_start3A_1087 = tpu.memref_slice %arg7[%sub3A_730, %dma_start3A_1085, %dma_start3A_1086] : memref<2x800x16xf32, #tpu.memory_space<vmem>> -> memref<1x800x16xf32, #tpu.memory_space<vmem>>
          %dma_start3A_1088 = tpu.memref_squeeze %dma_start3A_1087 : memref<1x800x16xf32, #tpu.memory_space<vmem>> -> memref<800x16xf32, #tpu.memory_space<vmem>>
          %dma_start3A_1089 = tpu.memref_slice %arg2[%add3A_1075, %mul3A_1077] : memref<320000x128xf32, #tpu.memory_space<hbm>> -> memref<800x16xf32, #tpu.memory_space<hbm>>
          tpu.enqueue_dma source(%dma_start3A_1089 : memref<800x16xf32, #tpu.memory_space<hbm>>) target(%dma_start3A_1088 : memref<800x16xf32, #tpu.memory_space<vmem>>) target_semaphore(%dma_start3A_1084 : memref<!tpu.dma_semaphore, #tpu.memory_space<semaphore_mem>>)
        } else {
        }
        %mul3A_750 = arith.constant 10 : i32
        %mul3A_751 = arith.muli %scan3A_727, %mul3A_750 : i32
        %add3A_752 = arith.constant 0 : i32
        %add3A_753 = arith.addi %mul3A_751, %add3A_752 : i32
        %dma_start3A_754 = arith.constant 0 : i32
        %dma_start3A_755 = arith.constant 0 : i32
        %dma_start3A_756 = tpu.memref_slice %arg7[%rem3A_729, %dma_start3A_754, %dma_start3A_755] : memref<2x800x16xf32, #tpu.memory_space<vmem>> -> memref<1x80x16xf32, #tpu.memory_space<vmem>>
        %dma_start3A_757 = tpu.memref_squeeze %dma_start3A_756 : memref<1x80x16xf32, #tpu.memory_space<vmem>> -> memref<80x16xf32, #tpu.memory_space<vmem>>
        %dma_start3A_758 = arith.constant 0 : i32
        %dma_start3A_759 = tpu.memref_slice %arg6[%add3A_753, %dma_start3A_758] : memref<250x80xi32, #tpu.memory_space<vmem>> -> memref<1x80xi32, #tpu.memory_space<vmem>>
        %dma_start3A_760 = tpu.memref_squeeze %dma_start3A_759 : memref<1x80xi32, #tpu.memory_space<vmem>> -> memref<80xi32, #tpu.memory_space<vmem>>
        %dma_start3A_761 = arith.constant 0 : i32
        %dma_start3A_762 = arith.constant 0 : i32
        %dma_start3A_763 = tpu.memref_slice %arg9[%dma_start3A_761, %dma_start3A_762] : memref<80016x16xf32, #tpu.memory_space<vmem_shared>> -> memref<80016x16xf32, #tpu.memory_space<vmem_shared>>
        %dma_start3A_764 = tpu.memref_slice %arg11[%rem3A_729] : memref<2x!tpu.dma_semaphore, #tpu.memory_space<semaphore_mem>> -> memref<1x!tpu.dma_semaphore, #tpu.memory_space<semaphore_mem>>
        %dma_start3A_765 = tpu.memref_squeeze %dma_start3A_764 : memref<1x!tpu.dma_semaphore, #tpu.memory_space<semaphore_mem>> -> memref<!tpu.dma_semaphore, #tpu.memory_space<semaphore_mem>>
        tpu.enqueue_indirect_dma source(%dma_start3A_757 : memref<80x16xf32, #tpu.memory_space<vmem>>) target(%dma_start3A_763 : memref<80016x16xf32, #tpu.memory_space<vmem_shared>>) offsets(%dma_start3A_760 : memref<80xi32, #tpu.memory_space<vmem>>) semaphore(%dma_start3A_765 : memref<!tpu.dma_semaphore, #tpu.memory_space<semaphore_mem>>) {add = true}
        %mul3A_766 = arith.constant 10 : i32
        %mul3A_767 = arith.muli %scan3A_727, %mul3A_766 : i32
        %add3A_768 = arith.constant 1 : i32
        %add3A_769 = arith.addi %mul3A_767, %add3A_768 : i32
        %dma_start3A_770 = arith.constant 80 : i32
        %dma_start3A_771 = arith.constant 0 : i32
        %dma_start3A_772 = tpu.memref_slice %arg7[%rem3A_729, %dma_start3A_770, %dma_start3A_771] : memref<2x800x16xf32, #tpu.memory_space<vmem>> -> memref<1x80x16xf32, #tpu.memory_space<vmem>>
        %dma_start3A_773 = tpu.memref_squeeze %dma_start3A_772 : memref<1x80x16xf32, #tpu.memory_space<vmem>> -> memref<80x16xf32, #tpu.memory_space<vmem>>
        %dma_start3A_774 = arith.constant 0 : i32
        %dma_start3A_775 = tpu.memref_slice %arg6[%add3A_769, %dma_start3A_774] : memref<250x80xi32, #tpu.memory_space<vmem>> -> memref<1x80xi32, #tpu.memory_space<vmem>>
        %dma_start3A_776 = tpu.memref_squeeze %dma_start3A_775 : memref<1x80xi32, #tpu.memory_space<vmem>> -> memref<80xi32, #tpu.memory_space<vmem>>
        %dma_start3A_777 = arith.constant 0 : i32
        %dma_start3A_778 = arith.constant 0 : i32
        %dma_start3A_779 = tpu.memref_slice %arg9[%dma_start3A_777, %dma_start3A_778] : memref<80016x16xf32, #tpu.memory_space<vmem_shared>> -> memref<80016x16xf32, #tpu.memory_space<vmem_shared>>
        %dma_start3A_780 = tpu.memref_slice %arg11[%rem3A_729] : memref<2x!tpu.dma_semaphore, #tpu.memory_space<semaphore_mem>> -> memref<1x!tpu.dma_semaphore, #tpu.memory_space<semaphore_mem>>
        %dma_start3A_781 = tpu.memref_squeeze %dma_start3A_780 : memref<1x!tpu.dma_semaphore, #tpu.memory_space<semaphore_mem>> -> memref<!tpu.dma_semaphore, #tpu.memory_space<semaphore_mem>>
        tpu.enqueue_indirect_dma source(%dma_start3A_773 : memref<80x16xf32, #tpu.memory_space<vmem>>) target(%dma_start3A_779 : memref<80016x16xf32, #tpu.memory_space<vmem_shared>>) offsets(%dma_start3A_776 : memref<80xi32, #tpu.memory_space<vmem>>) semaphore(%dma_start3A_781 : memref<!tpu.dma_semaphore, #tpu.memory_space<semaphore_mem>>) {add = true}
        %mul3A_782 = arith.constant 10 : i32
        %mul3A_783 = arith.muli %scan3A_727, %mul3A_782 : i32
        %add3A_784 = arith.constant 2 : i32
        %add3A_785 = arith.addi %mul3A_783, %add3A_784 : i32
        %dma_start3A_786 = arith.constant 160 : i32
        %dma_start3A_787 = arith.constant 0 : i32
        %dma_start3A_788 = tpu.memref_slice %arg7[%rem3A_729, %dma_start3A_786, %dma_start3A_787] : memref<2x800x16xf32, #tpu.memory_space<vmem>> -> memref<1x80x16xf32, #tpu.memory_space<vmem>>
        %dma_start3A_789 = tpu.memref_squeeze %dma_start3A_788 : memref<1x80x16xf32, #tpu.memory_space<vmem>> -> memref<80x16xf32, #tpu.memory_space<vmem>>
        %dma_start3A_790 = arith.constant 0 : i32
        %dma_start3A_791 = tpu.memref_slice %arg6[%add3A_785, %dma_start3A_790] : memref<250x80xi32, #tpu.memory_space<vmem>> -> memref<1x80xi32, #tpu.memory_space<vmem>>
        %dma_start3A_792 = tpu.memref_squeeze %dma_start3A_791 : memref<1x80xi32, #tpu.memory_space<vmem>> -> memref<80xi32, #tpu.memory_space<vmem>>
        %dma_start3A_793 = arith.constant 0 : i32
        %dma_start3A_794 = arith.constant 0 : i32
        %dma_start3A_795 = tpu.memref_slice %arg9[%dma_start3A_793, %dma_start3A_794] : memref<80016x16xf32, #tpu.memory_space<vmem_shared>> -> memref<80016x16xf32, #tpu.memory_space<vmem_shared>>
        %dma_start3A_796 = tpu.memref_slice %arg11[%rem3A_729] : memref<2x!tpu.dma_semaphore, #tpu.memory_space<semaphore_mem>> -> memref<1x!tpu.dma_semaphore, #tpu.memory_space<semaphore_mem>>
        %dma_start3A_797 = tpu.memref_squeeze %dma_start3A_796 : memref<1x!tpu.dma_semaphore, #tpu.memory_space<semaphore_mem>> -> memref<!tpu.dma_semaphore, #tpu.memory_space<semaphore_mem>>
        tpu.enqueue_indirect_dma source(%dma_start3A_789 : memref<80x16xf32, #tpu.memory_space<vmem>>) target(%dma_start3A_795 : memref<80016x16xf32, #tpu.memory_space<vmem_shared>>) offsets(%dma_start3A_792 : memref<80xi32, #tpu.memory_space<vmem>>) semaphore(%dma_start3A_797 : memref<!tpu.dma_semaphore, #tpu.memory_space<semaphore_mem>>) {add = true}
        %mul3A_798 = arith.constant 10 : i32
        %mul3A_799 = arith.muli %scan3A_727, %mul3A_798 : i32
        %add3A_800 = arith.constant 3 : i32
        %add3A_801 = arith.addi %mul3A_799, %add3A_800 : i32
        %dma_start3A_802 = arith.constant 240 : i32
        %dma_start3A_803 = arith.constant 0 : i32
        %dma_start3A_804 = tpu.memref_slice %arg7[%rem3A_729, %dma_start3A_802, %dma_start3A_803] : memref<2x800x16xf32, #tpu.memory_space<vmem>> -> memref<1x80x16xf32, #tpu.memory_space<vmem>>
        %dma_start3A_805 = tpu.memref_squeeze %dma_start3A_804 : memref<1x80x16xf32, #tpu.memory_space<vmem>> -> memref<80x16xf32, #tpu.memory_space<vmem>>
        %dma_start3A_806 = arith.constant 0 : i32
        %dma_start3A_807 = tpu.memref_slice %arg6[%add3A_801, %dma_start3A_806] : memref<250x80xi32, #tpu.memory_space<vmem>> -> memref<1x80xi32, #tpu.memory_space<vmem>>
        %dma_start3A_808 = tpu.memref_squeeze %dma_start3A_807 : memref<1x80xi32, #tpu.memory_space<vmem>> -> memref<80xi32, #tpu.memory_space<vmem>>
        %dma_start3A_809 = arith.constant 0 : i32
        %dma_start3A_810 = arith.constant 0 : i32
        %dma_start3A_811 = tpu.memref_slice %arg9[%dma_start3A_809, %dma_start3A_810] : memref<80016x16xf32, #tpu.memory_space<vmem_shared>> -> memref<80016x16xf32, #tpu.memory_space<vmem_shared>>
        %dma_start3A_812 = tpu.memref_slice %arg11[%rem3A_729] : memref<2x!tpu.dma_semaphore, #tpu.memory_space<semaphore_mem>> -> memref<1x!tpu.dma_semaphore, #tpu.memory_space<semaphore_mem>>
        %dma_start3A_813 = tpu.memref_squeeze %dma_start3A_812 : memref<1x!tpu.dma_semaphore, #tpu.memory_space<semaphore_mem>> -> memref<!tpu.dma_semaphore, #tpu.memory_space<semaphore_mem>>
        tpu.enqueue_indirect_dma source(%dma_start3A_805 : memref<80x16xf32, #tpu.memory_space<vmem>>) target(%dma_start3A_811 : memref<80016x16xf32, #tpu.memory_space<vmem_shared>>) offsets(%dma_start3A_808 : memref<80xi32, #tpu.memory_space<vmem>>) semaphore(%dma_start3A_813 : memref<!tpu.dma_semaphore, #tpu.memory_space<semaphore_mem>>) {add = true}
        %mul3A_814 = arith.constant 10 : i32
        %mul3A_815 = arith.muli %scan3A_727, %mul3A_814 : i32
        %add3A_816 = arith.constant 4 : i32
        %add3A_817 = arith.addi %mul3A_815, %add3A_816 : i32
        %dma_start3A_818 = arith.constant 320 : i32
        %dma_start3A_819 = arith.constant 0 : i32
        %dma_start3A_820 = tpu.memref_slice %arg7[%rem3A_729, %dma_start3A_818, %dma_start3A_819] : memref<2x800x16xf32, #tpu.memory_space<vmem>> -> memref<1x80x16xf32, #tpu.memory_space<vmem>>
        %dma_start3A_821 = tpu.memref_squeeze %dma_start3A_820 : memref<1x80x16xf32, #tpu.memory_space<vmem>> -> memref<80x16xf32, #tpu.memory_space<vmem>>
        %dma_start3A_822 = arith.constant 0 : i32
        %dma_start3A_823 = tpu.memref_slice %arg6[%add3A_817, %dma_start3A_822] : memref<250x80xi32, #tpu.memory_space<vmem>> -> memref<1x80xi32, #tpu.memory_space<vmem>>
        %dma_start3A_824 = tpu.memref_squeeze %dma_start3A_823 : memref<1x80xi32, #tpu.memory_space<vmem>> -> memref<80xi32, #tpu.memory_space<vmem>>
        %dma_start3A_825 = arith.constant 0 : i32
        %dma_start3A_826 = arith.constant 0 : i32
        %dma_start3A_827 = tpu.memref_slice %arg9[%dma_start3A_825, %dma_start3A_826] : memref<80016x16xf32, #tpu.memory_space<vmem_shared>> -> memref<80016x16xf32, #tpu.memory_space<vmem_shared>>
        %dma_start3A_828 = tpu.memref_slice %arg11[%rem3A_729] : memref<2x!tpu.dma_semaphore, #tpu.memory_space<semaphore_mem>> -> memref<1x!tpu.dma_semaphore, #tpu.memory_space<semaphore_mem>>
        %dma_start3A_829 = tpu.memref_squeeze %dma_start3A_828 : memref<1x!tpu.dma_semaphore, #tpu.memory_space<semaphore_mem>> -> memref<!tpu.dma_semaphore, #tpu.memory_space<semaphore_mem>>
        tpu.enqueue_indirect_dma source(%dma_start3A_821 : memref<80x16xf32, #tpu.memory_space<vmem>>) target(%dma_start3A_827 : memref<80016x16xf32, #tpu.memory_space<vmem_shared>>) offsets(%dma_start3A_824 : memref<80xi32, #tpu.memory_space<vmem>>) semaphore(%dma_start3A_829 : memref<!tpu.dma_semaphore, #tpu.memory_space<semaphore_mem>>) {add = true}
        %mul3A_830 = arith.constant 10 : i32
        %mul3A_831 = arith.muli %scan3A_727, %mul3A_830 : i32
        %add3A_832 = arith.constant 5 : i32
        %add3A_833 = arith.addi %mul3A_831, %add3A_832 : i32
        %dma_start3A_834 = arith.constant 400 : i32
        %dma_start3A_835 = arith.constant 0 : i32
        %dma_start3A_836 = tpu.memref_slice %arg7[%rem3A_729, %dma_start3A_834, %dma_start3A_835] : memref<2x800x16xf32, #tpu.memory_space<vmem>> -> memref<1x80x16xf32, #tpu.memory_space<vmem>>
        %dma_start3A_837 = tpu.memref_squeeze %dma_start3A_836 : memref<1x80x16xf32, #tpu.memory_space<vmem>> -> memref<80x16xf32, #tpu.memory_space<vmem>>
        %dma_start3A_838 = arith.constant 0 : i32
        %dma_start3A_839 = tpu.memref_slice %arg6[%add3A_833, %dma_start3A_838] : memref<250x80xi32, #tpu.memory_space<vmem>> -> memref<1x80xi32, #tpu.memory_space<vmem>>
        %dma_start3A_840 = tpu.memref_squeeze %dma_start3A_839 : memref<1x80xi32, #tpu.memory_space<vmem>> -> memref<80xi32, #tpu.memory_space<vmem>>
        %dma_start3A_841 = arith.constant 0 : i32
        %dma_start3A_842 = arith.constant 0 : i32
        %dma_start3A_843 = tpu.memref_slice %arg9[%dma_start3A_841, %dma_start3A_842] : memref<80016x16xf32, #tpu.memory_space<vmem_shared>> -> memref<80016x16xf32, #tpu.memory_space<vmem_shared>>
        %dma_start3A_844 = tpu.memref_slice %arg11[%rem3A_729] : memref<2x!tpu.dma_semaphore, #tpu.memory_space<semaphore_mem>> -> memref<1x!tpu.dma_semaphore, #tpu.memory_space<semaphore_mem>>
        %dma_start3A_845 = tpu.memref_squeeze %dma_start3A_844 : memref<1x!tpu.dma_semaphore, #tpu.memory_space<semaphore_mem>> -> memref<!tpu.dma_semaphore, #tpu.memory_space<semaphore_mem>>
        tpu.enqueue_indirect_dma source(%dma_start3A_837 : memref<80x16xf32, #tpu.memory_space<vmem>>) target(%dma_start3A_843 : memref<80016x16xf32, #tpu.memory_space<vmem_shared>>) offsets(%dma_start3A_840 : memref<80xi32, #tpu.memory_space<vmem>>) semaphore(%dma_start3A_845 : memref<!tpu.dma_semaphore, #tpu.memory_space<semaphore_mem>>) {add = true}
        %mul3A_846 = arith.constant 10 : i32
        %mul3A_847 = arith.muli %scan3A_727, %mul3A_846 : i32
        %add3A_848 = arith.constant 6 : i32
        %add3A_849 = arith.addi %mul3A_847, %add3A_848 : i32
        %dma_start3A_850 = arith.constant 480 : i32
        %dma_start3A_851 = arith.constant 0 : i32
        %dma_start3A_852 = tpu.memref_slice %arg7[%rem3A_729, %dma_start3A_850, %dma_start3A_851] : memref<2x800x16xf32, #tpu.memory_space<vmem>> -> memref<1x80x16xf32, #tpu.memory_space<vmem>>
        %dma_start3A_853 = tpu.memref_squeeze %dma_start3A_852 : memref<1x80x16xf32, #tpu.memory_space<vmem>> -> memref<80x16xf32, #tpu.memory_space<vmem>>
        %dma_start3A_854 = arith.constant 0 : i32
        %dma_start3A_855 = tpu.memref_slice %arg6[%add3A_849, %dma_start3A_854] : memref<250x80xi32, #tpu.memory_space<vmem>> -> memref<1x80xi32, #tpu.memory_space<vmem>>
        %dma_start3A_856 = tpu.memref_squeeze %dma_start3A_855 : memref<1x80xi32, #tpu.memory_space<vmem>> -> memref<80xi32, #tpu.memory_space<vmem>>
        %dma_start3A_857 = arith.constant 0 : i32
        %dma_start3A_858 = arith.constant 0 : i32
        %dma_start3A_859 = tpu.memref_slice %arg9[%dma_start3A_857, %dma_start3A_858] : memref<80016x16xf32, #tpu.memory_space<vmem_shared>> -> memref<80016x16xf32, #tpu.memory_space<vmem_shared>>
        %dma_start3A_860 = tpu.memref_slice %arg11[%rem3A_729] : memref<2x!tpu.dma_semaphore, #tpu.memory_space<semaphore_mem>> -> memref<1x!tpu.dma_semaphore, #tpu.memory_space<semaphore_mem>>
        %dma_start3A_861 = tpu.memref_squeeze %dma_start3A_860 : memref<1x!tpu.dma_semaphore, #tpu.memory_space<semaphore_mem>> -> memref<!tpu.dma_semaphore, #tpu.memory_space<semaphore_mem>>
        tpu.enqueue_indirect_dma source(%dma_start3A_853 : memref<80x16xf32, #tpu.memory_space<vmem>>) target(%dma_start3A_859 : memref<80016x16xf32, #tpu.memory_space<vmem_shared>>) offsets(%dma_start3A_856 : memref<80xi32, #tpu.memory_space<vmem>>) semaphore(%dma_start3A_861 : memref<!tpu.dma_semaphore, #tpu.memory_space<semaphore_mem>>) {add = true}
        %mul3A_862 = arith.constant 10 : i32
        %mul3A_863 = arith.muli %scan3A_727, %mul3A_862 : i32
        %add3A_864 = arith.constant 7 : i32
        %add3A_865 = arith.addi %mul3A_863, %add3A_864 : i32
        %dma_start3A_866 = arith.constant 560 : i32
        %dma_start3A_867 = arith.constant 0 : i32
        %dma_start3A_868 = tpu.memref_slice %arg7[%rem3A_729, %dma_start3A_866, %dma_start3A_867] : memref<2x800x16xf32, #tpu.memory_space<vmem>> -> memref<1x80x16xf32, #tpu.memory_space<vmem>>
        %dma_start3A_869 = tpu.memref_squeeze %dma_start3A_868 : memref<1x80x16xf32, #tpu.memory_space<vmem>> -> memref<80x16xf32, #tpu.memory_space<vmem>>
        %dma_start3A_870 = arith.constant 0 : i32
        %dma_start3A_871 = tpu.memref_slice %arg6[%add3A_865, %dma_start3A_870] : memref<250x80xi32, #tpu.memory_space<vmem>> -> memref<1x80xi32, #tpu.memory_space<vmem>>
        %dma_start3A_872 = tpu.memref_squeeze %dma_start3A_871 : memref<1x80xi32, #tpu.memory_space<vmem>> -> memref<80xi32, #tpu.memory_space<vmem>>
        %dma_start3A_873 = arith.constant 0 : i32
        %dma_start3A_874 = arith.constant 0 : i32
        %dma_start3A_875 = tpu.memref_slice %arg9[%dma_start3A_873, %dma_start3A_874] : memref<80016x16xf32, #tpu.memory_space<vmem_shared>> -> memref<80016x16xf32, #tpu.memory_space<vmem_shared>>
        %dma_start3A_876 = tpu.memref_slice %arg11[%rem3A_729] : memref<2x!tpu.dma_semaphore, #tpu.memory_space<semaphore_mem>> -> memref<1x!tpu.dma_semaphore, #tpu.memory_space<semaphore_mem>>
        %dma_start3A_877 = tpu.memref_squeeze %dma_start3A_876 : memref<1x!tpu.dma_semaphore, #tpu.memory_space<semaphore_mem>> -> memref<!tpu.dma_semaphore, #tpu.memory_space<semaphore_mem>>
        tpu.enqueue_indirect_dma source(%dma_start3A_869 : memref<80x16xf32, #tpu.memory_space<vmem>>) target(%dma_start3A_875 : memref<80016x16xf32, #tpu.memory_space<vmem_shared>>) offsets(%dma_start3A_872 : memref<80xi32, #tpu.memory_space<vmem>>) semaphore(%dma_start3A_877 : memref<!tpu.dma_semaphore, #tpu.memory_space<semaphore_mem>>) {add = true}
        %mul3A_878 = arith.constant 10 : i32
        %mul3A_879 = arith.muli %scan3A_727, %mul3A_878 : i32
        %add3A_880 = arith.constant 8 : i32
        %add3A_881 = arith.addi %mul3A_879, %add3A_880 : i32
        %dma_start3A_882 = arith.constant 640 : i32
        %dma_start3A_883 = arith.constant 0 : i32
        %dma_start3A_884 = tpu.memref_slice %arg7[%rem3A_729, %dma_start3A_882, %dma_start3A_883] : memref<2x800x16xf32, #tpu.memory_space<vmem>> -> memref<1x80x16xf32, #tpu.memory_space<vmem>>
        %dma_start3A_885 = tpu.memref_squeeze %dma_start3A_884 : memref<1x80x16xf32, #tpu.memory_space<vmem>> -> memref<80x16xf32, #tpu.memory_space<vmem>>
        %dma_start3A_886 = arith.constant 0 : i32
        %dma_start3A_887 = tpu.memref_slice %arg6[%add3A_881, %dma_start3A_886] : memref<250x80xi32, #tpu.memory_space<vmem>> -> memref<1x80xi32, #tpu.memory_space<vmem>>
        %dma_start3A_888 = tpu.memref_squeeze %dma_start3A_887 : memref<1x80xi32, #tpu.memory_space<vmem>> -> memref<80xi32, #tpu.memory_space<vmem>>
        %dma_start3A_889 = arith.constant 0 : i32
        %dma_start3A_890 = arith.constant 0 : i32
        %dma_start3A_891 = tpu.memref_slice %arg9[%dma_start3A_889, %dma_start3A_890] : memref<80016x16xf32, #tpu.memory_space<vmem_shared>> -> memref<80016x16xf32, #tpu.memory_space<vmem_shared>>
        %dma_start3A_892 = tpu.memref_slice %arg11[%rem3A_729] : memref<2x!tpu.dma_semaphore, #tpu.memory_space<semaphore_mem>> -> memref<1x!tpu.dma_semaphore, #tpu.memory_space<semaphore_mem>>
        %dma_start3A_893 = tpu.memref_squeeze %dma_start3A_892 : memref<1x!tpu.dma_semaphore, #tpu.memory_space<semaphore_mem>> -> memref<!tpu.dma_semaphore, #tpu.memory_space<semaphore_mem>>
        tpu.enqueue_indirect_dma source(%dma_start3A_885 : memref<80x16xf32, #tpu.memory_space<vmem>>) target(%dma_start3A_891 : memref<80016x16xf32, #tpu.memory_space<vmem_shared>>) offsets(%dma_start3A_888 : memref<80xi32, #tpu.memory_space<vmem>>) semaphore(%dma_start3A_893 : memref<!tpu.dma_semaphore, #tpu.memory_space<semaphore_mem>>) {add = true}
        %mul3A_894 = arith.constant 10 : i32
        %mul3A_895 = arith.muli %scan3A_727, %mul3A_894 : i32
        %add3A_896 = arith.constant 9 : i32
        %add3A_897 = arith.addi %mul3A_895, %add3A_896 : i32
        %dma_start3A_898 = arith.constant 720 : i32
        %dma_start3A_899 = arith.constant 0 : i32
        %dma_start3A_900 = tpu.memref_slice %arg7[%rem3A_729, %dma_start3A_898, %dma_start3A_899] : memref<2x800x16xf32, #tpu.memory_space<vmem>> -> memref<1x80x16xf32, #tpu.memory_space<vmem>>
        %dma_start3A_901 = tpu.memref_squeeze %dma_start3A_900 : memref<1x80x16xf32, #tpu.memory_space<vmem>> -> memref<80x16xf32, #tpu.memory_space<vmem>>
        %dma_start3A_902 = arith.constant 0 : i32
        %dma_start3A_903 = tpu.memref_slice %arg6[%add3A_897, %dma_start3A_902] : memref<250x80xi32, #tpu.memory_space<vmem>> -> memref<1x80xi32, #tpu.memory_space<vmem>>
        %dma_start3A_904 = tpu.memref_squeeze %dma_start3A_903 : memref<1x80xi32, #tpu.memory_space<vmem>> -> memref<80xi32, #tpu.memory_space<vmem>>
        %dma_start3A_905 = arith.constant 0 : i32
        %dma_start3A_906 = arith.constant 0 : i32
        %dma_start3A_907 = tpu.memref_slice %arg9[%dma_start3A_905, %dma_start3A_906] : memref<80016x16xf32, #tpu.memory_space<vmem_shared>> -> memref<80016x16xf32, #tpu.memory_space<vmem_shared>>
        %dma_start3A_908 = tpu.memref_slice %arg11[%rem3A_729] : memref<2x!tpu.dma_semaphore, #tpu.memory_space<semaphore_mem>> -> memref<1x!tpu.dma_semaphore, #tpu.memory_space<semaphore_mem>>
        %dma_start3A_909 = tpu.memref_squeeze %dma_start3A_908 : memref<1x!tpu.dma_semaphore, #tpu.memory_space<semaphore_mem>> -> memref<!tpu.dma_semaphore, #tpu.memory_space<semaphore_mem>>
        tpu.enqueue_indirect_dma source(%dma_start3A_901 : memref<80x16xf32, #tpu.memory_space<vmem>>) target(%dma_start3A_907 : memref<80016x16xf32, #tpu.memory_space<vmem_shared>>) offsets(%dma_start3A_904 : memref<80xi32, #tpu.memory_space<vmem>>) semaphore(%dma_start3A_909 : memref<!tpu.dma_semaphore, #tpu.memory_space<semaphore_mem>>) {add = true}
        %mul3A_910 = arith.constant 10 : i32
        %mul3A_911 = arith.muli %scan3A_727, %mul3A_910 : i32
        %add3A_912 = arith.constant 0 : i32
        %add3A_913 = arith.addi %mul3A_911, %add3A_912 : i32
        %dma_wait3A_914 = arith.constant 0 : i32
        %dma_wait3A_915 = arith.constant 0 : i32
        %dma_wait3A_916 = tpu.memref_slice %arg7[%rem3A_729, %dma_wait3A_914, %dma_wait3A_915] : memref<2x800x16xf32, #tpu.memory_space<vmem>> -> memref<1x80x16xf32, #tpu.memory_space<vmem>>
        %dma_wait3A_917 = tpu.memref_squeeze %dma_wait3A_916 : memref<1x80x16xf32, #tpu.memory_space<vmem>> -> memref<80x16xf32, #tpu.memory_space<vmem>>
        %dma_wait3A_918 = arith.constant 0 : i32
        %dma_wait3A_919 = tpu.memref_slice %arg6[%add3A_913, %dma_wait3A_918] : memref<250x80xi32, #tpu.memory_space<vmem>> -> memref<1x80xi32, #tpu.memory_space<vmem>>
        %dma_wait3A_920 = tpu.memref_squeeze %dma_wait3A_919 : memref<1x80xi32, #tpu.memory_space<vmem>> -> memref<80xi32, #tpu.memory_space<vmem>>
        %dma_wait3A_921 = arith.constant 0 : i32
        %dma_wait3A_922 = arith.constant 0 : i32
        %dma_wait3A_923 = tpu.memref_slice %arg9[%dma_wait3A_921, %dma_wait3A_922] : memref<80016x16xf32, #tpu.memory_space<vmem_shared>> -> memref<80016x16xf32, #tpu.memory_space<vmem_shared>>
        %dma_wait3A_924 = tpu.memref_slice %arg11[%rem3A_729] : memref<2x!tpu.dma_semaphore, #tpu.memory_space<semaphore_mem>> -> memref<1x!tpu.dma_semaphore, #tpu.memory_space<semaphore_mem>>
        %dma_wait3A_925 = tpu.memref_squeeze %dma_wait3A_924 : memref<1x!tpu.dma_semaphore, #tpu.memory_space<semaphore_mem>> -> memref<!tpu.dma_semaphore, #tpu.memory_space<semaphore_mem>>
        tpu.wait_indirect_dma semaphore(%dma_wait3A_925 : memref<!tpu.dma_semaphore, #tpu.memory_space<semaphore_mem>>) src(%dma_wait3A_917 : memref<80x16xf32, #tpu.memory_space<vmem>>) dst(%dma_wait3A_923 : memref<80016x16xf32, #tpu.memory_space<vmem_shared>>)
        %mul3A_926 = arith.constant 10 : i32
        %mul3A_927 = arith.muli %scan3A_727, %mul3A_926 : i32
        %add3A_928 = arith.constant 1 : i32
        %add3A_929 = arith.addi %mul3A_927, %add3A_928 : i32
        %dma_wait3A_930 = arith.constant 80 : i32
        %dma_wait3A_931 = arith.constant 0 : i32
        %dma_wait3A_932 = tpu.memref_slice %arg7[%rem3A_729, %dma_wait3A_930, %dma_wait3A_931] : memref<2x800x16xf32, #tpu.memory_space<vmem>> -> memref<1x80x16xf32, #tpu.memory_space<vmem>>
        %dma_wait3A_933 = tpu.memref_squeeze %dma_wait3A_932 : memref<1x80x16xf32, #tpu.memory_space<vmem>> -> memref<80x16xf32, #tpu.memory_space<vmem>>
        %dma_wait3A_934 = arith.constant 0 : i32
        %dma_wait3A_935 = tpu.memref_slice %arg6[%add3A_929, %dma_wait3A_934] : memref<250x80xi32, #tpu.memory_space<vmem>> -> memref<1x80xi32, #tpu.memory_space<vmem>>
        %dma_wait3A_936 = tpu.memref_squeeze %dma_wait3A_935 : memref<1x80xi32, #tpu.memory_space<vmem>> -> memref<80xi32, #tpu.memory_space<vmem>>
        %dma_wait3A_937 = arith.constant 0 : i32
        %dma_wait3A_938 = arith.constant 0 : i32
        %dma_wait3A_939 = tpu.memref_slice %arg9[%dma_wait3A_937, %dma_wait3A_938] : memref<80016x16xf32, #tpu.memory_space<vmem_shared>> -> memref<80016x16xf32, #tpu.memory_space<vmem_shared>>
        %dma_wait3A_940 = tpu.memref_slice %arg11[%rem3A_729] : memref<2x!tpu.dma_semaphore, #tpu.memory_space<semaphore_mem>> -> memref<1x!tpu.dma_semaphore, #tpu.memory_space<semaphore_mem>>
        %dma_wait3A_941 = tpu.memref_squeeze %dma_wait3A_940 : memref<1x!tpu.dma_semaphore, #tpu.memory_space<semaphore_mem>> -> memref<!tpu.dma_semaphore, #tpu.memory_space<semaphore_mem>>
        tpu.wait_indirect_dma semaphore(%dma_wait3A_941 : memref<!tpu.dma_semaphore, #tpu.memory_space<semaphore_mem>>) src(%dma_wait3A_933 : memref<80x16xf32, #tpu.memory_space<vmem>>) dst(%dma_wait3A_939 : memref<80016x16xf32, #tpu.memory_space<vmem_shared>>)
        %mul3A_942 = arith.constant 10 : i32
        %mul3A_943 = arith.muli %scan3A_727, %mul3A_942 : i32
        %add3A_944 = arith.constant 2 : i32
        %add3A_945 = arith.addi %mul3A_943, %add3A_944 : i32
        %dma_wait3A_946 = arith.constant 160 : i32
        %dma_wait3A_947 = arith.constant 0 : i32
        %dma_wait3A_948 = tpu.memref_slice %arg7[%rem3A_729, %dma_wait3A_946, %dma_wait3A_947] : memref<2x800x16xf32, #tpu.memory_space<vmem>> -> memref<1x80x16xf32, #tpu.memory_space<vmem>>
        %dma_wait3A_949 = tpu.memref_squeeze %dma_wait3A_948 : memref<1x80x16xf32, #tpu.memory_space<vmem>> -> memref<80x16xf32, #tpu.memory_space<vmem>>
        %dma_wait3A_950 = arith.constant 0 : i32
        %dma_wait3A_951 = tpu.memref_slice %arg6[%add3A_945, %dma_wait3A_950] : memref<250x80xi32, #tpu.memory_space<vmem>> -> memref<1x80xi32, #tpu.memory_space<vmem>>
        %dma_wait3A_952 = tpu.memref_squeeze %dma_wait3A_951 : memref<1x80xi32, #tpu.memory_space<vmem>> -> memref<80xi32, #tpu.memory_space<vmem>>
        %dma_wait3A_953 = arith.constant 0 : i32
        %dma_wait3A_954 = arith.constant 0 : i32
        %dma_wait3A_955 = tpu.memref_slice %arg9[%dma_wait3A_953, %dma_wait3A_954] : memref<80016x16xf32, #tpu.memory_space<vmem_shared>> -> memref<80016x16xf32, #tpu.memory_space<vmem_shared>>
        %dma_wait3A_956 = tpu.memref_slice %arg11[%rem3A_729] : memref<2x!tpu.dma_semaphore, #tpu.memory_space<semaphore_mem>> -> memref<1x!tpu.dma_semaphore, #tpu.memory_space<semaphore_mem>>
        %dma_wait3A_957 = tpu.memref_squeeze %dma_wait3A_956 : memref<1x!tpu.dma_semaphore, #tpu.memory_space<semaphore_mem>> -> memref<!tpu.dma_semaphore, #tpu.memory_space<semaphore_mem>>
        tpu.wait_indirect_dma semaphore(%dma_wait3A_957 : memref<!tpu.dma_semaphore, #tpu.memory_space<semaphore_mem>>) src(%dma_wait3A_949 : memref<80x16xf32, #tpu.memory_space<vmem>>) dst(%dma_wait3A_955 : memref<80016x16xf32, #tpu.memory_space<vmem_shared>>)
        %mul3A_958 = arith.constant 10 : i32
        %mul3A_959 = arith.muli %scan3A_727, %mul3A_958 : i32
        %add3A_960 = arith.constant 3 : i32
        %add3A_961 = arith.addi %mul3A_959, %add3A_960 : i32
        %dma_wait3A_962 = arith.constant 240 : i32
        %dma_wait3A_963 = arith.constant 0 : i32
        %dma_wait3A_964 = tpu.memref_slice %arg7[%rem3A_729, %dma_wait3A_962, %dma_wait3A_963] : memref<2x800x16xf32, #tpu.memory_space<vmem>> -> memref<1x80x16xf32, #tpu.memory_space<vmem>>
        %dma_wait3A_965 = tpu.memref_squeeze %dma_wait3A_964 : memref<1x80x16xf32, #tpu.memory_space<vmem>> -> memref<80x16xf32, #tpu.memory_space<vmem>>
        %dma_wait3A_966 = arith.constant 0 : i32
        %dma_wait3A_967 = tpu.memref_slice %arg6[%add3A_961, %dma_wait3A_966] : memref<250x80xi32, #tpu.memory_space<vmem>> -> memref<1x80xi32, #tpu.memory_space<vmem>>
        %dma_wait3A_968 = tpu.memref_squeeze %dma_wait3A_967 : memref<1x80xi32, #tpu.memory_space<vmem>> -> memref<80xi32, #tpu.memory_space<vmem>>
        %dma_wait3A_969 = arith.constant 0 : i32
        %dma_wait3A_970 = arith.constant 0 : i32
        %dma_wait3A_971 = tpu.memref_slice %arg9[%dma_wait3A_969, %dma_wait3A_970] : memref<80016x16xf32, #tpu.memory_space<vmem_shared>> -> memref<80016x16xf32, #tpu.memory_space<vmem_shared>>
        %dma_wait3A_972 = tpu.memref_slice %arg11[%rem3A_729] : memref<2x!tpu.dma_semaphore, #tpu.memory_space<semaphore_mem>> -> memref<1x!tpu.dma_semaphore, #tpu.memory_space<semaphore_mem>>
        %dma_wait3A_973 = tpu.memref_squeeze %dma_wait3A_972 : memref<1x!tpu.dma_semaphore, #tpu.memory_space<semaphore_mem>> -> memref<!tpu.dma_semaphore, #tpu.memory_space<semaphore_mem>>
        tpu.wait_indirect_dma semaphore(%dma_wait3A_973 : memref<!tpu.dma_semaphore, #tpu.memory_space<semaphore_mem>>) src(%dma_wait3A_965 : memref<80x16xf32, #tpu.memory_space<vmem>>) dst(%dma_wait3A_971 : memref<80016x16xf32, #tpu.memory_space<vmem_shared>>)
        %mul3A_974 = arith.constant 10 : i32
        %mul3A_975 = arith.muli %scan3A_727, %mul3A_974 : i32
        %add3A_976 = arith.constant 4 : i32
        %add3A_977 = arith.addi %mul3A_975, %add3A_976 : i32
        %dma_wait3A_978 = arith.constant 320 : i32
        %dma_wait3A_979 = arith.constant 0 : i32
        %dma_wait3A_980 = tpu.memref_slice %arg7[%rem3A_729, %dma_wait3A_978, %dma_wait3A_979] : memref<2x800x16xf32, #tpu.memory_space<vmem>> -> memref<1x80x16xf32, #tpu.memory_space<vmem>>
        %dma_wait3A_981 = tpu.memref_squeeze %dma_wait3A_980 : memref<1x80x16xf32, #tpu.memory_space<vmem>> -> memref<80x16xf32, #tpu.memory_space<vmem>>
        %dma_wait3A_982 = arith.constant 0 : i32
        %dma_wait3A_983 = tpu.memref_slice %arg6[%add3A_977, %dma_wait3A_982] : memref<250x80xi32, #tpu.memory_space<vmem>> -> memref<1x80xi32, #tpu.memory_space<vmem>>
        %dma_wait3A_984 = tpu.memref_squeeze %dma_wait3A_983 : memref<1x80xi32, #tpu.memory_space<vmem>> -> memref<80xi32, #tpu.memory_space<vmem>>
        %dma_wait3A_985 = arith.constant 0 : i32
        %dma_wait3A_986 = arith.constant 0 : i32
        %dma_wait3A_987 = tpu.memref_slice %arg9[%dma_wait3A_985, %dma_wait3A_986] : memref<80016x16xf32, #tpu.memory_space<vmem_shared>> -> memref<80016x16xf32, #tpu.memory_space<vmem_shared>>
        %dma_wait3A_988 = tpu.memref_slice %arg11[%rem3A_729] : memref<2x!tpu.dma_semaphore, #tpu.memory_space<semaphore_mem>> -> memref<1x!tpu.dma_semaphore, #tpu.memory_space<semaphore_mem>>
        %dma_wait3A_989 = tpu.memref_squeeze %dma_wait3A_988 : memref<1x!tpu.dma_semaphore, #tpu.memory_space<semaphore_mem>> -> memref<!tpu.dma_semaphore, #tpu.memory_space<semaphore_mem>>
        tpu.wait_indirect_dma semaphore(%dma_wait3A_989 : memref<!tpu.dma_semaphore, #tpu.memory_space<semaphore_mem>>) src(%dma_wait3A_981 : memref<80x16xf32, #tpu.memory_space<vmem>>) dst(%dma_wait3A_987 : memref<80016x16xf32, #tpu.memory_space<vmem_shared>>)
        %mul3A_990 = arith.constant 10 : i32
        %mul3A_991 = arith.muli %scan3A_727, %mul3A_990 : i32
        %add3A_992 = arith.constant 5 : i32
        %add3A_993 = arith.addi %mul3A_991, %add3A_992 : i32
        %dma_wait3A_994 = arith.constant 400 : i32
        %dma_wait3A_995 = arith.constant 0 : i32
        %dma_wait3A_996 = tpu.memref_slice %arg7[%rem3A_729, %dma_wait3A_994, %dma_wait3A_995] : memref<2x800x16xf32, #tpu.memory_space<vmem>> -> memref<1x80x16xf32, #tpu.memory_space<vmem>>
        %dma_wait3A_997 = tpu.memref_squeeze %dma_wait3A_996 : memref<1x80x16xf32, #tpu.memory_space<vmem>> -> memref<80x16xf32, #tpu.memory_space<vmem>>
        %dma_wait3A_998 = arith.constant 0 : i32
        %dma_wait3A_999 = tpu.memref_slice %arg6[%add3A_993, %dma_wait3A_998] : memref<250x80xi32, #tpu.memory_space<vmem>> -> memref<1x80xi32, #tpu.memory_space<vmem>>
        %dma_wait3A_1000 = tpu.memref_squeeze %dma_wait3A_999 : memref<1x80xi32, #tpu.memory_space<vmem>> -> memref<80xi32, #tpu.memory_space<vmem>>
        %dma_wait3A_1001 = arith.constant 0 : i32
        %dma_wait3A_1002 = arith.constant 0 : i32
        %dma_wait3A_1003 = tpu.memref_slice %arg9[%dma_wait3A_1001, %dma_wait3A_1002] : memref<80016x16xf32, #tpu.memory_space<vmem_shared>> -> memref<80016x16xf32, #tpu.memory_space<vmem_shared>>
        %dma_wait3A_1004 = tpu.memref_slice %arg11[%rem3A_729] : memref<2x!tpu.dma_semaphore, #tpu.memory_space<semaphore_mem>> -> memref<1x!tpu.dma_semaphore, #tpu.memory_space<semaphore_mem>>
        %dma_wait3A_1005 = tpu.memref_squeeze %dma_wait3A_1004 : memref<1x!tpu.dma_semaphore, #tpu.memory_space<semaphore_mem>> -> memref<!tpu.dma_semaphore, #tpu.memory_space<semaphore_mem>>
        tpu.wait_indirect_dma semaphore(%dma_wait3A_1005 : memref<!tpu.dma_semaphore, #tpu.memory_space<semaphore_mem>>) src(%dma_wait3A_997 : memref<80x16xf32, #tpu.memory_space<vmem>>) dst(%dma_wait3A_1003 : memref<80016x16xf32, #tpu.memory_space<vmem_shared>>)
        %mul3A_1006 = arith.constant 10 : i32
        %mul3A_1007 = arith.muli %scan3A_727, %mul3A_1006 : i32
        %add3A_1008 = arith.constant 6 : i32
        %add3A_1009 = arith.addi %mul3A_1007, %add3A_1008 : i32
        %dma_wait3A_1010 = arith.constant 480 : i32
        %dma_wait3A_1011 = arith.constant 0 : i32
        %dma_wait3A_1012 = tpu.memref_slice %arg7[%rem3A_729, %dma_wait3A_1010, %dma_wait3A_1011] : memref<2x800x16xf32, #tpu.memory_space<vmem>> -> memref<1x80x16xf32, #tpu.memory_space<vmem>>
        %dma_wait3A_1013 = tpu.memref_squeeze %dma_wait3A_1012 : memref<1x80x16xf32, #tpu.memory_space<vmem>> -> memref<80x16xf32, #tpu.memory_space<vmem>>
        %dma_wait3A_1014 = arith.constant 0 : i32
        %dma_wait3A_1015 = tpu.memref_slice %arg6[%add3A_1009, %dma_wait3A_1014] : memref<250x80xi32, #tpu.memory_space<vmem>> -> memref<1x80xi32, #tpu.memory_space<vmem>>
        %dma_wait3A_1016 = tpu.memref_squeeze %dma_wait3A_1015 : memref<1x80xi32, #tpu.memory_space<vmem>> -> memref<80xi32, #tpu.memory_space<vmem>>
        %dma_wait3A_1017 = arith.constant 0 : i32
        %dma_wait3A_1018 = arith.constant 0 : i32
        %dma_wait3A_1019 = tpu.memref_slice %arg9[%dma_wait3A_1017, %dma_wait3A_1018] : memref<80016x16xf32, #tpu.memory_space<vmem_shared>> -> memref<80016x16xf32, #tpu.memory_space<vmem_shared>>
        %dma_wait3A_1020 = tpu.memref_slice %arg11[%rem3A_729] : memref<2x!tpu.dma_semaphore, #tpu.memory_space<semaphore_mem>> -> memref<1x!tpu.dma_semaphore, #tpu.memory_space<semaphore_mem>>
        %dma_wait3A_1021 = tpu.memref_squeeze %dma_wait3A_1020 : memref<1x!tpu.dma_semaphore, #tpu.memory_space<semaphore_mem>> -> memref<!tpu.dma_semaphore, #tpu.memory_space<semaphore_mem>>
        tpu.wait_indirect_dma semaphore(%dma_wait3A_1021 : memref<!tpu.dma_semaphore, #tpu.memory_space<semaphore_mem>>) src(%dma_wait3A_1013 : memref<80x16xf32, #tpu.memory_space<vmem>>) dst(%dma_wait3A_1019 : memref<80016x16xf32, #tpu.memory_space<vmem_shared>>)
        %mul3A_1022 = arith.constant 10 : i32
        %mul3A_1023 = arith.muli %scan3A_727, %mul3A_1022 : i32
        %add3A_1024 = arith.constant 7 : i32
        %add3A_1025 = arith.addi %mul3A_1023, %add3A_1024 : i32
        %dma_wait3A_1026 = arith.constant 560 : i32
        %dma_wait3A_1027 = arith.constant 0 : i32
        %dma_wait3A_1028 = tpu.memref_slice %arg7[%rem3A_729, %dma_wait3A_1026, %dma_wait3A_1027] : memref<2x800x16xf32, #tpu.memory_space<vmem>> -> memref<1x80x16xf32, #tpu.memory_space<vmem>>
        %dma_wait3A_1029 = tpu.memref_squeeze %dma_wait3A_1028 : memref<1x80x16xf32, #tpu.memory_space<vmem>> -> memref<80x16xf32, #tpu.memory_space<vmem>>
        %dma_wait3A_1030 = arith.constant 0 : i32
        %dma_wait3A_1031 = tpu.memref_slice %arg6[%add3A_1025, %dma_wait3A_1030] : memref<250x80xi32, #tpu.memory_space<vmem>> -> memref<1x80xi32, #tpu.memory_space<vmem>>
        %dma_wait3A_1032 = tpu.memref_squeeze %dma_wait3A_1031 : memref<1x80xi32, #tpu.memory_space<vmem>> -> memref<80xi32, #tpu.memory_space<vmem>>
        %dma_wait3A_1033 = arith.constant 0 : i32
        %dma_wait3A_1034 = arith.constant 0 : i32
        %dma_wait3A_1035 = tpu.memref_slice %arg9[%dma_wait3A_1033, %dma_wait3A_1034] : memref<80016x16xf32, #tpu.memory_space<vmem_shared>> -> memref<80016x16xf32, #tpu.memory_space<vmem_shared>>
        %dma_wait3A_1036 = tpu.memref_slice %arg11[%rem3A_729] : memref<2x!tpu.dma_semaphore, #tpu.memory_space<semaphore_mem>> -> memref<1x!tpu.dma_semaphore, #tpu.memory_space<semaphore_mem>>
        %dma_wait3A_1037 = tpu.memref_squeeze %dma_wait3A_1036 : memref<1x!tpu.dma_semaphore, #tpu.memory_space<semaphore_mem>> -> memref<!tpu.dma_semaphore, #tpu.memory_space<semaphore_mem>>
        tpu.wait_indirect_dma semaphore(%dma_wait3A_1037 : memref<!tpu.dma_semaphore, #tpu.memory_space<semaphore_mem>>) src(%dma_wait3A_1029 : memref<80x16xf32, #tpu.memory_space<vmem>>) dst(%dma_wait3A_1035 : memref<80016x16xf32, #tpu.memory_space<vmem_shared>>)
        %mul3A_1038 = arith.constant 10 : i32
        %mul3A_1039 = arith.muli %scan3A_727, %mul3A_1038 : i32
        %add3A_1040 = arith.constant 8 : i32
        %add3A_1041 = arith.addi %mul3A_1039, %add3A_1040 : i32
        %dma_wait3A_1042 = arith.constant 640 : i32
        %dma_wait3A_1043 = arith.constant 0 : i32
        %dma_wait3A_1044 = tpu.memref_slice %arg7[%rem3A_729, %dma_wait3A_1042, %dma_wait3A_1043] : memref<2x800x16xf32, #tpu.memory_space<vmem>> -> memref<1x80x16xf32, #tpu.memory_space<vmem>>
        %dma_wait3A_1045 = tpu.memref_squeeze %dma_wait3A_1044 : memref<1x80x16xf32, #tpu.memory_space<vmem>> -> memref<80x16xf32, #tpu.memory_space<vmem>>
        %dma_wait3A_1046 = arith.constant 0 : i32
        %dma_wait3A_1047 = tpu.memref_slice %arg6[%add3A_1041, %dma_wait3A_1046] : memref<250x80xi32, #tpu.memory_space<vmem>> -> memref<1x80xi32, #tpu.memory_space<vmem>>
        %dma_wait3A_1048 = tpu.memref_squeeze %dma_wait3A_1047 : memref<1x80xi32, #tpu.memory_space<vmem>> -> memref<80xi32, #tpu.memory_space<vmem>>
        %dma_wait3A_1049 = arith.constant 0 : i32
        %dma_wait3A_1050 = arith.constant 0 : i32
        %dma_wait3A_1051 = tpu.memref_slice %arg9[%dma_wait3A_1049, %dma_wait3A_1050] : memref<80016x16xf32, #tpu.memory_space<vmem_shared>> -> memref<80016x16xf32, #tpu.memory_space<vmem_shared>>
        %dma_wait3A_1052 = tpu.memref_slice %arg11[%rem3A_729] : memref<2x!tpu.dma_semaphore, #tpu.memory_space<semaphore_mem>> -> memref<1x!tpu.dma_semaphore, #tpu.memory_space<semaphore_mem>>
        %dma_wait3A_1053 = tpu.memref_squeeze %dma_wait3A_1052 : memref<1x!tpu.dma_semaphore, #tpu.memory_space<semaphore_mem>> -> memref<!tpu.dma_semaphore, #tpu.memory_space<semaphore_mem>>
        tpu.wait_indirect_dma semaphore(%dma_wait3A_1053 : memref<!tpu.dma_semaphore, #tpu.memory_space<semaphore_mem>>) src(%dma_wait3A_1045 : memref<80x16xf32, #tpu.memory_space<vmem>>) dst(%dma_wait3A_1051 : memref<80016x16xf32, #tpu.memory_space<vmem_shared>>)
        %mul3A_1054 = arith.constant 10 : i32
        %mul3A_1055 = arith.muli %scan3A_727, %mul3A_1054 : i32
        %add3A_1056 = arith.constant 9 : i32
        %add3A_1057 = arith.addi %mul3A_1055, %add3A_1056 : i32
        %dma_wait3A_1058 = arith.constant 720 : i32
        %dma_wait3A_1059 = arith.constant 0 : i32
        %dma_wait3A_1060 = tpu.memref_slice %arg7[%rem3A_729, %dma_wait3A_1058, %dma_wait3A_1059] : memref<2x800x16xf32, #tpu.memory_space<vmem>> -> memref<1x80x16xf32, #tpu.memory_space<vmem>>
        %dma_wait3A_1061 = tpu.memref_squeeze %dma_wait3A_1060 : memref<1x80x16xf32, #tpu.memory_space<vmem>> -> memref<80x16xf32, #tpu.memory_space<vmem>>
        %dma_wait3A_1062 = arith.constant 0 : i32
        %dma_wait3A_1063 = tpu.memref_slice %arg6[%add3A_1057, %dma_wait3A_1062] : memref<250x80xi32, #tpu.memory_space<vmem>> -> memref<1x80xi32, #tpu.memory_space<vmem>>
        %dma_wait3A_1064 = tpu.memref_squeeze %dma_wait3A_1063 : memref<1x80xi32, #tpu.memory_space<vmem>> -> memref<80xi32, #tpu.memory_space<vmem>>
        %dma_wait3A_1065 = arith.constant 0 : i32
        %dma_wait3A_1066 = arith.constant 0 : i32
        %dma_wait3A_1067 = tpu.memref_slice %arg9[%dma_wait3A_1065, %dma_wait3A_1066] : memref<80016x16xf32, #tpu.memory_space<vmem_shared>> -> memref<80016x16xf32, #tpu.memory_space<vmem_shared>>
        %dma_wait3A_1068 = tpu.memref_slice %arg11[%rem3A_729] : memref<2x!tpu.dma_semaphore, #tpu.memory_space<semaphore_mem>> -> memref<1x!tpu.dma_semaphore, #tpu.memory_space<semaphore_mem>>
        %dma_wait3A_1069 = tpu.memref_squeeze %dma_wait3A_1068 : memref<1x!tpu.dma_semaphore, #tpu.memory_space<semaphore_mem>> -> memref<!tpu.dma_semaphore, #tpu.memory_space<semaphore_mem>>
        tpu.wait_indirect_dma semaphore(%dma_wait3A_1069 : memref<!tpu.dma_semaphore, #tpu.memory_space<semaphore_mem>>) src(%dma_wait3A_1061 : memref<80x16xf32, #tpu.memory_space<vmem>>) dst(%dma_wait3A_1067 : memref<80016x16xf32, #tpu.memory_space<vmem_shared>>)
        %scan3A_1070 = arith.constant 0 : i32
        scf.yield %scan3A_1070 : i32
      }
      %scan3A_716 = arith.constant 25 : i32
      %barrier3A_717 = arith.constant 0 : index
      tpu.barrier barrier_id(%barrier3A_717)
      %mul3A_718 = arith.constant 5000 : i32
      %mul3A_719 = arith.muli %arg1, %mul3A_718 : i32
      %mul3A_720 = arith.constant 5000 : i32
      %mul3A_721 = arith.muli %arg1, %mul3A_720 : i32
      %add3A_722 = arith.addi %mul3A_2, %mul3A_721 : i32
      %mul3A_723 = arith.constant 16 : i32
      %mul3A_724 = arith.muli %scan3A_24, %mul3A_723 : i32
      "tpu.region"() ({
        %run_scoped3A = tpu.sem_alloc : memref<!tpu.dma_semaphore, #tpu.memory_space<semaphore_mem>>
        %dma_start3A_727 = tpu.memref_slice %arg4[%add3A_722, %mul3A_724] : memref<160000x128xf32, #tpu.memory_space<hbm>> -> memref<5000x16xf32, #tpu.memory_space<hbm>>
        %dma_start3A_728 = arith.constant 0 : i32
        %dma_start3A_729 = tpu.memref_slice %arg9[%mul3A_719, %dma_start3A_728] : memref<80016x16xf32, #tpu.memory_space<vmem_shared>> -> memref<5000x16xf32, #tpu.memory_space<vmem_shared>>
        tpu.enqueue_dma source(%dma_start3A_729 : memref<5000x16xf32, #tpu.memory_space<vmem_shared>>) target(%dma_start3A_727 : memref<5000x16xf32, #tpu.memory_space<hbm>>) target_semaphore(%run_scoped3A : memref<!tpu.dma_semaphore, #tpu.memory_space<semaphore_mem>>)
        %dma_wait3A_730 = tpu.memref_slice %arg4[%add3A_722, %mul3A_724] : memref<160000x128xf32, #tpu.memory_space<hbm>> -> memref<5000x16xf32, #tpu.memory_space<hbm>>
        %dma_wait3A_731 = arith.constant 0 : i32
        %dma_wait3A_732 = tpu.memref_slice %arg9[%mul3A_719, %dma_wait3A_731] : memref<80016x16xf32, #tpu.memory_space<vmem_shared>> -> memref<5000x16xf32, #tpu.memory_space<vmem_shared>>
        tpu.wait_dma2 semaphore(%run_scoped3A : memref<!tpu.dma_semaphore, #tpu.memory_space<semaphore_mem>>) src(%dma_wait3A_732 : memref<5000x16xf32, #tpu.memory_space<vmem_shared>>) dst(%dma_wait3A_730 : memref<5000x16xf32, #tpu.memory_space<hbm>>)
        tpu.yield
      }) : () -> ()
      %barrier3A_725 = arith.constant 0 : index
      tpu.barrier barrier_id(%barrier3A_725)
      %scan3A_726 = arith.constant 0 : i32
      scf.yield %scan3A_726 : i32
    }
    %scan3A_23 = arith.constant 8 : i32
    return
  }
}

#map = affine_map<(d0, d1) -> (0, 0)>
#map1 = affine_map<(d0, d1) -> (0)>
module attributes {stable_mosaic.version = 14 : i64} {
  func.func @_sc_gather_body(%arg0: i32, %arg1: i32, %arg2: memref<160000x128xf32, #tpu.memory_space<hbm>>, %arg3: memref<320000xi32, #tpu.memory_space<hbm>>, %arg4: memref<160000x128xf32, #tpu.memory_space<hbm>>, %arg5: memref<5000xi32, #tpu.memory_space<vmem>>, %arg6: memref<4x40x128xf32, #tpu.memory_space<vmem>>, %arg7: memref<4x!tpu.dma_semaphore, #tpu.memory_space<semaphore_mem>>, %arg8: memref<4x!tpu.dma_semaphore, #tpu.memory_space<semaphore_mem>>) attributes {dimension_semantics = [#tpu.dimension_semantics<core_parallel>, #tpu.dimension_semantics<subcore_parallel>], iteration_bounds = array<i64: 2, 16>, scalar_prefetch = 0 : i64, scratch_operands = 4 : i64, tpu.core_type = #tpu.core_type<sc_vector_subcore>, window_params = [{transform_indices = #map}, {transform_indices = #map1}, {transform_indices = #map}]} {
    %mul3A = arith.constant 2 : i32
    %mul3A_0 = arith.muli %arg1, %mul3A : i32
    %add3A = arith.addi %mul3A_0, %arg0 : i32
    %mul3A_1 = arith.constant 5000 : i32
    %mul3A_2 = arith.muli %add3A, %mul3A_1 : i32
    %add3A_3 = arith.constant 160000 : i32
    %add3A_4 = arith.addi %add3A_3, %mul3A_2 : i32
    "tpu.region"() ({
      %run_scoped3A = tpu.sem_alloc : memref<!tpu.dma_semaphore, #tpu.memory_space<semaphore_mem>>
      %dma_start3A_66 = tpu.memref_slice %arg3[%add3A_4] : memref<320000xi32, #tpu.memory_space<hbm>> -> memref<5000xi32, #tpu.memory_space<hbm>>
      %dma_start3A_67 = tpu.memref_slice %arg3[%add3A_4] : memref<320000xi32, #tpu.memory_space<hbm>> -> memref<5000xi32, #tpu.memory_space<hbm>>
      tpu.enqueue_dma source(%dma_start3A_67 : memref<5000xi32, #tpu.memory_space<hbm>>) target(%arg5 : memref<5000xi32, #tpu.memory_space<vmem>>) target_semaphore(%run_scoped3A : memref<!tpu.dma_semaphore, #tpu.memory_space<semaphore_mem>>)
      %dma_wait3A_68 = tpu.memref_slice %arg3[%add3A_4] : memref<320000xi32, #tpu.memory_space<hbm>> -> memref<5000xi32, #tpu.memory_space<hbm>>
      %dma_wait3A_69 = tpu.memref_slice %arg3[%add3A_4] : memref<320000xi32, #tpu.memory_space<hbm>> -> memref<5000xi32, #tpu.memory_space<hbm>>
      tpu.wait_dma2 semaphore(%run_scoped3A : memref<!tpu.dma_semaphore, #tpu.memory_space<semaphore_mem>>) src(%dma_wait3A_69 : memref<5000xi32, #tpu.memory_space<hbm>>) dst(%arg5 : memref<5000xi32, #tpu.memory_space<vmem>>)
      tpu.yield
    }) : () -> ()
    %dma_start3A = arith.constant 0 : i32
    %dma_start3A_5 = arith.constant 0 : i32
    %dma_start3A_6 = arith.constant 0 : i32
    %dma_start3A_7 = arith.constant 0 : i32
    %dma_start3A_8 = tpu.memref_slice %arg6[%dma_start3A, %dma_start3A_6, %dma_start3A_7] : memref<4x40x128xf32, #tpu.memory_space<vmem>> -> memref<1x40x128xf32, #tpu.memory_space<vmem>>
    %dma_start3A_9 = tpu.memref_squeeze %dma_start3A_8 : memref<1x40x128xf32, #tpu.memory_space<vmem>> -> memref<40x128xf32, #tpu.memory_space<vmem>>
    %dma_start3A_10 = arith.constant 0 : i32
    %dma_start3A_11 = tpu.memref_slice %arg5[%dma_start3A_10] : memref<5000xi32, #tpu.memory_space<vmem>> -> memref<40xi32, #tpu.memory_space<vmem>>
    %dma_start3A_12 = arith.constant 0 : i32
    %dma_start3A_13 = arith.constant 0 : i32
    %dma_start3A_14 = tpu.memref_slice %arg2[%dma_start3A_12, %dma_start3A_13] : memref<160000x128xf32, #tpu.memory_space<hbm>> -> memref<160000x128xf32, #tpu.memory_space<hbm>>
    %dma_start3A_15 = tpu.memref_slice %arg7[%dma_start3A_5] : memref<4x!tpu.dma_semaphore, #tpu.memory_space<semaphore_mem>> -> memref<1x!tpu.dma_semaphore, #tpu.memory_space<semaphore_mem>>
    %dma_start3A_16 = tpu.memref_squeeze %dma_start3A_15 : memref<1x!tpu.dma_semaphore, #tpu.memory_space<semaphore_mem>> -> memref<!tpu.dma_semaphore, #tpu.memory_space<semaphore_mem>>
    tpu.enqueue_indirect_dma source(%dma_start3A_14 : memref<160000x128xf32, #tpu.memory_space<hbm>>) target(%dma_start3A_9 : memref<40x128xf32, #tpu.memory_space<vmem>>) offsets(%dma_start3A_11 : memref<40xi32, #tpu.memory_space<vmem>>) semaphore(%dma_start3A_16 : memref<!tpu.dma_semaphore, #tpu.memory_space<semaphore_mem>>)
    %dma_start3A_17 = arith.constant 1 : i32
    %dma_start3A_18 = arith.constant 1 : i32
    %dma_start3A_19 = arith.constant 0 : i32
    %dma_start3A_20 = arith.constant 0 : i32
    %dma_start3A_21 = tpu.memref_slice %arg6[%dma_start3A_17, %dma_start3A_19, %dma_start3A_20] : memref<4x40x128xf32, #tpu.memory_space<vmem>> -> memref<1x40x128xf32, #tpu.memory_space<vmem>>
    %dma_start3A_22 = tpu.memref_squeeze %dma_start3A_21 : memref<1x40x128xf32, #tpu.memory_space<vmem>> -> memref<40x128xf32, #tpu.memory_space<vmem>>
    %dma_start3A_23 = arith.constant 40 : i32
    %dma_start3A_24 = tpu.memref_slice %arg5[%dma_start3A_23] : memref<5000xi32, #tpu.memory_space<vmem>> -> memref<40xi32, #tpu.memory_space<vmem>>
    %dma_start3A_25 = arith.constant 0 : i32
    %dma_start3A_26 = arith.constant 0 : i32
    %dma_start3A_27 = tpu.memref_slice %arg2[%dma_start3A_25, %dma_start3A_26] : memref<160000x128xf32, #tpu.memory_space<hbm>> -> memref<160000x128xf32, #tpu.memory_space<hbm>>
    %dma_start3A_28 = tpu.memref_slice %arg7[%dma_start3A_18] : memref<4x!tpu.dma_semaphore, #tpu.memory_space<semaphore_mem>> -> memref<1x!tpu.dma_semaphore, #tpu.memory_space<semaphore_mem>>
    %dma_start3A_29 = tpu.memref_squeeze %dma_start3A_28 : memref<1x!tpu.dma_semaphore, #tpu.memory_space<semaphore_mem>> -> memref<!tpu.dma_semaphore, #tpu.memory_space<semaphore_mem>>
    tpu.enqueue_indirect_dma source(%dma_start3A_27 : memref<160000x128xf32, #tpu.memory_space<hbm>>) target(%dma_start3A_22 : memref<40x128xf32, #tpu.memory_space<vmem>>) offsets(%dma_start3A_24 : memref<40xi32, #tpu.memory_space<vmem>>) semaphore(%dma_start3A_29 : memref<!tpu.dma_semaphore, #tpu.memory_space<semaphore_mem>>)
    %dma_start3A_30 = arith.constant 2 : i32
    %dma_start3A_31 = arith.constant 2 : i32
    %dma_start3A_32 = arith.constant 0 : i32
    %dma_start3A_33 = arith.constant 0 : i32
    %dma_start3A_34 = tpu.memref_slice %arg6[%dma_start3A_30, %dma_start3A_32, %dma_start3A_33] : memref<4x40x128xf32, #tpu.memory_space<vmem>> -> memref<1x40x128xf32, #tpu.memory_space<vmem>>
    %dma_start3A_35 = tpu.memref_squeeze %dma_start3A_34 : memref<1x40x128xf32, #tpu.memory_space<vmem>> -> memref<40x128xf32, #tpu.memory_space<vmem>>
    %dma_start3A_36 = arith.constant 80 : i32
    %dma_start3A_37 = tpu.memref_slice %arg5[%dma_start3A_36] : memref<5000xi32, #tpu.memory_space<vmem>> -> memref<40xi32, #tpu.memory_space<vmem>>
    %dma_start3A_38 = arith.constant 0 : i32
    %dma_start3A_39 = arith.constant 0 : i32
    %dma_start3A_40 = tpu.memref_slice %arg2[%dma_start3A_38, %dma_start3A_39] : memref<160000x128xf32, #tpu.memory_space<hbm>> -> memref<160000x128xf32, #tpu.memory_space<hbm>>
    %dma_start3A_41 = tpu.memref_slice %arg7[%dma_start3A_31] : memref<4x!tpu.dma_semaphore, #tpu.memory_space<semaphore_mem>> -> memref<1x!tpu.dma_semaphore, #tpu.memory_space<semaphore_mem>>
    %dma_start3A_42 = tpu.memref_squeeze %dma_start3A_41 : memref<1x!tpu.dma_semaphore, #tpu.memory_space<semaphore_mem>> -> memref<!tpu.dma_semaphore, #tpu.memory_space<semaphore_mem>>
    tpu.enqueue_indirect_dma source(%dma_start3A_40 : memref<160000x128xf32, #tpu.memory_space<hbm>>) target(%dma_start3A_35 : memref<40x128xf32, #tpu.memory_space<vmem>>) offsets(%dma_start3A_37 : memref<40xi32, #tpu.memory_space<vmem>>) semaphore(%dma_start3A_42 : memref<!tpu.dma_semaphore, #tpu.memory_space<semaphore_mem>>)
    %scan3A = arith.constant 0 : i32
    %scan3A_43 = arith.constant 0 : i32
    %scan3A_44 = arith.constant 125 : i32
    %scan3A_45 = arith.addi %scan3A_43, %scan3A_44 : i32
    %scan3A_46 = arith.constant 1 : i32
    %scan3A_47 = scf.for %scan3A_66 = %scan3A_43 to %scan3A_45 step %scan3A_46 iter_args(%scan3A_67 = %scan3A) -> (i32)  : i32 {
      %rem3A = arith.constant 4 : i32
      %rem3A_68 = arith.remsi %scan3A_66, %rem3A : i32
      %mul3A_69 = arith.constant 40 : i32
      %mul3A_70 = arith.muli %scan3A_66, %mul3A_69 : i32
      %dma_wait3A_71 = arith.constant 0 : i32
      %dma_wait3A_72 = arith.constant 0 : i32
      %dma_wait3A_73 = tpu.memref_slice %arg6[%rem3A_68, %dma_wait3A_71, %dma_wait3A_72] : memref<4x40x128xf32, #tpu.memory_space<vmem>> -> memref<1x40x128xf32, #tpu.memory_space<vmem>>
      %dma_wait3A_74 = tpu.memref_squeeze %dma_wait3A_73 : memref<1x40x128xf32, #tpu.memory_space<vmem>> -> memref<40x128xf32, #tpu.memory_space<vmem>>
      %dma_wait3A_75 = tpu.memref_slice %arg5[%mul3A_70] : memref<5000xi32, #tpu.memory_space<vmem>> -> memref<40xi32, #tpu.memory_space<vmem>>
      %dma_wait3A_76 = arith.constant 0 : i32
      %dma_wait3A_77 = arith.constant 0 : i32
      %dma_wait3A_78 = tpu.memref_slice %arg2[%dma_wait3A_76, %dma_wait3A_77] : memref<160000x128xf32, #tpu.memory_space<hbm>> -> memref<160000x128xf32, #tpu.memory_space<hbm>>
      %dma_wait3A_79 = tpu.memref_slice %arg7[%rem3A_68] : memref<4x!tpu.dma_semaphore, #tpu.memory_space<semaphore_mem>> -> memref<1x!tpu.dma_semaphore, #tpu.memory_space<semaphore_mem>>
      %dma_wait3A_80 = tpu.memref_squeeze %dma_wait3A_79 : memref<1x!tpu.dma_semaphore, #tpu.memory_space<semaphore_mem>> -> memref<!tpu.dma_semaphore, #tpu.memory_space<semaphore_mem>>
      tpu.wait_indirect_dma semaphore(%dma_wait3A_80 : memref<!tpu.dma_semaphore, #tpu.memory_space<semaphore_mem>>) src(%dma_wait3A_78 : memref<160000x128xf32, #tpu.memory_space<hbm>>) dst(%dma_wait3A_74 : memref<40x128xf32, #tpu.memory_space<vmem>>)
      %mul3A_81 = arith.constant 40 : i32
      %mul3A_82 = arith.muli %scan3A_66, %mul3A_81 : i32
      %add3A_83 = arith.addi %mul3A_2, %mul3A_82 : i32
      %dma_start3A_84 = arith.constant 0 : i32
      %dma_start3A_85 = arith.constant 0 : i32
      %dma_start3A_86 = tpu.memref_slice %arg6[%rem3A_68, %dma_start3A_84, %dma_start3A_85] : memref<4x40x128xf32, #tpu.memory_space<vmem>> -> memref<1x40x128xf32, #tpu.memory_space<vmem>>
      %dma_start3A_87 = tpu.memref_squeeze %dma_start3A_86 : memref<1x40x128xf32, #tpu.memory_space<vmem>> -> memref<40x128xf32, #tpu.memory_space<vmem>>
      %dma_start3A_88 = arith.constant 0 : i32
      %dma_start3A_89 = tpu.memref_slice %arg4[%add3A_83, %dma_start3A_88] : memref<160000x128xf32, #tpu.memory_space<hbm>> -> memref<40x128xf32, #tpu.memory_space<hbm>>
      %dma_start3A_90 = tpu.memref_slice %arg8[%rem3A_68] : memref<4x!tpu.dma_semaphore, #tpu.memory_space<semaphore_mem>> -> memref<1x!tpu.dma_semaphore, #tpu.memory_space<semaphore_mem>>
      %dma_start3A_91 = tpu.memref_squeeze %dma_start3A_90 : memref<1x!tpu.dma_semaphore, #tpu.memory_space<semaphore_mem>> -> memref<!tpu.dma_semaphore, #tpu.memory_space<semaphore_mem>>
      %dma_start3A_92 = arith.constant 0 : i32
      %dma_start3A_93 = tpu.memref_slice %arg4[%add3A_83, %dma_start3A_92] : memref<160000x128xf32, #tpu.memory_space<hbm>> -> memref<40x128xf32, #tpu.memory_space<hbm>>
      %dma_start3A_94 = arith.constant 0 : i32
      %dma_start3A_95 = arith.constant 0 : i32
      %dma_start3A_96 = tpu.memref_slice %arg6[%rem3A_68, %dma_start3A_94, %dma_start3A_95] : memref<4x40x128xf32, #tpu.memory_space<vmem>> -> memref<1x40x128xf32, #tpu.memory_space<vmem>>
      %dma_start3A_97 = tpu.memref_squeeze %dma_start3A_96 : memref<1x40x128xf32, #tpu.memory_space<vmem>> -> memref<40x128xf32, #tpu.memory_space<vmem>>
      tpu.enqueue_dma source(%dma_start3A_97 : memref<40x128xf32, #tpu.memory_space<vmem>>) target(%dma_start3A_93 : memref<40x128xf32, #tpu.memory_space<hbm>>) target_semaphore(%dma_start3A_91 : memref<!tpu.dma_semaphore, #tpu.memory_space<semaphore_mem>>)
      %ge3A = arith.constant 1 : i32
      %ge3A_98 = arith.cmpi sge, %scan3A_66, %ge3A : i32
      %convert_element_type3A = arith.extui %ge3A_98 : i1 to i32
      %cond3A = arith.constant 0 : i32
      %cond3A_99 = arith.cmpi ne, %convert_element_type3A, %cond3A : i32
      scf.if %cond3A_99 {
        %sub3A = arith.constant 1 : i32
        %sub3A_107 = arith.subi %scan3A_66, %sub3A : i32
        %sub3A_108 = arith.constant 1 : i32
        %sub3A_109 = arith.subi %scan3A_66, %sub3A_108 : i32
        %rem3A_110 = arith.constant 4 : i32
        %rem3A_111 = arith.remsi %sub3A_109, %rem3A_110 : i32
        %mul3A_112 = arith.constant 40 : i32
        %mul3A_113 = arith.muli %sub3A_107, %mul3A_112 : i32
        %add3A_114 = arith.addi %mul3A_2, %mul3A_113 : i32
        %dma_wait3A_115 = arith.constant 0 : i32
        %dma_wait3A_116 = arith.constant 0 : i32
        %dma_wait3A_117 = tpu.memref_slice %arg6[%rem3A_111, %dma_wait3A_115, %dma_wait3A_116] : memref<4x40x128xf32, #tpu.memory_space<vmem>> -> memref<1x40x128xf32, #tpu.memory_space<vmem>>
        %dma_wait3A_118 = tpu.memref_squeeze %dma_wait3A_117 : memref<1x40x128xf32, #tpu.memory_space<vmem>> -> memref<40x128xf32, #tpu.memory_space<vmem>>
        %dma_wait3A_119 = arith.constant 0 : i32
        %dma_wait3A_120 = tpu.memref_slice %arg4[%add3A_114, %dma_wait3A_119] : memref<160000x128xf32, #tpu.memory_space<hbm>> -> memref<40x128xf32, #tpu.memory_space<hbm>>
        %dma_wait3A_121 = tpu.memref_slice %arg8[%rem3A_111] : memref<4x!tpu.dma_semaphore, #tpu.memory_space<semaphore_mem>> -> memref<1x!tpu.dma_semaphore, #tpu.memory_space<semaphore_mem>>
        %dma_wait3A_122 = tpu.memref_squeeze %dma_wait3A_121 : memref<1x!tpu.dma_semaphore, #tpu.memory_space<semaphore_mem>> -> memref<!tpu.dma_semaphore, #tpu.memory_space<semaphore_mem>>
        %dma_wait3A_123 = arith.constant 0 : i32
        %dma_wait3A_124 = tpu.memref_slice %arg4[%add3A_114, %dma_wait3A_123] : memref<160000x128xf32, #tpu.memory_space<hbm>> -> memref<40x128xf32, #tpu.memory_space<hbm>>
        %dma_wait3A_125 = arith.constant 0 : i32
        %dma_wait3A_126 = arith.constant 0 : i32
        %dma_wait3A_127 = tpu.memref_slice %arg6[%rem3A_111, %dma_wait3A_125, %dma_wait3A_126] : memref<4x40x128xf32, #tpu.memory_space<vmem>> -> memref<1x40x128xf32, #tpu.memory_space<vmem>>
        %dma_wait3A_128 = tpu.memref_squeeze %dma_wait3A_127 : memref<1x40x128xf32, #tpu.memory_space<vmem>> -> memref<40x128xf32, #tpu.memory_space<vmem>>
        tpu.wait_dma2 semaphore(%dma_wait3A_122 : memref<!tpu.dma_semaphore, #tpu.memory_space<semaphore_mem>>) src(%dma_wait3A_128 : memref<40x128xf32, #tpu.memory_space<vmem>>) dst(%dma_wait3A_124 : memref<40x128xf32, #tpu.memory_space<hbm>>)
      } else {
      }
      %add3A_100 = arith.constant 3 : i32
      %add3A_101 = arith.addi %scan3A_66, %add3A_100 : i32
      %lt3A = arith.constant 125 : i32
      %lt3A_102 = arith.cmpi slt, %add3A_101, %lt3A : i32
      %convert_element_type3A_103 = arith.extui %lt3A_102 : i1 to i32
      %cond3A_104 = arith.constant 0 : i32
      %cond3A_105 = arith.cmpi ne, %convert_element_type3A_103, %cond3A_104 : i32
      scf.if %cond3A_105 {
        %add3A_107 = arith.constant 3 : i32
        %add3A_108 = arith.addi %scan3A_66, %add3A_107 : i32
        %add3A_109 = arith.constant 3 : i32
        %add3A_110 = arith.addi %scan3A_66, %add3A_109 : i32
        %rem3A_111 = arith.constant 4 : i32
        %rem3A_112 = arith.remsi %add3A_110, %rem3A_111 : i32
        %mul3A_113 = arith.constant 40 : i32
        %mul3A_114 = arith.muli %add3A_108, %mul3A_113 : i32
        %dma_start3A_115 = arith.constant 0 : i32
        %dma_start3A_116 = arith.constant 0 : i32
        %dma_start3A_117 = tpu.memref_slice %arg6[%rem3A_112, %dma_start3A_115, %dma_start3A_116] : memref<4x40x128xf32, #tpu.memory_space<vmem>> -> memref<1x40x128xf32, #tpu.memory_space<vmem>>
        %dma_start3A_118 = tpu.memref_squeeze %dma_start3A_117 : memref<1x40x128xf32, #tpu.memory_space<vmem>> -> memref<40x128xf32, #tpu.memory_space<vmem>>
        %dma_start3A_119 = tpu.memref_slice %arg5[%mul3A_114] : memref<5000xi32, #tpu.memory_space<vmem>> -> memref<40xi32, #tpu.memory_space<vmem>>
        %dma_start3A_120 = arith.constant 0 : i32
        %dma_start3A_121 = arith.constant 0 : i32
        %dma_start3A_122 = tpu.memref_slice %arg2[%dma_start3A_120, %dma_start3A_121] : memref<160000x128xf32, #tpu.memory_space<hbm>> -> memref<160000x128xf32, #tpu.memory_space<hbm>>
        %dma_start3A_123 = tpu.memref_slice %arg7[%rem3A_112] : memref<4x!tpu.dma_semaphore, #tpu.memory_space<semaphore_mem>> -> memref<1x!tpu.dma_semaphore, #tpu.memory_space<semaphore_mem>>
        %dma_start3A_124 = tpu.memref_squeeze %dma_start3A_123 : memref<1x!tpu.dma_semaphore, #tpu.memory_space<semaphore_mem>> -> memref<!tpu.dma_semaphore, #tpu.memory_space<semaphore_mem>>
        tpu.enqueue_indirect_dma source(%dma_start3A_122 : memref<160000x128xf32, #tpu.memory_space<hbm>>) target(%dma_start3A_118 : memref<40x128xf32, #tpu.memory_space<vmem>>) offsets(%dma_start3A_119 : memref<40xi32, #tpu.memory_space<vmem>>) semaphore(%dma_start3A_124 : memref<!tpu.dma_semaphore, #tpu.memory_space<semaphore_mem>>)
      } else {
      }
      %scan3A_106 = arith.constant 0 : i32
      scf.yield %scan3A_106 : i32
    }
    %scan3A_48 = arith.constant 125 : i32
    %add3A_49 = arith.constant 4960 : i32
    %add3A_50 = arith.addi %mul3A_2, %add3A_49 : i32
    %dma_wait3A = arith.constant 0 : i32
    %dma_wait3A_51 = arith.constant 0 : i32
    %dma_wait3A_52 = arith.constant 0 : i32
    %dma_wait3A_53 = arith.constant 0 : i32
    %dma_wait3A_54 = tpu.memref_slice %arg6[%dma_wait3A, %dma_wait3A_52, %dma_wait3A_53] : memref<4x40x128xf32, #tpu.memory_space<vmem>> -> memref<1x40x128xf32, #tpu.memory_space<vmem>>
    %dma_wait3A_55 = tpu.memref_squeeze %dma_wait3A_54 : memref<1x40x128xf32, #tpu.memory_space<vmem>> -> memref<40x128xf32, #tpu.memory_space<vmem>>
    %dma_wait3A_56 = arith.constant 0 : i32
    %dma_wait3A_57 = tpu.memref_slice %arg4[%add3A_50, %dma_wait3A_56] : memref<160000x128xf32, #tpu.memory_space<hbm>> -> memref<40x128xf32, #tpu.memory_space<hbm>>
    %dma_wait3A_58 = tpu.memref_slice %arg8[%dma_wait3A_51] : memref<4x!tpu.dma_semaphore, #tpu.memory_space<semaphore_mem>> -> memref<1x!tpu.dma_semaphore, #tpu.memory_space<semaphore_mem>>
    %dma_wait3A_59 = tpu.memref_squeeze %dma_wait3A_58 : memref<1x!tpu.dma_semaphore, #tpu.memory_space<semaphore_mem>> -> memref<!tpu.dma_semaphore, #tpu.memory_space<semaphore_mem>>
    %dma_wait3A_60 = arith.constant 0 : i32
    %dma_wait3A_61 = tpu.memref_slice %arg4[%add3A_50, %dma_wait3A_60] : memref<160000x128xf32, #tpu.memory_space<hbm>> -> memref<40x128xf32, #tpu.memory_space<hbm>>
    %dma_wait3A_62 = arith.constant 0 : i32
    %dma_wait3A_63 = arith.constant 0 : i32
    %dma_wait3A_64 = tpu.memref_slice %arg6[%dma_wait3A, %dma_wait3A_62, %dma_wait3A_63] : memref<4x40x128xf32, #tpu.memory_space<vmem>> -> memref<1x40x128xf32, #tpu.memory_space<vmem>>
    %dma_wait3A_65 = tpu.memref_squeeze %dma_wait3A_64 : memref<1x40x128xf32, #tpu.memory_space<vmem>> -> memref<40x128xf32, #tpu.memory_space<vmem>>
    tpu.wait_dma2 semaphore(%dma_wait3A_59 : memref<!tpu.dma_semaphore, #tpu.memory_space<semaphore_mem>>) src(%dma_wait3A_65 : memref<40x128xf32, #tpu.memory_space<vmem>>) dst(%dma_wait3A_61 : memref<40x128xf32, #tpu.memory_space<hbm>>)
    return
  }
}

#map = affine_map<(d0, d1) -> (0, 0)>
#map1 = affine_map<(d0, d1) -> (0)>
module attributes {stable_mosaic.version = 14 : i64} {
  func.func @_sc_gather_body(%arg0: i32, %arg1: i32, %arg2: memref<160000x128xf32, #tpu.memory_space<hbm>>, %arg3: memref<320000xi32, #tpu.memory_space<hbm>>, %arg4: memref<160000x128xf32, #tpu.memory_space<hbm>>, %arg5: memref<5000xi32, #tpu.memory_space<vmem>>, %arg6: memref<4x40x128xf32, #tpu.memory_space<vmem>>, %arg7: memref<4x!tpu.dma_semaphore, #tpu.memory_space<semaphore_mem>>, %arg8: memref<4x!tpu.dma_semaphore, #tpu.memory_space<semaphore_mem>>) attributes {dimension_semantics = [#tpu.dimension_semantics<core_parallel>, #tpu.dimension_semantics<subcore_parallel>], iteration_bounds = array<i64: 2, 16>, scalar_prefetch = 0 : i64, scratch_operands = 4 : i64, tpu.core_type = #tpu.core_type<sc_vector_subcore>, window_params = [{transform_indices = #map}, {transform_indices = #map1}, {transform_indices = #map}]} {
    %mul3A = arith.constant 2 : i32
    %mul3A_0 = arith.muli %arg1, %mul3A : i32
    %add3A = arith.addi %mul3A_0, %arg0 : i32
    %mul3A_1 = arith.constant 5000 : i32
    %mul3A_2 = arith.muli %add3A, %mul3A_1 : i32
    %add3A_3 = arith.constant 0 : i32
    %add3A_4 = arith.addi %add3A_3, %mul3A_2 : i32
    "tpu.region"() ({
      %run_scoped3A = tpu.sem_alloc : memref<!tpu.dma_semaphore, #tpu.memory_space<semaphore_mem>>
      %dma_start3A_66 = tpu.memref_slice %arg3[%add3A_4] : memref<320000xi32, #tpu.memory_space<hbm>> -> memref<5000xi32, #tpu.memory_space<hbm>>
      %dma_start3A_67 = tpu.memref_slice %arg3[%add3A_4] : memref<320000xi32, #tpu.memory_space<hbm>> -> memref<5000xi32, #tpu.memory_space<hbm>>
      tpu.enqueue_dma source(%dma_start3A_67 : memref<5000xi32, #tpu.memory_space<hbm>>) target(%arg5 : memref<5000xi32, #tpu.memory_space<vmem>>) target_semaphore(%run_scoped3A : memref<!tpu.dma_semaphore, #tpu.memory_space<semaphore_mem>>)
      %dma_wait3A_68 = tpu.memref_slice %arg3[%add3A_4] : memref<320000xi32, #tpu.memory_space<hbm>> -> memref<5000xi32, #tpu.memory_space<hbm>>
      %dma_wait3A_69 = tpu.memref_slice %arg3[%add3A_4] : memref<320000xi32, #tpu.memory_space<hbm>> -> memref<5000xi32, #tpu.memory_space<hbm>>
      tpu.wait_dma2 semaphore(%run_scoped3A : memref<!tpu.dma_semaphore, #tpu.memory_space<semaphore_mem>>) src(%dma_wait3A_69 : memref<5000xi32, #tpu.memory_space<hbm>>) dst(%arg5 : memref<5000xi32, #tpu.memory_space<vmem>>)
      tpu.yield
    }) : () -> ()
    %dma_start3A = arith.constant 0 : i32
    %dma_start3A_5 = arith.constant 0 : i32
    %dma_start3A_6 = arith.constant 0 : i32
    %dma_start3A_7 = arith.constant 0 : i32
    %dma_start3A_8 = tpu.memref_slice %arg6[%dma_start3A, %dma_start3A_6, %dma_start3A_7] : memref<4x40x128xf32, #tpu.memory_space<vmem>> -> memref<1x40x128xf32, #tpu.memory_space<vmem>>
    %dma_start3A_9 = tpu.memref_squeeze %dma_start3A_8 : memref<1x40x128xf32, #tpu.memory_space<vmem>> -> memref<40x128xf32, #tpu.memory_space<vmem>>
    %dma_start3A_10 = arith.constant 0 : i32
    %dma_start3A_11 = tpu.memref_slice %arg5[%dma_start3A_10] : memref<5000xi32, #tpu.memory_space<vmem>> -> memref<40xi32, #tpu.memory_space<vmem>>
    %dma_start3A_12 = arith.constant 0 : i32
    %dma_start3A_13 = arith.constant 0 : i32
    %dma_start3A_14 = tpu.memref_slice %arg2[%dma_start3A_12, %dma_start3A_13] : memref<160000x128xf32, #tpu.memory_space<hbm>> -> memref<160000x128xf32, #tpu.memory_space<hbm>>
    %dma_start3A_15 = tpu.memref_slice %arg7[%dma_start3A_5] : memref<4x!tpu.dma_semaphore, #tpu.memory_space<semaphore_mem>> -> memref<1x!tpu.dma_semaphore, #tpu.memory_space<semaphore_mem>>
    %dma_start3A_16 = tpu.memref_squeeze %dma_start3A_15 : memref<1x!tpu.dma_semaphore, #tpu.memory_space<semaphore_mem>> -> memref<!tpu.dma_semaphore, #tpu.memory_space<semaphore_mem>>
    tpu.enqueue_indirect_dma source(%dma_start3A_14 : memref<160000x128xf32, #tpu.memory_space<hbm>>) target(%dma_start3A_9 : memref<40x128xf32, #tpu.memory_space<vmem>>) offsets(%dma_start3A_11 : memref<40xi32, #tpu.memory_space<vmem>>) semaphore(%dma_start3A_16 : memref<!tpu.dma_semaphore, #tpu.memory_space<semaphore_mem>>)
    %dma_start3A_17 = arith.constant 1 : i32
    %dma_start3A_18 = arith.constant 1 : i32
    %dma_start3A_19 = arith.constant 0 : i32
    %dma_start3A_20 = arith.constant 0 : i32
    %dma_start3A_21 = tpu.memref_slice %arg6[%dma_start3A_17, %dma_start3A_19, %dma_start3A_20] : memref<4x40x128xf32, #tpu.memory_space<vmem>> -> memref<1x40x128xf32, #tpu.memory_space<vmem>>
    %dma_start3A_22 = tpu.memref_squeeze %dma_start3A_21 : memref<1x40x128xf32, #tpu.memory_space<vmem>> -> memref<40x128xf32, #tpu.memory_space<vmem>>
    %dma_start3A_23 = arith.constant 40 : i32
    %dma_start3A_24 = tpu.memref_slice %arg5[%dma_start3A_23] : memref<5000xi32, #tpu.memory_space<vmem>> -> memref<40xi32, #tpu.memory_space<vmem>>
    %dma_start3A_25 = arith.constant 0 : i32
    %dma_start3A_26 = arith.constant 0 : i32
    %dma_start3A_27 = tpu.memref_slice %arg2[%dma_start3A_25, %dma_start3A_26] : memref<160000x128xf32, #tpu.memory_space<hbm>> -> memref<160000x128xf32, #tpu.memory_space<hbm>>
    %dma_start3A_28 = tpu.memref_slice %arg7[%dma_start3A_18] : memref<4x!tpu.dma_semaphore, #tpu.memory_space<semaphore_mem>> -> memref<1x!tpu.dma_semaphore, #tpu.memory_space<semaphore_mem>>
    %dma_start3A_29 = tpu.memref_squeeze %dma_start3A_28 : memref<1x!tpu.dma_semaphore, #tpu.memory_space<semaphore_mem>> -> memref<!tpu.dma_semaphore, #tpu.memory_space<semaphore_mem>>
    tpu.enqueue_indirect_dma source(%dma_start3A_27 : memref<160000x128xf32, #tpu.memory_space<hbm>>) target(%dma_start3A_22 : memref<40x128xf32, #tpu.memory_space<vmem>>) offsets(%dma_start3A_24 : memref<40xi32, #tpu.memory_space<vmem>>) semaphore(%dma_start3A_29 : memref<!tpu.dma_semaphore, #tpu.memory_space<semaphore_mem>>)
    %dma_start3A_30 = arith.constant 2 : i32
    %dma_start3A_31 = arith.constant 2 : i32
    %dma_start3A_32 = arith.constant 0 : i32
    %dma_start3A_33 = arith.constant 0 : i32
    %dma_start3A_34 = tpu.memref_slice %arg6[%dma_start3A_30, %dma_start3A_32, %dma_start3A_33] : memref<4x40x128xf32, #tpu.memory_space<vmem>> -> memref<1x40x128xf32, #tpu.memory_space<vmem>>
    %dma_start3A_35 = tpu.memref_squeeze %dma_start3A_34 : memref<1x40x128xf32, #tpu.memory_space<vmem>> -> memref<40x128xf32, #tpu.memory_space<vmem>>
    %dma_start3A_36 = arith.constant 80 : i32
    %dma_start3A_37 = tpu.memref_slice %arg5[%dma_start3A_36] : memref<5000xi32, #tpu.memory_space<vmem>> -> memref<40xi32, #tpu.memory_space<vmem>>
    %dma_start3A_38 = arith.constant 0 : i32
    %dma_start3A_39 = arith.constant 0 : i32
    %dma_start3A_40 = tpu.memref_slice %arg2[%dma_start3A_38, %dma_start3A_39] : memref<160000x128xf32, #tpu.memory_space<hbm>> -> memref<160000x128xf32, #tpu.memory_space<hbm>>
    %dma_start3A_41 = tpu.memref_slice %arg7[%dma_start3A_31] : memref<4x!tpu.dma_semaphore, #tpu.memory_space<semaphore_mem>> -> memref<1x!tpu.dma_semaphore, #tpu.memory_space<semaphore_mem>>
    %dma_start3A_42 = tpu.memref_squeeze %dma_start3A_41 : memref<1x!tpu.dma_semaphore, #tpu.memory_space<semaphore_mem>> -> memref<!tpu.dma_semaphore, #tpu.memory_space<semaphore_mem>>
    tpu.enqueue_indirect_dma source(%dma_start3A_40 : memref<160000x128xf32, #tpu.memory_space<hbm>>) target(%dma_start3A_35 : memref<40x128xf32, #tpu.memory_space<vmem>>) offsets(%dma_start3A_37 : memref<40xi32, #tpu.memory_space<vmem>>) semaphore(%dma_start3A_42 : memref<!tpu.dma_semaphore, #tpu.memory_space<semaphore_mem>>)
    %scan3A = arith.constant 0 : i32
    %scan3A_43 = arith.constant 0 : i32
    %scan3A_44 = arith.constant 125 : i32
    %scan3A_45 = arith.addi %scan3A_43, %scan3A_44 : i32
    %scan3A_46 = arith.constant 1 : i32
    %scan3A_47 = scf.for %scan3A_66 = %scan3A_43 to %scan3A_45 step %scan3A_46 iter_args(%scan3A_67 = %scan3A) -> (i32)  : i32 {
      %rem3A = arith.constant 4 : i32
      %rem3A_68 = arith.remsi %scan3A_66, %rem3A : i32
      %mul3A_69 = arith.constant 40 : i32
      %mul3A_70 = arith.muli %scan3A_66, %mul3A_69 : i32
      %dma_wait3A_71 = arith.constant 0 : i32
      %dma_wait3A_72 = arith.constant 0 : i32
      %dma_wait3A_73 = tpu.memref_slice %arg6[%rem3A_68, %dma_wait3A_71, %dma_wait3A_72] : memref<4x40x128xf32, #tpu.memory_space<vmem>> -> memref<1x40x128xf32, #tpu.memory_space<vmem>>
      %dma_wait3A_74 = tpu.memref_squeeze %dma_wait3A_73 : memref<1x40x128xf32, #tpu.memory_space<vmem>> -> memref<40x128xf32, #tpu.memory_space<vmem>>
      %dma_wait3A_75 = tpu.memref_slice %arg5[%mul3A_70] : memref<5000xi32, #tpu.memory_space<vmem>> -> memref<40xi32, #tpu.memory_space<vmem>>
      %dma_wait3A_76 = arith.constant 0 : i32
      %dma_wait3A_77 = arith.constant 0 : i32
      %dma_wait3A_78 = tpu.memref_slice %arg2[%dma_wait3A_76, %dma_wait3A_77] : memref<160000x128xf32, #tpu.memory_space<hbm>> -> memref<160000x128xf32, #tpu.memory_space<hbm>>
      %dma_wait3A_79 = tpu.memref_slice %arg7[%rem3A_68] : memref<4x!tpu.dma_semaphore, #tpu.memory_space<semaphore_mem>> -> memref<1x!tpu.dma_semaphore, #tpu.memory_space<semaphore_mem>>
      %dma_wait3A_80 = tpu.memref_squeeze %dma_wait3A_79 : memref<1x!tpu.dma_semaphore, #tpu.memory_space<semaphore_mem>> -> memref<!tpu.dma_semaphore, #tpu.memory_space<semaphore_mem>>
      tpu.wait_indirect_dma semaphore(%dma_wait3A_80 : memref<!tpu.dma_semaphore, #tpu.memory_space<semaphore_mem>>) src(%dma_wait3A_78 : memref<160000x128xf32, #tpu.memory_space<hbm>>) dst(%dma_wait3A_74 : memref<40x128xf32, #tpu.memory_space<vmem>>)
      %mul3A_81 = arith.constant 40 : i32
      %mul3A_82 = arith.muli %scan3A_66, %mul3A_81 : i32
      %add3A_83 = arith.addi %mul3A_2, %mul3A_82 : i32
      %dma_start3A_84 = arith.constant 0 : i32
      %dma_start3A_85 = arith.constant 0 : i32
      %dma_start3A_86 = tpu.memref_slice %arg6[%rem3A_68, %dma_start3A_84, %dma_start3A_85] : memref<4x40x128xf32, #tpu.memory_space<vmem>> -> memref<1x40x128xf32, #tpu.memory_space<vmem>>
      %dma_start3A_87 = tpu.memref_squeeze %dma_start3A_86 : memref<1x40x128xf32, #tpu.memory_space<vmem>> -> memref<40x128xf32, #tpu.memory_space<vmem>>
      %dma_start3A_88 = arith.constant 0 : i32
      %dma_start3A_89 = tpu.memref_slice %arg4[%add3A_83, %dma_start3A_88] : memref<160000x128xf32, #tpu.memory_space<hbm>> -> memref<40x128xf32, #tpu.memory_space<hbm>>
      %dma_start3A_90 = tpu.memref_slice %arg8[%rem3A_68] : memref<4x!tpu.dma_semaphore, #tpu.memory_space<semaphore_mem>> -> memref<1x!tpu.dma_semaphore, #tpu.memory_space<semaphore_mem>>
      %dma_start3A_91 = tpu.memref_squeeze %dma_start3A_90 : memref<1x!tpu.dma_semaphore, #tpu.memory_space<semaphore_mem>> -> memref<!tpu.dma_semaphore, #tpu.memory_space<semaphore_mem>>
      %dma_start3A_92 = arith.constant 0 : i32
      %dma_start3A_93 = tpu.memref_slice %arg4[%add3A_83, %dma_start3A_92] : memref<160000x128xf32, #tpu.memory_space<hbm>> -> memref<40x128xf32, #tpu.memory_space<hbm>>
      %dma_start3A_94 = arith.constant 0 : i32
      %dma_start3A_95 = arith.constant 0 : i32
      %dma_start3A_96 = tpu.memref_slice %arg6[%rem3A_68, %dma_start3A_94, %dma_start3A_95] : memref<4x40x128xf32, #tpu.memory_space<vmem>> -> memref<1x40x128xf32, #tpu.memory_space<vmem>>
      %dma_start3A_97 = tpu.memref_squeeze %dma_start3A_96 : memref<1x40x128xf32, #tpu.memory_space<vmem>> -> memref<40x128xf32, #tpu.memory_space<vmem>>
      tpu.enqueue_dma source(%dma_start3A_97 : memref<40x128xf32, #tpu.memory_space<vmem>>) target(%dma_start3A_93 : memref<40x128xf32, #tpu.memory_space<hbm>>) target_semaphore(%dma_start3A_91 : memref<!tpu.dma_semaphore, #tpu.memory_space<semaphore_mem>>)
      %ge3A = arith.constant 1 : i32
      %ge3A_98 = arith.cmpi sge, %scan3A_66, %ge3A : i32
      %convert_element_type3A = arith.extui %ge3A_98 : i1 to i32
      %cond3A = arith.constant 0 : i32
      %cond3A_99 = arith.cmpi ne, %convert_element_type3A, %cond3A : i32
      scf.if %cond3A_99 {
        %sub3A = arith.constant 1 : i32
        %sub3A_107 = arith.subi %scan3A_66, %sub3A : i32
        %sub3A_108 = arith.constant 1 : i32
        %sub3A_109 = arith.subi %scan3A_66, %sub3A_108 : i32
        %rem3A_110 = arith.constant 4 : i32
        %rem3A_111 = arith.remsi %sub3A_109, %rem3A_110 : i32
        %mul3A_112 = arith.constant 40 : i32
        %mul3A_113 = arith.muli %sub3A_107, %mul3A_112 : i32
        %add3A_114 = arith.addi %mul3A_2, %mul3A_113 : i32
        %dma_wait3A_115 = arith.constant 0 : i32
        %dma_wait3A_116 = arith.constant 0 : i32
        %dma_wait3A_117 = tpu.memref_slice %arg6[%rem3A_111, %dma_wait3A_115, %dma_wait3A_116] : memref<4x40x128xf32, #tpu.memory_space<vmem>> -> memref<1x40x128xf32, #tpu.memory_space<vmem>>
        %dma_wait3A_118 = tpu.memref_squeeze %dma_wait3A_117 : memref<1x40x128xf32, #tpu.memory_space<vmem>> -> memref<40x128xf32, #tpu.memory_space<vmem>>
        %dma_wait3A_119 = arith.constant 0 : i32
        %dma_wait3A_120 = tpu.memref_slice %arg4[%add3A_114, %dma_wait3A_119] : memref<160000x128xf32, #tpu.memory_space<hbm>> -> memref<40x128xf32, #tpu.memory_space<hbm>>
        %dma_wait3A_121 = tpu.memref_slice %arg8[%rem3A_111] : memref<4x!tpu.dma_semaphore, #tpu.memory_space<semaphore_mem>> -> memref<1x!tpu.dma_semaphore, #tpu.memory_space<semaphore_mem>>
        %dma_wait3A_122 = tpu.memref_squeeze %dma_wait3A_121 : memref<1x!tpu.dma_semaphore, #tpu.memory_space<semaphore_mem>> -> memref<!tpu.dma_semaphore, #tpu.memory_space<semaphore_mem>>
        %dma_wait3A_123 = arith.constant 0 : i32
        %dma_wait3A_124 = tpu.memref_slice %arg4[%add3A_114, %dma_wait3A_123] : memref<160000x128xf32, #tpu.memory_space<hbm>> -> memref<40x128xf32, #tpu.memory_space<hbm>>
        %dma_wait3A_125 = arith.constant 0 : i32
        %dma_wait3A_126 = arith.constant 0 : i32
        %dma_wait3A_127 = tpu.memref_slice %arg6[%rem3A_111, %dma_wait3A_125, %dma_wait3A_126] : memref<4x40x128xf32, #tpu.memory_space<vmem>> -> memref<1x40x128xf32, #tpu.memory_space<vmem>>
        %dma_wait3A_128 = tpu.memref_squeeze %dma_wait3A_127 : memref<1x40x128xf32, #tpu.memory_space<vmem>> -> memref<40x128xf32, #tpu.memory_space<vmem>>
        tpu.wait_dma2 semaphore(%dma_wait3A_122 : memref<!tpu.dma_semaphore, #tpu.memory_space<semaphore_mem>>) src(%dma_wait3A_128 : memref<40x128xf32, #tpu.memory_space<vmem>>) dst(%dma_wait3A_124 : memref<40x128xf32, #tpu.memory_space<hbm>>)
      } else {
      }
      %add3A_100 = arith.constant 3 : i32
      %add3A_101 = arith.addi %scan3A_66, %add3A_100 : i32
      %lt3A = arith.constant 125 : i32
      %lt3A_102 = arith.cmpi slt, %add3A_101, %lt3A : i32
      %convert_element_type3A_103 = arith.extui %lt3A_102 : i1 to i32
      %cond3A_104 = arith.constant 0 : i32
      %cond3A_105 = arith.cmpi ne, %convert_element_type3A_103, %cond3A_104 : i32
      scf.if %cond3A_105 {
        %add3A_107 = arith.constant 3 : i32
        %add3A_108 = arith.addi %scan3A_66, %add3A_107 : i32
        %add3A_109 = arith.constant 3 : i32
        %add3A_110 = arith.addi %scan3A_66, %add3A_109 : i32
        %rem3A_111 = arith.constant 4 : i32
        %rem3A_112 = arith.remsi %add3A_110, %rem3A_111 : i32
        %mul3A_113 = arith.constant 40 : i32
        %mul3A_114 = arith.muli %add3A_108, %mul3A_113 : i32
        %dma_start3A_115 = arith.constant 0 : i32
        %dma_start3A_116 = arith.constant 0 : i32
        %dma_start3A_117 = tpu.memref_slice %arg6[%rem3A_112, %dma_start3A_115, %dma_start3A_116] : memref<4x40x128xf32, #tpu.memory_space<vmem>> -> memref<1x40x128xf32, #tpu.memory_space<vmem>>
        %dma_start3A_118 = tpu.memref_squeeze %dma_start3A_117 : memref<1x40x128xf32, #tpu.memory_space<vmem>> -> memref<40x128xf32, #tpu.memory_space<vmem>>
        %dma_start3A_119 = tpu.memref_slice %arg5[%mul3A_114] : memref<5000xi32, #tpu.memory_space<vmem>> -> memref<40xi32, #tpu.memory_space<vmem>>
        %dma_start3A_120 = arith.constant 0 : i32
        %dma_start3A_121 = arith.constant 0 : i32
        %dma_start3A_122 = tpu.memref_slice %arg2[%dma_start3A_120, %dma_start3A_121] : memref<160000x128xf32, #tpu.memory_space<hbm>> -> memref<160000x128xf32, #tpu.memory_space<hbm>>
        %dma_start3A_123 = tpu.memref_slice %arg7[%rem3A_112] : memref<4x!tpu.dma_semaphore, #tpu.memory_space<semaphore_mem>> -> memref<1x!tpu.dma_semaphore, #tpu.memory_space<semaphore_mem>>
        %dma_start3A_124 = tpu.memref_squeeze %dma_start3A_123 : memref<1x!tpu.dma_semaphore, #tpu.memory_space<semaphore_mem>> -> memref<!tpu.dma_semaphore, #tpu.memory_space<semaphore_mem>>
        tpu.enqueue_indirect_dma source(%dma_start3A_122 : memref<160000x128xf32, #tpu.memory_space<hbm>>) target(%dma_start3A_118 : memref<40x128xf32, #tpu.memory_space<vmem>>) offsets(%dma_start3A_119 : memref<40xi32, #tpu.memory_space<vmem>>) semaphore(%dma_start3A_124 : memref<!tpu.dma_semaphore, #tpu.memory_space<semaphore_mem>>)
      } else {
      }
      %scan3A_106 = arith.constant 0 : i32
      scf.yield %scan3A_106 : i32
    }
    %scan3A_48 = arith.constant 125 : i32
    %add3A_49 = arith.constant 4960 : i32
    %add3A_50 = arith.addi %mul3A_2, %add3A_49 : i32
    %dma_wait3A = arith.constant 0 : i32
    %dma_wait3A_51 = arith.constant 0 : i32
    %dma_wait3A_52 = arith.constant 0 : i32
    %dma_wait3A_53 = arith.constant 0 : i32
    %dma_wait3A_54 = tpu.memref_slice %arg6[%dma_wait3A, %dma_wait3A_52, %dma_wait3A_53] : memref<4x40x128xf32, #tpu.memory_space<vmem>> -> memref<1x40x128xf32, #tpu.memory_space<vmem>>
    %dma_wait3A_55 = tpu.memref_squeeze %dma_wait3A_54 : memref<1x40x128xf32, #tpu.memory_space<vmem>> -> memref<40x128xf32, #tpu.memory_space<vmem>>
    %dma_wait3A_56 = arith.constant 0 : i32
    %dma_wait3A_57 = tpu.memref_slice %arg4[%add3A_50, %dma_wait3A_56] : memref<160000x128xf32, #tpu.memory_space<hbm>> -> memref<40x128xf32, #tpu.memory_space<hbm>>
    %dma_wait3A_58 = tpu.memref_slice %arg8[%dma_wait3A_51] : memref<4x!tpu.dma_semaphore, #tpu.memory_space<semaphore_mem>> -> memref<1x!tpu.dma_semaphore, #tpu.memory_space<semaphore_mem>>
    %dma_wait3A_59 = tpu.memref_squeeze %dma_wait3A_58 : memref<1x!tpu.dma_semaphore, #tpu.memory_space<semaphore_mem>> -> memref<!tpu.dma_semaphore, #tpu.memory_space<semaphore_mem>>
    %dma_wait3A_60 = arith.constant 0 : i32
    %dma_wait3A_61 = tpu.memref_slice %arg4[%add3A_50, %dma_wait3A_60] : memref<160000x128xf32, #tpu.memory_space<hbm>> -> memref<40x128xf32, #tpu.memory_space<hbm>>
    %dma_wait3A_62 = arith.constant 0 : i32
    %dma_wait3A_63 = arith.constant 0 : i32
    %dma_wait3A_64 = tpu.memref_slice %arg6[%dma_wait3A, %dma_wait3A_62, %dma_wait3A_63] : memref<4x40x128xf32, #tpu.memory_space<vmem>> -> memref<1x40x128xf32, #tpu.memory_space<vmem>>
    %dma_wait3A_65 = tpu.memref_squeeze %dma_wait3A_64 : memref<1x40x128xf32, #tpu.memory_space<vmem>> -> memref<40x128xf32, #tpu.memory_space<vmem>>
    tpu.wait_dma2 semaphore(%dma_wait3A_59 : memref<!tpu.dma_semaphore, #tpu.memory_space<semaphore_mem>>) src(%dma_wait3A_65 : memref<40x128xf32, #tpu.memory_space<vmem>>) dst(%dma_wait3A_61 : memref<40x128xf32, #tpu.memory_space<hbm>>)
    return
  }
}

module attributes {stable_mosaic.version = 14 : i64} {
  func.func @_edge_pre_body(%arg0: i32, %arg1: memref<3200x128xf32, #tpu.memory_space<vmem>>, %arg2: memref<6x3200xf32, #tpu.memory_space<vmem>>, %arg3: memref<6x128xf32, #tpu.memory_space<vmem>>, %arg4: memref<128x128xf32, #tpu.memory_space<vmem>>, %arg5: memref<1x128xf32, #tpu.memory_space<vmem>>, %arg6: memref<128x128xf32, #tpu.memory_space<vmem>>, %arg7: memref<1x128xf32, #tpu.memory_space<vmem>>, %arg8: memref<3200x128xf32, #tpu.memory_space<vmem>>, %arg9: memref<3200x128xf32, #tpu.memory_space<vmem>>) attributes {dimension_semantics = [#tpu.dimension_semantics<arbitrary>], iteration_bounds = array<i64: 50>, scalar_prefetch = 0 : i64, scratch_operands = 0 : i64, tpu.core_type = #tpu.core_type<tc>, window_params = [{transform_indices = @transform_0, window_bounds = array<i64: 3200, 128>}, {transform_indices = @transform_1, window_bounds = array<i64: 6, 3200>}, {pipeline_mode = #tpu.pipeline_mode<synchronous>, transform_indices = @transform_2, window_bounds = array<i64: 6, 128>}, {pipeline_mode = #tpu.pipeline_mode<synchronous>, transform_indices = @transform_3, window_bounds = array<i64: 128, 128>}, {pipeline_mode = #tpu.pipeline_mode<synchronous>, transform_indices = @transform_4, window_bounds = array<i64: 1, 128>}, {pipeline_mode = #tpu.pipeline_mode<synchronous>, transform_indices = @transform_5, window_bounds = array<i64: 128, 128>}, {pipeline_mode = #tpu.pipeline_mode<synchronous>, transform_indices = @transform_6, window_bounds = array<i64: 1, 128>}, {transform_indices = @transform_7, window_bounds = array<i64: 3200, 128>}, {transform_indices = @transform_8, window_bounds = array<i64: 3200, 128>}]} {
    %get3A = arith.constant 0 : index
    %get3A_0 = arith.constant 0 : index
    %get3A_1 = vector.load %arg1[%get3A, %get3A_0] : memref<3200x128xf32, #tpu.memory_space<vmem>>, vector<3200x128xf32>
    %get3A_2 = arith.constant 0 : index
    %get3A_3 = arith.constant 0 : index
    %get3A_4 = vector.load %arg6[%get3A_2, %get3A_3] : memref<128x128xf32, #tpu.memory_space<vmem>>, vector<128x128xf32>
    %dot_general3A = arith.constant dense<0.000000e+00> : vector<3200x128xf32>
    %dot_general3A_5 = tpu.matmul %get3A_1, %get3A_4, %dot_general3A {dimension_numbers = #tpu.dot_dimension_numbers<[1], [0], [0], [1], [0, 0, 1, 1], [], []>, transpose_lhs_hint = false} : vector<3200x128xf32>, vector<128x128xf32>, vector<3200x128xf32> -> vector<3200x128xf32>
    %get3A_6 = arith.constant 0 : index
    %get3A_7 = arith.constant 0 : index
    %get3A_8 = vector.load %arg7[%get3A_6, %get3A_7] : memref<1x128xf32, #tpu.memory_space<vmem>>, vector<1x128xf32>
    %add3A = vector.broadcast %get3A_8 : vector<1x128xf32> to vector<3200x128xf32>
    %add3A_9 = arith.addf %dot_general3A_5, %add3A : vector<3200x128xf32>
    %logistic3A = arith.negf %add3A_9 : vector<3200x128xf32>
    %logistic3A_10 = math.exp %logistic3A : vector<3200x128xf32>
    %logistic3A_11 = arith.constant 1.000000e+00 : f32
    %logistic3A_12 = vector.broadcast %logistic3A_11 : f32 to vector<3200x128xf32>
    %logistic3A_13 = arith.addf %logistic3A_12, %logistic3A_10 : vector<3200x128xf32>
    %logistic3A_14 = arith.divf %logistic3A_12, %logistic3A_13 : vector<3200x128xf32>
    %mul3A = arith.mulf %add3A_9, %logistic3A_14 : vector<3200x128xf32>
    %swap3A = arith.constant 0 : index
    %swap3A_15 = arith.constant 0 : index
    %swap3A_16 = vector.load %arg8[%swap3A, %swap3A_15] : memref<3200x128xf32, #tpu.memory_space<vmem>>, vector<3200x128xf32>
    tpu.vector_store %arg8[%swap3A, %swap3A_15], %mul3A {strides = array<i32>} : memref<3200x128xf32, #tpu.memory_space<vmem>>, vector<3200x128xf32>,
    %get3A_17 = arith.constant 0 : index
    %get3A_18 = arith.constant 0 : index
    %get3A_19 = vector.load %arg4[%get3A_17, %get3A_18] : memref<128x128xf32, #tpu.memory_space<vmem>>, vector<128x128xf32>
    %dot_general3A_20 = arith.constant dense<0.000000e+00> : vector<3200x128xf32>
    %dot_general3A_21 = tpu.matmul %get3A_1, %get3A_19, %dot_general3A_20 {dimension_numbers = #tpu.dot_dimension_numbers<[1], [0], [0], [1], [0, 0, 1, 1], [], []>, transpose_lhs_hint = false} : vector<3200x128xf32>, vector<128x128xf32>, vector<3200x128xf32> -> vector<3200x128xf32>
    %get3A_22 = arith.constant 0 : index
    %get3A_23 = arith.constant 0 : index
    %get3A_24 = vector.load %arg5[%get3A_22, %get3A_23] : memref<1x128xf32, #tpu.memory_space<vmem>>, vector<1x128xf32>
    %add3A_25 = vector.broadcast %get3A_24 : vector<1x128xf32> to vector<3200x128xf32>
    %add3A_26 = arith.addf %dot_general3A_21, %add3A_25 : vector<3200x128xf32>
    %get3A_27 = arith.constant 0 : index
    %get3A_28 = arith.constant 0 : index
    %get3A_29 = vector.load %arg2[%get3A_27, %get3A_28] : memref<6x3200xf32, #tpu.memory_space<vmem>>, vector<6x3200xf32>
    %get3A_30 = arith.constant 0 : index
    %get3A_31 = arith.constant 0 : index
    %get3A_32 = vector.load %arg3[%get3A_30, %get3A_31] : memref<6x128xf32, #tpu.memory_space<vmem>>, vector<6x128xf32>
    %dot_general3A_33 = arith.constant dense<0.000000e+00> : vector<3200x128xf32>
    %dot_general3A_34 = tpu.matmul %get3A_29, %get3A_32, %dot_general3A_33 {dimension_numbers = #tpu.dot_dimension_numbers<[0], [0], [1], [1], [0, 1, 1, 1], [], []>, transpose_lhs_hint = false} : vector<6x3200xf32>, vector<6x128xf32>, vector<3200x128xf32> -> vector<3200x128xf32>
    %logistic3A_35 = arith.negf %add3A_26 : vector<3200x128xf32>
    %logistic3A_36 = math.exp %logistic3A_35 : vector<3200x128xf32>
    %logistic3A_37 = arith.constant 1.000000e+00 : f32
    %logistic3A_38 = vector.broadcast %logistic3A_37 : f32 to vector<3200x128xf32>
    %logistic3A_39 = arith.addf %logistic3A_38, %logistic3A_36 : vector<3200x128xf32>
    %logistic3A_40 = arith.divf %logistic3A_38, %logistic3A_39 : vector<3200x128xf32>
    %mul3A_41 = arith.mulf %add3A_26, %logistic3A_40 : vector<3200x128xf32>
    %mul3A_42 = arith.mulf %mul3A_41, %dot_general3A_34 : vector<3200x128xf32>
    %swap3A_43 = arith.constant 0 : index
    %swap3A_44 = arith.constant 0 : index
    %swap3A_45 = vector.load %arg9[%swap3A_43, %swap3A_44] : memref<3200x128xf32, #tpu.memory_space<vmem>>, vector<3200x128xf32>
    tpu.vector_store %arg9[%swap3A_43, %swap3A_44], %mul3A_42 {strides = array<i32>} : memref<3200x128xf32, #tpu.memory_space<vmem>>, vector<3200x128xf32>,
    return
  }
  func.func @transform_0(%arg0: i32) -> (i32, i32) {
    %c0_i32 = arith.constant 0 : i32
    %c0_i32_0 = arith.constant 0 : i32
    return %arg0, %c0_i32 : i32, i32
  }
  func.func @transform_1(%arg0: i32) -> (i32, i32) {
    %c0_i32 = arith.constant 0 : i32
    %c0_i32_0 = arith.constant 0 : i32
    return %c0_i32, %arg0 : i32, i32
  }
  func.func @transform_2(%arg0: i32) -> (i32, i32) {
    %c0_i32 = arith.constant 0 : i32
    %c0_i32_0 = arith.constant 0 : i32
    %c0_i32_1 = arith.constant 0 : i32
    return %c0_i32, %c0_i32_0 : i32, i32
  }
  func.func @transform_3(%arg0: i32) -> (i32, i32) {
    %c0_i32 = arith.constant 0 : i32
    %c0_i32_0 = arith.constant 0 : i32
    %c0_i32_1 = arith.constant 0 : i32
    return %c0_i32, %c0_i32_0 : i32, i32
  }
  func.func @transform_4(%arg0: i32) -> (i32, i32) {
    %c0_i32 = arith.constant 0 : i32
    %c0_i32_0 = arith.constant 0 : i32
    %c0_i32_1 = arith.constant 0 : i32
    return %c0_i32, %c0_i32_0 : i32, i32
  }
  func.func @transform_5(%arg0: i32) -> (i32, i32) {
    %c0_i32 = arith.constant 0 : i32
    %c0_i32_0 = arith.constant 0 : i32
    %c0_i32_1 = arith.constant 0 : i32
    return %c0_i32, %c0_i32_0 : i32, i32
  }
  func.func @transform_6(%arg0: i32) -> (i32, i32) {
    %c0_i32 = arith.constant 0 : i32
    %c0_i32_0 = arith.constant 0 : i32
    %c0_i32_1 = arith.constant 0 : i32
    return %c0_i32, %c0_i32_0 : i32, i32
  }
  func.func @transform_7(%arg0: i32) -> (i32, i32) {
    %c0_i32 = arith.constant 0 : i32
    %c0_i32_0 = arith.constant 0 : i32
    return %arg0, %c0_i32 : i32, i32
  }
  func.func @transform_8(%arg0: i32) -> (i32, i32) {
    %c0_i32 = arith.constant 0 : i32
    %c0_i32_0 = arith.constant 0 : i32
    return %arg0, %c0_i32 : i32, i32
  }
}

module attributes {stable_mosaic.version = 14 : i64} {
  func.func @body(%arg0: i32, %arg1: memref<3200x128xf32, #tpu.memory_space<vmem>>, %arg2: memref<42x3200xf32, #tpu.memory_space<vmem>>, %arg3: memref<42x8xf32, #tpu.memory_space<vmem>>, %arg4: memref<8x128x128xf32, #tpu.memory_space<vmem>>, %arg5: memref<320000x128xf32, #tpu.memory_space<any>>, %arg6: memref<3200x128xf32, #tpu.memory_space<vmem>>) attributes {dimension_semantics = [#tpu.dimension_semantics<arbitrary>], iteration_bounds = array<i64: 50>, scalar_prefetch = 0 : i64, scratch_operands = 0 : i64, tpu.core_type = #tpu.core_type<tc>, window_params = [{transform_indices = @transform_0, window_bounds = array<i64: 3200, 128>}, {transform_indices = @transform_1, window_bounds = array<i64: 42, 3200>}, {pipeline_mode = #tpu.pipeline_mode<synchronous>, transform_indices = @transform_2, window_bounds = array<i64: 42, 8>}, {pipeline_mode = #tpu.pipeline_mode<synchronous>, transform_indices = @transform_3, window_bounds = array<i64: 8, 128, 128>}, {}, {transform_indices = @transform_5, window_bounds = array<i64: 3200, 128>}]} {
    %get3A = arith.constant 0 : index
    %get3A_0 = arith.constant 0 : index
    %get3A_1 = vector.load %arg2[%get3A, %get3A_0] : memref<42x3200xf32, #tpu.memory_space<vmem>>, vector<42x3200xf32>
    %get3A_2 = arith.constant 0 : index
    %get3A_3 = arith.constant 0 : index
    %get3A_4 = vector.load %arg3[%get3A_2, %get3A_3] : memref<42x8xf32, #tpu.memory_space<vmem>>, vector<42x8xf32>
    %dot_general3A = arith.constant dense<0.000000e+00> : vector<3200x8xf32>
    %dot_general3A_5 = tpu.matmul %get3A_1, %get3A_4, %dot_general3A {dimension_numbers = #tpu.dot_dimension_numbers<[0], [0], [1], [1], [0, 1, 1, 1], [], []>, transpose_lhs_hint = false} : vector<42x3200xf32>, vector<42x8xf32>, vector<3200x8xf32> -> vector<3200x8xf32>
    %get3A_6 = arith.constant 0 : index
    %get3A_7 = arith.constant 0 : index
    %get3A_8 = vector.load %arg1[%get3A_6, %get3A_7] : memref<3200x128xf32, #tpu.memory_space<vmem>>, vector<3200x128xf32>
    %broadcast_in_dim3A = arith.constant 0.000000e+00 : f32
    %broadcast_in_dim3A_9 = vector.broadcast %broadcast_in_dim3A : f32 to vector<3200x128xf32>
    %slice3A = vector.extract_strided_slice %dot_general3A_5 {offsets = [0, 0], sizes = [3200, 1], strides = [1, 1]} : vector<3200x8xf32> to vector<3200x1xf32>
    %mul3A = vector.broadcast %slice3A : vector<3200x1xf32> to vector<3200x128xf32>
    %mul3A_10 = arith.mulf %get3A_8, %mul3A : vector<3200x128xf32>
    %get3A_11 = arith.constant 0 : index
    %get3A_12 = arith.constant 0 : index
    %get3A_13 = arith.constant 0 : index
    %get3A_14 = vector.load %arg4[%get3A_11, %get3A_12, %get3A_13] : memref<8x128x128xf32, #tpu.memory_space<vmem>>, vector<1x128x128xf32>
    %get3A_15 = vector.shape_cast %get3A_14 : vector<1x128x128xf32> to vector<128x128xf32>
    %dot_general3A_16 = arith.constant dense<0.000000e+00> : vector<3200x128xf32>
    %dot_general3A_17 = tpu.matmul %mul3A_10, %get3A_15, %dot_general3A_16 {dimension_numbers = #tpu.dot_dimension_numbers<[1], [0], [0], [1], [0, 0, 1, 1], [], []>, transpose_lhs_hint = false} : vector<3200x128xf32>, vector<128x128xf32>, vector<3200x128xf32> -> vector<3200x128xf32>
    %add3A = arith.addf %broadcast_in_dim3A_9, %dot_general3A_17 : vector<3200x128xf32>
    %slice3A_18 = vector.extract_strided_slice %dot_general3A_5 {offsets = [0, 1], sizes = [3200, 1], strides = [1, 1]} : vector<3200x8xf32> to vector<3200x1xf32>
    %mul3A_19 = vector.broadcast %slice3A_18 : vector<3200x1xf32> to vector<3200x128xf32>
    %mul3A_20 = arith.mulf %get3A_8, %mul3A_19 : vector<3200x128xf32>
    %get3A_21 = arith.constant 1 : index
    %get3A_22 = arith.constant 0 : index
    %get3A_23 = arith.constant 0 : index
    %get3A_24 = vector.load %arg4[%get3A_21, %get3A_22, %get3A_23] : memref<8x128x128xf32, #tpu.memory_space<vmem>>, vector<1x128x128xf32>
    %get3A_25 = vector.shape_cast %get3A_24 : vector<1x128x128xf32> to vector<128x128xf32>
    %dot_general3A_26 = arith.constant dense<0.000000e+00> : vector<3200x128xf32>
    %dot_general3A_27 = tpu.matmul %mul3A_20, %get3A_25, %dot_general3A_26 {dimension_numbers = #tpu.dot_dimension_numbers<[1], [0], [0], [1], [0, 0, 1, 1], [], []>, transpose_lhs_hint = false} : vector<3200x128xf32>, vector<128x128xf32>, vector<3200x128xf32> -> vector<3200x128xf32>
    %add3A_28 = arith.addf %add3A, %dot_general3A_27 : vector<3200x128xf32>
    %slice3A_29 = vector.extract_strided_slice %dot_general3A_5 {offsets = [0, 2], sizes = [3200, 1], strides = [1, 1]} : vector<3200x8xf32> to vector<3200x1xf32>
    %mul3A_30 = vector.broadcast %slice3A_29 : vector<3200x1xf32> to vector<3200x128xf32>
    %mul3A_31 = arith.mulf %get3A_8, %mul3A_30 : vector<3200x128xf32>
    %get3A_32 = arith.constant 2 : index
    %get3A_33 = arith.constant 0 : index
    %get3A_34 = arith.constant 0 : index
    %get3A_35 = vector.load %arg4[%get3A_32, %get3A_33, %get3A_34] : memref<8x128x128xf32, #tpu.memory_space<vmem>>, vector<1x128x128xf32>
    %get3A_36 = vector.shape_cast %get3A_35 : vector<1x128x128xf32> to vector<128x128xf32>
    %dot_general3A_37 = arith.constant dense<0.000000e+00> : vector<3200x128xf32>
    %dot_general3A_38 = tpu.matmul %mul3A_31, %get3A_36, %dot_general3A_37 {dimension_numbers = #tpu.dot_dimension_numbers<[1], [0], [0], [1], [0, 0, 1, 1], [], []>, transpose_lhs_hint = false} : vector<3200x128xf32>, vector<128x128xf32>, vector<3200x128xf32> -> vector<3200x128xf32>
    %add3A_39 = arith.addf %add3A_28, %dot_general3A_38 : vector<3200x128xf32>
    %slice3A_40 = vector.extract_strided_slice %dot_general3A_5 {offsets = [0, 3], sizes = [3200, 1], strides = [1, 1]} : vector<3200x8xf32> to vector<3200x1xf32>
    %mul3A_41 = vector.broadcast %slice3A_40 : vector<3200x1xf32> to vector<3200x128xf32>
    %mul3A_42 = arith.mulf %get3A_8, %mul3A_41 : vector<3200x128xf32>
    %get3A_43 = arith.constant 3 : index
    %get3A_44 = arith.constant 0 : index
    %get3A_45 = arith.constant 0 : index
    %get3A_46 = vector.load %arg4[%get3A_43, %get3A_44, %get3A_45] : memref<8x128x128xf32, #tpu.memory_space<vmem>>, vector<1x128x128xf32>
    %get3A_47 = vector.shape_cast %get3A_46 : vector<1x128x128xf32> to vector<128x128xf32>
    %dot_general3A_48 = arith.constant dense<0.000000e+00> : vector<3200x128xf32>
    %dot_general3A_49 = tpu.matmul %mul3A_42, %get3A_47, %dot_general3A_48 {dimension_numbers = #tpu.dot_dimension_numbers<[1], [0], [0], [1], [0, 0, 1, 1], [], []>, transpose_lhs_hint = false} : vector<3200x128xf32>, vector<128x128xf32>, vector<3200x128xf32> -> vector<3200x128xf32>
    %add3A_50 = arith.addf %add3A_39, %dot_general3A_49 : vector<3200x128xf32>
    %slice3A_51 = vector.extract_strided_slice %dot_general3A_5 {offsets = [0, 4], sizes = [3200, 1], strides = [1, 1]} : vector<3200x8xf32> to vector<3200x1xf32>
    %mul3A_52 = vector.broadcast %slice3A_51 : vector<3200x1xf32> to vector<3200x128xf32>
    %mul3A_53 = arith.mulf %get3A_8, %mul3A_52 : vector<3200x128xf32>
    %get3A_54 = arith.constant 4 : index
    %get3A_55 = arith.constant 0 : index
    %get3A_56 = arith.constant 0 : index
    %get3A_57 = vector.load %arg4[%get3A_54, %get3A_55, %get3A_56] : memref<8x128x128xf32, #tpu.memory_space<vmem>>, vector<1x128x128xf32>
    %get3A_58 = vector.shape_cast %get3A_57 : vector<1x128x128xf32> to vector<128x128xf32>
    %dot_general3A_59 = arith.constant dense<0.000000e+00> : vector<3200x128xf32>
    %dot_general3A_60 = tpu.matmul %mul3A_53, %get3A_58, %dot_general3A_59 {dimension_numbers = #tpu.dot_dimension_numbers<[1], [0], [0], [1], [0, 0, 1, 1], [], []>, transpose_lhs_hint = false} : vector<3200x128xf32>, vector<128x128xf32>, vector<3200x128xf32> -> vector<3200x128xf32>
    %add3A_61 = arith.addf %add3A_50, %dot_general3A_60 : vector<3200x128xf32>
    %slice3A_62 = vector.extract_strided_slice %dot_general3A_5 {offsets = [0, 5], sizes = [3200, 1], strides = [1, 1]} : vector<3200x8xf32> to vector<3200x1xf32>
    %mul3A_63 = vector.broadcast %slice3A_62 : vector<3200x1xf32> to vector<3200x128xf32>
    %mul3A_64 = arith.mulf %get3A_8, %mul3A_63 : vector<3200x128xf32>
    %get3A_65 = arith.constant 5 : index
    %get3A_66 = arith.constant 0 : index
    %get3A_67 = arith.constant 0 : index
    %get3A_68 = vector.load %arg4[%get3A_65, %get3A_66, %get3A_67] : memref<8x128x128xf32, #tpu.memory_space<vmem>>, vector<1x128x128xf32>
    %get3A_69 = vector.shape_cast %get3A_68 : vector<1x128x128xf32> to vector<128x128xf32>
    %dot_general3A_70 = arith.constant dense<0.000000e+00> : vector<3200x128xf32>
    %dot_general3A_71 = tpu.matmul %mul3A_64, %get3A_69, %dot_general3A_70 {dimension_numbers = #tpu.dot_dimension_numbers<[1], [0], [0], [1], [0, 0, 1, 1], [], []>, transpose_lhs_hint = false} : vector<3200x128xf32>, vector<128x128xf32>, vector<3200x128xf32> -> vector<3200x128xf32>
    %add3A_72 = arith.addf %add3A_61, %dot_general3A_71 : vector<3200x128xf32>
    %slice3A_73 = vector.extract_strided_slice %dot_general3A_5 {offsets = [0, 6], sizes = [3200, 1], strides = [1, 1]} : vector<3200x8xf32> to vector<3200x1xf32>
    %mul3A_74 = vector.broadcast %slice3A_73 : vector<3200x1xf32> to vector<3200x128xf32>
    %mul3A_75 = arith.mulf %get3A_8, %mul3A_74 : vector<3200x128xf32>
    %get3A_76 = arith.constant 6 : index
    %get3A_77 = arith.constant 0 : index
    %get3A_78 = arith.constant 0 : index
    %get3A_79 = vector.load %arg4[%get3A_76, %get3A_77, %get3A_78] : memref<8x128x128xf32, #tpu.memory_space<vmem>>, vector<1x128x128xf32>
    %get3A_80 = vector.shape_cast %get3A_79 : vector<1x128x128xf32> to vector<128x128xf32>
    %dot_general3A_81 = arith.constant dense<0.000000e+00> : vector<3200x128xf32>
    %dot_general3A_82 = tpu.matmul %mul3A_75, %get3A_80, %dot_general3A_81 {dimension_numbers = #tpu.dot_dimension_numbers<[1], [0], [0], [1], [0, 0, 1, 1], [], []>, transpose_lhs_hint = false} : vector<3200x128xf32>, vector<128x128xf32>, vector<3200x128xf32> -> vector<3200x128xf32>
    %add3A_83 = arith.addf %add3A_72, %dot_general3A_82 : vector<3200x128xf32>
    %slice3A_84 = vector.extract_strided_slice %dot_general3A_5 {offsets = [0, 7], sizes = [3200, 1], strides = [1, 1]} : vector<3200x8xf32> to vector<3200x1xf32>
    %mul3A_85 = vector.broadcast %slice3A_84 : vector<3200x1xf32> to vector<3200x128xf32>
    %mul3A_86 = arith.mulf %get3A_8, %mul3A_85 : vector<3200x128xf32>
    %get3A_87 = arith.constant 7 : index
    %get3A_88 = arith.constant 0 : index
    %get3A_89 = arith.constant 0 : index
    %get3A_90 = vector.load %arg4[%get3A_87, %get3A_88, %get3A_89] : memref<8x128x128xf32, #tpu.memory_space<vmem>>, vector<1x128x128xf32>
    %get3A_91 = vector.shape_cast %get3A_90 : vector<1x128x128xf32> to vector<128x128xf32>
    %dot_general3A_92 = arith.constant dense<0.000000e+00> : vector<3200x128xf32>
    %dot_general3A_93 = tpu.matmul %mul3A_86, %get3A_91, %dot_general3A_92 {dimension_numbers = #tpu.dot_dimension_numbers<[1], [0], [0], [1], [0, 0, 1, 1], [], []>, transpose_lhs_hint = false} : vector<3200x128xf32>, vector<128x128xf32>, vector<3200x128xf32> -> vector<3200x128xf32>
    %add3A_94 = arith.addf %add3A_83, %dot_general3A_93 : vector<3200x128xf32>
    %swap3A = arith.constant 0 : index
    %swap3A_95 = arith.constant 0 : index
    %swap3A_96 = vector.load %arg6[%swap3A, %swap3A_95] : memref<3200x128xf32, #tpu.memory_space<vmem>>, vector<3200x128xf32>
    tpu.vector_store %arg6[%swap3A, %swap3A_95], %add3A_94 {strides = array<i32>} : memref<3200x128xf32, #tpu.memory_space<vmem>>, vector<3200x128xf32>,
    return
  }
  func.func @transform_0(%arg0: i32) -> (i32, i32) {
    %c0_i32 = arith.constant 0 : i32
    %c0_i32_0 = arith.constant 0 : i32
    return %arg0, %c0_i32 : i32, i32
  }
  func.func @transform_1(%arg0: i32) -> (i32, i32) {
    %add3A = arith.constant 50 : i32
    %add3A_0 = arith.addi %add3A, %arg0 : i32
    %c0_i32 = arith.constant 0 : i32
    %c0_i32_1 = arith.constant 0 : i32
    return %c0_i32, %add3A_0 : i32, i32
  }
  func.func @transform_2(%arg0: i32) -> (i32, i32) {
    %c0_i32 = arith.constant 0 : i32
    %c0_i32_0 = arith.constant 0 : i32
    %c0_i32_1 = arith.constant 0 : i32
    return %c0_i32, %c0_i32_0 : i32, i32
  }
  func.func @transform_3(%arg0: i32) -> (i32, i32, i32) {
    %c0_i32 = arith.constant 0 : i32
    %c0_i32_0 = arith.constant 0 : i32
    %c0_i32_1 = arith.constant 0 : i32
    %c0_i32_2 = arith.constant 0 : i32
    return %c0_i32, %c0_i32_0, %c0_i32_1 : i32, i32, i32
  }
  func.func @transform_5(%arg0: i32) -> (i32, i32) {
    %add3A = arith.constant 50 : i32
    %add3A_0 = arith.addi %add3A, %arg0 : i32
    %c0_i32 = arith.constant 0 : i32
    %c0_i32_1 = arith.constant 0 : i32
    return %add3A_0, %c0_i32 : i32, i32
  }
}

module attributes {stable_mosaic.version = 14 : i64} {
  func.func @body(%arg0: i32, %arg1: memref<3200x128xf32, #tpu.memory_space<vmem>>, %arg2: memref<42x3200xf32, #tpu.memory_space<vmem>>, %arg3: memref<42x8xf32, #tpu.memory_space<vmem>>, %arg4: memref<8x128x128xf32, #tpu.memory_space<vmem>>, %arg5: memref<3200x128xf32, #tpu.memory_space<vmem>>) attributes {dimension_semantics = [#tpu.dimension_semantics<arbitrary>], iteration_bounds = array<i64: 50>, scalar_prefetch = 0 : i64, scratch_operands = 0 : i64, tpu.core_type = #tpu.core_type<tc>, window_params = [{transform_indices = @transform_0, window_bounds = array<i64: 3200, 128>}, {transform_indices = @transform_1, window_bounds = array<i64: 42, 3200>}, {pipeline_mode = #tpu.pipeline_mode<synchronous>, transform_indices = @transform_2, window_bounds = array<i64: 42, 8>}, {pipeline_mode = #tpu.pipeline_mode<synchronous>, transform_indices = @transform_3, window_bounds = array<i64: 8, 128, 128>}, {transform_indices = @transform_4, window_bounds = array<i64: 3200, 128>}]} {
    %get3A = arith.constant 0 : index
    %get3A_0 = arith.constant 0 : index
    %get3A_1 = vector.load %arg2[%get3A, %get3A_0] : memref<42x3200xf32, #tpu.memory_space<vmem>>, vector<42x3200xf32>
    %get3A_2 = arith.constant 0 : index
    %get3A_3 = arith.constant 0 : index
    %get3A_4 = vector.load %arg3[%get3A_2, %get3A_3] : memref<42x8xf32, #tpu.memory_space<vmem>>, vector<42x8xf32>
    %dot_general3A = arith.constant dense<0.000000e+00> : vector<3200x8xf32>
    %dot_general3A_5 = tpu.matmul %get3A_1, %get3A_4, %dot_general3A {dimension_numbers = #tpu.dot_dimension_numbers<[0], [0], [1], [1], [0, 1, 1, 1], [], []>, transpose_lhs_hint = false} : vector<42x3200xf32>, vector<42x8xf32>, vector<3200x8xf32> -> vector<3200x8xf32>
    %get3A_6 = arith.constant 0 : index
    %get3A_7 = arith.constant 0 : index
    %get3A_8 = vector.load %arg1[%get3A_6, %get3A_7] : memref<3200x128xf32, #tpu.memory_space<vmem>>, vector<3200x128xf32>
    %broadcast_in_dim3A = arith.constant 0.000000e+00 : f32
    %broadcast_in_dim3A_9 = vector.broadcast %broadcast_in_dim3A : f32 to vector<3200x128xf32>
    %slice3A = vector.extract_strided_slice %dot_general3A_5 {offsets = [0, 0], sizes = [3200, 1], strides = [1, 1]} : vector<3200x8xf32> to vector<3200x1xf32>
    %mul3A = vector.broadcast %slice3A : vector<3200x1xf32> to vector<3200x128xf32>
    %mul3A_10 = arith.mulf %get3A_8, %mul3A : vector<3200x128xf32>
    %get3A_11 = arith.constant 0 : index
    %get3A_12 = arith.constant 0 : index
    %get3A_13 = arith.constant 0 : index
    %get3A_14 = vector.load %arg4[%get3A_11, %get3A_12, %get3A_13] : memref<8x128x128xf32, #tpu.memory_space<vmem>>, vector<1x128x128xf32>
    %get3A_15 = vector.shape_cast %get3A_14 : vector<1x128x128xf32> to vector<128x128xf32>
    %dot_general3A_16 = arith.constant dense<0.000000e+00> : vector<3200x128xf32>
    %dot_general3A_17 = tpu.matmul %mul3A_10, %get3A_15, %dot_general3A_16 {dimension_numbers = #tpu.dot_dimension_numbers<[1], [0], [0], [1], [0, 0, 1, 1], [], []>, transpose_lhs_hint = false} : vector<3200x128xf32>, vector<128x128xf32>, vector<3200x128xf32> -> vector<3200x128xf32>
    %add3A = arith.addf %broadcast_in_dim3A_9, %dot_general3A_17 : vector<3200x128xf32>
    %slice3A_18 = vector.extract_strided_slice %dot_general3A_5 {offsets = [0, 1], sizes = [3200, 1], strides = [1, 1]} : vector<3200x8xf32> to vector<3200x1xf32>
    %mul3A_19 = vector.broadcast %slice3A_18 : vector<3200x1xf32> to vector<3200x128xf32>
    %mul3A_20 = arith.mulf %get3A_8, %mul3A_19 : vector<3200x128xf32>
    %get3A_21 = arith.constant 1 : index
    %get3A_22 = arith.constant 0 : index
    %get3A_23 = arith.constant 0 : index
    %get3A_24 = vector.load %arg4[%get3A_21, %get3A_22, %get3A_23] : memref<8x128x128xf32, #tpu.memory_space<vmem>>, vector<1x128x128xf32>
    %get3A_25 = vector.shape_cast %get3A_24 : vector<1x128x128xf32> to vector<128x128xf32>
    %dot_general3A_26 = arith.constant dense<0.000000e+00> : vector<3200x128xf32>
    %dot_general3A_27 = tpu.matmul %mul3A_20, %get3A_25, %dot_general3A_26 {dimension_numbers = #tpu.dot_dimension_numbers<[1], [0], [0], [1], [0, 0, 1, 1], [], []>, transpose_lhs_hint = false} : vector<3200x128xf32>, vector<128x128xf32>, vector<3200x128xf32> -> vector<3200x128xf32>
    %add3A_28 = arith.addf %add3A, %dot_general3A_27 : vector<3200x128xf32>
    %slice3A_29 = vector.extract_strided_slice %dot_general3A_5 {offsets = [0, 2], sizes = [3200, 1], strides = [1, 1]} : vector<3200x8xf32> to vector<3200x1xf32>
    %mul3A_30 = vector.broadcast %slice3A_29 : vector<3200x1xf32> to vector<3200x128xf32>
    %mul3A_31 = arith.mulf %get3A_8, %mul3A_30 : vector<3200x128xf32>
    %get3A_32 = arith.constant 2 : index
    %get3A_33 = arith.constant 0 : index
    %get3A_34 = arith.constant 0 : index
    %get3A_35 = vector.load %arg4[%get3A_32, %get3A_33, %get3A_34] : memref<8x128x128xf32, #tpu.memory_space<vmem>>, vector<1x128x128xf32>
    %get3A_36 = vector.shape_cast %get3A_35 : vector<1x128x128xf32> to vector<128x128xf32>
    %dot_general3A_37 = arith.constant dense<0.000000e+00> : vector<3200x128xf32>
    %dot_general3A_38 = tpu.matmul %mul3A_31, %get3A_36, %dot_general3A_37 {dimension_numbers = #tpu.dot_dimension_numbers<[1], [0], [0], [1], [0, 0, 1, 1], [], []>, transpose_lhs_hint = false} : vector<3200x128xf32>, vector<128x128xf32>, vector<3200x128xf32> -> vector<3200x128xf32>
    %add3A_39 = arith.addf %add3A_28, %dot_general3A_38 : vector<3200x128xf32>
    %slice3A_40 = vector.extract_strided_slice %dot_general3A_5 {offsets = [0, 3], sizes = [3200, 1], strides = [1, 1]} : vector<3200x8xf32> to vector<3200x1xf32>
    %mul3A_41 = vector.broadcast %slice3A_40 : vector<3200x1xf32> to vector<3200x128xf32>
    %mul3A_42 = arith.mulf %get3A_8, %mul3A_41 : vector<3200x128xf32>
    %get3A_43 = arith.constant 3 : index
    %get3A_44 = arith.constant 0 : index
    %get3A_45 = arith.constant 0 : index
    %get3A_46 = vector.load %arg4[%get3A_43, %get3A_44, %get3A_45] : memref<8x128x128xf32, #tpu.memory_space<vmem>>, vector<1x128x128xf32>
    %get3A_47 = vector.shape_cast %get3A_46 : vector<1x128x128xf32> to vector<128x128xf32>
    %dot_general3A_48 = arith.constant dense<0.000000e+00> : vector<3200x128xf32>
    %dot_general3A_49 = tpu.matmul %mul3A_42, %get3A_47, %dot_general3A_48 {dimension_numbers = #tpu.dot_dimension_numbers<[1], [0], [0], [1], [0, 0, 1, 1], [], []>, transpose_lhs_hint = false} : vector<3200x128xf32>, vector<128x128xf32>, vector<3200x128xf32> -> vector<3200x128xf32>
    %add3A_50 = arith.addf %add3A_39, %dot_general3A_49 : vector<3200x128xf32>
    %slice3A_51 = vector.extract_strided_slice %dot_general3A_5 {offsets = [0, 4], sizes = [3200, 1], strides = [1, 1]} : vector<3200x8xf32> to vector<3200x1xf32>
    %mul3A_52 = vector.broadcast %slice3A_51 : vector<3200x1xf32> to vector<3200x128xf32>
    %mul3A_53 = arith.mulf %get3A_8, %mul3A_52 : vector<3200x128xf32>
    %get3A_54 = arith.constant 4 : index
    %get3A_55 = arith.constant 0 : index
    %get3A_56 = arith.constant 0 : index
    %get3A_57 = vector.load %arg4[%get3A_54, %get3A_55, %get3A_56] : memref<8x128x128xf32, #tpu.memory_space<vmem>>, vector<1x128x128xf32>
    %get3A_58 = vector.shape_cast %get3A_57 : vector<1x128x128xf32> to vector<128x128xf32>
    %dot_general3A_59 = arith.constant dense<0.000000e+00> : vector<3200x128xf32>
    %dot_general3A_60 = tpu.matmul %mul3A_53, %get3A_58, %dot_general3A_59 {dimension_numbers = #tpu.dot_dimension_numbers<[1], [0], [0], [1], [0, 0, 1, 1], [], []>, transpose_lhs_hint = false} : vector<3200x128xf32>, vector<128x128xf32>, vector<3200x128xf32> -> vector<3200x128xf32>
    %add3A_61 = arith.addf %add3A_50, %dot_general3A_60 : vector<3200x128xf32>
    %slice3A_62 = vector.extract_strided_slice %dot_general3A_5 {offsets = [0, 5], sizes = [3200, 1], strides = [1, 1]} : vector<3200x8xf32> to vector<3200x1xf32>
    %mul3A_63 = vector.broadcast %slice3A_62 : vector<3200x1xf32> to vector<3200x128xf32>
    %mul3A_64 = arith.mulf %get3A_8, %mul3A_63 : vector<3200x128xf32>
    %get3A_65 = arith.constant 5 : index
    %get3A_66 = arith.constant 0 : index
    %get3A_67 = arith.constant 0 : index
    %get3A_68 = vector.load %arg4[%get3A_65, %get3A_66, %get3A_67] : memref<8x128x128xf32, #tpu.memory_space<vmem>>, vector<1x128x128xf32>
    %get3A_69 = vector.shape_cast %get3A_68 : vector<1x128x128xf32> to vector<128x128xf32>
    %dot_general3A_70 = arith.constant dense<0.000000e+00> : vector<3200x128xf32>
    %dot_general3A_71 = tpu.matmul %mul3A_64, %get3A_69, %dot_general3A_70 {dimension_numbers = #tpu.dot_dimension_numbers<[1], [0], [0], [1], [0, 0, 1, 1], [], []>, transpose_lhs_hint = false} : vector<3200x128xf32>, vector<128x128xf32>, vector<3200x128xf32> -> vector<3200x128xf32>
    %add3A_72 = arith.addf %add3A_61, %dot_general3A_71 : vector<3200x128xf32>
    %slice3A_73 = vector.extract_strided_slice %dot_general3A_5 {offsets = [0, 6], sizes = [3200, 1], strides = [1, 1]} : vector<3200x8xf32> to vector<3200x1xf32>
    %mul3A_74 = vector.broadcast %slice3A_73 : vector<3200x1xf32> to vector<3200x128xf32>
    %mul3A_75 = arith.mulf %get3A_8, %mul3A_74 : vector<3200x128xf32>
    %get3A_76 = arith.constant 6 : index
    %get3A_77 = arith.constant 0 : index
    %get3A_78 = arith.constant 0 : index
    %get3A_79 = vector.load %arg4[%get3A_76, %get3A_77, %get3A_78] : memref<8x128x128xf32, #tpu.memory_space<vmem>>, vector<1x128x128xf32>
    %get3A_80 = vector.shape_cast %get3A_79 : vector<1x128x128xf32> to vector<128x128xf32>
    %dot_general3A_81 = arith.constant dense<0.000000e+00> : vector<3200x128xf32>
    %dot_general3A_82 = tpu.matmul %mul3A_75, %get3A_80, %dot_general3A_81 {dimension_numbers = #tpu.dot_dimension_numbers<[1], [0], [0], [1], [0, 0, 1, 1], [], []>, transpose_lhs_hint = false} : vector<3200x128xf32>, vector<128x128xf32>, vector<3200x128xf32> -> vector<3200x128xf32>
    %add3A_83 = arith.addf %add3A_72, %dot_general3A_82 : vector<3200x128xf32>
    %slice3A_84 = vector.extract_strided_slice %dot_general3A_5 {offsets = [0, 7], sizes = [3200, 1], strides = [1, 1]} : vector<3200x8xf32> to vector<3200x1xf32>
    %mul3A_85 = vector.broadcast %slice3A_84 : vector<3200x1xf32> to vector<3200x128xf32>
    %mul3A_86 = arith.mulf %get3A_8, %mul3A_85 : vector<3200x128xf32>
    %get3A_87 = arith.constant 7 : index
    %get3A_88 = arith.constant 0 : index
    %get3A_89 = arith.constant 0 : index
    %get3A_90 = vector.load %arg4[%get3A_87, %get3A_88, %get3A_89] : memref<8x128x128xf32, #tpu.memory_space<vmem>>, vector<1x128x128xf32>
    %get3A_91 = vector.shape_cast %get3A_90 : vector<1x128x128xf32> to vector<128x128xf32>
    %dot_general3A_92 = arith.constant dense<0.000000e+00> : vector<3200x128xf32>
    %dot_general3A_93 = tpu.matmul %mul3A_86, %get3A_91, %dot_general3A_92 {dimension_numbers = #tpu.dot_dimension_numbers<[1], [0], [0], [1], [0, 0, 1, 1], [], []>, transpose_lhs_hint = false} : vector<3200x128xf32>, vector<128x128xf32>, vector<3200x128xf32> -> vector<3200x128xf32>
    %add3A_94 = arith.addf %add3A_83, %dot_general3A_93 : vector<3200x128xf32>
    %swap3A = arith.constant 0 : index
    %swap3A_95 = arith.constant 0 : index
    %swap3A_96 = vector.load %arg5[%swap3A, %swap3A_95] : memref<3200x128xf32, #tpu.memory_space<vmem>>, vector<3200x128xf32>
    tpu.vector_store %arg5[%swap3A, %swap3A_95], %add3A_94 {strides = array<i32>} : memref<3200x128xf32, #tpu.memory_space<vmem>>, vector<3200x128xf32>,
    return
  }
  func.func @transform_0(%arg0: i32) -> (i32, i32) {
    %c0_i32 = arith.constant 0 : i32
    %c0_i32_0 = arith.constant 0 : i32
    return %arg0, %c0_i32 : i32, i32
  }
  func.func @transform_1(%arg0: i32) -> (i32, i32) {
    %add3A = arith.constant 0 : i32
    %add3A_0 = arith.addi %add3A, %arg0 : i32
    %c0_i32 = arith.constant 0 : i32
    %c0_i32_1 = arith.constant 0 : i32
    return %c0_i32, %add3A_0 : i32, i32
  }
  func.func @transform_2(%arg0: i32) -> (i32, i32) {
    %c0_i32 = arith.constant 0 : i32
    %c0_i32_0 = arith.constant 0 : i32
    %c0_i32_1 = arith.constant 0 : i32
    return %c0_i32, %c0_i32_0 : i32, i32
  }
  func.func @transform_3(%arg0: i32) -> (i32, i32, i32) {
    %c0_i32 = arith.constant 0 : i32
    %c0_i32_0 = arith.constant 0 : i32
    %c0_i32_1 = arith.constant 0 : i32
    %c0_i32_2 = arith.constant 0 : i32
    return %c0_i32, %c0_i32_0, %c0_i32_1 : i32, i32, i32
  }
  func.func @transform_4(%arg0: i32) -> (i32, i32) {
    %add3A = arith.constant 0 : i32
    %add3A_0 = arith.addi %add3A, %arg0 : i32
    %c0_i32 = arith.constant 0 : i32
    %c0_i32_1 = arith.constant 0 : i32
    return %add3A_0, %c0_i32 : i32, i32
  }
}

module attributes {stable_mosaic.version = 14 : i64} {
  func.func @_post_body(%arg0: i32, %arg1: memref<3200x128xf32, #tpu.memory_space<vmem>>, %arg2: memref<3200x128xf32, #tpu.memory_space<vmem>>, %arg3: memref<3200x128xf32, #tpu.memory_space<vmem>>, %arg4: memref<128x128xf32, #tpu.memory_space<vmem>>, %arg5: memref<1x128xf32, #tpu.memory_space<vmem>>, %arg6: memref<128x128xf32, #tpu.memory_space<vmem>>, %arg7: memref<1x128xf32, #tpu.memory_space<vmem>>, %arg8: memref<128x128xf32, #tpu.memory_space<vmem>>, %arg9: memref<1x128xf32, #tpu.memory_space<vmem>>, %arg10: memref<128x128xf32, #tpu.memory_space<vmem>>, %arg11: memref<1x128xf32, #tpu.memory_space<vmem>>, %arg12: memref<128x128xf32, #tpu.memory_space<vmem>>, %arg13: memref<1x128xf32, #tpu.memory_space<vmem>>, %arg14: memref<128x128xf32, #tpu.memory_space<vmem>>, %arg15: memref<1x128xf32, #tpu.memory_space<vmem>>, %arg16: memref<128x128xf32, #tpu.memory_space<vmem>>, %arg17: memref<1x128xf32, #tpu.memory_space<vmem>>, %arg18: memref<3200x128xf32, #tpu.memory_space<vmem>>) attributes {dimension_semantics = [#tpu.dimension_semantics<arbitrary>], iteration_bounds = array<i64: 50>, scalar_prefetch = 0 : i64, scratch_operands = 0 : i64, tpu.core_type = #tpu.core_type<tc>, window_params = [{transform_indices = @transform_0, window_bounds = array<i64: 3200, 128>}, {transform_indices = @transform_1, window_bounds = array<i64: 3200, 128>}, {transform_indices = @transform_2, window_bounds = array<i64: 3200, 128>}, {pipeline_mode = #tpu.pipeline_mode<synchronous>, transform_indices = @transform_3, window_bounds = array<i64: 128, 128>}, {pipeline_mode = #tpu.pipeline_mode<synchronous>, transform_indices = @transform_4, window_bounds = array<i64: 1, 128>}, {pipeline_mode = #tpu.pipeline_mode<synchronous>, transform_indices = @transform_5, window_bounds = array<i64: 128, 128>}, {pipeline_mode = #tpu.pipeline_mode<synchronous>, transform_indices = @transform_6, window_bounds = array<i64: 1, 128>}, {pipeline_mode = #tpu.pipeline_mode<synchronous>, transform_indices = @transform_7, window_bounds = array<i64: 128, 128>}, {pipeline_mode = #tpu.pipeline_mode<synchronous>, transform_indices = @transform_8, window_bounds = array<i64: 1, 128>}, {pipeline_mode = #tpu.pipeline_mode<synchronous>, transform_indices = @transform_9, window_bounds = array<i64: 128, 128>}, {pipeline_mode = #tpu.pipeline_mode<synchronous>, transform_indices = @transform_10, window_bounds = array<i64: 1, 128>}, {pipeline_mode = #tpu.pipeline_mode<synchronous>, transform_indices = @transform_11, window_bounds = array<i64: 128, 128>}, {pipeline_mode = #tpu.pipeline_mode<synchronous>, transform_indices = @transform_12, window_bounds = array<i64: 1, 128>}, {pipeline_mode = #tpu.pipeline_mode<synchronous>, transform_indices = @transform_13, window_bounds = array<i64: 128, 128>}, {pipeline_mode = #tpu.pipeline_mode<synchronous>, transform_indices = @transform_14, window_bounds = array<i64: 1, 128>}, {pipeline_mode = #tpu.pipeline_mode<synchronous>, transform_indices = @transform_15, window_bounds = array<i64: 128, 128>}, {pipeline_mode = #tpu.pipeline_mode<synchronous>, transform_indices = @transform_16, window_bounds = array<i64: 1, 128>}, {transform_indices = @transform_17, window_bounds = array<i64: 3200, 128>}]} {
    %get3A = arith.constant 0 : index
    %get3A_0 = arith.constant 0 : index
    %get3A_1 = vector.load %arg2[%get3A, %get3A_0] : memref<3200x128xf32, #tpu.memory_space<vmem>>, vector<3200x128xf32>
    %get3A_2 = arith.constant 0 : index
    %get3A_3 = arith.constant 0 : index
    %get3A_4 = vector.load %arg3[%get3A_2, %get3A_3] : memref<3200x128xf32, #tpu.memory_space<vmem>>, vector<3200x128xf32>
    %add3A = arith.addf %get3A_1, %get3A_4 : vector<3200x128xf32>
    %get3A_5 = arith.constant 0 : index
    %get3A_6 = arith.constant 0 : index
    %get3A_7 = vector.load %arg4[%get3A_5, %get3A_6] : memref<128x128xf32, #tpu.memory_space<vmem>>, vector<128x128xf32>
    %dot_general3A = arith.constant dense<0.000000e+00> : vector<3200x128xf32>
    %dot_general3A_8 = tpu.matmul %add3A, %get3A_7, %dot_general3A {dimension_numbers = #tpu.dot_dimension_numbers<[1], [0], [0], [1], [0, 0, 1, 1], [], []>, transpose_lhs_hint = false} : vector<3200x128xf32>, vector<128x128xf32>, vector<3200x128xf32> -> vector<3200x128xf32>
    %get3A_9 = arith.constant 0 : index
    %get3A_10 = arith.constant 0 : index
    %get3A_11 = vector.load %arg5[%get3A_9, %get3A_10] : memref<1x128xf32, #tpu.memory_space<vmem>>, vector<1x128xf32>
    %add3A_12 = vector.broadcast %get3A_11 : vector<1x128xf32> to vector<3200x128xf32>
    %add3A_13 = arith.addf %dot_general3A_8, %add3A_12 : vector<3200x128xf32>
    %logistic3A = arith.negf %add3A_13 : vector<3200x128xf32>
    %logistic3A_14 = math.exp %logistic3A : vector<3200x128xf32>
    %logistic3A_15 = arith.constant 1.000000e+00 : f32
    %logistic3A_16 = vector.broadcast %logistic3A_15 : f32 to vector<3200x128xf32>
    %logistic3A_17 = arith.addf %logistic3A_16, %logistic3A_14 : vector<3200x128xf32>
    %logistic3A_18 = arith.divf %logistic3A_16, %logistic3A_17 : vector<3200x128xf32>
    %mul3A = arith.mulf %add3A_13, %logistic3A_18 : vector<3200x128xf32>
    %get3A_19 = arith.constant 0 : index
    %get3A_20 = arith.constant 0 : index
    %get3A_21 = vector.load %arg6[%get3A_19, %get3A_20] : memref<128x128xf32, #tpu.memory_space<vmem>>, vector<128x128xf32>
    %dot_general3A_22 = arith.constant dense<0.000000e+00> : vector<3200x128xf32>
    %dot_general3A_23 = tpu.matmul %mul3A, %get3A_21, %dot_general3A_22 {dimension_numbers = #tpu.dot_dimension_numbers<[1], [0], [0], [1], [0, 0, 1, 1], [], []>, transpose_lhs_hint = false} : vector<3200x128xf32>, vector<128x128xf32>, vector<3200x128xf32> -> vector<3200x128xf32>
    %get3A_24 = arith.constant 0 : index
    %get3A_25 = arith.constant 0 : index
    %get3A_26 = vector.load %arg7[%get3A_24, %get3A_25] : memref<1x128xf32, #tpu.memory_space<vmem>>, vector<1x128xf32>
    %add3A_27 = vector.broadcast %get3A_26 : vector<1x128xf32> to vector<3200x128xf32>
    %add3A_28 = arith.addf %dot_general3A_23, %add3A_27 : vector<3200x128xf32>
    %logistic3A_29 = arith.negf %add3A_28 : vector<3200x128xf32>
    %logistic3A_30 = math.exp %logistic3A_29 : vector<3200x128xf32>
    %logistic3A_31 = arith.constant 1.000000e+00 : f32
    %logistic3A_32 = vector.broadcast %logistic3A_31 : f32 to vector<3200x128xf32>
    %logistic3A_33 = arith.addf %logistic3A_32, %logistic3A_30 : vector<3200x128xf32>
    %logistic3A_34 = arith.divf %logistic3A_32, %logistic3A_33 : vector<3200x128xf32>
    %mul3A_35 = arith.mulf %add3A_28, %logistic3A_34 : vector<3200x128xf32>
    %add3A_36 = arith.addf %add3A, %mul3A_35 : vector<3200x128xf32>
    %get3A_37 = arith.constant 0 : index
    %get3A_38 = arith.constant 0 : index
    %get3A_39 = vector.load %arg8[%get3A_37, %get3A_38] : memref<128x128xf32, #tpu.memory_space<vmem>>, vector<128x128xf32>
    %dot_general3A_40 = arith.constant dense<0.000000e+00> : vector<3200x128xf32>
    %dot_general3A_41 = tpu.matmul %add3A_36, %get3A_39, %dot_general3A_40 {dimension_numbers = #tpu.dot_dimension_numbers<[1], [0], [0], [1], [0, 0, 1, 1], [], []>, transpose_lhs_hint = false} : vector<3200x128xf32>, vector<128x128xf32>, vector<3200x128xf32> -> vector<3200x128xf32>
    %get3A_42 = arith.constant 0 : index
    %get3A_43 = arith.constant 0 : index
    %get3A_44 = vector.load %arg9[%get3A_42, %get3A_43] : memref<1x128xf32, #tpu.memory_space<vmem>>, vector<1x128xf32>
    %add3A_45 = vector.broadcast %get3A_44 : vector<1x128xf32> to vector<3200x128xf32>
    %add3A_46 = arith.addf %dot_general3A_41, %add3A_45 : vector<3200x128xf32>
    %logistic3A_47 = arith.negf %add3A_46 : vector<3200x128xf32>
    %logistic3A_48 = math.exp %logistic3A_47 : vector<3200x128xf32>
    %logistic3A_49 = arith.constant 1.000000e+00 : f32
    %logistic3A_50 = vector.broadcast %logistic3A_49 : f32 to vector<3200x128xf32>
    %logistic3A_51 = arith.addf %logistic3A_50, %logistic3A_48 : vector<3200x128xf32>
    %logistic3A_52 = arith.divf %logistic3A_50, %logistic3A_51 : vector<3200x128xf32>
    %mul3A_53 = arith.mulf %add3A_46, %logistic3A_52 : vector<3200x128xf32>
    %get3A_54 = arith.constant 0 : index
    %get3A_55 = arith.constant 0 : index
    %get3A_56 = vector.load %arg1[%get3A_54, %get3A_55] : memref<3200x128xf32, #tpu.memory_space<vmem>>, vector<3200x128xf32>
    %add3A_57 = arith.addf %mul3A_53, %get3A_56 : vector<3200x128xf32>
    %get3A_58 = arith.constant 0 : index
    %get3A_59 = arith.constant 0 : index
    %get3A_60 = vector.load %arg10[%get3A_58, %get3A_59] : memref<128x128xf32, #tpu.memory_space<vmem>>, vector<128x128xf32>
    %dot_general3A_61 = arith.constant dense<0.000000e+00> : vector<3200x128xf32>
    %dot_general3A_62 = tpu.matmul %add3A_57, %get3A_60, %dot_general3A_61 {dimension_numbers = #tpu.dot_dimension_numbers<[1], [0], [0], [1], [0, 0, 1, 1], [], []>, transpose_lhs_hint = false} : vector<3200x128xf32>, vector<128x128xf32>, vector<3200x128xf32> -> vector<3200x128xf32>
    %get3A_63 = arith.constant 0 : index
    %get3A_64 = arith.constant 0 : index
    %get3A_65 = vector.load %arg11[%get3A_63, %get3A_64] : memref<1x128xf32, #tpu.memory_space<vmem>>, vector<1x128xf32>
    %add3A_66 = vector.broadcast %get3A_65 : vector<1x128xf32> to vector<3200x128xf32>
    %add3A_67 = arith.addf %dot_general3A_62, %add3A_66 : vector<3200x128xf32>
    %logistic3A_68 = arith.negf %add3A_67 : vector<3200x128xf32>
    %logistic3A_69 = math.exp %logistic3A_68 : vector<3200x128xf32>
    %logistic3A_70 = arith.constant 1.000000e+00 : f32
    %logistic3A_71 = vector.broadcast %logistic3A_70 : f32 to vector<3200x128xf32>
    %logistic3A_72 = arith.addf %logistic3A_71, %logistic3A_69 : vector<3200x128xf32>
    %logistic3A_73 = arith.divf %logistic3A_71, %logistic3A_72 : vector<3200x128xf32>
    %mul3A_74 = arith.mulf %add3A_67, %logistic3A_73 : vector<3200x128xf32>
    %get3A_75 = arith.constant 0 : index
    %get3A_76 = arith.constant 0 : index
    %get3A_77 = vector.load %arg12[%get3A_75, %get3A_76] : memref<128x128xf32, #tpu.memory_space<vmem>>, vector<128x128xf32>
    %dot_general3A_78 = arith.constant dense<0.000000e+00> : vector<3200x128xf32>
    %dot_general3A_79 = tpu.matmul %mul3A_74, %get3A_77, %dot_general3A_78 {dimension_numbers = #tpu.dot_dimension_numbers<[1], [0], [0], [1], [0, 0, 1, 1], [], []>, transpose_lhs_hint = false} : vector<3200x128xf32>, vector<128x128xf32>, vector<3200x128xf32> -> vector<3200x128xf32>
    %get3A_80 = arith.constant 0 : index
    %get3A_81 = arith.constant 0 : index
    %get3A_82 = vector.load %arg13[%get3A_80, %get3A_81] : memref<1x128xf32, #tpu.memory_space<vmem>>, vector<1x128xf32>
    %add3A_83 = vector.broadcast %get3A_82 : vector<1x128xf32> to vector<3200x128xf32>
    %add3A_84 = arith.addf %dot_general3A_79, %add3A_83 : vector<3200x128xf32>
    %logistic3A_85 = arith.negf %add3A_84 : vector<3200x128xf32>
    %logistic3A_86 = math.exp %logistic3A_85 : vector<3200x128xf32>
    %logistic3A_87 = arith.constant 1.000000e+00 : f32
    %logistic3A_88 = vector.broadcast %logistic3A_87 : f32 to vector<3200x128xf32>
    %logistic3A_89 = arith.addf %logistic3A_88, %logistic3A_86 : vector<3200x128xf32>
    %logistic3A_90 = arith.divf %logistic3A_88, %logistic3A_89 : vector<3200x128xf32>
    %mul3A_91 = arith.mulf %add3A_84, %logistic3A_90 : vector<3200x128xf32>
    %add3A_92 = arith.addf %add3A_57, %mul3A_91 : vector<3200x128xf32>
    %get3A_93 = arith.constant 0 : index
    %get3A_94 = arith.constant 0 : index
    %get3A_95 = vector.load %arg14[%get3A_93, %get3A_94] : memref<128x128xf32, #tpu.memory_space<vmem>>, vector<128x128xf32>
    %dot_general3A_96 = arith.constant dense<0.000000e+00> : vector<3200x128xf32>
    %dot_general3A_97 = tpu.matmul %add3A_92, %get3A_95, %dot_general3A_96 {dimension_numbers = #tpu.dot_dimension_numbers<[1], [0], [0], [1], [0, 0, 1, 1], [], []>, transpose_lhs_hint = false} : vector<3200x128xf32>, vector<128x128xf32>, vector<3200x128xf32> -> vector<3200x128xf32>
    %get3A_98 = arith.constant 0 : index
    %get3A_99 = arith.constant 0 : index
    %get3A_100 = vector.load %arg15[%get3A_98, %get3A_99] : memref<1x128xf32, #tpu.memory_space<vmem>>, vector<1x128xf32>
    %add3A_101 = vector.broadcast %get3A_100 : vector<1x128xf32> to vector<3200x128xf32>
    %add3A_102 = arith.addf %dot_general3A_97, %add3A_101 : vector<3200x128xf32>
    %logistic3A_103 = arith.negf %add3A_102 : vector<3200x128xf32>
    %logistic3A_104 = math.exp %logistic3A_103 : vector<3200x128xf32>
    %logistic3A_105 = arith.constant 1.000000e+00 : f32
    %logistic3A_106 = vector.broadcast %logistic3A_105 : f32 to vector<3200x128xf32>
    %logistic3A_107 = arith.addf %logistic3A_106, %logistic3A_104 : vector<3200x128xf32>
    %logistic3A_108 = arith.divf %logistic3A_106, %logistic3A_107 : vector<3200x128xf32>
    %mul3A_109 = arith.mulf %add3A_102, %logistic3A_108 : vector<3200x128xf32>
    %get3A_110 = arith.constant 0 : index
    %get3A_111 = arith.constant 0 : index
    %get3A_112 = vector.load %arg16[%get3A_110, %get3A_111] : memref<128x128xf32, #tpu.memory_space<vmem>>, vector<128x128xf32>
    %dot_general3A_113 = arith.constant dense<0.000000e+00> : vector<3200x128xf32>
    %dot_general3A_114 = tpu.matmul %mul3A_109, %get3A_112, %dot_general3A_113 {dimension_numbers = #tpu.dot_dimension_numbers<[1], [0], [0], [1], [0, 0, 1, 1], [], []>, transpose_lhs_hint = false} : vector<3200x128xf32>, vector<128x128xf32>, vector<3200x128xf32> -> vector<3200x128xf32>
    %get3A_115 = arith.constant 0 : index
    %get3A_116 = arith.constant 0 : index
    %get3A_117 = vector.load %arg17[%get3A_115, %get3A_116] : memref<1x128xf32, #tpu.memory_space<vmem>>, vector<1x128xf32>
    %add3A_118 = vector.broadcast %get3A_117 : vector<1x128xf32> to vector<3200x128xf32>
    %add3A_119 = arith.addf %dot_general3A_114, %add3A_118 : vector<3200x128xf32>
    %logistic3A_120 = arith.negf %add3A_119 : vector<3200x128xf32>
    %logistic3A_121 = math.exp %logistic3A_120 : vector<3200x128xf32>
    %logistic3A_122 = arith.constant 1.000000e+00 : f32
    %logistic3A_123 = vector.broadcast %logistic3A_122 : f32 to vector<3200x128xf32>
    %logistic3A_124 = arith.addf %logistic3A_123, %logistic3A_121 : vector<3200x128xf32>
    %logistic3A_125 = arith.divf %logistic3A_123, %logistic3A_124 : vector<3200x128xf32>
    %mul3A_126 = arith.mulf %add3A_119, %logistic3A_125 : vector<3200x128xf32>
    %add3A_127 = arith.addf %add3A_92, %mul3A_126 : vector<3200x128xf32>
    %swap3A = arith.constant 0 : index
    %swap3A_128 = arith.constant 0 : index
    %swap3A_129 = vector.load %arg18[%swap3A, %swap3A_128] : memref<3200x128xf32, #tpu.memory_space<vmem>>, vector<3200x128xf32>
    tpu.vector_store %arg18[%swap3A, %swap3A_128], %add3A_127 {strides = array<i32>} : memref<3200x128xf32, #tpu.memory_space<vmem>>, vector<3200x128xf32>,
    return
  }
  func.func @transform_0(%arg0: i32) -> (i32, i32) {
    %c0_i32 = arith.constant 0 : i32
    %c0_i32_0 = arith.constant 0 : i32
    return %arg0, %c0_i32 : i32, i32
  }
  func.func @transform_1(%arg0: i32) -> (i32, i32) {
    %c0_i32 = arith.constant 0 : i32
    %c0_i32_0 = arith.constant 0 : i32
    return %arg0, %c0_i32 : i32, i32
  }
  func.func @transform_2(%arg0: i32) -> (i32, i32) {
    %c0_i32 = arith.constant 0 : i32
    %c0_i32_0 = arith.constant 0 : i32
    return %arg0, %c0_i32 : i32, i32
  }
  func.func @transform_3(%arg0: i32) -> (i32, i32) {
    %c0_i32 = arith.constant 0 : i32
    %c0_i32_0 = arith.constant 0 : i32
    %c0_i32_1 = arith.constant 0 : i32
    return %c0_i32, %c0_i32_0 : i32, i32
  }
  func.func @transform_4(%arg0: i32) -> (i32, i32) {
    %c0_i32 = arith.constant 0 : i32
    %c0_i32_0 = arith.constant 0 : i32
    %c0_i32_1 = arith.constant 0 : i32
    return %c0_i32, %c0_i32_0 : i32, i32
  }
  func.func @transform_5(%arg0: i32) -> (i32, i32) {
    %c0_i32 = arith.constant 0 : i32
    %c0_i32_0 = arith.constant 0 : i32
    %c0_i32_1 = arith.constant 0 : i32
    return %c0_i32, %c0_i32_0 : i32, i32
  }
  func.func @transform_6(%arg0: i32) -> (i32, i32) {
    %c0_i32 = arith.constant 0 : i32
    %c0_i32_0 = arith.constant 0 : i32
    %c0_i32_1 = arith.constant 0 : i32
    return %c0_i32, %c0_i32_0 : i32, i32
  }
  func.func @transform_7(%arg0: i32) -> (i32, i32) {
    %c0_i32 = arith.constant 0 : i32
    %c0_i32_0 = arith.constant 0 : i32
    %c0_i32_1 = arith.constant 0 : i32
    return %c0_i32, %c0_i32_0 : i32, i32
  }
  func.func @transform_8(%arg0: i32) -> (i32, i32) {
    %c0_i32 = arith.constant 0 : i32
    %c0_i32_0 = arith.constant 0 : i32
    %c0_i32_1 = arith.constant 0 : i32
    return %c0_i32, %c0_i32_0 : i32, i32
  }
  func.func @transform_9(%arg0: i32) -> (i32, i32) {
    %c0_i32 = arith.constant 0 : i32
    %c0_i32_0 = arith.constant 0 : i32
    %c0_i32_1 = arith.constant 0 : i32
    return %c0_i32, %c0_i32_0 : i32, i32
  }
  func.func @transform_10(%arg0: i32) -> (i32, i32) {
    %c0_i32 = arith.constant 0 : i32
    %c0_i32_0 = arith.constant 0 : i32
    %c0_i32_1 = arith.constant 0 : i32
    return %c0_i32, %c0_i32_0 : i32, i32
  }
  func.func @transform_11(%arg0: i32) -> (i32, i32) {
    %c0_i32 = arith.constant 0 : i32
    %c0_i32_0 = arith.constant 0 : i32
    %c0_i32_1 = arith.constant 0 : i32
    return %c0_i32, %c0_i32_0 : i32, i32
  }
  func.func @transform_12(%arg0: i32) -> (i32, i32) {
    %c0_i32 = arith.constant 0 : i32
    %c0_i32_0 = arith.constant 0 : i32
    %c0_i32_1 = arith.constant 0 : i32
    return %c0_i32, %c0_i32_0 : i32, i32
  }
  func.func @transform_13(%arg0: i32) -> (i32, i32) {
    %c0_i32 = arith.constant 0 : i32
    %c0_i32_0 = arith.constant 0 : i32
    %c0_i32_1 = arith.constant 0 : i32
    return %c0_i32, %c0_i32_0 : i32, i32
  }
  func.func @transform_14(%arg0: i32) -> (i32, i32) {
    %c0_i32 = arith.constant 0 : i32
    %c0_i32_0 = arith.constant 0 : i32
    %c0_i32_1 = arith.constant 0 : i32
    return %c0_i32, %c0_i32_0 : i32, i32
  }
  func.func @transform_15(%arg0: i32) -> (i32, i32) {
    %c0_i32 = arith.constant 0 : i32
    %c0_i32_0 = arith.constant 0 : i32
    %c0_i32_1 = arith.constant 0 : i32
    return %c0_i32, %c0_i32_0 : i32, i32
  }
  func.func @transform_16(%arg0: i32) -> (i32, i32) {
    %c0_i32 = arith.constant 0 : i32
    %c0_i32_0 = arith.constant 0 : i32
    %c0_i32_1 = arith.constant 0 : i32
    return %c0_i32, %c0_i32_0 : i32, i32
  }
  func.func @transform_17(%arg0: i32) -> (i32, i32) {
    %c0_i32 = arith.constant 0 : i32
    %c0_i32_0 = arith.constant 0 : i32
    return %arg0, %c0_i32 : i32, i32
  }
}

</mosaic_0001>

<sc_bundles>
// kernel: kernel.12.cloned.1.call-start
scs
__scs_entry_jumppad:
0x0: {  	(pc) =	sbr.rel $0x88, $3  }
0x1: {  	(tag) =	ssettag $0x0;
	lr =	simm.s32 $0x1  }
0x2: {  	[smem:$0x3F87] =	sst lr;
	_ =	strace $0xD0000000  }
0x3: {  	_ = 	snop  }
0x4: {  	_ = 	snop  }
0x5: {  	_ = 	snop  }
0x6: {  	_ = 	snop  }
0x7: {  	_ = 	snop  }
__scs_overlays_trampoline_lowered:
0x8: {  	[smem:$0x3F96] =	sst s0  }
0x9: {  	[smem:$0x3F97] =	sst s1  }
0xa: {  	[smem:$0x3F98] =	sst s2  }
0xb: {  	[smem:$0x3F99] =	sst s3  }
0xc: {  	[smem:$0x3F9A] =	sst s4  }
0xd: {  	[smem:$0x3F9B] =	sst s5  }
0xe: {  	[smem:$0x3F9C] =	sst s6  }
0xf: {  	[smem:$0x3F9D] =	sst s7  }
0x10: {  	[smem:$0x3F9E] =	sst s8  }
0x11: {  	[smem:$0x3F9F] =	sst s9;
	s0 =	simm.s32 @!p0 $0x0  }
0x12: {  	s1 =	sld [smem:$0x3F85];
	s0 =	simm.s32 @p0 $0x1  }
0x13: {  	[smem:$0x3FA0] =	sst s0;
	s0 =	simm.s32 @!p1 $0x0  }
0x14: {  	s2 =	sld [smem:$0x3F84];
	s0 =	simm.s32 @p1 $0x1  }
0x15: {  	[smem:$0x3FA1] =	sst s0;
	s0 =	simm.s32 @!p2 $0x0  }
0x16: {  	s3 =	sld [smem:$0x3FDB];
	s0 =	simm.s32 @p2 $0x1  }
0x17: {  	s4 =	simm.s32 $0x1BF5;
	[smem:$0x3FA3] =	sst s0  }
0x18: {  	s0 =	sld [smem:$0x3F86];
	_ =	swait.ge [sflag:s4], $0x0  }
0x19: {  	s7 =	sld [smem:$0x3F87]  }
0x1a: {  	s8 =	sadd.s32 $0xFFFFE003, lr  }
0x1b: {  	s9 =	sadd.s32 $0xFFFFFEF7, lr;
	s5 =	simm.s32 $0xFFFFFFFF;
	p2 =	slt.u32 s8, $0xFFFFF086  }
0x1c: {  	p1 =	slt.u32 s9, $0xF7A;
	s5 =	simm.s32 @!p2 $0x0  }
0x1d: {  	s5 =	simm.s32 @p1 $0x1;
	p0 =	seq.s32 s7, s2  }
0x1e: {  	s7 =	smul.u32 @!p0 $0xF7A, s2;
	p2 =	seq.s32 @!p0 s5, $0x0  }
0x1f: {  	s9 =	smul.u32 $0xF7A, s1;
	s8 =	simm.s32 @!p0 $0x1BF5;
	p2 =	por !p2, p0  }
0x20: {  	[sflag:s8] =	ssyncset.s32 @!p0 $0xFFFFF086;
	s6 =	sadd.s32 @!p0 s3, s7;
	s7 =	simm.s32 @!p0 $0x108  }
0x21: {  	s3 =	sadd.s32 s3, s9;
	s6 =	sadd.s32 @!p0 $0x88, s6;
	s7 =	simm.s32 @p2 $0x1082  }
0x22: {  	[simem:s7], [sflag:s8] =	dma.local @!p0 [hbm:s6], $0xF7A  }
0x23: {  	s9 =	sor.u32 $0xD0000000, s2;
	s6 =	simm.s32 $0x108;
	_ =	swait.ge @!p0 [sflag:s8], $0x0  }
0x24: {  	s3 =	sadd.s32 $0x88, s3;
	s6 =	simm.s32 @!p1 $0x1082;
	[sflag:s4] =	ssyncset.s32 $0xFFFFF086  }
0x25: {  	[simem:s6], [sflag:s4] =	dma.local [hbm:s3], $0xF7A  }
0x26: {  	[smem:$0x3F87] =	sst s1;
	(tag) =	ssettag s2;
	_ =	strace s9  }
0x27: {  	s1 =	sld [smem:$0x3F97]  }
0x28: {  	s2 =	sld [smem:$0x3F98]  }
0x29: {  	s4 =	sld [smem:$0x3F9A]  }
0x2a: {  	p0 =	seq.s32 s5, $0x0;
	s5 =	sld [smem:$0x3F9B]  }
0x2b: {  	s6 =	sld [smem:$0x3F9C]  }
0x2c: {  	s7 =	sld [smem:$0x3F9D]  }
0x2d: {  	s3 =	simm.s32 $0x108;
	s8 =	sld [smem:$0x3F9E]  }
0x2e: {  	s3 =	simm.s32 @!p0 $0x1082;
	s9 =	sld [smem:$0x3F9F]  }
0x2f: {  	lr =	sadd.s32 s0, s3;
	s0 =	sld [smem:$0x3F96]  }
0x30: {  	s3 =	sld [smem:$0x3F99]  }
0x31: {  	[smem:$0x3FA2] =	sst s10  }
0x32: {  	s10 =	sld [smem:$0x3FA0];
	_ =	sdelay $0x3  }
0x33: {  	p0 =	seq.s32 s10, $0x1;
	s10 =	sld [smem:$0x3FA2];
	_ =	sdelay $0x3  }
0x34: {  	[smem:$0x3FA2] =	sst s10  }
0x35: {  	s10 =	sld [smem:$0x3FA1];
	_ =	sdelay $0x3  }
0x36: {  	p1 =	seq.s32 s10, $0x1;
	s10 =	sld [smem:$0x3FA2];
	_ =	sdelay $0x3  }
0x37: {  	[smem:$0x3FA2] =	sst s10  }
0x38: {  	s10 =	sld [smem:$0x3FA3]  }
0x39: {  	_ = 	snop;
	(pc) =	sbr.ind lr, $3  }
0x3a: {  	_ = 	snop  }
0x3b: {  	_ = 	snop  }
0x3c: {  	p2 =	seq.s32 s10, $0x1;
	s10 =	sld [smem:$0x3FA2]  }
0x3d: {  	_ =	shalt  }
0x3e: {  	_ =	shalt  }
0x3f: {  	_ =	shalt  }
0x40: {  	_ =	shalt  }
0x41: {  	_ =	shalt  }
0x42: {  	_ =	shalt  }
0x43: {  	_ =	shalt  }
0x44: {  	_ =	shalt  }
0x45: {  	_ =	shalt  }
0x46: {  	_ =	shalt  }
0x47: {  	_ =	shalt  }
0x48: {  	_ =	shalt  }
0x49: {  	_ =	shalt  }
0x4a: {  	_ =	shalt  }
0x4b: {  	_ =	shalt  }
0x4c: {  	_ =	shalt  }
0x4d: {  	_ =	shalt  }
0x4e: {  	_ =	shalt  }
0x4f: {  	_ =	shalt  }
0x50: {  	_ =	shalt  }
0x51: {  	_ =	shalt  }
0x52: {  	_ =	shalt  }
0x53: {  	_ =	shalt  }
0x54: {  	_ =	shalt  }
0x55: {  	_ =	shalt  }
0x56: {  	_ =	shalt  }
0x57: {  	_ =	shalt  }
0x58: {  	_ =	shalt  }
0x59: {  	_ =	shalt  }
0x5a: {  	_ =	shalt  }
0x5b: {  	_ =	shalt  }
0x5c: {  	_ =	shalt  }
0x5d: {  	_ =	shalt  }
0x5e: {  	_ =	shalt  }
0x5f: {  	_ =	shalt  }
0x60: {  	_ =	shalt  }
0x61: {  	_ =	shalt  }
0x62: {  	_ =	shalt  }
0x63: {  	_ =	shalt  }
0x64: {  	_ =	shalt  }
0x65: {  	_ =	shalt  }
0x66: {  	_ =	shalt  }
0x67: {  	_ =	shalt  }
0x68: {  	_ =	shalt  }
0x69: {  	_ =	shalt  }
0x6a: {  	_ =	shalt  }
0x6b: {  	_ =	shalt  }
0x6c: {  	_ =	shalt  }
0x6d: {  	_ =	shalt  }
0x6e: {  	_ =	shalt  }
0x6f: {  	_ =	shalt  }
0x70: {  	_ =	shalt  }
0x71: {  	_ =	shalt  }
0x72: {  	_ =	shalt  }
0x73: {  	_ =	shalt  }
0x74: {  	_ =	shalt  }
0x75: {  	_ =	shalt  }
0x76: {  	_ =	shalt  }
0x77: {  	_ =	shalt  }
0x78: {  	_ =	shalt  }
0x79: {  	_ =	shalt  }
0x7a: {  	_ =	shalt  }
0x7b: {  	_ =	shalt  }
0x7c: {  	_ =	shalt  }
0x7d: {  	_ =	shalt  }
0x7e: {  	_ =	shalt  }
0x7f: {  	_ =	shalt  }
0x80: {  	_ =	shalt  }
0x81: {  	_ =	shalt  }
0x82: {  	_ =	shalt  }
0x83: {  	_ =	shalt  }
0x84: {  	_ =	shalt  }
0x85: {  	_ =	shalt  }
0x86: {  	_ =	shalt  }
0x87: {  	_ =	shalt  }
.Lfunc_end0:
.L_simem_size_0:
called_computation.1_lowered:
.L_overlay_start_0:
0x88: {  	s2 =	sld [smem:$0x3FD9]  }
0x89: {  	s3 =	sld [smem:$0x3FFE];
	_ =	sdelay $0x1  }
0x8a: {  	s1 =	srdreg.scid  }
0x8b: {  	s0 =	sand.u32 $0x1, s1  }
0x8c: {  	s17 =	sshll.u32 s0, $0xA;
	s2 =	sadd.s32 s3, s2  }
0x8d: {  	s2 =	sadd.s32 s2, s17  }
0x8e: {  	[smem:$0x3FAE] =	sst s2  }
0x8f: {  	_ = 	snop  }
0x90: {  	s18 =	sld [smem:$0x3FC6]  }
0x91: {  	s4 =	sld [smem:$0x3FD0];
	(tm) =	ssettm $0x1  }
0x92: {  	s19 =	sld [smem:$0x3FFB];
	_ =	sdelay $0x3  }
0x93: {  	_ =	strace s19  }
0x94: {  	s2 =	sld [smem:$0x3FFC];
	_ =	sdelay $0x3  }
0x95: {  	_ =	strace s2  }
0x96: {  	s2 =	sld [smem:$0x3FFD];
	_ =	sdelay $0x3  }
0x97: {  	_ =	strace s2  }
0x98: {  	_ =	strace $0x8FFFFFFF  }
0x99: {  	s20 =	sld [smem:$0x3FDB];
	_ =	sdelay $0x1  }
0x9a: {  	s5 =	simm.s32 $_scs_section_size  }
0x9b: {  	s6 =	simm.s32 $_size__tile_overlayer_lowered;
	s7 =	simm.s32 $_tile_overlayer_lowered  }
0x9c: {  	s8 =	simm.s32 $0x1BFF;
	s21 =	sshll.u32 s7, $0x1;
	s5 =	sadd.s32 s5, s20  }
0x9d: {  	s22 =	simm.s32 $0x0;
	s6 =	sshll.u32 s6, $0x1;
	s7 =	sadd.s32 s21, s5  }
0x9e: {  	[timem:s22], [sflag:s8] =	dma.local [hbm:s7], s6  }
0x9f: {  	_ =	swait.ge [sflag:s8], s6  }
0xa0: {  	s6 =	ssub.s32 $0x0, s6;
	[sflag:s8] =	ssyncset.done $0x0  }
0xa1: {  	[sflag:s8] =	ssyncadd.s32 s6;
	_ =	sdelay $0x1  }
0xa2: {  	s23 =	simm.s32 $0x1B8B  }
0xa3: {  	_ =	swait.ge [sflag:s23], $0x1  }
0xa4: {  	[sflag:s23] =	ssyncset.done $0x0  }
0xa5: {  	[sflag:s23] =	ssyncadd.s32 $0xFFFFFFFF  }
0xa6: {  	s6 =	sld [smem:$0x0]  }
0xa7: {  	s7 =	sand.u32 $0xFFFFFFFE, s1  }
0xa8: {  	p0 =	sne.s32 s1, s7  }
0xa9: {  	s7 =	sshll.u32 @p0 s7, $0xE  }
0xaa: {  	s7 =	sadd.s32 @p0 $0x11B8D, s7;
	s8 =	sshll.u32 @p0 s6, $0x11  }
0xab: {  	s7 =	sor.u32 @p0 s8, s7  }
0xac: {  	[sflag:s7] =	ssyncadd.remote.s32 @p0 $0x1;
	_ =	sdelay $0x1  }
0xad: {  	s7 =	simm.s32 @p0 $0x1B8D  }
0xae: {  	_ =	swait.eq @p0 [sflag:s7], $0x1  }
0xaf: {  	[sflag:s7] =	ssyncadd.s32 @p0 $0xFFFFFFFF  }
0xb0: {  	s8 =	sshll.u32 @!p0 s1, $0xE  }
0xb1: {  	s8 =	sor.u32 @!p0 $0x4000, s8;
	s7 =	simm.s32 @!p0 $0x1B8D  }
0xb2: {  	s6 =	sshll.u32 @!p0 s6, $0x11;
	s8 =	sadd.s32 @!p0 $0x11B8D, s8;
	_ =	swait.eq @!p0 [sflag:s7], $0x1  }
0xb3: {  	s6 =	sor.u32 @!p0 s6, s8;
	[sflag:s7] =	ssyncadd.s32 @!p0 $0xFFFFFFFF  }
0xb4: {  	s25 =	simm.s32 $0x1B8E;
	s24 =	sld [smem:$0x3FFE];
	[sflag:s6] =	ssyncadd.remote.s32 @!p0 $0x1  }
0xb5: {  	s26 =	simm.s32 $execute0_lowered;
	[smem:$0x3FD2] =	sst s25  }
0xb6: {  	s7 =	sshll.u32 s26, $0x1;
	_ =	strace $0x80000049;
	[dreg:$0x1] =	wrdreg $0xFFFFFFFF  }
0xb7: {  	s28 =	simm.s32 $_size_execute0_lowered;
	s5 =	sadd.s32 s5, s7;
	[dreg:$0x0] =	wrdreg $0x0  }
0xb8: {  	s7 =	sshll.u32 s28, $0x1;
	[dreg:$0x2] =	wrdreg s5  }
0xb9: {  	[dreg:$0x3] =	wrdreg s7  }
0xba: {  	[dreg:$0x4] =	wrdreg $0xC0  }
0xbb: {  	_ =	task [dreg:s22], $0x5FFFF  }
0xbc: {  	[dreg:$0x1] =	wrdreg $0xFFFFFFFF  }
0xbd: {  	[dreg:$0x0] =	wrdreg $0x60  }
0xbe: {  	[dreg:$0x2] =	wrdreg s4  }
0xbf: {  	[dreg:$0x3] =	wrdreg s18  }
0xc0: {  	[dreg:$0x4] =	wrdreg s24  }
0xc1: {  	[dreg:$0x5] =	wrdreg $0xA  }
0xc2: {  	_ =	task.clear_ibuf [dreg:s22], $0x6FFFF;
	_ =	strace $0x90000049  }
0xc3: {  	s29 =	simm.s32 $0xA;
	_ =	strace $0x8000004B  }
0xc4: {  	_ =	swait.ge [sflag:s29], $0x1  }
0xc5: {  	[sflag:s29] =	ssyncadd.s32 $0xFFFFFFFF  }
0xc6: {  	_ =	strace $0x9000004B  }
0xc7: {  	_ =	sfence  }
0xc8: {  	s30 =	sld [smem:$0x0];
	_ =	sdelay $0x2  }
0xc9: {  	s31 =	sshll.u32 s1, $0xD;
	s1 =	sshrl.u32 s1, $0x2  }
0xca: {  	s4 =	sand.u32 $0x4000, s31;
	s1 =	sadd.s32 s1, s30  }
0xcb: {  	s0 =	sor.u32 s4, s0;
	s1 =	sshll.u32 s1, $0x11  }
0xcc: {  	s0 =	sor.u32 s1, s0  }
0xcd: {  	s0 =	sadd.s32 $0x8F2B, s0  }
0xce: {  	[sflag:s0] =	ssyncadd.remote.s32 $0x1  }
0xcf: {  	_ =	sfence.sel $0xFFFF  }
0xd0: {  	[dreg:$0x0] =	wrdreg $0xFFFFFFFF;
	(pc) =	sbr.abs _section_cstart, $3  }
0xd1: {  	[dreg:$0x1] =	wrdreg $0xFFFFFFFF  }
0xd2: {  	_ =	task.clear_ibuf [dreg:s22], $0x2FFFF;
	_ =	strace $0x9FFFFFFF  }
0xd3: {  	(tm) =	ssettm $0x7FFFFFFF  }
tec
execute0_lowered:
.L_overlay_start_1:
0x0: {  	(tag) =	ssettag $0x1  }
0x1: {  	s1 =	rddreg [dreg:$0x0]  }
0x2: {  	s4 =	rddreg [dreg:$0x1]  }
0x3: {  	s5 =	rddreg [dreg:$0x2]  }
0x4: {  	s0 =	rddreg [dreg:$0x3]  }
0x5: {  	s6 =	srdreg.scid;
	s2 =	stileid.u32  }
0x6: {  	s3 =	simm.s32 $0x0;
	s12 =	simm.s32 $0x50;
	s13 =	simm.s32 $0x3C00  }
0x7: {  	s14 =	simm.s32 $0x1;
	s15 =	simm.s32 $0x78;
	s16 =	simm.s32 $0x5000  }
0x8: {  	s17 =	simm.s32 $0x5;
	s18 =	simm.s32 $0x0;
	s6 =	sand.u32 $0x1, s6  }
0x9: {  	s7 =	sshll.u32 s2, $0x1;
	[smem:$0x7FF] =	sst s3;
	s10 =	smul.u32 $0x27100, s2  }
0xa: {  	s9 =	sadd.s32 $0x4E5A00, s5;
	s7 =	sor.u32 s6, s7;
	s30 =	smul.u32 $0x13880, s6  }
0xb: {  	_ =	strace $0x8000004A;
	s29 =	ssub.s32 $0x2, s6;
	s8 =	smul.u32 $0x1388, s7  }
0xc: {  	s7 =	smul.u32 $0x13880, s7;
	s11 =	sshrl.u32 s29, $0x1;
	s10 =	sadd.s32 s10, s9  }
0xd: {  	s5 =	ssub.s32 s29, s11;
	s31 =	sadd.s32 s30, s10;
	s10 =	simm.s32 $0x1400  }
0xe: {  	s11 =	simm.s32 $0x2800;
	s8 =	sshrl.u32 s8, $0x3;
	s5 =	smax.u32 s5, $0x1  }
0xf: {  	s6 =	sadd.s32 s9, s7;
	s7 =	sadd.s32 $0x280, s31;
	s4 =	sadd.s32 s4, s8  }
0x10: {  	s9 =	simm.s32 $0x28;
	s8 =	simm.s32 $0x9;
	s4 =	sadd.s32 $0x4E20, s4  }
.LBB2_1:
0x11: {  	[tilespmem:s3], [sflag:$0x9] =	stream.linear.gather [hbm4b:s4+s3], $0x1388, $0x38;
	[tilespmem:$0x6400] =	vst v63  }
0x12: {  	_ =	swait.ge [sflag:s8], $0x1388  }
0x13: {  	[sflag:s8] =	ssyncset.done $0x0  }
0x14: {  	[sflag:s8] =	ssyncadd.s32 $0xFFFFEC78  }
0x15: {  	[tilespmem:s10], [sflag:$0x1] =	stream.indirect.gather [hbm4b:s1+s9], $0x80, s3, s9, $0xb8;
	[tilespmem:$0x6400] =	vst v63  }
0x16: {  	_ = 	snop  }
0x17: {  	[tilespmem:s11], [sflag:$0x2] =	stream.indirect.gather [hbm4b:s1+s9], $0x80, s9, s9, $0xb8;
	[tilespmem:$0x6400] =	vst v63  }
0x18: {  	_ = 	snop  }
0x19: {  	[tilespmem:s13], [sflag:$0x3] =	stream.indirect.gather [hbm4b:s1+s9], $0x80, s12, s9, $0xb8;
	[tilespmem:$0x6400] =	vst v63  }
0x1a: {  	s21 =	simm.s32 $0x4;
	_ =	swait.ge [sflag:s14], $0x1400  }
0x1b: {  	s22 =	simm.s32 $0x1;
	s19 =	simm.s32 $0xA0;
	[sflag:s14] =	ssyncset.done $0x0  }
0x1c: {  	s20 =	simm.s32 $0x5;
	s22 =	sand.u32 $0x3, s22;
	[sflag:s14] =	ssyncadd.s32 $0xFFFFEC00  }
0x1d: {  	[hbm4b:s6+s3] =	stream.linear.scatter [tilespmem:s10], [sflag:$0x5], $0x1400, $0x38;
	[tilespmem:$0x6400] =	vst v63  }
0x1e: {  	p0 =	por $0x0, $0x0;
	s23 =	sadd.s32 $0x1, s22;
	s24 =	smul.u32 $0x5000, s22  }
0x1f: {  	[tilespmem:s16], [sflag:$0x4] =	stream.indirect.gather [hbm4b:s1+s9], $0x80, s15, s9, $0xb8;
	[tilespmem:$0x6400] =	vst v63  }
0x20: {  	s21 =	sand.u32 $0x3, s21;
	s22 =	sadd.s32 $0x5, s22;
	_ =	swait.ge [sflag:s23], $0x1400  }
0x21: {  	s25 =	sadd.s32 $0x5, s21;
	s24 =	sshrl.u32 s24, $0x2;
	[sflag:s23] =	ssyncset.done $0x0  }
0x22: {  	s26 =	smul.u32 @!p0 $0x5000, s21;
	s31 =	sadd.s32 $0x1400, s24;
	[sflag:s23] =	ssyncadd.s32 $0xFFFFEC00  }
0x23: {  	[hbm4b:s7+s3] =	stream.linear.scatter [tilespmem:s31], [sflag:s22], $0x1400, $0x38;
	[tilespmem:$0x6400] =	vst v63  }
0x24: {  	s23 =	sadd.s32 @!p0 $0x1, s21;
	s22 =	sshrl.u32 @!p0 s26, $0x2;
	_ =	swait.ge [sflag:s25], $0x1400  }
0x25: {  	s21 =	simm.s32 $0xC8;
	s24 =	sadd.s32 @!p0 $0x1400, s22;
	[sflag:s25] =	ssyncset.done $0x0  }
0x26: {  	s22 =	sadd.s32 $0x280, s7;
	[sflag:s25] =	ssyncadd.s32 $0xFFFFEC00;
	s25 =	simm.s32 @!p0 $0x28  }
.LBB2_2:
0x27: {  	[tilespmem:s24], [sflag:s23] =	stream.indirect.gather @!p0 [hbm4b:s1+s25], $0x80, s19, s25, $0xb8;
	[tilespmem:$0x6400] =	vst v63  }
0x28: {  	s23 =	smov.u32 s20;
	s19 =	smov.u32 s21  }
0x29: {  	s20 =	sadd.s32 $0x1, s20;
	s24 =	sadd.s32 $0xFFFFFFFD, s23  }
0x2a: {  	s23 =	sand.u32 $0x3, s23;
	p1 =	sne.s32 s20, $0x80;
	s25 =	sand.u32 $0x3, s24  }
0x2b: {  	s26 =	sadd.s32 $0x1, s25;
	s28 =	sadd.s32 $0x5, s25;
	s25 =	smul.u32 $0x5000, s25  }
0x2c: {  	s29 =	sadd.s32 $0x5, s23;
	p0 =	sgt.u32 s24, $0x79;
	_ =	swait.ge [sflag:s26], $0x1400  }
0x2d: {  	[sflag:s26] =	ssyncset.done $0x0;
	s24 =	sshrl.u32 s25, $0x2;
	s25 =	smul.u32 @!p0 $0x5000, s23  }
.Ltmp0:
0x2e: {  	[sflag:s26] =	ssyncadd.s32 $0xFFFFEC00;
	s24 =	sadd.s32 $0x1400, s24;
	(pc) =	sbr.rel @p1 .LBB2_2-.Ltmp0, $4  }
0x2f: {  	[hbm4b:s22+s3] =	stream.linear.scatter [tilespmem:s24], [sflag:s28], $0x1400, $0x38;
	[tilespmem:$0x6400] =	vst v63  }
0x30: {  	s23 =	sadd.s32 @!p0 $0x1, s23;
	s24 =	sshrl.u32 @!p0 s25, $0x2;
	_ =	swait.ge [sflag:s29], $0x1400  }
0x31: {  	s21 =	sadd.s32 $0x28, s21;
	s24 =	sadd.s32 @!p0 $0x1400, s24;
	[sflag:s29] =	ssyncset.done $0x0  }
0x32: {  	s25 =	simm.s32 @!p0 $0x28;
	s22 =	sadd.s32 $0x280, s22;
	[sflag:s29] =	ssyncadd.s32 $0xFFFFEC00  }
0x33: {  	[tilespmem:s24], [sflag:s23] =	stream.indirect.gather @!p0 [hbm4b:s1+s25], $0x80, s19, s25, $0xb8;
	[tilespmem:$0x6400] =	vst v63  }
0x34: {  	s18 =	sadd.s32 $0x1, s18  }
0x35: {  	p0 =	sne.s32 s18, s5  }
.Ltmp1:
0x36: {  	_ = 	snop;
	(pc) =	sbr.rel @p0 .LBB2_1-.Ltmp1, $4  }
0x37: {  	_ = 	snop  }
0x38: {  	_ =	swait.ge [sflag:s17], $0x1400  }
0x39: {  	[sflag:s17] =	ssyncset.done $0x0  }
0x3a: {  	[sflag:s17] =	ssyncadd.s32 $0xFFFFEC00  }
0x3b: {  	_ =	sfence.sel $0x180000  }
0x3c: {  	[bflag:$0x0] =	sbarrier.arrive $0xFFFF  }
0x3d: {  	p0 =	sne.s32 s2, $0x0;
	_ =	strace $0x9000004A  }
0x3e: {  	s0 =	sadd.s32 @!p0 $0x100000, s0;
	[bflag:$0x2] =	sbarrier.arrive $0xFFFF  }
0x3f: {  	[sflag:s0] =	ssyncadd.tile.s32 @!p0 $0x1;
	_ =	shalt  }
.Lfunc_end2:
_tile_overlayer_lowered:
.L_overlay_start_2:
0x40: {  	(tag) =	ssettag $0x2  }
0x41: {  	s0 =	rddreg [dreg:$0x0];
	s2 =	stileid.u32  }
0x42: {  	s1 =	rddreg [dreg:$0x1];
	p0 =	sne.s32 s2, $0x0  }
0x43: {  	s3 =	rddreg [dreg:$0x2];
	[bflag:$0x3] =	sbarrier.arrive $0xFFFF;
	s2 =	simm.s32 @!p0 $0x1C09  }
0x44: {  	[timem:s3], [sflag:s2] =	dma.local @!p0 [hbm:s0], s1  }
0x45: {  	s0 =	simm.s32 @!p0 $0x9  }
0x46: {  	_ =	swait.ge @!p0 [sflag:s0], s1  }
0x47: {  	s1 =	ssub.s32 @!p0 $0x0, s1;
	[sflag:s0] =	ssyncset.done @!p0 $0x0  }
0x48: {  	[sflag:s0] =	ssyncadd.s32 @!p0 s1  }
0x49: {  	[bflag:$0x3] =	sbarrier.arrive $0xFFFF  }
0x4a: {  	_ =	shalt  }

// kernel: kernel.15.cloned.1.call-start
scs
__scs_entry_jumppad:
0x0: {  	(pc) =	sbr.rel $0x88, $3  }
0x1: {  	(tag) =	ssettag $0x0;
	lr =	simm.s32 $0x1  }
0x2: {  	[smem:$0x3F87] =	sst lr;
	_ =	strace $0xD0000000  }
0x3: {  	_ = 	snop  }
0x4: {  	_ = 	snop  }
0x5: {  	_ = 	snop  }
0x6: {  	_ = 	snop  }
0x7: {  	_ = 	snop  }
__scs_overlays_trampoline_lowered:
0x8: {  	[smem:$0x3F96] =	sst s0  }
0x9: {  	[smem:$0x3F97] =	sst s1  }
0xa: {  	[smem:$0x3F98] =	sst s2  }
0xb: {  	[smem:$0x3F99] =	sst s3  }
0xc: {  	[smem:$0x3F9A] =	sst s4  }
0xd: {  	[smem:$0x3F9B] =	sst s5  }
0xe: {  	[smem:$0x3F9C] =	sst s6  }
0xf: {  	[smem:$0x3F9D] =	sst s7  }
0x10: {  	[smem:$0x3F9E] =	sst s8  }
0x11: {  	[smem:$0x3F9F] =	sst s9;
	s0 =	simm.s32 @!p0 $0x0  }
0x12: {  	s1 =	sld [smem:$0x3F85];
	s0 =	simm.s32 @p0 $0x1  }
0x13: {  	[smem:$0x3FA0] =	sst s0;
	s0 =	simm.s32 @!p1 $0x0  }
0x14: {  	s2 =	sld [smem:$0x3F84];
	s0 =	simm.s32 @p1 $0x1  }
0x15: {  	[smem:$0x3FA1] =	sst s0;
	s0 =	simm.s32 @!p2 $0x0  }
0x16: {  	s3 =	sld [smem:$0x3FDB];
	s0 =	simm.s32 @p2 $0x1  }
0x17: {  	s4 =	simm.s32 $0x1BF5;
	[smem:$0x3FA3] =	sst s0  }
0x18: {  	s0 =	sld [smem:$0x3F86];
	_ =	swait.ge [sflag:s4], $0x0  }
0x19: {  	s7 =	sld [smem:$0x3F87]  }
0x1a: {  	s8 =	sadd.s32 $0xFFFFE003, lr  }
0x1b: {  	s9 =	sadd.s32 $0xFFFFFEF7, lr;
	s5 =	simm.s32 $0xFFFFFFFF;
	p2 =	slt.u32 s8, $0xFFFFF086  }
0x1c: {  	p1 =	slt.u32 s9, $0xF7A;
	s5 =	simm.s32 @!p2 $0x0  }
0x1d: {  	s5 =	simm.s32 @p1 $0x1;
	p0 =	seq.s32 s7, s2  }
0x1e: {  	s7 =	smul.u32 @!p0 $0xF7A, s2;
	p2 =	seq.s32 @!p0 s5, $0x0  }
0x1f: {  	s9 =	smul.u32 $0xF7A, s1;
	s8 =	simm.s32 @!p0 $0x1BF5;
	p2 =	por !p2, p0  }
0x20: {  	[sflag:s8] =	ssyncset.s32 @!p0 $0xFFFFF086;
	s6 =	sadd.s32 @!p0 s3, s7;
	s7 =	simm.s32 @!p0 $0x108  }
0x21: {  	s3 =	sadd.s32 s3, s9;
	s6 =	sadd.s32 @!p0 $0x88, s6;
	s7 =	simm.s32 @p2 $0x1082  }
0x22: {  	[simem:s7], [sflag:s8] =	dma.local @!p0 [hbm:s6], $0xF7A  }
0x23: {  	s9 =	sor.u32 $0xD0000000, s2;
	s6 =	simm.s32 $0x108;
	_ =	swait.ge @!p0 [sflag:s8], $0x0  }
0x24: {  	s3 =	sadd.s32 $0x88, s3;
	s6 =	simm.s32 @!p1 $0x1082;
	[sflag:s4] =	ssyncset.s32 $0xFFFFF086  }
0x25: {  	[simem:s6], [sflag:s4] =	dma.local [hbm:s3], $0xF7A  }
0x26: {  	[smem:$0x3F87] =	sst s1;
	(tag) =	ssettag s2;
	_ =	strace s9  }
0x27: {  	s1 =	sld [smem:$0x3F97]  }
0x28: {  	s2 =	sld [smem:$0x3F98]  }
0x29: {  	s4 =	sld [smem:$0x3F9A]  }
0x2a: {  	p0 =	seq.s32 s5, $0x0;
	s5 =	sld [smem:$0x3F9B]  }
0x2b: {  	s6 =	sld [smem:$0x3F9C]  }
0x2c: {  	s7 =	sld [smem:$0x3F9D]  }
0x2d: {  	s3 =	simm.s32 $0x108;
	s8 =	sld [smem:$0x3F9E]  }
0x2e: {  	s3 =	simm.s32 @!p0 $0x1082;
	s9 =	sld [smem:$0x3F9F]  }
0x2f: {  	lr =	sadd.s32 s0, s3;
	s0 =	sld [smem:$0x3F96]  }
0x30: {  	s3 =	sld [smem:$0x3F99]  }
0x31: {  	[smem:$0x3FA2] =	sst s10  }
0x32: {  	s10 =	sld [smem:$0x3FA0];
	_ =	sdelay $0x3  }
0x33: {  	p0 =	seq.s32 s10, $0x1;
	s10 =	sld [smem:$0x3FA2];
	_ =	sdelay $0x3  }
0x34: {  	[smem:$0x3FA2] =	sst s10  }
0x35: {  	s10 =	sld [smem:$0x3FA1];
	_ =	sdelay $0x3  }
0x36: {  	p1 =	seq.s32 s10, $0x1;
	s10 =	sld [smem:$0x3FA2];
	_ =	sdelay $0x3  }
0x37: {  	[smem:$0x3FA2] =	sst s10  }
0x38: {  	s10 =	sld [smem:$0x3FA3]  }
0x39: {  	_ = 	snop;
	(pc) =	sbr.ind lr, $3  }
0x3a: {  	_ = 	snop  }
0x3b: {  	_ = 	snop  }
0x3c: {  	p2 =	seq.s32 s10, $0x1;
	s10 =	sld [smem:$0x3FA2]  }
0x3d: {  	_ =	shalt  }
0x3e: {  	_ =	shalt  }
0x3f: {  	_ =	shalt  }
0x40: {  	_ =	shalt  }
0x41: {  	_ =	shalt  }
0x42: {  	_ =	shalt  }
0x43: {  	_ =	shalt  }
0x44: {  	_ =	shalt  }
0x45: {  	_ =	shalt  }
0x46: {  	_ =	shalt  }
0x47: {  	_ =	shalt  }
0x48: {  	_ =	shalt  }
0x49: {  	_ =	shalt  }
0x4a: {  	_ =	shalt  }
0x4b: {  	_ =	shalt  }
0x4c: {  	_ =	shalt  }
0x4d: {  	_ =	shalt  }
0x4e: {  	_ =	shalt  }
0x4f: {  	_ =	shalt  }
0x50: {  	_ =	shalt  }
0x51: {  	_ =	shalt  }
0x52: {  	_ =	shalt  }
0x53: {  	_ =	shalt  }
0x54: {  	_ =	shalt  }
0x55: {  	_ =	shalt  }
0x56: {  	_ =	shalt  }
0x57: {  	_ =	shalt  }
0x58: {  	_ =	shalt  }
0x59: {  	_ =	shalt  }
0x5a: {  	_ =	shalt  }
0x5b: {  	_ =	shalt  }
0x5c: {  	_ =	shalt  }
0x5d: {  	_ =	shalt  }
0x5e: {  	_ =	shalt  }
0x5f: {  	_ =	shalt  }
0x60: {  	_ =	shalt  }
0x61: {  	_ =	shalt  }
0x62: {  	_ =	shalt  }
0x63: {  	_ =	shalt  }
0x64: {  	_ =	shalt  }
0x65: {  	_ =	shalt  }
0x66: {  	_ =	shalt  }
0x67: {  	_ =	shalt  }
0x68: {  	_ =	shalt  }
0x69: {  	_ =	shalt  }
0x6a: {  	_ =	shalt  }
0x6b: {  	_ =	shalt  }
0x6c: {  	_ =	shalt  }
0x6d: {  	_ =	shalt  }
0x6e: {  	_ =	shalt  }
0x6f: {  	_ =	shalt  }
0x70: {  	_ =	shalt  }
0x71: {  	_ =	shalt  }
0x72: {  	_ =	shalt  }
0x73: {  	_ =	shalt  }
0x74: {  	_ =	shalt  }
0x75: {  	_ =	shalt  }
0x76: {  	_ =	shalt  }
0x77: {  	_ =	shalt  }
0x78: {  	_ =	shalt  }
0x79: {  	_ =	shalt  }
0x7a: {  	_ =	shalt  }
0x7b: {  	_ =	shalt  }
0x7c: {  	_ =	shalt  }
0x7d: {  	_ =	shalt  }
0x7e: {  	_ =	shalt  }
0x7f: {  	_ =	shalt  }
0x80: {  	_ =	shalt  }
0x81: {  	_ =	shalt  }
0x82: {  	_ =	shalt  }
0x83: {  	_ =	shalt  }
0x84: {  	_ =	shalt  }
0x85: {  	_ =	shalt  }
0x86: {  	_ =	shalt  }
0x87: {  	_ =	shalt  }
.Lfunc_end0:
.L_simem_size_0:
called_computation.2_lowered:
.L_overlay_start_0:
0x88: {  	s2 =	sld [smem:$0x3FD9]  }
0x89: {  	s3 =	sld [smem:$0x3FFE];
	_ =	sdelay $0x1  }
0x8a: {  	s1 =	srdreg.scid  }
0x8b: {  	s0 =	sand.u32 $0x1, s1  }
0x8c: {  	s17 =	sshll.u32 s0, $0xA;
	s2 =	sadd.s32 s3, s2  }
0x8d: {  	s2 =	sadd.s32 s2, s17  }
0x8e: {  	[smem:$0x3FAE] =	sst s2  }
0x8f: {  	_ = 	snop  }
0x90: {  	s2 =	sld [smem:$0x3FC5];
	(tm) =	ssettm $0x1  }
0x91: {  	s18 =	sld [smem:$0x3FFB];
	_ =	sdelay $0x3  }
0x92: {  	_ =	strace s18  }
0x93: {  	s3 =	sld [smem:$0x3FFC];
	_ =	sdelay $0x3  }
0x94: {  	_ =	strace s3  }
0x95: {  	s3 =	sld [smem:$0x3FFD];
	_ =	sdelay $0x3  }
0x96: {  	_ =	strace s3  }
0x97: {  	_ =	strace $0x8FFFFFFF  }
0x98: {  	s19 =	sld [smem:$0x3FDB];
	_ =	sdelay $0x1  }
0x99: {  	s4 =	simm.s32 $_scs_section_size  }
0x9a: {  	s5 =	simm.s32 $_size__tile_overlayer_lowered;
	s6 =	simm.s32 $_tile_overlayer_lowered  }
0x9b: {  	s22 =	simm.s32 $0x1BFF;
	s21 =	sshll.u32 s6, $0x1;
	s3 =	sadd.s32 s4, s19  }
0x9c: {  	s7 =	simm.s32 $0x0;
	s20 =	sshll.u32 s5, $0x1;
	s5 =	sadd.s32 s21, s3  }
0x9d: {  	[timem:s7], [sflag:s22] =	dma.local [hbm:s5], s20  }
0x9e: {  	_ =	swait.ge [sflag:s22], s20  }
0x9f: {  	s4 =	ssub.s32 $0x0, s20;
	[sflag:s22] =	ssyncset.done $0x0  }
0xa0: {  	[sflag:s22] =	ssyncadd.s32 s4;
	_ =	sdelay $0x1  }
0xa1: {  	s23 =	simm.s32 $0x1B8B  }
0xa2: {  	_ =	swait.ge [sflag:s23], $0x1  }
0xa3: {  	[sflag:s23] =	ssyncset.done $0x0  }
0xa4: {  	s25 =	simm.s32 $0x1B8E;
	s24 =	sld [smem:$0x3FFE];
	[sflag:s23] =	ssyncadd.s32 $0xFFFFFFFF  }
0xa5: {  	s26 =	simm.s32 $execute0_lowered;
	[smem:$0x3FD2] =	sst s25  }
0xa6: {  	s5 =	sshll.u32 s26, $0x1;
	_ =	strace $0x8000004C;
	[dreg:$0x1] =	wrdreg $0xFFFFFFFF  }
0xa7: {  	s28 =	simm.s32 $_size_execute0_lowered;
	s3 =	sadd.s32 s3, s5;
	[dreg:$0x0] =	wrdreg $0x0  }
0xa8: {  	s5 =	sshll.u32 s28, $0x1;
	[dreg:$0x2] =	wrdreg s3  }
0xa9: {  	[dreg:$0x3] =	wrdreg s5  }
0xaa: {  	[dreg:$0x4] =	wrdreg $0xC0  }
0xab: {  	_ =	task [dreg:s7], $0x5FFFF  }
0xac: {  	[dreg:$0x1] =	wrdreg $0xFFFFFFFF  }
0xad: {  	[dreg:$0x0] =	wrdreg $0x60  }
0xae: {  	[dreg:$0x2] =	wrdreg s24  }
0xaf: {  	[dreg:$0x3] =	wrdreg s2  }
0xb0: {  	[dreg:$0x4] =	wrdreg $0xC1C00  }
0xb1: {  	[dreg:$0x5] =	wrdreg $0x9  }
0xb2: {  	_ =	task.clear_ibuf [dreg:s7], $0x6FFFF;
	_ =	strace $0x9000004C  }
0xb3: {  	s29 =	simm.s32 $0x9;
	_ =	strace $0x8000004E  }
0xb4: {  	_ =	swait.ge [sflag:s29], $0x1  }
0xb5: {  	[sflag:s29] =	ssyncadd.s32 $0xFFFFFFFF  }
0xb6: {  	_ =	strace $0x9000004E  }
0xb7: {  	_ =	sfence  }
0xb8: {  	s30 =	sld [smem:$0x0];
	_ =	sdelay $0x2  }
0xb9: {  	s31 =	sshll.u32 s1, $0xD;
	s1 =	sshrl.u32 s1, $0x2  }
0xba: {  	s3 =	sand.u32 $0x4000, s31;
	s1 =	sadd.s32 s1, s30  }
0xbb: {  	s0 =	sor.u32 s3, s0;
	s1 =	sshll.u32 s1, $0x11  }
0xbc: {  	s0 =	sor.u32 s1, s0  }
0xbd: {  	s0 =	sadd.s32 $0x8F2B, s0  }
0xbe: {  	[sflag:s0] =	ssyncadd.remote.s32 $0x1  }
0xbf: {  	_ =	sfence.sel $0xFFFF  }
0xc0: {  	[dreg:$0x0] =	wrdreg $0xFFFFFFFF;
	(pc) =	sbr.abs _section_cstart, $3  }
0xc1: {  	[dreg:$0x1] =	wrdreg $0xFFFFFFFF  }
0xc2: {  	_ =	task.clear_ibuf [dreg:s7], $0x2FFFF;
	_ =	strace $0x9FFFFFFF  }
0xc3: {  	(tm) =	ssettm $0x7FFFFFFF  }
tec
execute0_lowered:
.L_overlay_start_1:
0x0: {  	(tag) =	ssettag $0x1  }
0x1: {  	s0 =	rddreg [dreg:$0x0]  }
0x2: {  	s12 =	rddreg [dreg:$0x1];
	s6 =	simm.s32 $0x0;
	s5 =	stileid.u32  }
0x3: {  	[smem:$0x7FF] =	sst s6;
	s3 =	smul.u32 $0x4E240, s5  }
0x4: {  	s2 =	rddreg [dreg:$0x2];
	s7 =	sadd.s32 $0x756A00, s0;
	s0 =	sadd.s32 $0x274A00, s0  }
0x5: {  	s23 =	smul.u32 $0x271000, s5;
	_ =	strace $0x8000004D;
	[dreg:$0x6] =	wrdreg s0  }
0x6: {  	s13 =	smul.u32 $0x4E20, s5;
	[dreg:$0x5] =	wrdreg s7;
	s3 =	sshrl.u32 s3, $0x2  }
0x7: {  	[dreg:$0x8] =	wrdreg s23;
	s8 =	sadd.s32 s3, s2  }
0x8: {  	[dreg:$0x7] =	wrdreg s13;
	s24 =	sadd.s32 $0x7D0, s8  }
0x9: {  	s1 =	srdreg.scid;
	s25 =	sadd.s32 $0xFA0, s8;
	[dreg:$0x9] =	wrdreg s24  }
0xa: {  	s1 =	sand.u32 $0x1, s1;
	s26 =	sadd.s32 $0x1770, s8;
	[dreg:$0xa] =	wrdreg s25  }
0xb: {  	s14 =	smul.u32 $0x1388, s5;
	s9 =	sadd.s32 $0x1F40, s8;
	[dreg:$0xb] =	wrdreg s26  }
0xc: {  	s22 =	ssub.s32 $0x2, s1;
	s10 =	sadd.s32 $0x2710, s8;
	[dreg:$0xc] =	wrdreg s9  }
0xd: {  	s1 =	smul.u32 $0x13880, s1;
	s11 =	sadd.s32 $0x2EE0, s8;
	[dreg:$0xd] =	wrdreg s10  }
0xe: {  	s4 =	sshrl.u32 s22, $0x1;
	s15 =	sadd.s32 $0x3E80, s8;
	[dreg:$0xe] =	wrdreg s11  }
0xf: {  	s0 =	ssub.s32 s22, s4;
	s16 =	sadd.s32 $0x4650, s8;
	[dreg:$0x10] =	wrdreg s15  }
0x10: {  	s4 =	sadd.s32 s14, s1;
	s17 =	sadd.s32 $0x4E20, s8;
	[dreg:$0x11] =	wrdreg s16  }
0x11: {  	s4 =	sshll.u32 s4, $0x7;
	[dreg:$0x12] =	wrdreg s17  }
0x12: {  	s0 =	smax.u32 s0, $0x1;
	[dreg:$0x13] =	wrdreg s4  }
0x13: {  	s21 =	sadd.s32 $0x55F0, s8;
	[dreg:$0x14] =	wrdreg s0  }
0x14: {  	s22 =	sadd.s32 $0x5DC0, s8;
	[dreg:$0x17] =	wrdreg s21  }
0x15: {  	s23 =	sadd.s32 $0x6590, s8;
	[dreg:$0x18] =	wrdreg s22  }
0x16: {  	s14 =	sadd.s32 $0xB3B0, s8;
	[dreg:$0x19] =	wrdreg s23  }
0x17: {  	s3 =	sor.u32 $0x13880, s5;
	s9 =	sadd.s32 $0x36B0, s8;
	[smem:$0x7F1] =	sst s14  }
0x18: {  	s5 =	smul.u32 $0x4E200, s5;
	s24 =	sadd.s32 $0x6D60, s8;
	[dreg:$0xf] =	wrdreg s9  }
0x19: {  	s25 =	sadd.s32 $0x7530, s8;
	[dreg:$0x1a] =	wrdreg s24  }
0x1a: {  	s18 =	sshrl.u32 s5, $0x2;
	s26 =	sadd.s32 $0x7D00, s8;
	[dreg:$0x1b] =	wrdreg s25  }
0x1b: {  	s5 =	sadd.s32 s5, s7;
	s7 =	sadd.s32 $0x9470, s8;
	[dreg:$0x1c] =	wrdreg s26  }
0x1c: {  	s10 =	sadd.s32 $0xA410, s8;
	[dreg:$0x1f] =	wrdreg s7  }
0x1d: {  	s11 =	sadd.s32 $0xABE0, s8;
	[smem:$0x7EF] =	sst s10  }
0x1e: {  	s15 =	sadd.s32 $0xBB80, s8;
	[smem:$0x7F0] =	sst s11  }
0x1f: {  	s16 =	sadd.s32 $0xC350, s8;
	[smem:$0x7F2] =	sst s15  }
0x20: {  	s28 =	simm.s32 $0x80;
	s17 =	sadd.s32 $0xCB20, s8;
	[smem:$0x7F3] =	sst s16  }
0x21: {  	s29 =	simm.s32 $0x55F0;
	s21 =	sadd.s32 $0xEA60, s8;
	[smem:$0x7F4] =	sst s17  }
0x22: {  	s30 =	simm.s32 $0xB9F0;
	s22 =	sadd.s32 $0xF230, s8;
	[smem:$0x7F8] =	sst s21  }
0x23: {  	s31 =	simm.s32 $0x50;
	s23 =	sadd.s32 $0xFA00, s8;
	[smem:$0x7F9] =	sst s22  }
0x24: {  	s0 =	simm.s32 $0x1;
	s19 =	sadd.s32 $0x3200, s5;
	[smem:$0x7FA] =	sst s23  }
0x25: {  	s4 =	sadd.s32 s18, s2;
	s5 =	sadd.s32 $0x8CA0, s8;
	[dreg:$0x15] =	wrdreg s19  }
0x26: {  	s9 =	sadd.s32 $0x9C40, s8;
	s18 =	sadd.s32 $0xD2F0, s8;
	[dreg:$0x1e] =	wrdreg s5  }
0x27: {  	s24 =	sadd.s32 $0x101D0, s8;
	s25 =	sadd.s32 $0x109A0, s8;
	[smem:$0x7EE] =	sst s9  }
0x28: {  	s26 =	sadd.s32 $0x11170, s8;
	s23 =	sadd.s32 $0x130B0, s8;
	[smem:$0x7F5] =	sst s18  }
0x29: {  	s17 =	smov.u32 s8;
	s21 =	simm.s32 $0x3;
	[smem:$0x7FB] =	sst s24  }
0x2a: {  	s22 =	simm.s32 $0x0;
	s20 =	sshrl.u32 s4, $0x3;
	[smem:$0x7FC] =	sst s25  }
0x2b: {  	s4 =	sadd.s32 $0x84D0, s8;
	s19 =	sadd.s32 $0xDAC0, s8;
	[smem:$0x7FD] =	sst s26  }
0x2c: {  	s18 =	sadd.s32 $0x11940, s8;
	s24 =	sadd.s32 $0x13880, s8;
	[dreg:$0x16] =	wrdreg s20  }
0x2d: {  	s25 =	simm.s32 $0x6;
	s26 =	simm.s32 $0x10;
	[dreg:$0x1d] =	wrdreg s4  }
0x2e: {  	[smem:$0x7F6] =	sst s19;
	s20 =	sadd.s32 $0xE290, s8;
	s19 =	sadd.s32 $0x12110, s8  }
0x2f: {  	v2 =	vimm.f32 $0.0e+00;
	v0 =	vmov s1;
	v1 =	vmov s3;
	[smem:$0x7F7] =	sst s20;
	s20 =	sadd.s32 $0x128E0, s8;
	s8 =	simm.s32 $0x5  }
.LBB2_1:
0x30: {  	[dreg:$0x4] =	wrdreg s6;
	s1 =	simm.s32 $0x40;
	s3 =	simm.s32 $0x0  }
.LBB2_2:
0x31: {  	p0 =	sne.s32 s1, $0x1F00;
	[tilespmem:s3+$0xB9F0] =	vst v2;
	s3 =	smov.u32 s1;
	s1 =	sadd.s32 $0x40, s1  }
.Ltmp0:
0x32: {  	(pc) =	sbr.rel @p0 .LBB2_2-.Ltmp0, $2  }
0x33: {  	_ =	sdelay $0x2  }
0x34: {  	s3 =	sshra.s32 s3, $0x2  }
0x35: {  	[tilespmem:s3+$0xB9F0] =	vst v2;
	s1 =	simm.s32 $0x0;
	s3 =	simm.s32 $0x0  }
.LBB2_4:
0x36: {  	s4 =	smul.u32 $0x7D0, s3;
	_ =	sdelay $0x1  }
0x37: {  	s4 =	sadd.s32 s13, s4  }
0x38: {  	s4 =	sshrl.u32 s4, $0x3  }
0x39: {  	s4 =	sadd.s32 s12, s4  }
0x3a: {  	[tilespmem:s1], [sflag:$0x6] =	stream.linear.gather [hbm4b:s4+s1], $0x7D0, $0x38;
	[tilespmem:$0x1FA50] =	vst v63  }
0x3b: {  	_ =	swait.ge [sflag:s25], $0x7D0  }
0x3c: {  	s16 =	smul.u32 $0xCD, s1;
	[sflag:s25] =	ssyncset.done $0x0  }
0x3d: {  	[sflag:s25] =	ssyncadd.s32 $0xFFFFF830  }
0x3e: {  	s5 =	sshrl.u32 s16, $0xA;
	v3 =	vld [tilespmem:s1+$0x0]  }
0x3f: {  	s5 =	sand.u32 $0x3F, s5;
	s4 =	smul.u32 $0x19, s3  }
0x40: {  	s6 =	smul.u32 $0x5, s5  }
0x41: {  	s5 =	sadd.s32 s5, s4  }
0x42: {  	s6 =	ssub.s32 $0x0, s6;
	s7 =	smul.u32 $0x140, s5  }
0x43: {  	s6 =	sand.u32 $0xFF, s6;
	s5 =	simm.s32 $0x1;
	v3 =	vsub.s32 v3, v0  }
0x44: {  	s10 =	sshll.u32 s6, $0x4;
	s6 =	simm.s32 $0x2;
	s7 =	sshra.s32 s7, $0x2;
	vm0 =	vlt.u32 v3, $0x13880  }
0x45: {  	s9 =	smul.u32 $0xCD, s5;
	s10 =	sadd.s32 s10, s7;
	s7 =	simm.s32 $0x0;
	v3 =	vsel vm0, v3, v1  }
.LBB2_5:
0x46: {  	p0 =	sne.s32 s6, $0x7C;
	[tilespmem:s10+$0x7D0] =	vst v3;
	s7 =	sadd.s32 $0x10, s7  }
0x47: {  	v3 =	vld [tilespmem:s7+$0x0];
	s9 =	sshrl.u32 s9, $0xA  }
0x48: {  	s9 =	sand.u32 $0x3F, s9  }
0x49: {  	s10 =	smul.u32 $0x5, s9  }
.Ltmp1:
0x4a: {  	s9 =	sadd.s32 s9, s4;
	(pc) =	sbr.rel @p0 .LBB2_5-.Ltmp1, $4  }
0x4b: {  	s9 =	smul.u32 $0x140, s9;
	s10 =	ssub.s32 s5, s10;
	s5 =	smov.u32 s6  }
0x4c: {  	v3 =	vsub.s32 v3, v0;
	s10 =	sand.u32 $0xFF, s10  }
0x4d: {  	s11 =	sshra.s32 s9, $0x2;
	vm0 =	vlt.u32 v3, $0x13880;
	s10 =	sshll.u32 s10, $0x4  }
0x4e: {  	s6 =	sadd.s32 $0x1, s6;
	s9 =	smul.u32 $0xCD, s5;
	v3 =	vsel vm0, v3, v1;
	s10 =	sadd.s32 s10, s11  }
0x4f: {  	[tilespmem:s10+$0x7D0] =	vst v3;
	s6 =	sadd.s32 $0x10, s7  }
0x50: {  	v3 =	vld [tilespmem:s6+$0x0];
	s15 =	sshrl.u32 s9, $0xA  }
0x51: {  	s6 =	sand.u32 $0x3F, s15  }
0x52: {  	s3 =	sadd.s32 $0x1, s3;
	s16 =	smul.u32 $0x5, s6;
	s4 =	sadd.s32 s6, s4  }
0x53: {  	p0 =	sne.s32 s3, $0xA;
	s4 =	smul.u32 $0x140, s4  }
.Ltmp2:
0x54: {  	s5 =	ssub.s32 s5, s16;
	(pc) =	sbr.rel @p0 .LBB2_4-.Ltmp2, $4  }
0x55: {  	v3 =	vsub.s32 v3, v0;
	s5 =	sand.u32 $0xFF, s5  }
0x56: {  	s4 =	sshra.s32 s4, $0x2;
	vm0 =	vlt.u32 v3, $0x13880;
	s5 =	sshll.u32 s5, $0x4  }
0x57: {  	v3 =	vsel vm0, v3, v1;
	s4 =	sadd.s32 s5, s4  }
0x58: {  	[tilespmem:s4+$0x7D0] =	vst v3  }
0x59: {  	s9 =	rddreg [dreg:$0x15];
	s1 =	simm.s32 $0x0  }
.LBB2_8:
0x5a: {  	s3 =	sshll.u32 s1, $0x4;
	s4 =	rddreg [dreg:$0x8]  }
0x5b: {  	s4 =	sadd.s32 s4, s3  }
0x5c: {  	s5 =	rddreg [dreg:$0x5];
	s4 =	sshrl.u32 s4, $0x3  }
0x5d: {  	s4 =	sadd.s32 s5, s4  }
0x5e: {  	[tilespmem:s29], [sflag:$0x1] =	stream.strided.gather [hbm4b:s4+s26], $0x3200, s28, s26, $0x38;
	[tilespmem:$0x1FA50] =	vst v63  }
0x5f: {  	s11 =	rddreg [dreg:$0x9]  }
0x60: {  	[spmem:s17] =	stream.linear.scatter [tilespmem:s30], [sflag:$0x5], $0x7D0, $0x38;
	[tilespmem:$0x1FA50] =	vst v63  }
0x61: {  	s12 =	rddreg [dreg:$0xa]  }
0x62: {  	[spmem:s11] =	stream.linear.scatter [tilespmem:s30], [sflag:$0x5], $0x7D0, $0x38;
	[tilespmem:$0x1FA50] =	vst v63  }
0x63: {  	s13 =	rddreg [dreg:$0xb]  }
0x64: {  	[spmem:s12] =	stream.linear.scatter [tilespmem:s30], [sflag:$0x5], $0x7D0, $0x38;
	[tilespmem:$0x1FA50] =	vst v63  }
0x65: {  	s14 =	rddreg [dreg:$0xc]  }
0x66: {  	[spmem:s13] =	stream.linear.scatter [tilespmem:s30], [sflag:$0x5], $0x7D0, $0x38;
	[tilespmem:$0x1FA50] =	vst v63  }
0x67: {  	s15 =	rddreg [dreg:$0xd]  }
0x68: {  	[spmem:s14] =	stream.linear.scatter [tilespmem:s30], [sflag:$0x5], $0x7D0, $0x38;
	[tilespmem:$0x1FA50] =	vst v63  }
0x69: {  	s16 =	rddreg [dreg:$0xe]  }
0x6a: {  	[spmem:s15] =	stream.linear.scatter [tilespmem:s30], [sflag:$0x5], $0x7D0, $0x38;
	[tilespmem:$0x1FA50] =	vst v63  }
0x6b: {  	s6 =	rddreg [dreg:$0x10]  }
0x6c: {  	[spmem:s16] =	stream.linear.scatter [tilespmem:s30], [sflag:$0x5], $0x7D0, $0x38;
	[tilespmem:$0x1FA50] =	vst v63  }
0x6d: {  	s5 =	rddreg [dreg:$0xf]  }
0x6e: {  	[spmem:s5] =	stream.linear.scatter [tilespmem:s30], [sflag:$0x5], $0x7D0, $0x38;
	[tilespmem:$0x1FA50] =	vst v63  }
0x6f: {  	s7 =	rddreg [dreg:$0x11]  }
0x70: {  	[spmem:s6] =	stream.linear.scatter [tilespmem:s30], [sflag:$0x5], $0x7D0, $0x38;
	[tilespmem:$0x1FA50] =	vst v63  }
0x71: {  	s10 =	rddreg [dreg:$0x12]  }
0x72: {  	[spmem:s7] =	stream.linear.scatter [tilespmem:s30], [sflag:$0x5], $0x7D0, $0x38;
	[tilespmem:$0x1FA50] =	vst v63  }
0x73: {  	s11 =	rddreg [dreg:$0x17]  }
0x74: {  	[spmem:s10] =	stream.linear.scatter [tilespmem:s30], [sflag:$0x5], $0x7D0, $0x38;
	[tilespmem:$0x1FA50] =	vst v63  }
0x75: {  	s12 =	rddreg [dreg:$0x18]  }
0x76: {  	[spmem:s11] =	stream.linear.scatter [tilespmem:s30], [sflag:$0x5], $0x7D0, $0x38;
	[tilespmem:$0x1FA50] =	vst v63  }
0x77: {  	s13 =	rddreg [dreg:$0x19]  }
0x78: {  	[spmem:s12] =	stream.linear.scatter [tilespmem:s30], [sflag:$0x5], $0x7D0, $0x38;
	[tilespmem:$0x1FA50] =	vst v63  }
0x79: {  	s14 =	rddreg [dreg:$0x1a]  }
0x7a: {  	[spmem:s13] =	stream.linear.scatter [tilespmem:s30], [sflag:$0x5], $0x7D0, $0x38;
	[tilespmem:$0x1FA50] =	vst v63  }
0x7b: {  	s15 =	rddreg [dreg:$0x1b]  }
0x7c: {  	[spmem:s14] =	stream.linear.scatter [tilespmem:s30], [sflag:$0x5], $0x7D0, $0x38;
	[tilespmem:$0x1FA50] =	vst v63  }
0x7d: {  	s16 =	rddreg [dreg:$0x1c]  }
0x7e: {  	[spmem:s15] =	stream.linear.scatter [tilespmem:s30], [sflag:$0x5], $0x7D0, $0x38;
	[tilespmem:$0x1FA50] =	vst v63  }
0x7f: {  	s5 =	rddreg [dreg:$0x1d]  }
0x80: {  	[spmem:s16] =	stream.linear.scatter [tilespmem:s30], [sflag:$0x5], $0x7D0, $0x38;
	[tilespmem:$0x1FA50] =	vst v63  }
0x81: {  	s6 =	rddreg [dreg:$0x1e]  }
0x82: {  	[spmem:s5] =	stream.linear.scatter [tilespmem:s30], [sflag:$0x5], $0x7D0, $0x38;
	[tilespmem:$0x1FA50] =	vst v63  }
0x83: {  	s7 =	rddreg [dreg:$0x1f]  }
0x84: {  	[spmem:s6] =	stream.linear.scatter [tilespmem:s30], [sflag:$0x5], $0x7D0, $0x38;
	[tilespmem:$0x1FA50] =	vst v63  }
0x85: {  	s10 =	sld [smem:$0x7EE]  }
0x86: {  	[spmem:s7] =	stream.linear.scatter [tilespmem:s30], [sflag:$0x5], $0x7D0, $0x38;
	[tilespmem:$0x1FA50] =	vst v63  }
0x87: {  	s11 =	sld [smem:$0x7EF]  }
0x88: {  	[spmem:s10] =	stream.linear.scatter [tilespmem:s30], [sflag:$0x5], $0x7D0, $0x38;
	[tilespmem:$0x1FA50] =	vst v63  }
0x89: {  	s12 =	sld [smem:$0x7F0]  }
0x8a: {  	[spmem:s11] =	stream.linear.scatter [tilespmem:s30], [sflag:$0x5], $0x7D0, $0x38;
	[tilespmem:$0x1FA50] =	vst v63  }
0x8b: {  	s13 =	sld [smem:$0x7F1]  }
0x8c: {  	[spmem:s12] =	stream.linear.scatter [tilespmem:s30], [sflag:$0x5], $0x7D0, $0x38;
	[tilespmem:$0x1FA50] =	vst v63  }
0x8d: {  	s14 =	sld [smem:$0x7F2]  }
0x8e: {  	[spmem:s13] =	stream.linear.scatter [tilespmem:s30], [sflag:$0x5], $0x7D0, $0x38;
	[tilespmem:$0x1FA50] =	vst v63  }
0x8f: {  	s15 =	sld [smem:$0x7F3]  }
0x90: {  	[spmem:s14] =	stream.linear.scatter [tilespmem:s30], [sflag:$0x5], $0x7D0, $0x38;
	[tilespmem:$0x1FA50] =	vst v63  }
0x91: {  	s16 =	sld [smem:$0x7F4]  }
0x92: {  	[spmem:s15] =	stream.linear.scatter [tilespmem:s30], [sflag:$0x5], $0x7D0, $0x38;
	[tilespmem:$0x1FA50] =	vst v63  }
0x93: {  	s5 =	sld [smem:$0x7F5]  }
0x94: {  	[spmem:s16] =	stream.linear.scatter [tilespmem:s30], [sflag:$0x5], $0x7D0, $0x38;
	[tilespmem:$0x1FA50] =	vst v63  }
0x95: {  	s6 =	sld [smem:$0x7F6]  }
0x96: {  	[spmem:s5] =	stream.linear.scatter [tilespmem:s30], [sflag:$0x5], $0x7D0, $0x38;
	[tilespmem:$0x1FA50] =	vst v63  }
0x97: {  	s7 =	sld [smem:$0x7F7]  }
0x98: {  	[spmem:s6] =	stream.linear.scatter [tilespmem:s30], [sflag:$0x5], $0x7D0, $0x38;
	[tilespmem:$0x1FA50] =	vst v63  }
0x99: {  	s10 =	sld [smem:$0x7F8]  }
0x9a: {  	[spmem:s7] =	stream.linear.scatter [tilespmem:s30], [sflag:$0x5], $0x7D0, $0x38;
	[tilespmem:$0x1FA50] =	vst v63  }
0x9b: {  	s11 =	sld [smem:$0x7F9]  }
0x9c: {  	[spmem:s10] =	stream.linear.scatter [tilespmem:s30], [sflag:$0x5], $0x7D0, $0x38;
	[tilespmem:$0x1FA50] =	vst v63  }
0x9d: {  	s12 =	sld [smem:$0x7FA]  }
0x9e: {  	[spmem:s11] =	stream.linear.scatter [tilespmem:s30], [sflag:$0x5], $0x7D0, $0x38;
	[tilespmem:$0x1FA50] =	vst v63  }
0x9f: {  	s13 =	sld [smem:$0x7FB]  }
0xa0: {  	[spmem:s12] =	stream.linear.scatter [tilespmem:s30], [sflag:$0x5], $0x7D0, $0x38;
	[tilespmem:$0x1FA50] =	vst v63  }
0xa1: {  	s14 =	sld [smem:$0x7FC]  }
0xa2: {  	[spmem:s13] =	stream.linear.scatter [tilespmem:s30], [sflag:$0x5], $0x7D0, $0x38;
	[tilespmem:$0x1FA50] =	vst v63  }
0xa3: {  	s15 =	sld [smem:$0x7FD]  }
0xa4: {  	[spmem:s14] =	stream.linear.scatter [tilespmem:s30], [sflag:$0x5], $0x7D0, $0x38;
	[tilespmem:$0x1FA50] =	vst v63  }
0xa5: {  	_ = 	snop  }
0xa6: {  	[spmem:s15] =	stream.linear.scatter [tilespmem:s30], [sflag:$0x5], $0x7D0, $0x38;
	[tilespmem:$0x1FA50] =	vst v63  }
0xa7: {  	_ = 	snop  }
0xa8: {  	[spmem:s18] =	stream.linear.scatter [tilespmem:s30], [sflag:$0x5], $0x7D0, $0x38;
	[tilespmem:$0x1FA50] =	vst v63  }
0xa9: {  	_ = 	snop  }
0xaa: {  	[spmem:s19] =	stream.linear.scatter [tilespmem:s30], [sflag:$0x5], $0x7D0, $0x38;
	[tilespmem:$0x1FA50] =	vst v63  }
0xab: {  	_ = 	snop  }
0xac: {  	[spmem:s20] =	stream.linear.scatter [tilespmem:s30], [sflag:$0x5], $0x7D0, $0x38;
	[tilespmem:$0x1FA50] =	vst v63  }
0xad: {  	_ = 	snop  }
0xae: {  	[spmem:s23] =	stream.linear.scatter [tilespmem:s30], [sflag:$0x5], $0x7D0, $0x38;
	[tilespmem:$0x1FA50] =	vst v63  }
0xaf: {  	_ = 	snop  }
0xb0: {  	[spmem:s24] =	stream.linear.scatter [tilespmem:s30], [sflag:$0x5], $0x10, $0x38;
	[tilespmem:$0x1FA50] =	vst v63  }
0xb1: {  	_ =	swait.ge [sflag:s8], $0x7D0  }
0xb2: {  	[sflag:s8] =	ssyncset.done $0x0  }
0xb3: {  	[sflag:s8] =	ssyncadd.s32 $0xFFFFF830  }
0xb4: {  	_ =	swait.ge [sflag:s8], $0x7D0  }
0xb5: {  	[sflag:s8] =	ssyncset.done $0x0  }
0xb6: {  	[sflag:s8] =	ssyncadd.s32 $0xFFFFF830  }
0xb7: {  	_ =	swait.ge [sflag:s8], $0x7D0  }
0xb8: {  	[sflag:s8] =	ssyncset.done $0x0  }
0xb9: {  	[sflag:s8] =	ssyncadd.s32 $0xFFFFF830  }
0xba: {  	_ =	swait.ge [sflag:s8], $0x7D0  }
0xbb: {  	[sflag:s8] =	ssyncset.done $0x0  }
0xbc: {  	[sflag:s8] =	ssyncadd.s32 $0xFFFFF830  }
0xbd: {  	_ =	swait.ge [sflag:s8], $0x7D0  }
0xbe: {  	[sflag:s8] =	ssyncset.done $0x0  }
0xbf: {  	[sflag:s8] =	ssyncadd.s32 $0xFFFFF830  }
0xc0: {  	_ =	swait.ge [sflag:s8], $0x7D0  }
0xc1: {  	[sflag:s8] =	ssyncset.done $0x0  }
0xc2: {  	[sflag:s8] =	ssyncadd.s32 $0xFFFFF830  }
0xc3: {  	_ =	swait.ge [sflag:s8], $0x7D0  }
0xc4: {  	[sflag:s8] =	ssyncset.done $0x0  }
0xc5: {  	[sflag:s8] =	ssyncadd.s32 $0xFFFFF830  }
0xc6: {  	_ =	swait.ge [sflag:s8], $0x7D0  }
0xc7: {  	[sflag:s8] =	ssyncset.done $0x0  }
0xc8: {  	[sflag:s8] =	ssyncadd.s32 $0xFFFFF830  }
0xc9: {  	_ =	swait.ge [sflag:s8], $0x7D0  }
0xca: {  	[sflag:s8] =	ssyncset.done $0x0  }
0xcb: {  	[sflag:s8] =	ssyncadd.s32 $0xFFFFF830  }
0xcc: {  	_ =	swait.ge [sflag:s8], $0x7D0  }
0xcd: {  	[sflag:s8] =	ssyncset.done $0x0  }
0xce: {  	[sflag:s8] =	ssyncadd.s32 $0xFFFFF830  }
0xcf: {  	_ =	swait.ge [sflag:s8], $0x7D0  }
0xd0: {  	[sflag:s8] =	ssyncset.done $0x0  }
0xd1: {  	[sflag:s8] =	ssyncadd.s32 $0xFFFFF830  }
0xd2: {  	_ =	swait.ge [sflag:s8], $0x7D0  }
0xd3: {  	[sflag:s8] =	ssyncset.done $0x0  }
0xd4: {  	[sflag:s8] =	ssyncadd.s32 $0xFFFFF830  }
0xd5: {  	_ =	swait.ge [sflag:s8], $0x7D0  }
0xd6: {  	[sflag:s8] =	ssyncset.done $0x0  }
0xd7: {  	[sflag:s8] =	ssyncadd.s32 $0xFFFFF830  }
0xd8: {  	_ =	swait.ge [sflag:s8], $0x7D0  }
0xd9: {  	[sflag:s8] =	ssyncset.done $0x0  }
0xda: {  	[sflag:s8] =	ssyncadd.s32 $0xFFFFF830  }
0xdb: {  	_ =	swait.ge [sflag:s8], $0x7D0  }
0xdc: {  	[sflag:s8] =	ssyncset.done $0x0  }
0xdd: {  	[sflag:s8] =	ssyncadd.s32 $0xFFFFF830  }
0xde: {  	_ =	swait.ge [sflag:s8], $0x7D0  }
0xdf: {  	[sflag:s8] =	ssyncset.done $0x0  }
0xe0: {  	[sflag:s8] =	ssyncadd.s32 $0xFFFFF830  }
0xe1: {  	_ =	swait.ge [sflag:s8], $0x7D0  }
0xe2: {  	[sflag:s8] =	ssyncset.done $0x0  }
0xe3: {  	[sflag:s8] =	ssyncadd.s32 $0xFFFFF830  }
0xe4: {  	_ =	swait.ge [sflag:s8], $0x7D0  }
0xe5: {  	[sflag:s8] =	ssyncset.done $0x0  }
0xe6: {  	[sflag:s8] =	ssyncadd.s32 $0xFFFFF830  }
0xe7: {  	_ =	swait.ge [sflag:s8], $0x7D0  }
0xe8: {  	[sflag:s8] =	ssyncset.done $0x0  }
0xe9: {  	[sflag:s8] =	ssyncadd.s32 $0xFFFFF830  }
0xea: {  	_ =	swait.ge [sflag:s8], $0x7D0  }
0xeb: {  	[sflag:s8] =	ssyncset.done $0x0  }
0xec: {  	[sflag:s8] =	ssyncadd.s32 $0xFFFFF830  }
0xed: {  	_ =	swait.ge [sflag:s8], $0x7D0  }
0xee: {  	[sflag:s8] =	ssyncset.done $0x0  }
0xef: {  	[sflag:s8] =	ssyncadd.s32 $0xFFFFF830  }
0xf0: {  	_ =	swait.ge [sflag:s8], $0x7D0  }
0xf1: {  	[sflag:s8] =	ssyncset.done $0x0  }
0xf2: {  	[sflag:s8] =	ssyncadd.s32 $0xFFFFF830  }
0xf3: {  	_ =	swait.ge [sflag:s8], $0x7D0  }
0xf4: {  	[sflag:s8] =	ssyncset.done $0x0  }
0xf5: {  	[sflag:s8] =	ssyncadd.s32 $0xFFFFF830  }
0xf6: {  	_ =	swait.ge [sflag:s8], $0x7D0  }
0xf7: {  	[sflag:s8] =	ssyncset.done $0x0  }
0xf8: {  	[sflag:s8] =	ssyncadd.s32 $0xFFFFF830  }
0xf9: {  	_ =	swait.ge [sflag:s8], $0x7D0  }
0xfa: {  	[sflag:s8] =	ssyncset.done $0x0  }
0xfb: {  	[sflag:s8] =	ssyncadd.s32 $0xFFFFF830  }
0xfc: {  	_ =	swait.ge [sflag:s8], $0x7D0  }
0xfd: {  	[sflag:s8] =	ssyncset.done $0x0  }
0xfe: {  	[sflag:s8] =	ssyncadd.s32 $0xFFFFF830  }
0xff: {  	_ =	swait.ge [sflag:s8], $0x7D0  }
0x100: {  	[sflag:s8] =	ssyncset.done $0x0  }
0x101: {  	[sflag:s8] =	ssyncadd.s32 $0xFFFFF830  }
0x102: {  	_ =	swait.ge [sflag:s8], $0x7D0  }
0x103: {  	[sflag:s8] =	ssyncset.done $0x0  }
0x104: {  	[sflag:s8] =	ssyncadd.s32 $0xFFFFF830  }
0x105: {  	_ =	swait.ge [sflag:s8], $0x7D0  }
0x106: {  	[sflag:s8] =	ssyncset.done $0x0  }
0x107: {  	[sflag:s8] =	ssyncadd.s32 $0xFFFFF830  }
0x108: {  	_ =	swait.ge [sflag:s8], $0x7D0  }
0x109: {  	[sflag:s8] =	ssyncset.done $0x0  }
0x10a: {  	[sflag:s8] =	ssyncadd.s32 $0xFFFFF830  }
0x10b: {  	_ =	swait.ge [sflag:s8], $0x7D0  }
0x10c: {  	[sflag:s8] =	ssyncset.done $0x0  }
0x10d: {  	[sflag:s8] =	ssyncadd.s32 $0xFFFFF830  }
0x10e: {  	_ =	swait.ge [sflag:s8], $0x7D0  }
0x10f: {  	[sflag:s8] =	ssyncset.done $0x0  }
0x110: {  	[sflag:s8] =	ssyncadd.s32 $0xFFFFF830  }
0x111: {  	_ =	swait.ge [sflag:s8], $0x7D0  }
0x112: {  	[sflag:s8] =	ssyncset.done $0x0  }
0x113: {  	[sflag:s8] =	ssyncadd.s32 $0xFFFFF830  }
0x114: {  	_ =	swait.ge [sflag:s8], $0x7D0  }
0x115: {  	[sflag:s8] =	ssyncset.done $0x0  }
0x116: {  	[sflag:s8] =	ssyncadd.s32 $0xFFFFF830  }
0x117: {  	_ =	swait.ge [sflag:s8], $0x7D0  }
0x118: {  	[sflag:s8] =	ssyncset.done $0x0  }
0x119: {  	[sflag:s8] =	ssyncadd.s32 $0xFFFFF830  }
0x11a: {  	_ =	swait.ge [sflag:s8], $0x7D0  }
0x11b: {  	[sflag:s8] =	ssyncset.done $0x0  }
0x11c: {  	[sflag:s8] =	ssyncadd.s32 $0xFFFFF830  }
0x11d: {  	_ =	swait.ge [sflag:s8], $0x7D0  }
0x11e: {  	[sflag:s8] =	ssyncset.done $0x0  }
0x11f: {  	[sflag:s8] =	ssyncadd.s32 $0xFFFFF830  }
0x120: {  	_ =	swait.ge [sflag:s8], $0x7D0  }
0x121: {  	[sflag:s8] =	ssyncset.done $0x0  }
0x122: {  	[sflag:s8] =	ssyncadd.s32 $0xFFFFF830  }
0x123: {  	_ =	swait.ge [sflag:s8], $0x7D0  }
0x124: {  	[sflag:s8] =	ssyncset.done $0x0  }
0x125: {  	[sflag:s8] =	ssyncadd.s32 $0xFFFFF830  }
0x126: {  	_ =	swait.ge [sflag:s8], $0x7D0  }
0x127: {  	[sflag:s8] =	ssyncset.done $0x0  }
0x128: {  	[sflag:s8] =	ssyncadd.s32 $0xFFFFF830  }
0x129: {  	_ =	swait.ge [sflag:s8], $0x10  }
0x12a: {  	s16 =	sand.u32 $0x1, s22;
	[sflag:s8] =	ssyncset.done $0x0  }
0x12b: {  	s11 =	sxor.u32 $0x1, s16;
	[sflag:s8] =	ssyncadd.s32 $0xFFFFFFF0  }
0x12c: {  	s6 =	sadd.s32 $0x1, s16;
	s7 =	smul.u32 $0xC800, s11;
	[bflag:$0x0] =	sbarrier.arrive $0xFFFF  }
0x12d: {  	s10 =	smul.u32 $0xC800, s16;
	_ =	swait.ge [sflag:s6], $0x3200  }
0x12e: {  	s5 =	sadd.s32 $0x1, s11;
	s7 =	sshrl.u32 s7, $0x2;
	[sflag:s6] =	ssyncset.done $0x0  }
0x12f: {  	s12 =	sadd.s32 $0x55F0, s7;
	s7 =	sshrl.u32 s10, $0x2;
	[sflag:s6] =	ssyncadd.s32 $0xFFFFCE00  }
0x130: {  	[tilespmem:s12], [sflag:s5] =	stream.strided.gather [hbm4b:s9+s26], $0x3200, s28, s26, $0x38;
	[tilespmem:$0x1FA50] =	vst v63  }
0x131: {  	s13 =	sadd.s32 $0x55F0, s7;
	s14 =	simm.s32 $0x7D0;
	s5 =	sadd.s32 $0x3, s16  }
0x132: {  	[spmem:s2] =	stream.indirect.scatter.add.f32 [tilespmem:s13], [sflag:s5], $0x10, s14, s31, $0xb8;
	[tilespmem:$0x1FA50] =	vst v63  }
0x133: {  	s15 =	sadd.s32 $0x5AF0, s7;
	s16 =	simm.s32 $0x820  }
0x134: {  	[spmem:s2] =	stream.indirect.scatter.add.f32 [tilespmem:s15], [sflag:s5], $0x10, s16, s31, $0xb8;
	[tilespmem:$0x1FA50] =	vst v63  }
0x135: {  	s10 =	simm.s32 $0x870;
	s6 =	sadd.s32 $0x5FF0, s7  }
0x136: {  	[spmem:s2] =	stream.indirect.scatter.add.f32 [tilespmem:s6], [sflag:s5], $0x10, s10, s31, $0xb8;
	[tilespmem:$0x1FA50] =	vst v63  }
0x137: {  	s11 =	sadd.s32 $0x64F0, s7;
	s12 =	simm.s32 $0x8C0  }
0x138: {  	[spmem:s2] =	stream.indirect.scatter.add.f32 [tilespmem:s11], [sflag:s5], $0x10, s12, s31, $0xb8;
	[tilespmem:$0x1FA50] =	vst v63  }
0x139: {  	s13 =	sadd.s32 $0x69F0, s7;
	s14 =	simm.s32 $0x910  }
0x13a: {  	[spmem:s2] =	stream.indirect.scatter.add.f32 [tilespmem:s13], [sflag:s5], $0x10, s14, s31, $0xb8;
	[tilespmem:$0x1FA50] =	vst v63  }
0x13b: {  	s15 =	sadd.s32 $0x6EF0, s7;
	s16 =	simm.s32 $0x960  }
0x13c: {  	[spmem:s2] =	stream.indirect.scatter.add.f32 [tilespmem:s15], [sflag:s5], $0x10, s16, s31, $0xb8;
	[tilespmem:$0x1FA50] =	vst v63  }
0x13d: {  	s6 =	sadd.s32 $0x73F0, s7;
	s10 =	simm.s32 $0x9B0  }
0x13e: {  	[spmem:s2] =	stream.indirect.scatter.add.f32 [tilespmem:s6], [sflag:s5], $0x10, s10, s31, $0xb8;
	[tilespmem:$0x1FA50] =	vst v63  }
0x13f: {  	s11 =	sadd.s32 $0x78F0, s7;
	s12 =	simm.s32 $0xA00  }
0x140: {  	[spmem:s2] =	stream.indirect.scatter.add.f32 [tilespmem:s11], [sflag:s5], $0x10, s12, s31, $0xb8;
	[tilespmem:$0x1FA50] =	vst v63  }
0x141: {  	s13 =	sadd.s32 $0x7DF0, s7;
	s14 =	simm.s32 $0xA50  }
0x142: {  	[spmem:s2] =	stream.indirect.scatter.add.f32 [tilespmem:s13], [sflag:s5], $0x10, s14, s31, $0xb8;
	[tilespmem:$0x1FA50] =	vst v63  }
0x143: {  	s15 =	sadd.s32 $0x82F0, s7;
	s16 =	simm.s32 $0xAA0  }
0x144: {  	[spmem:s2] =	stream.indirect.scatter.add.f32 [tilespmem:s15], [sflag:s5], $0x10, s16, s31, $0xb8;
	[tilespmem:$0x1FA50] =	vst v63  }
0x145: {  	_ =	swait.ge [sflag:s5], $0x500  }
0x146: {  	[sflag:s5] =	ssyncset.done $0x0  }
0x147: {  	[sflag:s5] =	ssyncadd.s32 $0xFFFFFB00  }
0x148: {  	_ =	swait.ge [sflag:s5], $0x500  }
0x149: {  	[sflag:s5] =	ssyncset.done $0x0  }
0x14a: {  	[sflag:s5] =	ssyncadd.s32 $0xFFFFFB00  }
0x14b: {  	_ =	swait.ge [sflag:s5], $0x500  }
0x14c: {  	[sflag:s5] =	ssyncset.done $0x0  }
0x14d: {  	[sflag:s5] =	ssyncadd.s32 $0xFFFFFB00  }
0x14e: {  	_ =	swait.ge [sflag:s5], $0x500  }
0x14f: {  	[sflag:s5] =	ssyncset.done $0x0  }
0x150: {  	[sflag:s5] =	ssyncadd.s32 $0xFFFFFB00  }
0x151: {  	_ =	swait.ge [sflag:s5], $0x500  }
0x152: {  	[sflag:s5] =	ssyncset.done $0x0  }
0x153: {  	[sflag:s5] =	ssyncadd.s32 $0xFFFFFB00  }
0x154: {  	_ =	swait.ge [sflag:s5], $0x500  }
0x155: {  	[sflag:s5] =	ssyncset.done $0x0  }
0x156: {  	[sflag:s5] =	ssyncadd.s32 $0xFFFFFB00  }
0x157: {  	_ =	swait.ge [sflag:s5], $0x500  }
0x158: {  	[sflag:s5] =	ssyncset.done $0x0  }
0x159: {  	[sflag:s5] =	ssyncadd.s32 $0xFFFFFB00  }
0x15a: {  	_ =	swait.ge [sflag:s5], $0x500  }
0x15b: {  	[sflag:s5] =	ssyncset.done $0x0  }
0x15c: {  	[sflag:s5] =	ssyncadd.s32 $0xFFFFFB00  }
0x15d: {  	_ =	swait.ge [sflag:s5], $0x500  }
0x15e: {  	s4 =	smov.u32 s9;
	[sflag:s5] =	ssyncset.done $0x0  }
0x15f: {  	s7 =	simm.s32 $0x1900;
	s6 =	simm.s32 $0x1;
	[sflag:s5] =	ssyncadd.s32 $0xFFFFFB00  }
0x160: {  	s10 =	simm.s32 $0xC80;
	s11 =	sand.u32 $0x1, s6;
	_ =	swait.ge [sflag:s5], $0x500  }
0x161: {  	s12 =	sadd.s32 $0x1, s11;
	s13 =	sxor.u32 $0x1, s11;
	[sflag:s5] =	ssyncset.done $0x0  }
.LBB2_9:
0x162: {  	s14 =	smul.u32 $0xC800, s13  }
0x163: {  	[sflag:s5] =	ssyncadd.s32 $0xFFFFFB00;
	s4 =	sadd.s32 $0x3200, s4;
	s15 =	smov.u32 s7  }
0x164: {  	s5 =	smul.u32 $0xC800, s11;
	s16 =	sshra.s32 s10, $0x2;
	_ =	swait.ge [sflag:s12], $0x3200  }
0x165: {  	s13 =	sadd.s32 $0x1, s13;
	[sflag:s12] =	ssyncset.done $0x0;
	s10 =	sshrl.u32 s14, $0x2  }
0x166: {  	[sflag:s12] =	ssyncadd.s32 $0xFFFFCE00;
	s10 =	sadd.s32 $0x55F0, s10;
	s12 =	sshrl.u32 s5, $0x2  }
0x167: {  	[tilespmem:s10], [sflag:s13] =	stream.strided.gather [hbm4b:s4+s26], $0x3200, s28, s26, $0x38;
	[tilespmem:$0x1FA50] =	vst v63  }
0x168: {  	s5 =	sadd.s32 $0x3, s11;
	s10 =	sadd.s32 $0x55F0, s12;
	s13 =	sadd.s32 $0x7D0, s16  }
0x169: {  	[spmem:s2] =	stream.indirect.scatter.add.f32 [tilespmem:s10], [sflag:s5], $0x10, s13, s31, $0xb8;
	[tilespmem:$0x1FA50] =	vst v63  }
0x16a: {  	p0 =	sne.s32 s7, $0x11F80;
	s11 =	sadd.s32 $0x820, s16;
	s10 =	sadd.s32 $0x5AF0, s12  }
0x16b: {  	[spmem:s2] =	stream.indirect.scatter.add.f32 [tilespmem:s10], [sflag:s5], $0x10, s11, s31, $0xb8;
	[tilespmem:$0x1FA50] =	vst v63  }
0x16c: {  	s7 =	sadd.s32 $0xC80, s7;
	s10 =	sadd.s32 $0x5FF0, s12;
	s11 =	sadd.s32 $0x870, s16  }
0x16d: {  	[spmem:s2] =	stream.indirect.scatter.add.f32 [tilespmem:s10], [sflag:s5], $0x10, s11, s31, $0xb8;
	[tilespmem:$0x1FA50] =	vst v63  }
0x16e: {  	s13 =	sadd.s32 $0x8C0, s16;
	s11 =	sadd.s32 $0x64F0, s12;
	s10 =	smov.u32 s15  }
0x16f: {  	[spmem:s2] =	stream.indirect.scatter.add.f32 [tilespmem:s11], [sflag:s5], $0x10, s13, s31, $0xb8;
	[tilespmem:$0x1FA50] =	vst v63  }
0x170: {  	s11 =	sadd.s32 $0x69F0, s12;
	s13 =	sadd.s32 $0x910, s16  }
0x171: {  	[spmem:s2] =	stream.indirect.scatter.add.f32 [tilespmem:s11], [sflag:s5], $0x10, s13, s31, $0xb8;
	[tilespmem:$0x1FA50] =	vst v63  }
0x172: {  	s11 =	sadd.s32 $0x6EF0, s12;
	s13 =	sadd.s32 $0x960, s16  }
0x173: {  	[spmem:s2] =	stream.indirect.scatter.add.f32 [tilespmem:s11], [sflag:s5], $0x10, s13, s31, $0xb8;
	[tilespmem:$0x1FA50] =	vst v63  }
0x174: {  	s11 =	sadd.s32 $0x73F0, s12;
	s13 =	sadd.s32 $0x9B0, s16  }
0x175: {  	[spmem:s2] =	stream.indirect.scatter.add.f32 [tilespmem:s11], [sflag:s5], $0x10, s13, s31, $0xb8;
	[tilespmem:$0x1FA50] =	vst v63  }
0x176: {  	s11 =	sadd.s32 $0x78F0, s12;
	s13 =	sadd.s32 $0xA00, s16  }
0x177: {  	[spmem:s2] =	stream.indirect.scatter.add.f32 [tilespmem:s11], [sflag:s5], $0x10, s13, s31, $0xb8;
	[tilespmem:$0x1FA50] =	vst v63  }
0x178: {  	s11 =	sadd.s32 $0x7DF0, s12;
	s13 =	sadd.s32 $0xA50, s16  }
0x179: {  	[spmem:s2] =	stream.indirect.scatter.add.f32 [tilespmem:s11], [sflag:s5], $0x10, s13, s31, $0xb8;
	[tilespmem:$0x1FA50] =	vst v63  }
0x17a: {  	s11 =	sadd.s32 $0x82F0, s12;
	s12 =	sadd.s32 $0xAA0, s16  }
0x17b: {  	[spmem:s2] =	stream.indirect.scatter.add.f32 [tilespmem:s11], [sflag:s5], $0x10, s12, s31, $0xb8;
	[tilespmem:$0x1FA50] =	vst v63  }
0x17c: {  	_ =	swait.ge [sflag:s5], $0x500  }
0x17d: {  	[sflag:s5] =	ssyncset.done $0x0  }
0x17e: {  	[sflag:s5] =	ssyncadd.s32 $0xFFFFFB00  }
0x17f: {  	_ =	swait.ge [sflag:s5], $0x500  }
0x180: {  	[sflag:s5] =	ssyncset.done $0x0  }
0x181: {  	[sflag:s5] =	ssyncadd.s32 $0xFFFFFB00  }
0x182: {  	_ =	swait.ge [sflag:s5], $0x500  }
0x183: {  	[sflag:s5] =	ssyncset.done $0x0  }
0x184: {  	[sflag:s5] =	ssyncadd.s32 $0xFFFFFB00  }
0x185: {  	_ =	swait.ge [sflag:s5], $0x500  }
0x186: {  	[sflag:s5] =	ssyncset.done $0x0  }
0x187: {  	[sflag:s5] =	ssyncadd.s32 $0xFFFFFB00  }
0x188: {  	_ =	swait.ge [sflag:s5], $0x500  }
0x189: {  	[sflag:s5] =	ssyncset.done $0x0  }
0x18a: {  	[sflag:s5] =	ssyncadd.s32 $0xFFFFFB00  }
0x18b: {  	_ =	swait.ge [sflag:s5], $0x500  }
0x18c: {  	[sflag:s5] =	ssyncset.done $0x0  }
0x18d: {  	[sflag:s5] =	ssyncadd.s32 $0xFFFFFB00  }
0x18e: {  	_ =	swait.ge [sflag:s5], $0x500  }
0x18f: {  	[sflag:s5] =	ssyncset.done $0x0  }
0x190: {  	[sflag:s5] =	ssyncadd.s32 $0xFFFFFB00  }
0x191: {  	_ =	swait.ge [sflag:s5], $0x500  }
0x192: {  	[sflag:s5] =	ssyncset.done $0x0  }
0x193: {  	[sflag:s5] =	ssyncadd.s32 $0xFFFFFB00  }
.Ltmp3:
0x194: {  	_ =	swait.ge [sflag:s5], $0x500;
	(pc) =	sbr.rel @p0 .LBB2_9-.Ltmp3, $4  }
0x195: {  	[sflag:s5] =	ssyncset.done $0x0  }
0x196: {  	s6 =	sadd.s32 $0x1, s6;
	[sflag:s5] =	ssyncadd.s32 $0xFFFFFB00  }
0x197: {  	s11 =	sand.u32 $0x1, s6;
	_ =	swait.ge [sflag:s5], $0x500  }
0x198: {  	s12 =	sadd.s32 $0x1, s11;
	s13 =	sxor.u32 $0x1, s11;
	[sflag:s5] =	ssyncset.done $0x0  }
0x199: {  	[sflag:s5] =	ssyncadd.s32 $0xFFFFFB00;
	s7 =	smul.u32 $0xC800, s13  }
0x19a: {  	s4 =	sadd.s32 $0x3200, s4;
	_ =	swait.ge [sflag:s12], $0x3200  }
0x19b: {  	s6 =	smul.u32 $0xC800, s11;
	[sflag:s12] =	ssyncset.done $0x0;
	s5 =	sshrl.u32 s7, $0x2  }
0x19c: {  	s7 =	sadd.s32 $0x1, s13;
	[sflag:s12] =	ssyncadd.s32 $0xFFFFCE00;
	s5 =	sadd.s32 $0x55F0, s5  }
0x19d: {  	[tilespmem:s5], [sflag:s7] =	stream.strided.gather [hbm4b:s4+s26], $0x3200, s28, s26, $0x38;
	[tilespmem:$0x1FA50] =	vst v63  }
0x19e: {  	s4 =	sshra.s32 s10, $0x2;
	s5 =	sshrl.u32 s6, $0x2  }
0x19f: {  	s10 =	sadd.s32 $0x3, s11;
	s6 =	sadd.s32 $0x55F0, s5;
	s14 =	sadd.s32 $0x7D0, s4  }
0x1a0: {  	[spmem:s2] =	stream.indirect.scatter.add.f32 [tilespmem:s6], [sflag:s10], $0x10, s14, s31, $0xb8;
	[tilespmem:$0x1FA50] =	vst v63  }
0x1a1: {  	s15 =	sadd.s32 $0x5AF0, s5;
	s16 =	sadd.s32 $0x820, s4  }
0x1a2: {  	[spmem:s2] =	stream.indirect.scatter.add.f32 [tilespmem:s15], [sflag:s10], $0x10, s16, s31, $0xb8;
	[tilespmem:$0x1FA50] =	vst v63  }
0x1a3: {  	s11 =	sadd.s32 $0x5FF0, s5;
	s12 =	sadd.s32 $0x870, s4  }
0x1a4: {  	[spmem:s2] =	stream.indirect.scatter.add.f32 [tilespmem:s11], [sflag:s10], $0x10, s12, s31, $0xb8;
	[tilespmem:$0x1FA50] =	vst v63  }
0x1a5: {  	s13 =	sadd.s32 $0x64F0, s5;
	s14 =	sadd.s32 $0x8C0, s4  }
0x1a6: {  	[spmem:s2] =	stream.indirect.scatter.add.f32 [tilespmem:s13], [sflag:s10], $0x10, s14, s31, $0xb8;
	[tilespmem:$0x1FA50] =	vst v63  }
0x1a7: {  	s15 =	sadd.s32 $0x69F0, s5;
	s16 =	sadd.s32 $0x910, s4  }
0x1a8: {  	[spmem:s2] =	stream.indirect.scatter.add.f32 [tilespmem:s15], [sflag:s10], $0x10, s16, s31, $0xb8;
	[tilespmem:$0x1FA50] =	vst v63  }
0x1a9: {  	s11 =	sadd.s32 $0x6EF0, s5;
	s12 =	sadd.s32 $0x960, s4  }
0x1aa: {  	[spmem:s2] =	stream.indirect.scatter.add.f32 [tilespmem:s11], [sflag:s10], $0x10, s12, s31, $0xb8;
	[tilespmem:$0x1FA50] =	vst v63  }
0x1ab: {  	s13 =	sadd.s32 $0x73F0, s5;
	s14 =	sadd.s32 $0x9B0, s4  }
0x1ac: {  	[spmem:s2] =	stream.indirect.scatter.add.f32 [tilespmem:s13], [sflag:s10], $0x10, s14, s31, $0xb8;
	[tilespmem:$0x1FA50] =	vst v63  }
0x1ad: {  	s15 =	sadd.s32 $0x78F0, s5;
	s16 =	sadd.s32 $0xA00, s4  }
0x1ae: {  	[spmem:s2] =	stream.indirect.scatter.add.f32 [tilespmem:s15], [sflag:s10], $0x10, s16, s31, $0xb8;
	[tilespmem:$0x1FA50] =	vst v63  }
0x1af: {  	s7 =	sadd.s32 $0x7DF0, s5;
	s11 =	sadd.s32 $0xA50, s4  }
0x1b0: {  	[spmem:s2] =	stream.indirect.scatter.add.f32 [tilespmem:s7], [sflag:s10], $0x10, s11, s31, $0xb8;
	[tilespmem:$0x1FA50] =	vst v63  }
0x1b1: {  	s5 =	sadd.s32 $0x82F0, s5;
	s4 =	sadd.s32 $0xAA0, s4  }
0x1b2: {  	[spmem:s2] =	stream.indirect.scatter.add.f32 [tilespmem:s5], [sflag:s10], $0x10, s4, s31, $0xb8;
	[tilespmem:$0x1FA50] =	vst v63  }
0x1b3: {  	_ =	swait.ge [sflag:s10], $0x500  }
0x1b4: {  	[sflag:s10] =	ssyncset.done $0x0  }
0x1b5: {  	[sflag:s10] =	ssyncadd.s32 $0xFFFFFB00  }
0x1b6: {  	_ =	swait.ge [sflag:s10], $0x500  }
0x1b7: {  	[sflag:s10] =	ssyncset.done $0x0  }
0x1b8: {  	[sflag:s10] =	ssyncadd.s32 $0xFFFFFB00  }
0x1b9: {  	_ =	swait.ge [sflag:s10], $0x500  }
0x1ba: {  	[sflag:s10] =	ssyncset.done $0x0  }
0x1bb: {  	[sflag:s10] =	ssyncadd.s32 $0xFFFFFB00  }
0x1bc: {  	_ =	swait.ge [sflag:s10], $0x500  }
0x1bd: {  	[sflag:s10] =	ssyncset.done $0x0  }
0x1be: {  	[sflag:s10] =	ssyncadd.s32 $0xFFFFFB00  }
0x1bf: {  	_ =	swait.ge [sflag:s10], $0x500  }
0x1c0: {  	[sflag:s10] =	ssyncset.done $0x0  }
0x1c1: {  	[sflag:s10] =	ssyncadd.s32 $0xFFFFFB00  }
0x1c2: {  	_ =	swait.ge [sflag:s10], $0x500  }
0x1c3: {  	[sflag:s10] =	ssyncset.done $0x0  }
0x1c4: {  	[sflag:s10] =	ssyncadd.s32 $0xFFFFFB00  }
0x1c5: {  	_ =	swait.ge [sflag:s10], $0x500  }
0x1c6: {  	[sflag:s10] =	ssyncset.done $0x0  }
0x1c7: {  	[sflag:s10] =	ssyncadd.s32 $0xFFFFFB00  }
0x1c8: {  	_ =	swait.ge [sflag:s10], $0x500  }
0x1c9: {  	[sflag:s10] =	ssyncset.done $0x0  }
0x1ca: {  	[sflag:s10] =	ssyncadd.s32 $0xFFFFFB00  }
0x1cb: {  	_ =	swait.ge [sflag:s10], $0x500  }
0x1cc: {  	[sflag:s10] =	ssyncset.done $0x0  }
0x1cd: {  	[sflag:s10] =	ssyncadd.s32 $0xFFFFFB00  }
0x1ce: {  	_ =	swait.ge [sflag:s10], $0x500  }
0x1cf: {  	[sflag:s10] =	ssyncset.done $0x0  }
0x1d0: {  	[sflag:s10] =	ssyncadd.s32 $0xFFFFFB00  }
0x1d1: {  	_ =	swait.ge [sflag:s0], $0x3200  }
0x1d2: {  	[sflag:s0] =	ssyncset.done $0x0  }
0x1d3: {  	s12 =	simm.s32 $0x52D0;
	[sflag:s0] =	ssyncadd.s32 $0xFFFFCE00  }
0x1d4: {  	[spmem:s2] =	stream.indirect.scatter.add.f32 [tilespmem:s29], [sflag:$0x3], $0x10, s12, s31, $0xb8;
	[tilespmem:$0x1FA50] =	vst v63  }
0x1d5: {  	s13 =	simm.s32 $0x5320;
	s14 =	simm.s32 $0x5AF0  }
0x1d6: {  	[spmem:s2] =	stream.indirect.scatter.add.f32 [tilespmem:s14], [sflag:$0x3], $0x10, s13, s31, $0xb8;
	[tilespmem:$0x1FA50] =	vst v63  }
0x1d7: {  	s15 =	simm.s32 $0x5370;
	s16 =	simm.s32 $0x5FF0  }
0x1d8: {  	[spmem:s2] =	stream.indirect.scatter.add.f32 [tilespmem:s16], [sflag:$0x3], $0x10, s15, s31, $0xb8;
	[tilespmem:$0x1FA50] =	vst v63  }
0x1d9: {  	s6 =	simm.s32 $0x64F0;
	s5 =	simm.s32 $0x53C0  }
0x1da: {  	[spmem:s2] =	stream.indirect.scatter.add.f32 [tilespmem:s6], [sflag:$0x3], $0x10, s5, s31, $0xb8;
	[tilespmem:$0x1FA50] =	vst v63  }
0x1db: {  	s7 =	simm.s32 $0x5410;
	s10 =	simm.s32 $0x69F0  }
0x1dc: {  	[spmem:s2] =	stream.indirect.scatter.add.f32 [tilespmem:s10], [sflag:$0x3], $0x10, s7, s31, $0xb8;
	[tilespmem:$0x1FA50] =	vst v63  }
0x1dd: {  	s11 =	simm.s32 $0x5460;
	s12 =	simm.s32 $0x6EF0  }
0x1de: {  	[spmem:s2] =	stream.indirect.scatter.add.f32 [tilespmem:s12], [sflag:$0x3], $0x10, s11, s31, $0xb8;
	[tilespmem:$0x1FA50] =	vst v63  }
0x1df: {  	s13 =	simm.s32 $0x54B0;
	s14 =	simm.s32 $0x73F0  }
0x1e0: {  	[spmem:s2] =	stream.indirect.scatter.add.f32 [tilespmem:s14], [sflag:$0x3], $0x10, s13, s31, $0xb8;
	[tilespmem:$0x1FA50] =	vst v63  }
0x1e1: {  	s15 =	simm.s32 $0x5500;
	s16 =	simm.s32 $0x78F0  }
0x1e2: {  	[spmem:s2] =	stream.indirect.scatter.add.f32 [tilespmem:s16], [sflag:$0x3], $0x10, s15, s31, $0xb8;
	[tilespmem:$0x1FA50] =	vst v63  }
0x1e3: {  	s6 =	simm.s32 $0x5550;
	s7 =	simm.s32 $0x7DF0  }
0x1e4: {  	[spmem:s2] =	stream.indirect.scatter.add.f32 [tilespmem:s7], [sflag:$0x3], $0x10, s6, s31, $0xb8;
	[tilespmem:$0x1FA50] =	vst v63  }
0x1e5: {  	s10 =	simm.s32 $0x55A0;
	s11 =	simm.s32 $0x82F0  }
0x1e6: {  	[spmem:s2] =	stream.indirect.scatter.add.f32 [tilespmem:s11], [sflag:$0x3], $0x10, s10, s31, $0xb8;
	[tilespmem:$0x1FA50] =	vst v63  }
0x1e7: {  	_ =	swait.ge [sflag:s21], $0x500  }
0x1e8: {  	[sflag:s21] =	ssyncset.done $0x0  }
0x1e9: {  	[sflag:s21] =	ssyncadd.s32 $0xFFFFFB00  }
0x1ea: {  	_ =	swait.ge [sflag:s21], $0x500  }
0x1eb: {  	[sflag:s21] =	ssyncset.done $0x0  }
0x1ec: {  	[sflag:s21] =	ssyncadd.s32 $0xFFFFFB00  }
0x1ed: {  	_ =	swait.ge [sflag:s21], $0x500  }
0x1ee: {  	[sflag:s21] =	ssyncset.done $0x0  }
0x1ef: {  	[sflag:s21] =	ssyncadd.s32 $0xFFFFFB00  }
0x1f0: {  	_ =	swait.ge [sflag:s21], $0x500  }
0x1f1: {  	[sflag:s21] =	ssyncset.done $0x0  }
0x1f2: {  	[sflag:s21] =	ssyncadd.s32 $0xFFFFFB00  }
0x1f3: {  	_ =	swait.ge [sflag:s21], $0x500  }
0x1f4: {  	[sflag:s21] =	ssyncset.done $0x0  }
0x1f5: {  	[sflag:s21] =	ssyncadd.s32 $0xFFFFFB00  }
0x1f6: {  	_ =	swait.ge [sflag:s21], $0x500  }
0x1f7: {  	[sflag:s21] =	ssyncset.done $0x0  }
0x1f8: {  	[sflag:s21] =	ssyncadd.s32 $0xFFFFFB00  }
0x1f9: {  	_ =	swait.ge [sflag:s21], $0x500  }
0x1fa: {  	[sflag:s21] =	ssyncset.done $0x0  }
0x1fb: {  	[sflag:s21] =	ssyncadd.s32 $0xFFFFFB00  }
0x1fc: {  	_ =	swait.ge [sflag:s21], $0x500  }
0x1fd: {  	[sflag:s21] =	ssyncset.done $0x0  }
0x1fe: {  	[sflag:s21] =	ssyncadd.s32 $0xFFFFFB00  }
0x1ff: {  	_ =	swait.ge [sflag:s21], $0x500  }
0x200: {  	[sflag:s21] =	ssyncset.done $0x0  }
0x201: {  	[sflag:s21] =	ssyncadd.s32 $0xFFFFFB00  }
0x202: {  	s1 =	sadd.s32 $0x1, s1;
	_ =	swait.ge [sflag:s21], $0x500  }
0x203: {  	p0 =	sne.s32 s1, $0x8;
	[sflag:s21] =	ssyncset.done $0x0  }
0x204: {  	s13 =	stileid.u32;
	s12 =	rddreg [dreg:$0x13];
	[sflag:s21] =	ssyncadd.s32 $0xFFFFFB00  }
0x205: {  	s4 =	sshll.u32 s13, $0x6;
	s3 =	sadd.s32 s12, s3;
	[bflag:$0x0] =	sbarrier.arrive $0xFFFF  }
0x206: {  	s4 =	sor.u32 $0x1C06, s4;
	s3 =	sshrl.u32 s3, $0x3;
	s14 =	rddreg [dreg:$0x6]  }
0x207: {  	s16 =	simm.s32 $0x2;
	s15 =	rddreg [dreg:$0x16];
	s3 =	sadd.s32 s14, s3  }
0x208: {  	[hbm:s3@s26], [sflag:s4] =	dma.strided [spmem:s15@s16], $0x2710, s0, $0x2   }
.Ltmp4:
0x209: {  	_ =	swait.ge [sflag:s25], $0x2710;
	(pc) =	sbr.rel @p0 .LBB2_8-.Ltmp4, $4  }
0x20a: {  	[sflag:s25] =	ssyncset.done $0x0  }
0x20b: {  	[sflag:s25] =	ssyncadd.s32 $0xFFFFD8F0  }
0x20c: {  	[bflag:$0x0] =	sbarrier.arrive $0xFFFF  }
0x20d: {  	s9 =	sadd.s32 $0x2, s9  }
0x20e: {  	s6 =	rddreg [dreg:$0x4]  }
0x20f: {  	s1 =	rddreg [dreg:$0x14];
	s6 =	sadd.s32 $0x1, s6  }
0x210: {  	p0 =	sne.s32 s6, s1  }
.Ltmp5:
0x211: {  	_ = 	snop;
	(pc) =	sbr.rel @p0 .LBB2_1-.Ltmp5, $3  }
0x212: {  	_ =	sdelay $0x1  }
0x213: {  	s12 =	rddreg [dreg:$0x1]  }
0x214: {  	s13 =	rddreg [dreg:$0x7]  }
0x215: {  	_ =	sfence.sel $0x180000  }
0x216: {  	[bflag:$0x0] =	sbarrier.arrive $0xFFFF  }
0x217: {  	_ =	strace $0x9000004D  }
0x218: {  	s0 =	stileid.u32;
	[bflag:$0x2] =	sbarrier.arrive $0xFFFF  }
0x219: {  	p0 =	sne.s32 s0, $0x0;
	s0 =	rddreg [dreg:$0x3]  }
0x21a: {  	s0 =	sadd.s32 @!p0 $0x100000, s0  }
0x21b: {  	[sflag:s0] =	ssyncadd.tile.s32 @!p0 $0x1;
	_ =	shalt  }
.Lfunc_end2:
_tile_overlayer_lowered:
.L_overlay_start_2:
0x21c: {  	(tag) =	ssettag $0x2  }
0x21d: {  	s0 =	rddreg [dreg:$0x0];
	s2 =	stileid.u32  }
0x21e: {  	s1 =	rddreg [dreg:$0x1];
	p0 =	sne.s32 s2, $0x0  }
0x21f: {  	s3 =	rddreg [dreg:$0x2];
	[bflag:$0x3] =	sbarrier.arrive $0xFFFF;
	s2 =	simm.s32 @!p0 $0x1C06  }
0x220: {  	[timem:s3], [sflag:s2] =	dma.local @!p0 [hbm:s0], s1  }
0x221: {  	s0 =	simm.s32 @!p0 $0x6  }
0x222: {  	_ =	swait.ge @!p0 [sflag:s0], s1  }
0x223: {  	s1 =	ssub.s32 @!p0 $0x0, s1;
	[sflag:s0] =	ssyncset.done @!p0 $0x0  }
0x224: {  	[sflag:s0] =	ssyncadd.s32 @!p0 s1  }
0x225: {  	[bflag:$0x3] =	sbarrier.arrive $0xFFFF  }
0x226: {  	_ =	shalt  }

// kernel: kernel.9.cloned.1.call-start
scs
__scs_entry_jumppad:
0x0: {  	(pc) =	sbr.rel $0x88, $3  }
0x1: {  	(tag) =	ssettag $0x0;
	lr =	simm.s32 $0x1  }
0x2: {  	[smem:$0x3F87] =	sst lr;
	_ =	strace $0xD0000000  }
0x3: {  	_ = 	snop  }
0x4: {  	_ = 	snop  }
0x5: {  	_ = 	snop  }
0x6: {  	_ = 	snop  }
0x7: {  	_ = 	snop  }
__scs_overlays_trampoline_lowered:
0x8: {  	[smem:$0x3F96] =	sst s0  }
0x9: {  	[smem:$0x3F97] =	sst s1  }
0xa: {  	[smem:$0x3F98] =	sst s2  }
0xb: {  	[smem:$0x3F99] =	sst s3  }
0xc: {  	[smem:$0x3F9A] =	sst s4  }
0xd: {  	[smem:$0x3F9B] =	sst s5  }
0xe: {  	[smem:$0x3F9C] =	sst s6  }
0xf: {  	[smem:$0x3F9D] =	sst s7  }
0x10: {  	[smem:$0x3F9E] =	sst s8  }
0x11: {  	[smem:$0x3F9F] =	sst s9;
	s0 =	simm.s32 @!p0 $0x0  }
0x12: {  	s1 =	sld [smem:$0x3F85];
	s0 =	simm.s32 @p0 $0x1  }
0x13: {  	[smem:$0x3FA0] =	sst s0;
	s0 =	simm.s32 @!p1 $0x0  }
0x14: {  	s2 =	sld [smem:$0x3F84];
	s0 =	simm.s32 @p1 $0x1  }
0x15: {  	[smem:$0x3FA1] =	sst s0;
	s0 =	simm.s32 @!p2 $0x0  }
0x16: {  	s3 =	sld [smem:$0x3FDB];
	s0 =	simm.s32 @p2 $0x1  }
0x17: {  	s4 =	simm.s32 $0x1BF5;
	[smem:$0x3FA3] =	sst s0  }
0x18: {  	s0 =	sld [smem:$0x3F86];
	_ =	swait.ge [sflag:s4], $0x0  }
0x19: {  	s7 =	sld [smem:$0x3F87]  }
0x1a: {  	s8 =	sadd.s32 $0xFFFFE003, lr  }
0x1b: {  	s9 =	sadd.s32 $0xFFFFFEF7, lr;
	s5 =	simm.s32 $0xFFFFFFFF;
	p2 =	slt.u32 s8, $0xFFFFF086  }
0x1c: {  	p1 =	slt.u32 s9, $0xF7A;
	s5 =	simm.s32 @!p2 $0x0  }
0x1d: {  	s5 =	simm.s32 @p1 $0x1;
	p0 =	seq.s32 s7, s2  }
0x1e: {  	s7 =	smul.u32 @!p0 $0xF7A, s2;
	p2 =	seq.s32 @!p0 s5, $0x0  }
0x1f: {  	s9 =	smul.u32 $0xF7A, s1;
	s8 =	simm.s32 @!p0 $0x1BF5;
	p2 =	por !p2, p0  }
0x20: {  	[sflag:s8] =	ssyncset.s32 @!p0 $0xFFFFF086;
	s6 =	sadd.s32 @!p0 s3, s7;
	s7 =	simm.s32 @!p0 $0x108  }
0x21: {  	s3 =	sadd.s32 s3, s9;
	s6 =	sadd.s32 @!p0 $0x88, s6;
	s7 =	simm.s32 @p2 $0x1082  }
0x22: {  	[simem:s7], [sflag:s8] =	dma.local @!p0 [hbm:s6], $0xF7A  }
0x23: {  	s9 =	sor.u32 $0xD0000000, s2;
	s6 =	simm.s32 $0x108;
	_ =	swait.ge @!p0 [sflag:s8], $0x0  }
0x24: {  	s3 =	sadd.s32 $0x88, s3;
	s6 =	simm.s32 @!p1 $0x1082;
	[sflag:s4] =	ssyncset.s32 $0xFFFFF086  }
0x25: {  	[simem:s6], [sflag:s4] =	dma.local [hbm:s3], $0xF7A  }
0x26: {  	[smem:$0x3F87] =	sst s1;
	(tag) =	ssettag s2;
	_ =	strace s9  }
0x27: {  	s1 =	sld [smem:$0x3F97]  }
0x28: {  	s2 =	sld [smem:$0x3F98]  }
0x29: {  	s4 =	sld [smem:$0x3F9A]  }
0x2a: {  	p0 =	seq.s32 s5, $0x0;
	s5 =	sld [smem:$0x3F9B]  }
0x2b: {  	s6 =	sld [smem:$0x3F9C]  }
0x2c: {  	s7 =	sld [smem:$0x3F9D]  }
0x2d: {  	s3 =	simm.s32 $0x108;
	s8 =	sld [smem:$0x3F9E]  }
0x2e: {  	s3 =	simm.s32 @!p0 $0x1082;
	s9 =	sld [smem:$0x3F9F]  }
0x2f: {  	lr =	sadd.s32 s0, s3;
	s0 =	sld [smem:$0x3F96]  }
0x30: {  	s3 =	sld [smem:$0x3F99]  }
0x31: {  	[smem:$0x3FA2] =	sst s10  }
0x32: {  	s10 =	sld [smem:$0x3FA0];
	_ =	sdelay $0x3  }
0x33: {  	p0 =	seq.s32 s10, $0x1;
	s10 =	sld [smem:$0x3FA2];
	_ =	sdelay $0x3  }
0x34: {  	[smem:$0x3FA2] =	sst s10  }
0x35: {  	s10 =	sld [smem:$0x3FA1];
	_ =	sdelay $0x3  }
0x36: {  	p1 =	seq.s32 s10, $0x1;
	s10 =	sld [smem:$0x3FA2];
	_ =	sdelay $0x3  }
0x37: {  	[smem:$0x3FA2] =	sst s10  }
0x38: {  	s10 =	sld [smem:$0x3FA3]  }
0x39: {  	_ = 	snop;
	(pc) =	sbr.ind lr, $3  }
0x3a: {  	_ = 	snop  }
0x3b: {  	_ = 	snop  }
0x3c: {  	p2 =	seq.s32 s10, $0x1;
	s10 =	sld [smem:$0x3FA2]  }
0x3d: {  	_ =	shalt  }
0x3e: {  	_ =	shalt  }
0x3f: {  	_ =	shalt  }
0x40: {  	_ =	shalt  }
0x41: {  	_ =	shalt  }
0x42: {  	_ =	shalt  }
0x43: {  	_ =	shalt  }
0x44: {  	_ =	shalt  }
0x45: {  	_ =	shalt  }
0x46: {  	_ =	shalt  }
0x47: {  	_ =	shalt  }
0x48: {  	_ =	shalt  }
0x49: {  	_ =	shalt  }
0x4a: {  	_ =	shalt  }
0x4b: {  	_ =	shalt  }
0x4c: {  	_ =	shalt  }
0x4d: {  	_ =	shalt  }
0x4e: {  	_ =	shalt  }
0x4f: {  	_ =	shalt  }
0x50: {  	_ =	shalt  }
0x51: {  	_ =	shalt  }
0x52: {  	_ =	shalt  }
0x53: {  	_ =	shalt  }
0x54: {  	_ =	shalt  }
0x55: {  	_ =	shalt  }
0x56: {  	_ =	shalt  }
0x57: {  	_ =	shalt  }
0x58: {  	_ =	shalt  }
0x59: {  	_ =	shalt  }
0x5a: {  	_ =	shalt  }
0x5b: {  	_ =	shalt  }
0x5c: {  	_ =	shalt  }
0x5d: {  	_ =	shalt  }
0x5e: {  	_ =	shalt  }
0x5f: {  	_ =	shalt  }
0x60: {  	_ =	shalt  }
0x61: {  	_ =	shalt  }
0x62: {  	_ =	shalt  }
0x63: {  	_ =	shalt  }
0x64: {  	_ =	shalt  }
0x65: {  	_ =	shalt  }
0x66: {  	_ =	shalt  }
0x67: {  	_ =	shalt  }
0x68: {  	_ =	shalt  }
0x69: {  	_ =	shalt  }
0x6a: {  	_ =	shalt  }
0x6b: {  	_ =	shalt  }
0x6c: {  	_ =	shalt  }
0x6d: {  	_ =	shalt  }
0x6e: {  	_ =	shalt  }
0x6f: {  	_ =	shalt  }
0x70: {  	_ =	shalt  }
0x71: {  	_ =	shalt  }
0x72: {  	_ =	shalt  }
0x73: {  	_ =	shalt  }
0x74: {  	_ =	shalt  }
0x75: {  	_ =	shalt  }
0x76: {  	_ =	shalt  }
0x77: {  	_ =	shalt  }
0x78: {  	_ =	shalt  }
0x79: {  	_ =	shalt  }
0x7a: {  	_ =	shalt  }
0x7b: {  	_ =	shalt  }
0x7c: {  	_ =	shalt  }
0x7d: {  	_ =	shalt  }
0x7e: {  	_ =	shalt  }
0x7f: {  	_ =	shalt  }
0x80: {  	_ =	shalt  }
0x81: {  	_ =	shalt  }
0x82: {  	_ =	shalt  }
0x83: {  	_ =	shalt  }
0x84: {  	_ =	shalt  }
0x85: {  	_ =	shalt  }
0x86: {  	_ =	shalt  }
0x87: {  	_ =	shalt  }
.Lfunc_end0:
.L_simem_size_0:
called_computation_lowered:
.L_overlay_start_0:
0x88: {  	s2 =	sld [smem:$0x3FD9]  }
0x89: {  	s3 =	sld [smem:$0x3FFE];
	_ =	sdelay $0x1  }
0x8a: {  	s1 =	srdreg.scid  }
0x8b: {  	s0 =	sand.u32 $0x1, s1  }
0x8c: {  	s17 =	sshll.u32 s0, $0xA;
	s2 =	sadd.s32 s3, s2  }
0x8d: {  	s2 =	sadd.s32 s2, s17  }
0x8e: {  	[smem:$0x3FAE] =	sst s2  }
0x8f: {  	_ = 	snop  }
0x90: {  	s2 =	sld [smem:$0x3FC6]  }
0x91: {  	s18 =	sld [smem:$0x3FD0];
	(tm) =	ssettm $0x1  }
0x92: {  	s4 =	sld [smem:$0x3FFB];
	_ =	sdelay $0x3  }
0x93: {  	_ =	strace s4  }
0x94: {  	s4 =	sld [smem:$0x3FFC];
	_ =	sdelay $0x3  }
0x95: {  	_ =	strace s4  }
0x96: {  	s4 =	sld [smem:$0x3FFD];
	_ =	sdelay $0x3  }
0x97: {  	_ =	strace s4  }
0x98: {  	_ =	strace $0x8FFFFFFF  }
0x99: {  	s19 =	sld [smem:$0x3FDB];
	_ =	sdelay $0x1  }
0x9a: {  	s5 =	simm.s32 $_scs_section_size  }
0x9b: {  	s6 =	simm.s32 $_size__tile_overlayer_lowered;
	s7 =	simm.s32 $_tile_overlayer_lowered  }
0x9c: {  	s22 =	simm.s32 $0x1BFF;
	s21 =	sshll.u32 s7, $0x1;
	s4 =	sadd.s32 s5, s19  }
0x9d: {  	s8 =	simm.s32 $0x0;
	s20 =	sshll.u32 s6, $0x1;
	s6 =	sadd.s32 s21, s4  }
0x9e: {  	[timem:s8], [sflag:s22] =	dma.local [hbm:s6], s20  }
0x9f: {  	_ =	swait.ge [sflag:s22], s20  }
0xa0: {  	s5 =	ssub.s32 $0x0, s20;
	[sflag:s22] =	ssyncset.done $0x0  }
0xa1: {  	[sflag:s22] =	ssyncadd.s32 s5;
	_ =	sdelay $0x1  }
0xa2: {  	s23 =	simm.s32 $0x1B8B  }
0xa3: {  	_ =	swait.ge [sflag:s23], $0x1  }
0xa4: {  	[sflag:s23] =	ssyncset.done $0x0  }
0xa5: {  	s25 =	simm.s32 $0x1B8E;
	s24 =	sld [smem:$0x3FFE];
	[sflag:s23] =	ssyncadd.s32 $0xFFFFFFFF  }
0xa6: {  	s26 =	simm.s32 $execute0_lowered;
	[smem:$0x3FD2] =	sst s25  }
0xa7: {  	s6 =	sshll.u32 s26, $0x1;
	_ =	strace $0x80000046;
	[dreg:$0x1] =	wrdreg $0xFFFFFFFF  }
0xa8: {  	s28 =	simm.s32 $_size_execute0_lowered;
	s4 =	sadd.s32 s4, s6;
	[dreg:$0x0] =	wrdreg $0x0  }
0xa9: {  	s6 =	sshll.u32 s28, $0x1;
	[dreg:$0x2] =	wrdreg s4  }
0xaa: {  	[dreg:$0x3] =	wrdreg s6  }
0xab: {  	[dreg:$0x4] =	wrdreg $0xC0  }
0xac: {  	_ =	task [dreg:s8], $0x5FFFF  }
0xad: {  	[dreg:$0x1] =	wrdreg $0xFFFFFFFF  }
0xae: {  	[dreg:$0x0] =	wrdreg $0x60  }
0xaf: {  	[dreg:$0x2] =	wrdreg s18  }
0xb0: {  	[dreg:$0x3] =	wrdreg s2  }
0xb1: {  	[dreg:$0x4] =	wrdreg s24  }
0xb2: {  	[dreg:$0x5] =	wrdreg $0x9  }
0xb3: {  	_ =	task.clear_ibuf [dreg:s8], $0x6FFFF;
	_ =	strace $0x90000046  }
0xb4: {  	s29 =	simm.s32 $0x9;
	_ =	strace $0x80000048  }
0xb5: {  	_ =	swait.ge [sflag:s29], $0x1  }
0xb6: {  	[sflag:s29] =	ssyncadd.s32 $0xFFFFFFFF  }
0xb7: {  	_ =	strace $0x90000048  }
0xb8: {  	_ =	sfence  }
0xb9: {  	s30 =	sld [smem:$0x0];
	_ =	sdelay $0x2  }
0xba: {  	s31 =	sshll.u32 s1, $0xD;
	s1 =	sshrl.u32 s1, $0x2  }
0xbb: {  	s3 =	sand.u32 $0x4000, s31;
	s1 =	sadd.s32 s1, s30  }
0xbc: {  	s0 =	sor.u32 s3, s0;
	s1 =	sshll.u32 s1, $0x11  }
0xbd: {  	s0 =	sor.u32 s1, s0  }
0xbe: {  	s0 =	sadd.s32 $0x8F2B, s0  }
0xbf: {  	[sflag:s0] =	ssyncadd.remote.s32 $0x1  }
0xc0: {  	_ =	sfence.sel $0xFFFF  }
0xc1: {  	[dreg:$0x0] =	wrdreg $0xFFFFFFFF;
	(pc) =	sbr.abs _section_cstart, $3  }
0xc2: {  	[dreg:$0x1] =	wrdreg $0xFFFFFFFF  }
0xc3: {  	_ =	task.clear_ibuf [dreg:s8], $0x2FFFF;
	_ =	strace $0x9FFFFFFF  }
0xc4: {  	(tm) =	ssettm $0x7FFFFFFF  }
0xc5: {  	_ =	shalt  }
tec
execute0_lowered:
.L_overlay_start_1:
0x0: {  	(tag) =	ssettag $0x1  }
0x1: {  	s1 =	rddreg [dreg:$0x0]  }
0x2: {  	s4 =	rddreg [dreg:$0x1];
	s2 =	srdreg.scid  }
0x3: {  	s0 =	stileid.u32;
	s5 =	rddreg [dreg:$0x2]  }
0x4: {  	s3 =	simm.s32 $0x0;
	s13 =	simm.s32 $0x3C00;
	s14 =	simm.s32 $0x1  }
0x5: {  	s15 =	simm.s32 $0x78;
	s16 =	simm.s32 $0x5000;
	s17 =	simm.s32 $0x5  }
0x6: {  	s18 =	simm.s32 $0x0;
	s6 =	sand.u32 $0x1, s2;
	s2 =	rddreg [dreg:$0x3]  }
0x7: {  	s7 =	sshll.u32 s0, $0x1;
	[smem:$0x7FF] =	sst s3;
	s10 =	smul.u32 $0x27100, s0  }
0x8: {  	s9 =	sadd.s32 $0x274A00, s5;
	s7 =	sor.u32 s6, s7;
	s12 =	smul.u32 $0x13880, s6  }
0x9: {  	_ =	strace $0x80000047;
	s29 =	ssub.s32 $0x2, s6;
	s8 =	smul.u32 $0x1388, s7  }
0xa: {  	s7 =	smul.u32 $0x13880, s7;
	s11 =	sshrl.u32 s29, $0x1;
	s30 =	sadd.s32 s10, s9  }
0xb: {  	s10 =	simm.s32 $0x1400;
	s5 =	ssub.s32 s29, s11;
	s31 =	sadd.s32 s12, s30  }
0xc: {  	s11 =	simm.s32 $0x2800;
	s12 =	simm.s32 $0x50;
	s8 =	sshrl.u32 s8, $0x3  }
0xd: {  	s5 =	smax.u32 s5, $0x1;
	s6 =	sadd.s32 s9, s7;
	s7 =	sadd.s32 $0x280, s31  }
0xe: {  	s9 =	simm.s32 $0x28;
	s4 =	sadd.s32 s4, s8;
	s8 =	simm.s32 $0x9  }
.LBB2_1:
0xf: {  	[tilespmem:s3], [sflag:$0x9] =	stream.linear.gather [hbm4b:s4+s3], $0x1388, $0x38;
	[tilespmem:$0x6400] =	vst v63  }
0x10: {  	_ =	swait.ge [sflag:s8], $0x1388  }
0x11: {  	[sflag:s8] =	ssyncset.done $0x0  }
0x12: {  	[sflag:s8] =	ssyncadd.s32 $0xFFFFEC78  }
0x13: {  	[tilespmem:s10], [sflag:$0x1] =	stream.indirect.gather [hbm4b:s1+s9], $0x80, s3, s9, $0xb8;
	[tilespmem:$0x6400] =	vst v63  }
0x14: {  	_ = 	snop  }
0x15: {  	[tilespmem:s11], [sflag:$0x2] =	stream.indirect.gather [hbm4b:s1+s9], $0x80, s9, s9, $0xb8;
	[tilespmem:$0x6400] =	vst v63  }
0x16: {  	_ = 	snop  }
0x17: {  	[tilespmem:s13], [sflag:$0x3] =	stream.indirect.gather [hbm4b:s1+s9], $0x80, s12, s9, $0xb8;
	[tilespmem:$0x6400] =	vst v63  }
0x18: {  	s21 =	simm.s32 $0x4;
	_ =	swait.ge [sflag:s14], $0x1400  }
0x19: {  	s22 =	simm.s32 $0x1;
	s19 =	simm.s32 $0xA0;
	[sflag:s14] =	ssyncset.done $0x0  }
0x1a: {  	s20 =	simm.s32 $0x5;
	s22 =	sand.u32 $0x3, s22;
	[sflag:s14] =	ssyncadd.s32 $0xFFFFEC00  }
0x1b: {  	[hbm4b:s6+s3] =	stream.linear.scatter [tilespmem:s10], [sflag:$0x5], $0x1400, $0x38;
	[tilespmem:$0x6400] =	vst v63  }
0x1c: {  	p0 =	por $0x0, $0x0;
	s23 =	sadd.s32 $0x1, s22;
	s24 =	smul.u32 $0x5000, s22  }
0x1d: {  	[tilespmem:s16], [sflag:$0x4] =	stream.indirect.gather [hbm4b:s1+s9], $0x80, s15, s9, $0xb8;
	[tilespmem:$0x6400] =	vst v63  }
0x1e: {  	s21 =	sand.u32 $0x3, s21;
	s22 =	sadd.s32 $0x5, s22;
	_ =	swait.ge [sflag:s23], $0x1400  }
0x1f: {  	s25 =	sadd.s32 $0x5, s21;
	s24 =	sshrl.u32 s24, $0x2;
	[sflag:s23] =	ssyncset.done $0x0  }
0x20: {  	s26 =	smul.u32 @!p0 $0x5000, s21;
	s31 =	sadd.s32 $0x1400, s24;
	[sflag:s23] =	ssyncadd.s32 $0xFFFFEC00  }
0x21: {  	[hbm4b:s7+s3] =	stream.linear.scatter [tilespmem:s31], [sflag:s22], $0x1400, $0x38;
	[tilespmem:$0x6400] =	vst v63  }
0x22: {  	s23 =	sadd.s32 @!p0 $0x1, s21;
	s22 =	sshrl.u32 @!p0 s26, $0x2;
	_ =	swait.ge [sflag:s25], $0x1400  }
0x23: {  	s21 =	simm.s32 $0xC8;
	s24 =	sadd.s32 @!p0 $0x1400, s22;
	[sflag:s25] =	ssyncset.done $0x0  }
0x24: {  	s22 =	sadd.s32 $0x280, s7;
	[sflag:s25] =	ssyncadd.s32 $0xFFFFEC00;
	s25 =	simm.s32 @!p0 $0x28  }
.LBB2_2:
0x25: {  	[tilespmem:s24], [sflag:s23] =	stream.indirect.gather @!p0 [hbm4b:s1+s25], $0x80, s19, s25, $0xb8;
	[tilespmem:$0x6400] =	vst v63  }
0x26: {  	s23 =	smov.u32 s20;
	s19 =	smov.u32 s21  }
0x27: {  	s20 =	sadd.s32 $0x1, s20;
	s24 =	sadd.s32 $0xFFFFFFFD, s23  }
0x28: {  	s23 =	sand.u32 $0x3, s23;
	p1 =	sne.s32 s20, $0x80;
	s25 =	sand.u32 $0x3, s24  }
0x29: {  	s26 =	sadd.s32 $0x1, s25;
	s28 =	sadd.s32 $0x5, s25;
	s25 =	smul.u32 $0x5000, s25  }
0x2a: {  	s29 =	sadd.s32 $0x5, s23;
	p0 =	sgt.u32 s24, $0x79;
	_ =	swait.ge [sflag:s26], $0x1400  }
0x2b: {  	[sflag:s26] =	ssyncset.done $0x0;
	s24 =	sshrl.u32 s25, $0x2;
	s25 =	smul.u32 @!p0 $0x5000, s23  }
.Ltmp0:
0x2c: {  	[sflag:s26] =	ssyncadd.s32 $0xFFFFEC00;
	s24 =	sadd.s32 $0x1400, s24;
	(pc) =	sbr.rel @p1 .LBB2_2-.Ltmp0, $4  }
0x2d: {  	[hbm4b:s22+s3] =	stream.linear.scatter [tilespmem:s24], [sflag:s28], $0x1400, $0x38;
	[tilespmem:$0x6400] =	vst v63  }
0x2e: {  	s23 =	sadd.s32 @!p0 $0x1, s23;
	s24 =	sshrl.u32 @!p0 s25, $0x2;
	_ =	swait.ge [sflag:s29], $0x1400  }
0x2f: {  	s21 =	sadd.s32 $0x28, s21;
	s24 =	sadd.s32 @!p0 $0x1400, s24;
	[sflag:s29] =	ssyncset.done $0x0  }
0x30: {  	s25 =	simm.s32 @!p0 $0x28;
	s22 =	sadd.s32 $0x280, s22;
	[sflag:s29] =	ssyncadd.s32 $0xFFFFEC00  }
0x31: {  	[tilespmem:s24], [sflag:s23] =	stream.indirect.gather @!p0 [hbm4b:s1+s25], $0x80, s19, s25, $0xb8;
	[tilespmem:$0x6400] =	vst v63  }
0x32: {  	s18 =	sadd.s32 $0x1, s18  }
0x33: {  	p0 =	sne.s32 s18, s5  }
.Ltmp1:
0x34: {  	_ = 	snop;
	(pc) =	sbr.rel @p0 .LBB2_1-.Ltmp1, $4  }
0x35: {  	_ = 	snop  }
0x36: {  	_ =	swait.ge [sflag:s17], $0x1400  }
0x37: {  	[sflag:s17] =	ssyncset.done $0x0  }
0x38: {  	[sflag:s17] =	ssyncadd.s32 $0xFFFFEC00  }
0x39: {  	_ =	sfence.sel $0x180000  }
0x3a: {  	[bflag:$0x0] =	sbarrier.arrive $0xFFFF  }
0x3b: {  	p0 =	sne.s32 s0, $0x0;
	_ =	strace $0x90000047  }
0x3c: {  	s0 =	sadd.s32 @!p0 $0x100000, s2;
	[bflag:$0x2] =	sbarrier.arrive $0xFFFF  }
0x3d: {  	[sflag:s0] =	ssyncadd.tile.s32 @!p0 $0x1;
	_ =	shalt  }
.Lfunc_end2:
_tile_overlayer_lowered:
.L_overlay_start_2:
0x3e: {  	(tag) =	ssettag $0x2  }
0x3f: {  	s0 =	rddreg [dreg:$0x0];
	s2 =	stileid.u32  }
0x40: {  	s1 =	rddreg [dreg:$0x1];
	p0 =	sne.s32 s2, $0x0  }
0x41: {  	s3 =	rddreg [dreg:$0x2];
	[bflag:$0x3] =	sbarrier.arrive $0xFFFF;
	s2 =	simm.s32 @!p0 $0x1C09  }
0x42: {  	[timem:s3], [sflag:s2] =	dma.local @!p0 [hbm:s0], s1  }
0x43: {  	s0 =	simm.s32 @!p0 $0x9  }
0x44: {  	_ =	swait.ge @!p0 [sflag:s0], s1  }
0x45: {  	s1 =	ssub.s32 @!p0 $0x0, s1;
	[sflag:s0] =	ssyncset.done @!p0 $0x0  }
0x46: {  	[sflag:s0] =	ssyncadd.s32 @!p0 s1  }
0x47: {  	[bflag:$0x3] =	sbarrier.arrive $0xFFFF  }
0x48: {  	_ =	shalt  }

</sc_bundles>
